<compile_context>
chip_gen: v7x
topology: tpu7x:2x2x1
jax: 0.10.2.dev20260603
libtpu: 0.0.44.dev20260713+nightly
codegen_flags: <defaults>
</compile_context>

<pallas_src>
import jax
import jax.numpy as jnp
from jax import lax
from jax.experimental import pallas as pl
from jax.experimental.pallas import tpu as pltpu
from jax.experimental.pallas import tpu_sc as plsc

N = 10000
E = 320000
D = 128
C = 16
NC = 2
NS = 16
NW = NC * NS
NPS = N // NS
CHUNK = 128
ECH = E // CHUNK
NCH = -(-ECH // NW)
NXW = ECH - (NCH - 1) * NW
AGG_ROWS = 10240
RPS = AGG_ROWS // NS
NBUF = 8
NG = 3
NPAD = 10016
NPF = NPAD // NW

_mesh = plsc.VectorSubcoreMesh(core_axis_name="c", subcore_axis_name="s")
_sc_params = pltpu.CompilerParams(use_tc_tiling_on_sc=False,
                                  needs_layout_passes=False)


def _rsqrt16(x):
    i = plsc.bitcast(x, jnp.int32)
    g = plsc.bitcast(jnp.int32(0x5F3759DF) - (i >> 1), jnp.float32)
    for _ in range(3):
        g = g * (1.5 - 0.5 * x * g * g)
    return g


def _zero_agg(zero128, rows0, agg, s):
    pltpu.sync_copy(zero128, rows0)
    for k in range(RPS // CHUNK):
        pltpu.sync_copy(rows0, agg.at[pl.ds(s * RPS + k * CHUNK, CHUNK)])


def _stage_idx(idx_m, idx_v, wid):
    start = jnp.where(wid < NXW, NCH * wid,
                      NXW * NCH + (NCH - 1) * (wid - NXW))

    @pl.when(wid < NXW)
    def _():
        pltpu.sync_copy(idx_m.at[pl.ds(start, NCH)], idx_v)

    @pl.when(wid >= NXW)
    def _():
        pltpu.sync_copy(idx_m.at[pl.ds(start, NCH - 1)],
                        idx_v.at[pl.ds(0, NCH - 1)])


def _scatter_phase(ztab, agg, src_v, dst_v, rows_v, gsem, ssem, zero128, nch):
    for j in range(NG):
        pltpu.async_copy(ztab.at[src_v.at[j]], rows_v.at[j], gsem)

    def chunk(j, carry):
        @pl.when(j >= NBUF - NG)
        def _():
            pltpu.make_async_copy(zero128, rows_v.at[0], ssem).wait()

        @pl.when(j + NG < nch)
        def _():
            pltpu.async_copy(ztab.at[src_v.at[lax.rem(j + NG, NCH)]],
                             rows_v.at[lax.rem(j + NG, NBUF)], gsem)

        pltpu.make_async_copy(zero128, rows_v.at[0], gsem).wait()
        pltpu.async_copy(rows_v.at[lax.rem(j, NBUF)], agg.at[dst_v.at[j]],
                         ssem, add=True)
        return carry

    lax.fori_loop(0, nch, chunk, 0)

    def drain(j, carry):
        pltpu.make_async_copy(zero128, rows_v.at[0], ssem).wait()
        return carry

    lax.fori_loop(0, NBUF - NG, drain, 0)



def _deg_body(dst_m, zero128, one128, out, dst_v, rows_v, ssem, agg):
    c = lax.axis_index("c")
    s = lax.axis_index("s")
    wid = c * NS + s
    nch = jnp.where(wid < NXW, NCH, NCH - 1)
    _zero_agg(zero128, rows_v, agg, s)
    plsc.subcore_barrier()
    pltpu.sync_copy(one128, rows_v)
    _stage_idx(dst_m, dst_v, wid)

    def chunk(j, carry):
        pltpu.async_copy(rows_v, agg.at[dst_v.at[j]], ssem, add=True)

        @pl.when(j >= 8)
        def _():
            pltpu.make_async_copy(zero128, rows_v, ssem).wait()

        return carry

    lax.fori_loop(0, nch, chunk, 0)

    def drain(j, carry):
        pltpu.make_async_copy(zero128, rows_v, ssem).wait()
        return carry

    lax.fori_loop(0, 8, drain, 0)
    plsc.subcore_barrier()
    pltpu.sync_copy(agg.at[pl.ds(s * RPS, RPS)],
                    out.at[pl.ds(c * AGG_ROWS + s * RPS, RPS)])


_deg = pl.kernel(
    _deg_body,
    out_type=jax.ShapeDtypeStruct((NC * AGG_ROWS, C), jnp.float32),
    mesh=_mesh,
    scratch_types=[
        pltpu.VMEM((NCH, CHUNK), jnp.int32),
        pltpu.VMEM((CHUNK, C), jnp.float32),
        pltpu.SemaphoreType.DMA,
        pltpu.VMEM_SHARED((AGG_ROWS, C), jnp.float32),
    ],
    compiler_params=_sc_params,
)



def _hop1_body(y, degp, src_m, dst_m, zero128,
               agg_out, z0_out, dinv_out,
               src_v, dst_v, rows_v, yv, da, db, zv, dv, gsem, ssem,
               agg, ztab):
    c = lax.axis_index("c")
    s = lax.axis_index("s")
    wid = c * NS + s
    r0 = s * NPS
    pltpu.sync_copy(y.at[pl.ds(r0, NPS)], yv)
    pltpu.sync_copy(degp.at[pl.ds(r0, NPS)], da)
    pltpu.sync_copy(degp.at[pl.ds(AGG_ROWS + r0, NPS)], db)

    @plsc.parallel_loop(0, NPS, unroll=4)
    def _(r):
        g = _rsqrt16(da[r] + db[r] + 1.0)
        dv[r] = g
        zv[r] = g * yv[r]

    pltpu.sync_copy(zv, ztab.at[pl.ds(r0, NPS)])

    @pl.when(c == 0)
    def _():
        pltpu.sync_copy(zv, z0_out.at[pl.ds(r0, NPS)])
        pltpu.sync_copy(dv, dinv_out.at[pl.ds(r0, NPS)])

    _zero_agg(zero128, rows_v.at[0], agg, s)
    nch = jnp.where(wid < NXW, NCH, NCH - 1)
    _stage_idx(src_m, src_v, wid)
    _stage_idx(dst_m, dst_v, wid)
    plsc.subcore_barrier()
    _scatter_phase(ztab, agg, src_v, dst_v, rows_v, gsem, ssem, zero128, nch)
    plsc.subcore_barrier()
    pltpu.sync_copy(agg.at[pl.ds(s * RPS, RPS)],
                    agg_out.at[pl.ds(c * AGG_ROWS + s * RPS, RPS)])


_hop1 = pl.kernel(
    _hop1_body,
    out_type=(jax.ShapeDtypeStruct((NC * AGG_ROWS, C), jnp.float32),
              jax.ShapeDtypeStruct((NPAD, C), jnp.float32),
              jax.ShapeDtypeStruct((NPAD, C), jnp.float32)),
    mesh=_mesh,
    scratch_types=[
        pltpu.VMEM((NCH, CHUNK), jnp.int32),
        pltpu.VMEM((NCH, CHUNK), jnp.int32),
        pltpu.VMEM((NBUF, CHUNK, C), jnp.float32),
        pltpu.VMEM((NPS, C), jnp.float32),
        pltpu.VMEM((NPS, C), jnp.float32),
        pltpu.VMEM((NPS, C), jnp.float32),
        pltpu.VMEM((NPS, C), jnp.float32),
        pltpu.VMEM((NPS, C), jnp.float32),
        pltpu.SemaphoreType.DMA,
        pltpu.SemaphoreType.DMA,
        pltpu.VMEM_SHARED((AGG_ROWS, C), jnp.float32),
        pltpu.VMEM_SHARED((N, C), jnp.float32),
    ],
    compiler_params=_sc_params,
)



def _hop2_body(z0, dinv, agg1, src_m, dst_m, zero128,
               agg_out, z1_out,
               src_v, dst_v, rows_v, z0v, dv, aa, ab, gsem, ssem,
               agg, ztab):
    c = lax.axis_index("c")
    s = lax.axis_index("s")
    wid = c * NS + s
    r0 = s * NPS
    pltpu.sync_copy(z0.at[pl.ds(r0, NPS)], z0v)
    pltpu.sync_copy(dinv.at[pl.ds(r0, NPS)], dv)
    pltpu.sync_copy(agg1.at[pl.ds(r0, NPS)], aa)
    pltpu.sync_copy(agg1.at[pl.ds(AGG_ROWS + r0, NPS)], ab)

    @plsc.parallel_loop(0, NPS, unroll=4)
    def _(r):
        g = dv[r]
        z0v[r] = g * g * (aa[r] + ab[r] + z0v[r])

    pltpu.sync_copy(z0v, ztab.at[pl.ds(r0, NPS)])

    @pl.when(c == 0)
    def _():
        pltpu.sync_copy(z0v, z1_out.at[pl.ds(r0, NPS)])

    _zero_agg(zero128, rows_v.at[0], agg, s)
    nch = jnp.where(wid < NXW, NCH, NCH - 1)
    _stage_idx(src_m, src_v, wid)
    _stage_idx(dst_m, dst_v, wid)
    plsc.subcore_barrier()
    _scatter_phase(ztab, agg, src_v, dst_v, rows_v, gsem, ssem, zero128, nch)
    plsc.subcore_barrier()
    pltpu.sync_copy(agg.at[pl.ds(s * RPS, RPS)],
                    agg_out.at[pl.ds(c * AGG_ROWS + s * RPS, RPS)])


_hop2 = pl.kernel(
    _hop2_body,
    out_type=(jax.ShapeDtypeStruct((NC * AGG_ROWS, C), jnp.float32),
              jax.ShapeDtypeStruct((NPAD, C), jnp.float32)),
    mesh=_mesh,
    scratch_types=[
        pltpu.VMEM((NCH, CHUNK), jnp.int32),
        pltpu.VMEM((NCH, CHUNK), jnp.int32),
        pltpu.VMEM((NBUF, CHUNK, C), jnp.float32),
        pltpu.VMEM((NPS, C), jnp.float32),
        pltpu.VMEM((NPS, C), jnp.float32),
        pltpu.VMEM((NPS, C), jnp.float32),
        pltpu.VMEM((NPS, C), jnp.float32),
        pltpu.SemaphoreType.DMA,
        pltpu.SemaphoreType.DMA,
        pltpu.VMEM_SHARED((AGG_ROWS, C), jnp.float32),
        pltpu.VMEM_SHARED((N, C), jnp.float32),
    ],
    compiler_params=_sc_params,
)



def _ln16(x):
    bits = plsc.bitcast(x, jnp.int32)
    ef = (bits >> 23) - 127
    m = plsc.bitcast((bits & jnp.int32(0x007FFFFF)) | jnp.int32(0x3F800000),
                     jnp.float32)
    u = (m - 1.0) / (m + 1.0)
    u2 = u * u
    s = 1.0 + u2 * (1.0 / 3.0 + u2 * (0.2 + u2 * (1.0 / 7.0 + u2 / 9.0)))
    return 0.6931471805599453 * ef.astype(jnp.float32) + 2.0 * u * s


def _fin_body(agg2, z1, dinv, bvec, out, aa, ab, zv, dv, bb, ov):
    c = lax.axis_index("c")
    s = lax.axis_index("s")
    wid = c * NS + s
    r0 = wid * NPF
    pltpu.sync_copy(agg2.at[pl.ds(r0, NPF)], aa)
    pltpu.sync_copy(agg2.at[pl.ds(AGG_ROWS + r0, NPF)], ab)
    pltpu.sync_copy(z1.at[pl.ds(r0, NPF)], zv)
    pltpu.sync_copy(dinv.at[pl.ds(r0, NPF)], dv)
    pltpu.sync_copy(bvec, bb)
    bv = bb[...]

    @plsc.parallel_loop(0, NPF, unroll=4)
    def _(r):
        logits = dv[r] * (aa[r] + ab[r] + zv[r]) + bv
        mx = lax.reduce_max(logits, axes=(0,))
        t = logits - mx
        sm = lax.reduce_sum(jnp.exp(t), axes=(0,))
        lnsm = _ln16(jnp.full((C,), sm, jnp.float32))
        ov[r] = t - lnsm

    pltpu.sync_copy(ov, out.at[pl.ds(r0, NPF)])


_fin = pl.kernel(
    _fin_body,
    out_type=jax.ShapeDtypeStruct((NPAD, C), jnp.float32),
    mesh=_mesh,
    scratch_types=[
        pltpu.VMEM((NPF, C), jnp.float32),
        pltpu.VMEM((NPF, C), jnp.float32),
        pltpu.VMEM((NPF, C), jnp.float32),
        pltpu.VMEM((NPF, C), jnp.float32),
        pltpu.VMEM((C,), jnp.float32),
        pltpu.VMEM((NPF, C), jnp.float32),
    ],
    compiler_params=_sc_params,
)



def _linear_body(x_ref, w_ref, o_ref):
    o_ref[...] = lax.dot_general(
        x_ref[...], w_ref[...], (((1,), (1,)), ((), ())),
        preferred_element_type=jnp.float32,
        precision=lax.Precision.HIGHEST,
    )



def kernel(x, edge_index, W, b):
    src_m = edge_index[0].reshape(ECH, CHUNK)
    dst_m = edge_index[1].reshape(ECH, CHUNK)
    zero128 = jnp.zeros((CHUNK, C), jnp.float32)
    one128 = jnp.ones((CHUNK, C), jnp.float32)

    y = pl.pallas_call(
        _linear_body, out_shape=jax.ShapeDtypeStruct((N, C), jnp.float32),
    )(x, W)
    degp = _deg(dst_m, zero128, one128)
    agg1, z0, dinv = _hop1(y, degp, src_m, dst_m, zero128)
    agg2, z1 = _hop2(z0, dinv, agg1, src_m, dst_m, zero128)
    return _fin(agg2, z1, dinv, b)[:N]

# --- scband reference (transcript-rebuilt; emitter-appended) ---
"""Pipeline reference for scband-sgcnet-23828478558588 (READ-ONLY COPY).

The authoritative reference and input builder live on the scoring server;
editing this copy changes nothing except your own understanding.
"""

import jax, jax.numpy as jnp
import numpy as np

N_NODES = 10000
N_EDGES = 320000
D_FEAT = 128
N_CLASSES = 16
K_HOPS = 2


def setup_inputs(seed: int = 0) -> dict:
    key = jax.random.key(seed)
    k1, k2, k3 = jax.random.split(key, 3)
    x = jax.random.normal(k1, (N_NODES, D_FEAT), dtype=jnp.float32)
    edge_index = jax.random.randint(k2, (2, N_EDGES), 0, N_NODES, dtype=jnp.int32)
    # SGConv linear layer params (applied after K propagations)
    W = jax.random.normal(k3, (N_CLASSES, D_FEAT), dtype=jnp.float32) * 0.05
    b = jnp.zeros((N_CLASSES,), dtype=jnp.float32)
    return {"x": x, "edge_index": edge_index, "W": W, "b": b}


def reference(x, edge_index, W, b):
    # SGConv with K=2: x' = (D^-1/2 (A+I) D^-1/2)^K x, then linear, then log_softmax
    n = x.shape[0]
    loops = jnp.arange(n, dtype=edge_index.dtype)
    src = jnp.concatenate([edge_index[0], loops])
    dst = jnp.concatenate([edge_index[1], loops])
    # degree computed on destination nodes with unit edge weights (gcn_norm)
    deg = jnp.zeros((n,), dtype=x.dtype).at[dst].add(1.0)
    dinv = jnp.where(deg > 0, jax.lax.rsqrt(deg), 0.0)
    norm = dinv[src] * dinv[dst]
    h = x
    for _ in range(K_HOPS):
        msgs = norm[:, None] * h[src]           # gather
        h = jnp.zeros_like(h).at[dst].add(msgs)  # scatter-add
    logits = h @ W.T + b
    return jax.nn.log_softmax(logits, axis=1)

if __name__ == "__main__":
    import jax
    _d = setup_inputs()
    print(jax.jit(kernel)(*tuple(_d.values())))

</pallas_src>

<mosaic_0001>
#map = affine_map<(d0, d1) -> (0, 0)>
module attributes {stable_mosaic.version = 14 : i64} {
  func.func @_deg_body(%arg0: i32, %arg1: i32, %arg2: memref<2500x128xi32, #tpu.memory_space<hbm>>, %arg3: memref<128x16xf32, #tpu.memory_space<hbm>>, %arg4: memref<128x16xf32, #tpu.memory_space<hbm>>, %arg5: memref<20480x16xf32, #tpu.memory_space<hbm>>, %arg6: memref<79x128xi32, #tpu.memory_space<vmem>>, %arg7: memref<128x16xf32, #tpu.memory_space<vmem>>, %arg8: memref<!tpu.dma_semaphore, #tpu.memory_space<semaphore_mem>>, %arg9: memref<10240x16xf32, #tpu.memory_space<vmem_shared>>) attributes {dimension_semantics = [#tpu.dimension_semantics<core_parallel>, #tpu.dimension_semantics<subcore_parallel>], iteration_bounds = array<i64: 2, 16>, scalar_prefetch = 0 : i64, scratch_operands = 4 : i64, tpu.core_type = #tpu.core_type<sc_vector_subcore>, window_params = [{transform_indices = #map}, {transform_indices = #map}, {transform_indices = #map}, {transform_indices = #map}]} {
    %mul3A = arith.constant 16 : i32
    %mul3A_0 = arith.muli %arg0, %mul3A : i32
    %add3A = arith.addi %mul3A_0, %arg1 : i32
    %lt3A = arith.constant 4 : i32
    %lt3A_1 = arith.cmpi slt, %add3A, %lt3A : i32
    %jit3A = arith.constant 79 : i32
    %jit3A_2 = arith.constant 78 : i32
    %select_n3A = arith.select %lt3A_1, %jit3A, %jit3A_2 : i32
    "tpu.region"() ({
      %run_scoped3A = tpu.sem_alloc : memref<!tpu.dma_semaphore, #tpu.memory_space<semaphore_mem>>
      tpu.enqueue_dma source(%arg3 : memref<128x16xf32, #tpu.memory_space<hbm>>) target(%arg7 : memref<128x16xf32, #tpu.memory_space<vmem>>) target_semaphore(%run_scoped3A : memref<!tpu.dma_semaphore, #tpu.memory_space<semaphore_mem>>)
      tpu.wait_dma2 semaphore(%run_scoped3A : memref<!tpu.dma_semaphore, #tpu.memory_space<semaphore_mem>>) src(%arg3 : memref<128x16xf32, #tpu.memory_space<hbm>>) dst(%arg7 : memref<128x16xf32, #tpu.memory_space<vmem>>)
      tpu.yield
    }) : () -> ()
    %mul3A_3 = arith.constant 640 : i32
    %mul3A_4 = arith.muli %arg1, %mul3A_3 : i32
    %add3A_5 = arith.constant 0 : i32
    %add3A_6 = arith.addi %mul3A_4, %add3A_5 : i32
    "tpu.region"() ({
      %run_scoped3A = tpu.sem_alloc : memref<!tpu.dma_semaphore, #tpu.memory_space<semaphore_mem>>
      %dma_start3A = arith.constant 0 : i32
      %dma_start3A_62 = tpu.memref_slice %arg9[%add3A_6, %dma_start3A] : memref<10240x16xf32, #tpu.memory_space<vmem_shared>> -> memref<128x16xf32, #tpu.memory_space<vmem_shared>>
      %dma_start3A_63 = arith.constant 0 : i32
      %dma_start3A_64 = tpu.memref_slice %arg9[%add3A_6, %dma_start3A_63] : memref<10240x16xf32, #tpu.memory_space<vmem_shared>> -> memref<128x16xf32, #tpu.memory_space<vmem_shared>>
      tpu.enqueue_dma source(%arg7 : memref<128x16xf32, #tpu.memory_space<vmem>>) target(%dma_start3A_64 : memref<128x16xf32, #tpu.memory_space<vmem_shared>>) target_semaphore(%run_scoped3A : memref<!tpu.dma_semaphore, #tpu.memory_space<semaphore_mem>>)
      %dma_wait3A = arith.constant 0 : i32
      %dma_wait3A_65 = tpu.memref_slice %arg9[%add3A_6, %dma_wait3A] : memref<10240x16xf32, #tpu.memory_space<vmem_shared>> -> memref<128x16xf32, #tpu.memory_space<vmem_shared>>
      %dma_wait3A_66 = arith.constant 0 : i32
      %dma_wait3A_67 = tpu.memref_slice %arg9[%add3A_6, %dma_wait3A_66] : memref<10240x16xf32, #tpu.memory_space<vmem_shared>> -> memref<128x16xf32, #tpu.memory_space<vmem_shared>>
      tpu.wait_dma2 semaphore(%run_scoped3A : memref<!tpu.dma_semaphore, #tpu.memory_space<semaphore_mem>>) src(%arg7 : memref<128x16xf32, #tpu.memory_space<vmem>>) dst(%dma_wait3A_67 : memref<128x16xf32, #tpu.memory_space<vmem_shared>>)
      tpu.yield
    }) : () -> ()
    %mul3A_7 = arith.constant 640 : i32
    %mul3A_8 = arith.muli %arg1, %mul3A_7 : i32
    %add3A_9 = arith.constant 128 : i32
    %add3A_10 = arith.addi %mul3A_8, %add3A_9 : i32
    "tpu.region"() ({
      %run_scoped3A = tpu.sem_alloc : memref<!tpu.dma_semaphore, #tpu.memory_space<semaphore_mem>>
      %dma_start3A = arith.constant 0 : i32
      %dma_start3A_62 = tpu.memref_slice %arg9[%add3A_10, %dma_start3A] : memref<10240x16xf32, #tpu.memory_space<vmem_shared>> -> memref<128x16xf32, #tpu.memory_space<vmem_shared>>
      %dma_start3A_63 = arith.constant 0 : i32
      %dma_start3A_64 = tpu.memref_slice %arg9[%add3A_10, %dma_start3A_63] : memref<10240x16xf32, #tpu.memory_space<vmem_shared>> -> memref<128x16xf32, #tpu.memory_space<vmem_shared>>
      tpu.enqueue_dma source(%arg7 : memref<128x16xf32, #tpu.memory_space<vmem>>) target(%dma_start3A_64 : memref<128x16xf32, #tpu.memory_space<vmem_shared>>) target_semaphore(%run_scoped3A : memref<!tpu.dma_semaphore, #tpu.memory_space<semaphore_mem>>)
      %dma_wait3A = arith.constant 0 : i32
      %dma_wait3A_65 = tpu.memref_slice %arg9[%add3A_10, %dma_wait3A] : memref<10240x16xf32, #tpu.memory_space<vmem_shared>> -> memref<128x16xf32, #tpu.memory_space<vmem_shared>>
      %dma_wait3A_66 = arith.constant 0 : i32
      %dma_wait3A_67 = tpu.memref_slice %arg9[%add3A_10, %dma_wait3A_66] : memref<10240x16xf32, #tpu.memory_space<vmem_shared>> -> memref<128x16xf32, #tpu.memory_space<vmem_shared>>
      tpu.wait_dma2 semaphore(%run_scoped3A : memref<!tpu.dma_semaphore, #tpu.memory_space<semaphore_mem>>) src(%arg7 : memref<128x16xf32, #tpu.memory_space<vmem>>) dst(%dma_wait3A_67 : memref<128x16xf32, #tpu.memory_space<vmem_shared>>)
      tpu.yield
    }) : () -> ()
    %mul3A_11 = arith.constant 640 : i32
    %mul3A_12 = arith.muli %arg1, %mul3A_11 : i32
    %add3A_13 = arith.constant 256 : i32
    %add3A_14 = arith.addi %mul3A_12, %add3A_13 : i32
    "tpu.region"() ({
      %run_scoped3A = tpu.sem_alloc : memref<!tpu.dma_semaphore, #tpu.memory_space<semaphore_mem>>
      %dma_start3A = arith.constant 0 : i32
      %dma_start3A_62 = tpu.memref_slice %arg9[%add3A_14, %dma_start3A] : memref<10240x16xf32, #tpu.memory_space<vmem_shared>> -> memref<128x16xf32, #tpu.memory_space<vmem_shared>>
      %dma_start3A_63 = arith.constant 0 : i32
      %dma_start3A_64 = tpu.memref_slice %arg9[%add3A_14, %dma_start3A_63] : memref<10240x16xf32, #tpu.memory_space<vmem_shared>> -> memref<128x16xf32, #tpu.memory_space<vmem_shared>>
      tpu.enqueue_dma source(%arg7 : memref<128x16xf32, #tpu.memory_space<vmem>>) target(%dma_start3A_64 : memref<128x16xf32, #tpu.memory_space<vmem_shared>>) target_semaphore(%run_scoped3A : memref<!tpu.dma_semaphore, #tpu.memory_space<semaphore_mem>>)
      %dma_wait3A = arith.constant 0 : i32
      %dma_wait3A_65 = tpu.memref_slice %arg9[%add3A_14, %dma_wait3A] : memref<10240x16xf32, #tpu.memory_space<vmem_shared>> -> memref<128x16xf32, #tpu.memory_space<vmem_shared>>
      %dma_wait3A_66 = arith.constant 0 : i32
      %dma_wait3A_67 = tpu.memref_slice %arg9[%add3A_14, %dma_wait3A_66] : memref<10240x16xf32, #tpu.memory_space<vmem_shared>> -> memref<128x16xf32, #tpu.memory_space<vmem_shared>>
      tpu.wait_dma2 semaphore(%run_scoped3A : memref<!tpu.dma_semaphore, #tpu.memory_space<semaphore_mem>>) src(%arg7 : memref<128x16xf32, #tpu.memory_space<vmem>>) dst(%dma_wait3A_67 : memref<128x16xf32, #tpu.memory_space<vmem_shared>>)
      tpu.yield
    }) : () -> ()
    %mul3A_15 = arith.constant 640 : i32
    %mul3A_16 = arith.muli %arg1, %mul3A_15 : i32
    %add3A_17 = arith.constant 384 : i32
    %add3A_18 = arith.addi %mul3A_16, %add3A_17 : i32
    "tpu.region"() ({
      %run_scoped3A = tpu.sem_alloc : memref<!tpu.dma_semaphore, #tpu.memory_space<semaphore_mem>>
      %dma_start3A = arith.constant 0 : i32
      %dma_start3A_62 = tpu.memref_slice %arg9[%add3A_18, %dma_start3A] : memref<10240x16xf32, #tpu.memory_space<vmem_shared>> -> memref<128x16xf32, #tpu.memory_space<vmem_shared>>
      %dma_start3A_63 = arith.constant 0 : i32
      %dma_start3A_64 = tpu.memref_slice %arg9[%add3A_18, %dma_start3A_63] : memref<10240x16xf32, #tpu.memory_space<vmem_shared>> -> memref<128x16xf32, #tpu.memory_space<vmem_shared>>
      tpu.enqueue_dma source(%arg7 : memref<128x16xf32, #tpu.memory_space<vmem>>) target(%dma_start3A_64 : memref<128x16xf32, #tpu.memory_space<vmem_shared>>) target_semaphore(%run_scoped3A : memref<!tpu.dma_semaphore, #tpu.memory_space<semaphore_mem>>)
      %dma_wait3A = arith.constant 0 : i32
      %dma_wait3A_65 = tpu.memref_slice %arg9[%add3A_18, %dma_wait3A] : memref<10240x16xf32, #tpu.memory_space<vmem_shared>> -> memref<128x16xf32, #tpu.memory_space<vmem_shared>>
      %dma_wait3A_66 = arith.constant 0 : i32
      %dma_wait3A_67 = tpu.memref_slice %arg9[%add3A_18, %dma_wait3A_66] : memref<10240x16xf32, #tpu.memory_space<vmem_shared>> -> memref<128x16xf32, #tpu.memory_space<vmem_shared>>
      tpu.wait_dma2 semaphore(%run_scoped3A : memref<!tpu.dma_semaphore, #tpu.memory_space<semaphore_mem>>) src(%arg7 : memref<128x16xf32, #tpu.memory_space<vmem>>) dst(%dma_wait3A_67 : memref<128x16xf32, #tpu.memory_space<vmem_shared>>)
      tpu.yield
    }) : () -> ()
    %mul3A_19 = arith.constant 640 : i32
    %mul3A_20 = arith.muli %arg1, %mul3A_19 : i32
    %add3A_21 = arith.constant 512 : i32
    %add3A_22 = arith.addi %mul3A_20, %add3A_21 : i32
    "tpu.region"() ({
      %run_scoped3A = tpu.sem_alloc : memref<!tpu.dma_semaphore, #tpu.memory_space<semaphore_mem>>
      %dma_start3A = arith.constant 0 : i32
      %dma_start3A_62 = tpu.memref_slice %arg9[%add3A_22, %dma_start3A] : memref<10240x16xf32, #tpu.memory_space<vmem_shared>> -> memref<128x16xf32, #tpu.memory_space<vmem_shared>>
      %dma_start3A_63 = arith.constant 0 : i32
      %dma_start3A_64 = tpu.memref_slice %arg9[%add3A_22, %dma_start3A_63] : memref<10240x16xf32, #tpu.memory_space<vmem_shared>> -> memref<128x16xf32, #tpu.memory_space<vmem_shared>>
      tpu.enqueue_dma source(%arg7 : memref<128x16xf32, #tpu.memory_space<vmem>>) target(%dma_start3A_64 : memref<128x16xf32, #tpu.memory_space<vmem_shared>>) target_semaphore(%run_scoped3A : memref<!tpu.dma_semaphore, #tpu.memory_space<semaphore_mem>>)
      %dma_wait3A = arith.constant 0 : i32
      %dma_wait3A_65 = tpu.memref_slice %arg9[%add3A_22, %dma_wait3A] : memref<10240x16xf32, #tpu.memory_space<vmem_shared>> -> memref<128x16xf32, #tpu.memory_space<vmem_shared>>
      %dma_wait3A_66 = arith.constant 0 : i32
      %dma_wait3A_67 = tpu.memref_slice %arg9[%add3A_22, %dma_wait3A_66] : memref<10240x16xf32, #tpu.memory_space<vmem_shared>> -> memref<128x16xf32, #tpu.memory_space<vmem_shared>>
      tpu.wait_dma2 semaphore(%run_scoped3A : memref<!tpu.dma_semaphore, #tpu.memory_space<semaphore_mem>>) src(%arg7 : memref<128x16xf32, #tpu.memory_space<vmem>>) dst(%dma_wait3A_67 : memref<128x16xf32, #tpu.memory_space<vmem_shared>>)
      tpu.yield
    }) : () -> ()
    %barrier3A = arith.constant 0 : index
    tpu.barrier barrier_id(%barrier3A)
    "tpu.region"() ({
      %run_scoped3A = tpu.sem_alloc : memref<!tpu.dma_semaphore, #tpu.memory_space<semaphore_mem>>
      tpu.enqueue_dma source(%arg4 : memref<128x16xf32, #tpu.memory_space<hbm>>) target(%arg7 : memref<128x16xf32, #tpu.memory_space<vmem>>) target_semaphore(%run_scoped3A : memref<!tpu.dma_semaphore, #tpu.memory_space<semaphore_mem>>)
      tpu.wait_dma2 semaphore(%run_scoped3A : memref<!tpu.dma_semaphore, #tpu.memory_space<semaphore_mem>>) src(%arg4 : memref<128x16xf32, #tpu.memory_space<hbm>>) dst(%arg7 : memref<128x16xf32, #tpu.memory_space<vmem>>)
      tpu.yield
    }) : () -> ()
    %lt3A_23 = arith.constant 4 : i32
    %lt3A_24 = arith.cmpi slt, %add3A, %lt3A_23 : i32
    %mul3A_25 = arith.constant 79 : i32
    %mul3A_26 = arith.muli %mul3A_25, %add3A : i32
    %sub3A = arith.constant 4 : i32
    %sub3A_27 = arith.subi %add3A, %sub3A : i32
    %mul3A_28 = arith.constant 78 : i32
    %mul3A_29 = arith.muli %mul3A_28, %sub3A_27 : i32
    %add3A_30 = arith.constant 316 : i32
    %add3A_31 = arith.addi %add3A_30, %mul3A_29 : i32
    %select_n3A_32 = arith.select %lt3A_24, %mul3A_26, %add3A_31 : i32
    %lt3A_33 = arith.constant 4 : i32
    %lt3A_34 = arith.cmpi slt, %add3A, %lt3A_33 : i32
    %convert_element_type3A = arith.extui %lt3A_34 : i1 to i32
    %cond3A = arith.constant 0 : i32
    %cond3A_35 = arith.cmpi ne, %convert_element_type3A, %cond3A : i32
    scf.if %cond3A_35 {
      "tpu.region"() ({
        %run_scoped3A = tpu.sem_alloc : memref<!tpu.dma_semaphore, #tpu.memory_space<semaphore_mem>>
        %dma_start3A = arith.constant 0 : i32
        %dma_start3A_62 = tpu.memref_slice %arg2[%select_n3A_32, %dma_start3A] : memref<2500x128xi32, #tpu.memory_space<hbm>> -> memref<79x128xi32, #tpu.memory_space<hbm>>
        %dma_start3A_63 = arith.constant 0 : i32
        %dma_start3A_64 = tpu.memref_slice %arg2[%select_n3A_32, %dma_start3A_63] : memref<2500x128xi32, #tpu.memory_space<hbm>> -> memref<79x128xi32, #tpu.memory_space<hbm>>
        tpu.enqueue_dma source(%dma_start3A_64 : memref<79x128xi32, #tpu.memory_space<hbm>>) target(%arg6 : memref<79x128xi32, #tpu.memory_space<vmem>>) target_semaphore(%run_scoped3A : memref<!tpu.dma_semaphore, #tpu.memory_space<semaphore_mem>>)
        %dma_wait3A = arith.constant 0 : i32
        %dma_wait3A_65 = tpu.memref_slice %arg2[%select_n3A_32, %dma_wait3A] : memref<2500x128xi32, #tpu.memory_space<hbm>> -> memref<79x128xi32, #tpu.memory_space<hbm>>
        %dma_wait3A_66 = arith.constant 0 : i32
        %dma_wait3A_67 = tpu.memref_slice %arg2[%select_n3A_32, %dma_wait3A_66] : memref<2500x128xi32, #tpu.memory_space<hbm>> -> memref<79x128xi32, #tpu.memory_space<hbm>>
        tpu.wait_dma2 semaphore(%run_scoped3A : memref<!tpu.dma_semaphore, #tpu.memory_space<semaphore_mem>>) src(%dma_wait3A_67 : memref<79x128xi32, #tpu.memory_space<hbm>>) dst(%arg6 : memref<79x128xi32, #tpu.memory_space<vmem>>)
        tpu.yield
      }) : () -> ()
    } else {
    }
    %ge3A = arith.constant 4 : i32
    %ge3A_36 = arith.cmpi sge, %add3A, %ge3A : i32
    %convert_element_type3A_37 = arith.extui %ge3A_36 : i1 to i32
    %cond3A_38 = arith.constant 0 : i32
    %cond3A_39 = arith.cmpi ne, %convert_element_type3A_37, %cond3A_38 : i32
    scf.if %cond3A_39 {
      "tpu.region"() ({
        %run_scoped3A = tpu.sem_alloc : memref<!tpu.dma_semaphore, #tpu.memory_space<semaphore_mem>>
        %dma_start3A = arith.constant 0 : i32
        %dma_start3A_62 = arith.constant 0 : i32
        %dma_start3A_63 = tpu.memref_slice %arg6[%dma_start3A, %dma_start3A_62] : memref<79x128xi32, #tpu.memory_space<vmem>> -> memref<78x128xi32, #tpu.memory_space<vmem>>
        %dma_start3A_64 = arith.constant 0 : i32
        %dma_start3A_65 = tpu.memref_slice %arg2[%select_n3A_32, %dma_start3A_64] : memref<2500x128xi32, #tpu.memory_space<hbm>> -> memref<78x128xi32, #tpu.memory_space<hbm>>
        %dma_start3A_66 = arith.constant 0 : i32
        %dma_start3A_67 = arith.constant 0 : i32
        %dma_start3A_68 = tpu.memref_slice %arg6[%dma_start3A_66, %dma_start3A_67] : memref<79x128xi32, #tpu.memory_space<vmem>> -> memref<78x128xi32, #tpu.memory_space<vmem>>
        %dma_start3A_69 = arith.constant 0 : i32
        %dma_start3A_70 = tpu.memref_slice %arg2[%select_n3A_32, %dma_start3A_69] : memref<2500x128xi32, #tpu.memory_space<hbm>> -> memref<78x128xi32, #tpu.memory_space<hbm>>
        tpu.enqueue_dma source(%dma_start3A_70 : memref<78x128xi32, #tpu.memory_space<hbm>>) target(%dma_start3A_68 : memref<78x128xi32, #tpu.memory_space<vmem>>) target_semaphore(%run_scoped3A : memref<!tpu.dma_semaphore, #tpu.memory_space<semaphore_mem>>)
        %dma_wait3A = arith.constant 0 : i32
        %dma_wait3A_71 = arith.constant 0 : i32
        %dma_wait3A_72 = tpu.memref_slice %arg6[%dma_wait3A, %dma_wait3A_71] : memref<79x128xi32, #tpu.memory_space<vmem>> -> memref<78x128xi32, #tpu.memory_space<vmem>>
        %dma_wait3A_73 = arith.constant 0 : i32
        %dma_wait3A_74 = tpu.memref_slice %arg2[%select_n3A_32, %dma_wait3A_73] : memref<2500x128xi32, #tpu.memory_space<hbm>> -> memref<78x128xi32, #tpu.memory_space<hbm>>
        %dma_wait3A_75 = arith.constant 0 : i32
        %dma_wait3A_76 = arith.constant 0 : i32
        %dma_wait3A_77 = tpu.memref_slice %arg6[%dma_wait3A_75, %dma_wait3A_76] : memref<79x128xi32, #tpu.memory_space<vmem>> -> memref<78x128xi32, #tpu.memory_space<vmem>>
        %dma_wait3A_78 = arith.constant 0 : i32
        %dma_wait3A_79 = tpu.memref_slice %arg2[%select_n3A_32, %dma_wait3A_78] : memref<2500x128xi32, #tpu.memory_space<hbm>> -> memref<78x128xi32, #tpu.memory_space<hbm>>
        tpu.wait_dma2 semaphore(%run_scoped3A : memref<!tpu.dma_semaphore, #tpu.memory_space<semaphore_mem>>) src(%dma_wait3A_79 : memref<78x128xi32, #tpu.memory_space<hbm>>) dst(%dma_wait3A_77 : memref<78x128xi32, #tpu.memory_space<vmem>>)
        tpu.yield
      }) : () -> ()
    } else {
    }
    %while3A = arith.constant 0 : i32
    %while3A_40 = arith.constant 0 : i32
    %while3A_41 = arith.subi %select_n3A, %while3A_40 : i32
    %while3A_42 = arith.addi %while3A_40, %while3A_41 : i32
    %while3A_43 = arith.constant 1 : i32
    %while3A_44 = arith.divsi %while3A_41, %while3A_43 : i32
    %while3A_45 = arith.muli %while3A_44, %while3A_43 : i32
    %while3A_46 = arith.addi %while3A_40, %while3A_45 : i32
    %while3A_47 = arith.constant 1 : i32
    scf.for %while3A_62 = %while3A_40 to %while3A_46 step %while3A_47  : i32 {
      %dma_start3A = arith.constant 0 : i32
      %dma_start3A_63 = tpu.memref_slice %arg6[%while3A_62, %dma_start3A] : memref<79x128xi32, #tpu.memory_space<vmem>> -> memref<1x128xi32, #tpu.memory_space<vmem>>
      %dma_start3A_64 = tpu.memref_squeeze %dma_start3A_63 : memref<1x128xi32, #tpu.memory_space<vmem>> -> memref<128xi32, #tpu.memory_space<vmem>>
      %dma_start3A_65 = arith.constant 0 : i32
      %dma_start3A_66 = arith.constant 0 : i32
      %dma_start3A_67 = tpu.memref_slice %arg9[%dma_start3A_65, %dma_start3A_66] : memref<10240x16xf32, #tpu.memory_space<vmem_shared>> -> memref<10240x16xf32, #tpu.memory_space<vmem_shared>>
      tpu.enqueue_indirect_dma source(%arg7 : memref<128x16xf32, #tpu.memory_space<vmem>>) target(%dma_start3A_67 : memref<10240x16xf32, #tpu.memory_space<vmem_shared>>) offsets(%dma_start3A_64 : memref<128xi32, #tpu.memory_space<vmem>>) semaphore(%arg8 : memref<!tpu.dma_semaphore, #tpu.memory_space<semaphore_mem>>) {add = true}
      %ge3A_68 = arith.constant 8 : i32
      %ge3A_69 = arith.cmpi sge, %while3A_62, %ge3A_68 : i32
      %convert_element_type3A_70 = arith.extui %ge3A_69 : i1 to i32
      %cond3A_71 = arith.constant 0 : i32
      %cond3A_72 = arith.cmpi ne, %convert_element_type3A_70, %cond3A_71 : i32
      scf.if %cond3A_72 {
        tpu.wait_dma2 semaphore(%arg8 : memref<!tpu.dma_semaphore, #tpu.memory_space<semaphore_mem>>) src(%arg3 : memref<128x16xf32, #tpu.memory_space<hbm>>) dst(%arg7 : memref<128x16xf32, #tpu.memory_space<vmem>>)
      } else {
      }
    }
    %while3A_48 = arith.constant 1 : i32
    scf.for %while3A_62 = %while3A_46 to %while3A_42 step %while3A_48  : i32 {
      %dma_start3A = arith.constant 0 : i32
      %dma_start3A_63 = tpu.memref_slice %arg6[%while3A_62, %dma_start3A] : memref<79x128xi32, #tpu.memory_space<vmem>> -> memref<1x128xi32, #tpu.memory_space<vmem>>
      %dma_start3A_64 = tpu.memref_squeeze %dma_start3A_63 : memref<1x128xi32, #tpu.memory_space<vmem>> -> memref<128xi32, #tpu.memory_space<vmem>>
      %dma_start3A_65 = arith.constant 0 : i32
      %dma_start3A_66 = arith.constant 0 : i32
      %dma_start3A_67 = tpu.memref_slice %arg9[%dma_start3A_65, %dma_start3A_66] : memref<10240x16xf32, #tpu.memory_space<vmem_shared>> -> memref<10240x16xf32, #tpu.memory_space<vmem_shared>>
      tpu.enqueue_indirect_dma source(%arg7 : memref<128x16xf32, #tpu.memory_space<vmem>>) target(%dma_start3A_67 : memref<10240x16xf32, #tpu.memory_space<vmem_shared>>) offsets(%dma_start3A_64 : memref<128xi32, #tpu.memory_space<vmem>>) semaphore(%arg8 : memref<!tpu.dma_semaphore, #tpu.memory_space<semaphore_mem>>) {add = true}
      %ge3A_68 = arith.constant 8 : i32
      %ge3A_69 = arith.cmpi sge, %while3A_62, %ge3A_68 : i32
      %convert_element_type3A_70 = arith.extui %ge3A_69 : i1 to i32
      %cond3A_71 = arith.constant 0 : i32
      %cond3A_72 = arith.cmpi ne, %convert_element_type3A_70, %cond3A_71 : i32
      scf.if %cond3A_72 {
        tpu.wait_dma2 semaphore(%arg8 : memref<!tpu.dma_semaphore, #tpu.memory_space<semaphore_mem>>) src(%arg3 : memref<128x16xf32, #tpu.memory_space<hbm>>) dst(%arg7 : memref<128x16xf32, #tpu.memory_space<vmem>>)
      } else {
      }
    }
    %scan3A = arith.constant 0 : i32
    %scan3A_49 = arith.constant 0 : i32
    %scan3A_50 = arith.constant 8 : i32
    %scan3A_51 = arith.addi %scan3A_49, %scan3A_50 : i32
    %scan3A_52 = arith.constant 1 : i32
    scf.for %scan3A_62 = %scan3A_49 to %scan3A_51 step %scan3A_52  : i32 {
      tpu.wait_dma2 semaphore(%arg8 : memref<!tpu.dma_semaphore, #tpu.memory_space<semaphore_mem>>) src(%arg3 : memref<128x16xf32, #tpu.memory_space<hbm>>) dst(%arg7 : memref<128x16xf32, #tpu.memory_space<vmem>>)
    }
    %scan3A_53 = arith.constant 8 : i32
    %barrier3A_54 = arith.constant 0 : index
    tpu.barrier barrier_id(%barrier3A_54)
    %mul3A_55 = arith.constant 640 : i32
    %mul3A_56 = arith.muli %arg1, %mul3A_55 : i32
    %mul3A_57 = arith.constant 10240 : i32
    %mul3A_58 = arith.muli %arg0, %mul3A_57 : i32
    %mul3A_59 = arith.constant 640 : i32
    %mul3A_60 = arith.muli %arg1, %mul3A_59 : i32
    %add3A_61 = arith.addi %mul3A_58, %mul3A_60 : i32
    "tpu.region"() ({
      %run_scoped3A = tpu.sem_alloc : memref<!tpu.dma_semaphore, #tpu.memory_space<semaphore_mem>>
      %dma_start3A = arith.constant 0 : i32
      %dma_start3A_62 = tpu.memref_slice %arg5[%add3A_61, %dma_start3A] : memref<20480x16xf32, #tpu.memory_space<hbm>> -> memref<640x16xf32, #tpu.memory_space<hbm>>
      %dma_start3A_63 = arith.constant 0 : i32
      %dma_start3A_64 = tpu.memref_slice %arg9[%mul3A_56, %dma_start3A_63] : memref<10240x16xf32, #tpu.memory_space<vmem_shared>> -> memref<640x16xf32, #tpu.memory_space<vmem_shared>>
      tpu.enqueue_dma source(%dma_start3A_64 : memref<640x16xf32, #tpu.memory_space<vmem_shared>>) target(%dma_start3A_62 : memref<640x16xf32, #tpu.memory_space<hbm>>) target_semaphore(%run_scoped3A : memref<!tpu.dma_semaphore, #tpu.memory_space<semaphore_mem>>)
      %dma_wait3A = arith.constant 0 : i32
      %dma_wait3A_65 = tpu.memref_slice %arg5[%add3A_61, %dma_wait3A] : memref<20480x16xf32, #tpu.memory_space<hbm>> -> memref<640x16xf32, #tpu.memory_space<hbm>>
      %dma_wait3A_66 = arith.constant 0 : i32
      %dma_wait3A_67 = tpu.memref_slice %arg9[%mul3A_56, %dma_wait3A_66] : memref<10240x16xf32, #tpu.memory_space<vmem_shared>> -> memref<640x16xf32, #tpu.memory_space<vmem_shared>>
      tpu.wait_dma2 semaphore(%run_scoped3A : memref<!tpu.dma_semaphore, #tpu.memory_space<semaphore_mem>>) src(%dma_wait3A_67 : memref<640x16xf32, #tpu.memory_space<vmem_shared>>) dst(%dma_wait3A_65 : memref<640x16xf32, #tpu.memory_space<hbm>>)
      tpu.yield
    }) : () -> ()
    return
  }
}

#map = affine_map<(d0, d1) -> (0, 0)>
#map1 = affine_map<(d0, d1) -> (0)>
module attributes {stable_mosaic.version = 14 : i64} {
  func.func @_fin_body(%arg0: i32, %arg1: i32, %arg2: memref<20480x16xf32, #tpu.memory_space<hbm>>, %arg3: memref<10016x16xf32, #tpu.memory_space<hbm>>, %arg4: memref<10016x16xf32, #tpu.memory_space<hbm>>, %arg5: memref<16xf32, #tpu.memory_space<hbm>>, %arg6: memref<10016x16xf32, #tpu.memory_space<hbm>>, %arg7: memref<313x16xf32, #tpu.memory_space<vmem>>, %arg8: memref<313x16xf32, #tpu.memory_space<vmem>>, %arg9: memref<313x16xf32, #tpu.memory_space<vmem>>, %arg10: memref<313x16xf32, #tpu.memory_space<vmem>>, %arg11: memref<16xf32, #tpu.memory_space<vmem>>, %arg12: memref<313x16xf32, #tpu.memory_space<vmem>>) attributes {dimension_semantics = [#tpu.dimension_semantics<core_parallel>, #tpu.dimension_semantics<subcore_parallel>], iteration_bounds = array<i64: 2, 16>, scalar_prefetch = 0 : i64, scratch_operands = 6 : i64, tpu.core_type = #tpu.core_type<sc_vector_subcore>, window_params = [{transform_indices = #map}, {transform_indices = #map}, {transform_indices = #map}, {transform_indices = #map1}, {transform_indices = #map}]} {
    %mul3A = arith.constant 16 : i32
    %mul3A_0 = arith.muli %arg0, %mul3A : i32
    %add3A = arith.addi %mul3A_0, %arg1 : i32
    %mul3A_1 = arith.constant 313 : i32
    %mul3A_2 = arith.muli %add3A, %mul3A_1 : i32
    "tpu.region"() ({
      %run_scoped3A = tpu.sem_alloc : memref<!tpu.dma_semaphore, #tpu.memory_space<semaphore_mem>>
      %dma_start3A = arith.constant 0 : i32
      %dma_start3A_8 = tpu.memref_slice %arg2[%mul3A_2, %dma_start3A] : memref<20480x16xf32, #tpu.memory_space<hbm>> -> memref<313x16xf32, #tpu.memory_space<hbm>>
      %dma_start3A_9 = arith.constant 0 : i32
      %dma_start3A_10 = tpu.memref_slice %arg2[%mul3A_2, %dma_start3A_9] : memref<20480x16xf32, #tpu.memory_space<hbm>> -> memref<313x16xf32, #tpu.memory_space<hbm>>
      tpu.enqueue_dma source(%dma_start3A_10 : memref<313x16xf32, #tpu.memory_space<hbm>>) target(%arg7 : memref<313x16xf32, #tpu.memory_space<vmem>>) target_semaphore(%run_scoped3A : memref<!tpu.dma_semaphore, #tpu.memory_space<semaphore_mem>>)
      %dma_wait3A = arith.constant 0 : i32
      %dma_wait3A_11 = tpu.memref_slice %arg2[%mul3A_2, %dma_wait3A] : memref<20480x16xf32, #tpu.memory_space<hbm>> -> memref<313x16xf32, #tpu.memory_space<hbm>>
      %dma_wait3A_12 = arith.constant 0 : i32
      %dma_wait3A_13 = tpu.memref_slice %arg2[%mul3A_2, %dma_wait3A_12] : memref<20480x16xf32, #tpu.memory_space<hbm>> -> memref<313x16xf32, #tpu.memory_space<hbm>>
      tpu.wait_dma2 semaphore(%run_scoped3A : memref<!tpu.dma_semaphore, #tpu.memory_space<semaphore_mem>>) src(%dma_wait3A_13 : memref<313x16xf32, #tpu.memory_space<hbm>>) dst(%arg7 : memref<313x16xf32, #tpu.memory_space<vmem>>)
      tpu.yield
    }) : () -> ()
    %add3A_3 = arith.constant 10240 : i32
    %add3A_4 = arith.addi %add3A_3, %mul3A_2 : i32
    "tpu.region"() ({
      %run_scoped3A = tpu.sem_alloc : memref<!tpu.dma_semaphore, #tpu.memory_space<semaphore_mem>>
      %dma_start3A = arith.constant 0 : i32
      %dma_start3A_8 = tpu.memref_slice %arg2[%add3A_4, %dma_start3A] : memref<20480x16xf32, #tpu.memory_space<hbm>> -> memref<313x16xf32, #tpu.memory_space<hbm>>
      %dma_start3A_9 = arith.constant 0 : i32
      %dma_start3A_10 = tpu.memref_slice %arg2[%add3A_4, %dma_start3A_9] : memref<20480x16xf32, #tpu.memory_space<hbm>> -> memref<313x16xf32, #tpu.memory_space<hbm>>
      tpu.enqueue_dma source(%dma_start3A_10 : memref<313x16xf32, #tpu.memory_space<hbm>>) target(%arg8 : memref<313x16xf32, #tpu.memory_space<vmem>>) target_semaphore(%run_scoped3A : memref<!tpu.dma_semaphore, #tpu.memory_space<semaphore_mem>>)
      %dma_wait3A = arith.constant 0 : i32
      %dma_wait3A_11 = tpu.memref_slice %arg2[%add3A_4, %dma_wait3A] : memref<20480x16xf32, #tpu.memory_space<hbm>> -> memref<313x16xf32, #tpu.memory_space<hbm>>
      %dma_wait3A_12 = arith.constant 0 : i32
      %dma_wait3A_13 = tpu.memref_slice %arg2[%add3A_4, %dma_wait3A_12] : memref<20480x16xf32, #tpu.memory_space<hbm>> -> memref<313x16xf32, #tpu.memory_space<hbm>>
      tpu.wait_dma2 semaphore(%run_scoped3A : memref<!tpu.dma_semaphore, #tpu.memory_space<semaphore_mem>>) src(%dma_wait3A_13 : memref<313x16xf32, #tpu.memory_space<hbm>>) dst(%arg8 : memref<313x16xf32, #tpu.memory_space<vmem>>)
      tpu.yield
    }) : () -> ()
    "tpu.region"() ({
      %run_scoped3A = tpu.sem_alloc : memref<!tpu.dma_semaphore, #tpu.memory_space<semaphore_mem>>
      %dma_start3A = arith.constant 0 : i32
      %dma_start3A_8 = tpu.memref_slice %arg3[%mul3A_2, %dma_start3A] : memref<10016x16xf32, #tpu.memory_space<hbm>> -> memref<313x16xf32, #tpu.memory_space<hbm>>
      %dma_start3A_9 = arith.constant 0 : i32
      %dma_start3A_10 = tpu.memref_slice %arg3[%mul3A_2, %dma_start3A_9] : memref<10016x16xf32, #tpu.memory_space<hbm>> -> memref<313x16xf32, #tpu.memory_space<hbm>>
      tpu.enqueue_dma source(%dma_start3A_10 : memref<313x16xf32, #tpu.memory_space<hbm>>) target(%arg9 : memref<313x16xf32, #tpu.memory_space<vmem>>) target_semaphore(%run_scoped3A : memref<!tpu.dma_semaphore, #tpu.memory_space<semaphore_mem>>)
      %dma_wait3A = arith.constant 0 : i32
      %dma_wait3A_11 = tpu.memref_slice %arg3[%mul3A_2, %dma_wait3A] : memref<10016x16xf32, #tpu.memory_space<hbm>> -> memref<313x16xf32, #tpu.memory_space<hbm>>
      %dma_wait3A_12 = arith.constant 0 : i32
      %dma_wait3A_13 = tpu.memref_slice %arg3[%mul3A_2, %dma_wait3A_12] : memref<10016x16xf32, #tpu.memory_space<hbm>> -> memref<313x16xf32, #tpu.memory_space<hbm>>
      tpu.wait_dma2 semaphore(%run_scoped3A : memref<!tpu.dma_semaphore, #tpu.memory_space<semaphore_mem>>) src(%dma_wait3A_13 : memref<313x16xf32, #tpu.memory_space<hbm>>) dst(%arg9 : memref<313x16xf32, #tpu.memory_space<vmem>>)
      tpu.yield
    }) : () -> ()
    "tpu.region"() ({
      %run_scoped3A = tpu.sem_alloc : memref<!tpu.dma_semaphore, #tpu.memory_space<semaphore_mem>>
      %dma_start3A = arith.constant 0 : i32
      %dma_start3A_8 = tpu.memref_slice %arg4[%mul3A_2, %dma_start3A] : memref<10016x16xf32, #tpu.memory_space<hbm>> -> memref<313x16xf32, #tpu.memory_space<hbm>>
      %dma_start3A_9 = arith.constant 0 : i32
      %dma_start3A_10 = tpu.memref_slice %arg4[%mul3A_2, %dma_start3A_9] : memref<10016x16xf32, #tpu.memory_space<hbm>> -> memref<313x16xf32, #tpu.memory_space<hbm>>
      tpu.enqueue_dma source(%dma_start3A_10 : memref<313x16xf32, #tpu.memory_space<hbm>>) target(%arg10 : memref<313x16xf32, #tpu.memory_space<vmem>>) target_semaphore(%run_scoped3A : memref<!tpu.dma_semaphore, #tpu.memory_space<semaphore_mem>>)
      %dma_wait3A = arith.constant 0 : i32
      %dma_wait3A_11 = tpu.memref_slice %arg4[%mul3A_2, %dma_wait3A] : memref<10016x16xf32, #tpu.memory_space<hbm>> -> memref<313x16xf32, #tpu.memory_space<hbm>>
      %dma_wait3A_12 = arith.constant 0 : i32
      %dma_wait3A_13 = tpu.memref_slice %arg4[%mul3A_2, %dma_wait3A_12] : memref<10016x16xf32, #tpu.memory_space<hbm>> -> memref<313x16xf32, #tpu.memory_space<hbm>>
      tpu.wait_dma2 semaphore(%run_scoped3A : memref<!tpu.dma_semaphore, #tpu.memory_space<semaphore_mem>>) src(%dma_wait3A_13 : memref<313x16xf32, #tpu.memory_space<hbm>>) dst(%arg10 : memref<313x16xf32, #tpu.memory_space<vmem>>)
      tpu.yield
    }) : () -> ()
    "tpu.region"() ({
      %run_scoped3A = tpu.sem_alloc : memref<!tpu.dma_semaphore, #tpu.memory_space<semaphore_mem>>
      tpu.enqueue_dma source(%arg5 : memref<16xf32, #tpu.memory_space<hbm>>) target(%arg11 : memref<16xf32, #tpu.memory_space<vmem>>) target_semaphore(%run_scoped3A : memref<!tpu.dma_semaphore, #tpu.memory_space<semaphore_mem>>)
      tpu.wait_dma2 semaphore(%run_scoped3A : memref<!tpu.dma_semaphore, #tpu.memory_space<semaphore_mem>>) src(%arg5 : memref<16xf32, #tpu.memory_space<hbm>>) dst(%arg11 : memref<16xf32, #tpu.memory_space<vmem>>)
      tpu.yield
    }) : () -> ()
    %get3A = arith.constant 0 : index
    %get3A_5 = tpu.vector_load %arg11[%get3A] {strides = array<i32>} : memref<16xf32, #tpu.memory_space<vmem>>, vector<16xf32>,
    %parallel_loop3A = arith.constant 0 : i32
    %parallel_loop3A_6 = arith.constant 313 : i32
    %parallel_loop3A_7 = arith.constant 1 : i32
    scf.for %parallel_loop3A_8 = %parallel_loop3A to %parallel_loop3A_6 step %parallel_loop3A_7  : i32 {
      %parallel_loop3A_9 = arith.index_cast %parallel_loop3A_8 : i32 to index
      %parallel_loop3A_10 = arith.constant 0 : index
      %parallel_loop3A_11 = tpu.vector_load %arg10[%parallel_loop3A_9, %parallel_loop3A_10] {strides = array<i32>} : memref<313x16xf32, #tpu.memory_space<vmem>>, vector<16xf32>,
      %parallel_loop3A_12 = arith.index_cast %parallel_loop3A_8 : i32 to index
      %parallel_loop3A_13 = arith.constant 0 : index
      %parallel_loop3A_14 = tpu.vector_load %arg7[%parallel_loop3A_12, %parallel_loop3A_13] {strides = array<i32>} : memref<313x16xf32, #tpu.memory_space<vmem>>, vector<16xf32>,
      %parallel_loop3A_15 = arith.index_cast %parallel_loop3A_8 : i32 to index
      %parallel_loop3A_16 = arith.constant 0 : index
      %parallel_loop3A_17 = tpu.vector_load %arg8[%parallel_loop3A_15, %parallel_loop3A_16] {strides = array<i32>} : memref<313x16xf32, #tpu.memory_space<vmem>>, vector<16xf32>,
      %parallel_loop3A_18 = arith.addf %parallel_loop3A_14, %parallel_loop3A_17 : vector<16xf32>
      %parallel_loop3A_19 = arith.index_cast %parallel_loop3A_8 : i32 to index
      %parallel_loop3A_20 = arith.constant 0 : index
      %parallel_loop3A_21 = tpu.vector_load %arg9[%parallel_loop3A_19, %parallel_loop3A_20] {strides = array<i32>} : memref<313x16xf32, #tpu.memory_space<vmem>>, vector<16xf32>,
      %parallel_loop3A_22 = arith.addf %parallel_loop3A_18, %parallel_loop3A_21 : vector<16xf32>
      %parallel_loop3A_23 = arith.mulf %parallel_loop3A_11, %parallel_loop3A_22 : vector<16xf32>
      %parallel_loop3A_24 = arith.addf %parallel_loop3A_23, %get3A_5 : vector<16xf32>
      %parallel_loop3A_25 = arith.constant true
      %parallel_loop3A_26 = vector.broadcast %parallel_loop3A_25 : i1 to vector<16xi1>
      %parallel_loop3A_27 = tpu.scan <max>, %parallel_loop3A_24 masked %parallel_loop3A_26 : vector<16xf32>, vector<16xi1> -> vector<16xf32>
      %parallel_loop3A_28 = vector.extract %parallel_loop3A_27[15] : f32 from vector<16xf32>
      %parallel_loop3A_29 = vector.broadcast %parallel_loop3A_28 : f32 to vector<16xf32>
      %parallel_loop3A_30 = arith.subf %parallel_loop3A_24, %parallel_loop3A_29 : vector<16xf32>
      %parallel_loop3A_31 = math.exp %parallel_loop3A_30 : vector<16xf32>
      %parallel_loop3A_32 = arith.constant true
      %parallel_loop3A_33 = vector.broadcast %parallel_loop3A_32 : i1 to vector<16xi1>
      %parallel_loop3A_34 = tpu.scan <sum>, %parallel_loop3A_31 masked %parallel_loop3A_33 : vector<16xf32>, vector<16xi1> -> vector<16xf32>
      %parallel_loop3A_35 = vector.extract %parallel_loop3A_34[15] : f32 from vector<16xf32>
      %parallel_loop3A_36 = vector.broadcast %parallel_loop3A_35 : f32 to vector<16xf32>
      %parallel_loop3A_37 = vector.bitcast %parallel_loop3A_36 : vector<16xf32> to vector<16xi32>
      %parallel_loop3A_38 = arith.constant 23 : i32
      %parallel_loop3A_39 = vector.broadcast %parallel_loop3A_38 : i32 to vector<16xi32>
      %parallel_loop3A_40 = arith.shrsi %parallel_loop3A_37, %parallel_loop3A_39 : vector<16xi32>
      %parallel_loop3A_41 = arith.constant 127 : i32
      %parallel_loop3A_42 = vector.broadcast %parallel_loop3A_41 : i32 to vector<16xi32>
      %parallel_loop3A_43 = arith.subi %parallel_loop3A_40, %parallel_loop3A_42 : vector<16xi32>
      %parallel_loop3A_44 = arith.constant 8388607 : i32
      %parallel_loop3A_45 = vector.broadcast %parallel_loop3A_44 : i32 to vector<16xi32>
      %parallel_loop3A_46 = arith.andi %parallel_loop3A_37, %parallel_loop3A_45 : vector<16xi32>
      %parallel_loop3A_47 = arith.constant 1065353216 : i32
      %parallel_loop3A_48 = vector.broadcast %parallel_loop3A_47 : i32 to vector<16xi32>
      %parallel_loop3A_49 = arith.ori %parallel_loop3A_46, %parallel_loop3A_48 : vector<16xi32>
      %parallel_loop3A_50 = vector.bitcast %parallel_loop3A_49 : vector<16xi32> to vector<16xf32>
      %parallel_loop3A_51 = arith.constant 1.000000e+00 : f32
      %parallel_loop3A_52 = vector.broadcast %parallel_loop3A_51 : f32 to vector<16xf32>
      %parallel_loop3A_53 = arith.subf %parallel_loop3A_50, %parallel_loop3A_52 : vector<16xf32>
      %parallel_loop3A_54 = arith.constant 1.000000e+00 : f32
      %parallel_loop3A_55 = vector.broadcast %parallel_loop3A_54 : f32 to vector<16xf32>
      %parallel_loop3A_56 = arith.addf %parallel_loop3A_50, %parallel_loop3A_55 : vector<16xf32>
      %parallel_loop3A_57 = arith.divf %parallel_loop3A_53, %parallel_loop3A_56 : vector<16xf32>
      %parallel_loop3A_58 = arith.mulf %parallel_loop3A_57, %parallel_loop3A_57 : vector<16xf32>
      %parallel_loop3A_59 = arith.constant 9.000000e+00 : f32
      %parallel_loop3A_60 = vector.broadcast %parallel_loop3A_59 : f32 to vector<16xf32>
      %parallel_loop3A_61 = arith.divf %parallel_loop3A_58, %parallel_loop3A_60 : vector<16xf32>
      %parallel_loop3A_62 = arith.constant 0.142857149 : f32
      %parallel_loop3A_63 = vector.broadcast %parallel_loop3A_62 : f32 to vector<16xf32>
      %parallel_loop3A_64 = arith.addf %parallel_loop3A_63, %parallel_loop3A_61 : vector<16xf32>
      %parallel_loop3A_65 = arith.mulf %parallel_loop3A_58, %parallel_loop3A_64 : vector<16xf32>
      %parallel_loop3A_66 = arith.constant 2.000000e-01 : f32
      %parallel_loop3A_67 = vector.broadcast %parallel_loop3A_66 : f32 to vector<16xf32>
      %parallel_loop3A_68 = arith.addf %parallel_loop3A_67, %parallel_loop3A_65 : vector<16xf32>
      %parallel_loop3A_69 = arith.mulf %parallel_loop3A_58, %parallel_loop3A_68 : vector<16xf32>
      %parallel_loop3A_70 = arith.constant 0.333333343 : f32
      %parallel_loop3A_71 = vector.broadcast %parallel_loop3A_70 : f32 to vector<16xf32>
      %parallel_loop3A_72 = arith.addf %parallel_loop3A_71, %parallel_loop3A_69 : vector<16xf32>
      %parallel_loop3A_73 = arith.mulf %parallel_loop3A_58, %parallel_loop3A_72 : vector<16xf32>
      %parallel_loop3A_74 = arith.constant 1.000000e+00 : f32
      %parallel_loop3A_75 = vector.broadcast %parallel_loop3A_74 : f32 to vector<16xf32>
      %parallel_loop3A_76 = arith.addf %parallel_loop3A_75, %parallel_loop3A_73 : vector<16xf32>
      %parallel_loop3A_77 = arith.sitofp %parallel_loop3A_43 : vector<16xi32> to vector<16xf32>
      %parallel_loop3A_78 = arith.constant 0.693147182 : f32
      %parallel_loop3A_79 = vector.broadcast %parallel_loop3A_78 : f32 to vector<16xf32>
      %parallel_loop3A_80 = arith.mulf %parallel_loop3A_79, %parallel_loop3A_77 : vector<16xf32>
      %parallel_loop3A_81 = arith.constant 2.000000e+00 : f32
      %parallel_loop3A_82 = vector.broadcast %parallel_loop3A_81 : f32 to vector<16xf32>
      %parallel_loop3A_83 = arith.mulf %parallel_loop3A_82, %parallel_loop3A_57 : vector<16xf32>
      %parallel_loop3A_84 = arith.mulf %parallel_loop3A_83, %parallel_loop3A_76 : vector<16xf32>
      %parallel_loop3A_85 = arith.addf %parallel_loop3A_80, %parallel_loop3A_84 : vector<16xf32>
      %parallel_loop3A_86 = arith.subf %parallel_loop3A_30, %parallel_loop3A_85 : vector<16xf32>
      %parallel_loop3A_87 = arith.index_cast %parallel_loop3A_8 : i32 to index
      %parallel_loop3A_88 = arith.constant 0 : index
      %parallel_loop3A_89 = tpu.vector_load %arg12[%parallel_loop3A_87, %parallel_loop3A_88] {strides = array<i32>} : memref<313x16xf32, #tpu.memory_space<vmem>>, vector<16xf32>,
      tpu.vector_store %arg12[%parallel_loop3A_87, %parallel_loop3A_88], %parallel_loop3A_86 {strides = array<i32>} : memref<313x16xf32, #tpu.memory_space<vmem>>, vector<16xf32>,
    } {sc.loop_unroll_factor = 4 : i64, sc.parallel_access}
    "tpu.region"() ({
      %run_scoped3A = tpu.sem_alloc : memref<!tpu.dma_semaphore, #tpu.memory_space<semaphore_mem>>
      %dma_start3A = arith.constant 0 : i32
      %dma_start3A_8 = tpu.memref_slice %arg6[%mul3A_2, %dma_start3A] : memref<10016x16xf32, #tpu.memory_space<hbm>> -> memref<313x16xf32, #tpu.memory_space<hbm>>
      %dma_start3A_9 = arith.constant 0 : i32
      %dma_start3A_10 = tpu.memref_slice %arg6[%mul3A_2, %dma_start3A_9] : memref<10016x16xf32, #tpu.memory_space<hbm>> -> memref<313x16xf32, #tpu.memory_space<hbm>>
      tpu.enqueue_dma source(%arg12 : memref<313x16xf32, #tpu.memory_space<vmem>>) target(%dma_start3A_10 : memref<313x16xf32, #tpu.memory_space<hbm>>) target_semaphore(%run_scoped3A : memref<!tpu.dma_semaphore, #tpu.memory_space<semaphore_mem>>)
      %dma_wait3A = arith.constant 0 : i32
      %dma_wait3A_11 = tpu.memref_slice %arg6[%mul3A_2, %dma_wait3A] : memref<10016x16xf32, #tpu.memory_space<hbm>> -> memref<313x16xf32, #tpu.memory_space<hbm>>
      %dma_wait3A_12 = arith.constant 0 : i32
      %dma_wait3A_13 = tpu.memref_slice %arg6[%mul3A_2, %dma_wait3A_12] : memref<10016x16xf32, #tpu.memory_space<hbm>> -> memref<313x16xf32, #tpu.memory_space<hbm>>
      tpu.wait_dma2 semaphore(%run_scoped3A : memref<!tpu.dma_semaphore, #tpu.memory_space<semaphore_mem>>) src(%arg12 : memref<313x16xf32, #tpu.memory_space<vmem>>) dst(%dma_wait3A_13 : memref<313x16xf32, #tpu.memory_space<hbm>>)
      tpu.yield
    }) : () -> ()
    return
  }
}

#map = affine_map<(d0, d1) -> (0, 0)>
module attributes {stable_mosaic.version = 14 : i64} {
  func.func @_hop1_body(%arg0: i32, %arg1: i32, %arg2: memref<10000x16xf32, #tpu.memory_space<hbm>>, %arg3: memref<20480x16xf32, #tpu.memory_space<hbm>>, %arg4: memref<2500x128xi32, #tpu.memory_space<hbm>>, %arg5: memref<2500x128xi32, #tpu.memory_space<hbm>>, %arg6: memref<128x16xf32, #tpu.memory_space<hbm>>, %arg7: memref<20480x16xf32, #tpu.memory_space<hbm>>, %arg8: memref<10016x16xf32, #tpu.memory_space<hbm>>, %arg9: memref<10016x16xf32, #tpu.memory_space<hbm>>, %arg10: memref<79x128xi32, #tpu.memory_space<vmem>>, %arg11: memref<79x128xi32, #tpu.memory_space<vmem>>, %arg12: memref<8x128x16xf32, #tpu.memory_space<vmem>>, %arg13: memref<625x16xf32, #tpu.memory_space<vmem>>, %arg14: memref<625x16xf32, #tpu.memory_space<vmem>>, %arg15: memref<625x16xf32, #tpu.memory_space<vmem>>, %arg16: memref<625x16xf32, #tpu.memory_space<vmem>>, %arg17: memref<625x16xf32, #tpu.memory_space<vmem>>, %arg18: memref<!tpu.dma_semaphore, #tpu.memory_space<semaphore_mem>>, %arg19: memref<!tpu.dma_semaphore, #tpu.memory_space<semaphore_mem>>, %arg20: memref<10240x16xf32, #tpu.memory_space<vmem_shared>>, %arg21: memref<10000x16xf32, #tpu.memory_space<vmem_shared>>) attributes {dimension_semantics = [#tpu.dimension_semantics<core_parallel>, #tpu.dimension_semantics<subcore_parallel>], iteration_bounds = array<i64: 2, 16>, scalar_prefetch = 0 : i64, scratch_operands = 12 : i64, tpu.core_type = #tpu.core_type<sc_vector_subcore>, window_params = [{transform_indices = #map}, {transform_indices = #map}, {transform_indices = #map}, {transform_indices = #map}, {transform_indices = #map}, {transform_indices = #map}, {transform_indices = #map}, {transform_indices = #map}]} {
    %mul3A = arith.constant 16 : i32
    %mul3A_0 = arith.muli %arg0, %mul3A : i32
    %add3A = arith.addi %mul3A_0, %arg1 : i32
    %mul3A_1 = arith.constant 625 : i32
    %mul3A_2 = arith.muli %arg1, %mul3A_1 : i32
    "tpu.region"() ({
      %run_scoped3A_133 = tpu.sem_alloc : memref<!tpu.dma_semaphore, #tpu.memory_space<semaphore_mem>>
      %dma_start3A_134 = arith.constant 0 : i32
      %dma_start3A_135 = tpu.memref_slice %arg2[%mul3A_2, %dma_start3A_134] : memref<10000x16xf32, #tpu.memory_space<hbm>> -> memref<625x16xf32, #tpu.memory_space<hbm>>
      %dma_start3A_136 = arith.constant 0 : i32
      %dma_start3A_137 = tpu.memref_slice %arg2[%mul3A_2, %dma_start3A_136] : memref<10000x16xf32, #tpu.memory_space<hbm>> -> memref<625x16xf32, #tpu.memory_space<hbm>>
      tpu.enqueue_dma source(%dma_start3A_137 : memref<625x16xf32, #tpu.memory_space<hbm>>) target(%arg13 : memref<625x16xf32, #tpu.memory_space<vmem>>) target_semaphore(%run_scoped3A_133 : memref<!tpu.dma_semaphore, #tpu.memory_space<semaphore_mem>>)
      %dma_wait3A = arith.constant 0 : i32
      %dma_wait3A_138 = tpu.memref_slice %arg2[%mul3A_2, %dma_wait3A] : memref<10000x16xf32, #tpu.memory_space<hbm>> -> memref<625x16xf32, #tpu.memory_space<hbm>>
      %dma_wait3A_139 = arith.constant 0 : i32
      %dma_wait3A_140 = tpu.memref_slice %arg2[%mul3A_2, %dma_wait3A_139] : memref<10000x16xf32, #tpu.memory_space<hbm>> -> memref<625x16xf32, #tpu.memory_space<hbm>>
      tpu.wait_dma2 semaphore(%run_scoped3A_133 : memref<!tpu.dma_semaphore, #tpu.memory_space<semaphore_mem>>) src(%dma_wait3A_140 : memref<625x16xf32, #tpu.memory_space<hbm>>) dst(%arg13 : memref<625x16xf32, #tpu.memory_space<vmem>>)
      tpu.yield
    }) : () -> ()
    "tpu.region"() ({
      %run_scoped3A_133 = tpu.sem_alloc : memref<!tpu.dma_semaphore, #tpu.memory_space<semaphore_mem>>
      %dma_start3A_134 = arith.constant 0 : i32
      %dma_start3A_135 = tpu.memref_slice %arg3[%mul3A_2, %dma_start3A_134] : memref<20480x16xf32, #tpu.memory_space<hbm>> -> memref<625x16xf32, #tpu.memory_space<hbm>>
      %dma_start3A_136 = arith.constant 0 : i32
      %dma_start3A_137 = tpu.memref_slice %arg3[%mul3A_2, %dma_start3A_136] : memref<20480x16xf32, #tpu.memory_space<hbm>> -> memref<625x16xf32, #tpu.memory_space<hbm>>
      tpu.enqueue_dma source(%dma_start3A_137 : memref<625x16xf32, #tpu.memory_space<hbm>>) target(%arg14 : memref<625x16xf32, #tpu.memory_space<vmem>>) target_semaphore(%run_scoped3A_133 : memref<!tpu.dma_semaphore, #tpu.memory_space<semaphore_mem>>)
      %dma_wait3A = arith.constant 0 : i32
      %dma_wait3A_138 = tpu.memref_slice %arg3[%mul3A_2, %dma_wait3A] : memref<20480x16xf32, #tpu.memory_space<hbm>> -> memref<625x16xf32, #tpu.memory_space<hbm>>
      %dma_wait3A_139 = arith.constant 0 : i32
      %dma_wait3A_140 = tpu.memref_slice %arg3[%mul3A_2, %dma_wait3A_139] : memref<20480x16xf32, #tpu.memory_space<hbm>> -> memref<625x16xf32, #tpu.memory_space<hbm>>
      tpu.wait_dma2 semaphore(%run_scoped3A_133 : memref<!tpu.dma_semaphore, #tpu.memory_space<semaphore_mem>>) src(%dma_wait3A_140 : memref<625x16xf32, #tpu.memory_space<hbm>>) dst(%arg14 : memref<625x16xf32, #tpu.memory_space<vmem>>)
      tpu.yield
    }) : () -> ()
    %add3A_3 = arith.constant 10240 : i32
    %add3A_4 = arith.addi %add3A_3, %mul3A_2 : i32
    "tpu.region"() ({
      %run_scoped3A_133 = tpu.sem_alloc : memref<!tpu.dma_semaphore, #tpu.memory_space<semaphore_mem>>
      %dma_start3A_134 = arith.constant 0 : i32
      %dma_start3A_135 = tpu.memref_slice %arg3[%add3A_4, %dma_start3A_134] : memref<20480x16xf32, #tpu.memory_space<hbm>> -> memref<625x16xf32, #tpu.memory_space<hbm>>
      %dma_start3A_136 = arith.constant 0 : i32
      %dma_start3A_137 = tpu.memref_slice %arg3[%add3A_4, %dma_start3A_136] : memref<20480x16xf32, #tpu.memory_space<hbm>> -> memref<625x16xf32, #tpu.memory_space<hbm>>
      tpu.enqueue_dma source(%dma_start3A_137 : memref<625x16xf32, #tpu.memory_space<hbm>>) target(%arg15 : memref<625x16xf32, #tpu.memory_space<vmem>>) target_semaphore(%run_scoped3A_133 : memref<!tpu.dma_semaphore, #tpu.memory_space<semaphore_mem>>)
      %dma_wait3A = arith.constant 0 : i32
      %dma_wait3A_138 = tpu.memref_slice %arg3[%add3A_4, %dma_wait3A] : memref<20480x16xf32, #tpu.memory_space<hbm>> -> memref<625x16xf32, #tpu.memory_space<hbm>>
      %dma_wait3A_139 = arith.constant 0 : i32
      %dma_wait3A_140 = tpu.memref_slice %arg3[%add3A_4, %dma_wait3A_139] : memref<20480x16xf32, #tpu.memory_space<hbm>> -> memref<625x16xf32, #tpu.memory_space<hbm>>
      tpu.wait_dma2 semaphore(%run_scoped3A_133 : memref<!tpu.dma_semaphore, #tpu.memory_space<semaphore_mem>>) src(%dma_wait3A_140 : memref<625x16xf32, #tpu.memory_space<hbm>>) dst(%arg15 : memref<625x16xf32, #tpu.memory_space<vmem>>)
      tpu.yield
    }) : () -> ()
    %parallel_loop3A = arith.constant 0 : i32
    %parallel_loop3A_5 = arith.constant 625 : i32
    %parallel_loop3A_6 = arith.constant 1 : i32
    scf.for %parallel_loop3A_133 = %parallel_loop3A to %parallel_loop3A_5 step %parallel_loop3A_6  : i32 {
      %parallel_loop3A_134 = arith.index_cast %parallel_loop3A_133 : i32 to index
      %parallel_loop3A_135 = arith.constant 0 : index
      %parallel_loop3A_136 = tpu.vector_load %arg14[%parallel_loop3A_134, %parallel_loop3A_135] {strides = array<i32>} : memref<625x16xf32, #tpu.memory_space<vmem>>, vector<16xf32>,
      %parallel_loop3A_137 = arith.index_cast %parallel_loop3A_133 : i32 to index
      %parallel_loop3A_138 = arith.constant 0 : index
      %parallel_loop3A_139 = tpu.vector_load %arg15[%parallel_loop3A_137, %parallel_loop3A_138] {strides = array<i32>} : memref<625x16xf32, #tpu.memory_space<vmem>>, vector<16xf32>,
      %parallel_loop3A_140 = arith.addf %parallel_loop3A_136, %parallel_loop3A_139 : vector<16xf32>
      %parallel_loop3A_141 = arith.constant 1.000000e+00 : f32
      %parallel_loop3A_142 = vector.broadcast %parallel_loop3A_141 : f32 to vector<16xf32>
      %parallel_loop3A_143 = arith.addf %parallel_loop3A_140, %parallel_loop3A_142 : vector<16xf32>
      %parallel_loop3A_144 = vector.bitcast %parallel_loop3A_143 : vector<16xf32> to vector<16xi32>
      %parallel_loop3A_145 = arith.constant 1 : i32
      %parallel_loop3A_146 = vector.broadcast %parallel_loop3A_145 : i32 to vector<16xi32>
      %parallel_loop3A_147 = arith.shrsi %parallel_loop3A_144, %parallel_loop3A_146 : vector<16xi32>
      %parallel_loop3A_148 = arith.constant 1597463007 : i32
      %parallel_loop3A_149 = vector.broadcast %parallel_loop3A_148 : i32 to vector<16xi32>
      %parallel_loop3A_150 = arith.subi %parallel_loop3A_149, %parallel_loop3A_147 : vector<16xi32>
      %parallel_loop3A_151 = vector.bitcast %parallel_loop3A_150 : vector<16xi32> to vector<16xf32>
      %parallel_loop3A_152 = arith.constant 5.000000e-01 : f32
      %parallel_loop3A_153 = vector.broadcast %parallel_loop3A_152 : f32 to vector<16xf32>
      %parallel_loop3A_154 = arith.mulf %parallel_loop3A_153, %parallel_loop3A_143 : vector<16xf32>
      %parallel_loop3A_155 = arith.mulf %parallel_loop3A_154, %parallel_loop3A_151 : vector<16xf32>
      %parallel_loop3A_156 = arith.mulf %parallel_loop3A_155, %parallel_loop3A_151 : vector<16xf32>
      %parallel_loop3A_157 = arith.constant 1.500000e+00 : f32
      %parallel_loop3A_158 = vector.broadcast %parallel_loop3A_157 : f32 to vector<16xf32>
      %parallel_loop3A_159 = arith.subf %parallel_loop3A_158, %parallel_loop3A_156 : vector<16xf32>
      %parallel_loop3A_160 = arith.mulf %parallel_loop3A_151, %parallel_loop3A_159 : vector<16xf32>
      %parallel_loop3A_161 = arith.constant 5.000000e-01 : f32
      %parallel_loop3A_162 = vector.broadcast %parallel_loop3A_161 : f32 to vector<16xf32>
      %parallel_loop3A_163 = arith.mulf %parallel_loop3A_162, %parallel_loop3A_143 : vector<16xf32>
      %parallel_loop3A_164 = arith.mulf %parallel_loop3A_163, %parallel_loop3A_160 : vector<16xf32>
      %parallel_loop3A_165 = arith.mulf %parallel_loop3A_164, %parallel_loop3A_160 : vector<16xf32>
      %parallel_loop3A_166 = arith.constant 1.500000e+00 : f32
      %parallel_loop3A_167 = vector.broadcast %parallel_loop3A_166 : f32 to vector<16xf32>
      %parallel_loop3A_168 = arith.subf %parallel_loop3A_167, %parallel_loop3A_165 : vector<16xf32>
      %parallel_loop3A_169 = arith.mulf %parallel_loop3A_160, %parallel_loop3A_168 : vector<16xf32>
      %parallel_loop3A_170 = arith.constant 5.000000e-01 : f32
      %parallel_loop3A_171 = vector.broadcast %parallel_loop3A_170 : f32 to vector<16xf32>
      %parallel_loop3A_172 = arith.mulf %parallel_loop3A_171, %parallel_loop3A_143 : vector<16xf32>
      %parallel_loop3A_173 = arith.mulf %parallel_loop3A_172, %parallel_loop3A_169 : vector<16xf32>
      %parallel_loop3A_174 = arith.mulf %parallel_loop3A_173, %parallel_loop3A_169 : vector<16xf32>
      %parallel_loop3A_175 = arith.constant 1.500000e+00 : f32
      %parallel_loop3A_176 = vector.broadcast %parallel_loop3A_175 : f32 to vector<16xf32>
      %parallel_loop3A_177 = arith.subf %parallel_loop3A_176, %parallel_loop3A_174 : vector<16xf32>
      %parallel_loop3A_178 = arith.mulf %parallel_loop3A_169, %parallel_loop3A_177 : vector<16xf32>
      %parallel_loop3A_179 = arith.index_cast %parallel_loop3A_133 : i32 to index
      %parallel_loop3A_180 = arith.constant 0 : index
      %parallel_loop3A_181 = tpu.vector_load %arg17[%parallel_loop3A_179, %parallel_loop3A_180] {strides = array<i32>} : memref<625x16xf32, #tpu.memory_space<vmem>>, vector<16xf32>,
      tpu.vector_store %arg17[%parallel_loop3A_179, %parallel_loop3A_180], %parallel_loop3A_178 {strides = array<i32>} : memref<625x16xf32, #tpu.memory_space<vmem>>, vector<16xf32>,
      %parallel_loop3A_182 = arith.index_cast %parallel_loop3A_133 : i32 to index
      %parallel_loop3A_183 = arith.constant 0 : index
      %parallel_loop3A_184 = tpu.vector_load %arg13[%parallel_loop3A_182, %parallel_loop3A_183] {strides = array<i32>} : memref<625x16xf32, #tpu.memory_space<vmem>>, vector<16xf32>,
      %parallel_loop3A_185 = arith.mulf %parallel_loop3A_178, %parallel_loop3A_184 : vector<16xf32>
      %parallel_loop3A_186 = arith.index_cast %parallel_loop3A_133 : i32 to index
      %parallel_loop3A_187 = arith.constant 0 : index
      %parallel_loop3A_188 = tpu.vector_load %arg16[%parallel_loop3A_186, %parallel_loop3A_187] {strides = array<i32>} : memref<625x16xf32, #tpu.memory_space<vmem>>, vector<16xf32>,
      tpu.vector_store %arg16[%parallel_loop3A_186, %parallel_loop3A_187], %parallel_loop3A_185 {strides = array<i32>} : memref<625x16xf32, #tpu.memory_space<vmem>>, vector<16xf32>,
    } {sc.loop_unroll_factor = 4 : i64, sc.parallel_access}
    "tpu.region"() ({
      %run_scoped3A_133 = tpu.sem_alloc : memref<!tpu.dma_semaphore, #tpu.memory_space<semaphore_mem>>
      %dma_start3A_134 = arith.constant 0 : i32
      %dma_start3A_135 = tpu.memref_slice %arg21[%mul3A_2, %dma_start3A_134] : memref<10000x16xf32, #tpu.memory_space<vmem_shared>> -> memref<625x16xf32, #tpu.memory_space<vmem_shared>>
      %dma_start3A_136 = arith.constant 0 : i32
      %dma_start3A_137 = tpu.memref_slice %arg21[%mul3A_2, %dma_start3A_136] : memref<10000x16xf32, #tpu.memory_space<vmem_shared>> -> memref<625x16xf32, #tpu.memory_space<vmem_shared>>
      tpu.enqueue_dma source(%arg16 : memref<625x16xf32, #tpu.memory_space<vmem>>) target(%dma_start3A_137 : memref<625x16xf32, #tpu.memory_space<vmem_shared>>) target_semaphore(%run_scoped3A_133 : memref<!tpu.dma_semaphore, #tpu.memory_space<semaphore_mem>>)
      %dma_wait3A = arith.constant 0 : i32
      %dma_wait3A_138 = tpu.memref_slice %arg21[%mul3A_2, %dma_wait3A] : memref<10000x16xf32, #tpu.memory_space<vmem_shared>> -> memref<625x16xf32, #tpu.memory_space<vmem_shared>>
      %dma_wait3A_139 = arith.constant 0 : i32
      %dma_wait3A_140 = tpu.memref_slice %arg21[%mul3A_2, %dma_wait3A_139] : memref<10000x16xf32, #tpu.memory_space<vmem_shared>> -> memref<625x16xf32, #tpu.memory_space<vmem_shared>>
      tpu.wait_dma2 semaphore(%run_scoped3A_133 : memref<!tpu.dma_semaphore, #tpu.memory_space<semaphore_mem>>) src(%arg16 : memref<625x16xf32, #tpu.memory_space<vmem>>) dst(%dma_wait3A_140 : memref<625x16xf32, #tpu.memory_space<vmem_shared>>)
      tpu.yield
    }) : () -> ()
    %eq3A = arith.constant 0 : i32
    %eq3A_7 = arith.cmpi eq, %arg0, %eq3A : i32
    %convert_element_type3A = arith.extui %eq3A_7 : i1 to i32
    %cond3A = arith.constant 0 : i32
    %cond3A_8 = arith.cmpi ne, %convert_element_type3A, %cond3A : i32
    scf.if %cond3A_8 {
      "tpu.region"() ({
        %run_scoped3A_133 = tpu.sem_alloc : memref<!tpu.dma_semaphore, #tpu.memory_space<semaphore_mem>>
        %dma_start3A_134 = arith.constant 0 : i32
        %dma_start3A_135 = tpu.memref_slice %arg8[%mul3A_2, %dma_start3A_134] : memref<10016x16xf32, #tpu.memory_space<hbm>> -> memref<625x16xf32, #tpu.memory_space<hbm>>
        %dma_start3A_136 = arith.constant 0 : i32
        %dma_start3A_137 = tpu.memref_slice %arg8[%mul3A_2, %dma_start3A_136] : memref<10016x16xf32, #tpu.memory_space<hbm>> -> memref<625x16xf32, #tpu.memory_space<hbm>>
        tpu.enqueue_dma source(%arg16 : memref<625x16xf32, #tpu.memory_space<vmem>>) target(%dma_start3A_137 : memref<625x16xf32, #tpu.memory_space<hbm>>) target_semaphore(%run_scoped3A_133 : memref<!tpu.dma_semaphore, #tpu.memory_space<semaphore_mem>>)
        %dma_wait3A = arith.constant 0 : i32
        %dma_wait3A_138 = tpu.memref_slice %arg8[%mul3A_2, %dma_wait3A] : memref<10016x16xf32, #tpu.memory_space<hbm>> -> memref<625x16xf32, #tpu.memory_space<hbm>>
        %dma_wait3A_139 = arith.constant 0 : i32
        %dma_wait3A_140 = tpu.memref_slice %arg8[%mul3A_2, %dma_wait3A_139] : memref<10016x16xf32, #tpu.memory_space<hbm>> -> memref<625x16xf32, #tpu.memory_space<hbm>>
        tpu.wait_dma2 semaphore(%run_scoped3A_133 : memref<!tpu.dma_semaphore, #tpu.memory_space<semaphore_mem>>) src(%arg16 : memref<625x16xf32, #tpu.memory_space<vmem>>) dst(%dma_wait3A_140 : memref<625x16xf32, #tpu.memory_space<hbm>>)
        tpu.yield
      }) : () -> ()
      "tpu.region"() ({
        %run_scoped3A_133 = tpu.sem_alloc : memref<!tpu.dma_semaphore, #tpu.memory_space<semaphore_mem>>
        %dma_start3A_134 = arith.constant 0 : i32
        %dma_start3A_135 = tpu.memref_slice %arg9[%mul3A_2, %dma_start3A_134] : memref<10016x16xf32, #tpu.memory_space<hbm>> -> memref<625x16xf32, #tpu.memory_space<hbm>>
        %dma_start3A_136 = arith.constant 0 : i32
        %dma_start3A_137 = tpu.memref_slice %arg9[%mul3A_2, %dma_start3A_136] : memref<10016x16xf32, #tpu.memory_space<hbm>> -> memref<625x16xf32, #tpu.memory_space<hbm>>
        tpu.enqueue_dma source(%arg17 : memref<625x16xf32, #tpu.memory_space<vmem>>) target(%dma_start3A_137 : memref<625x16xf32, #tpu.memory_space<hbm>>) target_semaphore(%run_scoped3A_133 : memref<!tpu.dma_semaphore, #tpu.memory_space<semaphore_mem>>)
        %dma_wait3A = arith.constant 0 : i32
        %dma_wait3A_138 = tpu.memref_slice %arg9[%mul3A_2, %dma_wait3A] : memref<10016x16xf32, #tpu.memory_space<hbm>> -> memref<625x16xf32, #tpu.memory_space<hbm>>
        %dma_wait3A_139 = arith.constant 0 : i32
        %dma_wait3A_140 = tpu.memref_slice %arg9[%mul3A_2, %dma_wait3A_139] : memref<10016x16xf32, #tpu.memory_space<hbm>> -> memref<625x16xf32, #tpu.memory_space<hbm>>
        tpu.wait_dma2 semaphore(%run_scoped3A_133 : memref<!tpu.dma_semaphore, #tpu.memory_space<semaphore_mem>>) src(%arg17 : memref<625x16xf32, #tpu.memory_space<vmem>>) dst(%dma_wait3A_140 : memref<625x16xf32, #tpu.memory_space<hbm>>)
        tpu.yield
      }) : () -> ()
    } else {
    }
    %run_scoped3A = arith.constant 0 : i32
    "tpu.region"() ({
      %run_scoped3A_133 = tpu.sem_alloc : memref<!tpu.dma_semaphore, #tpu.memory_space<semaphore_mem>>
      %dma_start3A_134 = arith.constant 0 : i32
      %dma_start3A_135 = arith.constant 0 : i32
      %dma_start3A_136 = tpu.memref_slice %arg12[%run_scoped3A, %dma_start3A_134, %dma_start3A_135] : memref<8x128x16xf32, #tpu.memory_space<vmem>> -> memref<1x128x16xf32, #tpu.memory_space<vmem>>
      %dma_start3A_137 = tpu.memref_squeeze %dma_start3A_136 : memref<1x128x16xf32, #tpu.memory_space<vmem>> -> memref<128x16xf32, #tpu.memory_space<vmem>>
      %dma_start3A_138 = arith.constant 0 : i32
      %dma_start3A_139 = arith.constant 0 : i32
      %dma_start3A_140 = tpu.memref_slice %arg12[%run_scoped3A, %dma_start3A_138, %dma_start3A_139] : memref<8x128x16xf32, #tpu.memory_space<vmem>> -> memref<1x128x16xf32, #tpu.memory_space<vmem>>
      %dma_start3A_141 = tpu.memref_squeeze %dma_start3A_140 : memref<1x128x16xf32, #tpu.memory_space<vmem>> -> memref<128x16xf32, #tpu.memory_space<vmem>>
      tpu.enqueue_dma source(%arg6 : memref<128x16xf32, #tpu.memory_space<hbm>>) target(%dma_start3A_141 : memref<128x16xf32, #tpu.memory_space<vmem>>) target_semaphore(%run_scoped3A_133 : memref<!tpu.dma_semaphore, #tpu.memory_space<semaphore_mem>>)
      %dma_wait3A = arith.constant 0 : i32
      %dma_wait3A_142 = arith.constant 0 : i32
      %dma_wait3A_143 = tpu.memref_slice %arg12[%run_scoped3A, %dma_wait3A, %dma_wait3A_142] : memref<8x128x16xf32, #tpu.memory_space<vmem>> -> memref<1x128x16xf32, #tpu.memory_space<vmem>>
      %dma_wait3A_144 = tpu.memref_squeeze %dma_wait3A_143 : memref<1x128x16xf32, #tpu.memory_space<vmem>> -> memref<128x16xf32, #tpu.memory_space<vmem>>
      %dma_wait3A_145 = arith.constant 0 : i32
      %dma_wait3A_146 = arith.constant 0 : i32
      %dma_wait3A_147 = tpu.memref_slice %arg12[%run_scoped3A, %dma_wait3A_145, %dma_wait3A_146] : memref<8x128x16xf32, #tpu.memory_space<vmem>> -> memref<1x128x16xf32, #tpu.memory_space<vmem>>
      %dma_wait3A_148 = tpu.memref_squeeze %dma_wait3A_147 : memref<1x128x16xf32, #tpu.memory_space<vmem>> -> memref<128x16xf32, #tpu.memory_space<vmem>>
      tpu.wait_dma2 semaphore(%run_scoped3A_133 : memref<!tpu.dma_semaphore, #tpu.memory_space<semaphore_mem>>) src(%arg6 : memref<128x16xf32, #tpu.memory_space<hbm>>) dst(%dma_wait3A_148 : memref<128x16xf32, #tpu.memory_space<vmem>>)
      tpu.yield
    }) : () -> ()
    %mul3A_9 = arith.constant 640 : i32
    %mul3A_10 = arith.muli %arg1, %mul3A_9 : i32
    %add3A_11 = arith.constant 0 : i32
    %add3A_12 = arith.addi %mul3A_10, %add3A_11 : i32
    %run_scoped3A_13 = arith.constant 0 : i32
    "tpu.region"() ({
      %run_scoped3A_133 = tpu.sem_alloc : memref<!tpu.dma_semaphore, #tpu.memory_space<semaphore_mem>>
      %dma_start3A_134 = arith.constant 0 : i32
      %dma_start3A_135 = arith.constant 0 : i32
      %dma_start3A_136 = tpu.memref_slice %arg12[%run_scoped3A_13, %dma_start3A_134, %dma_start3A_135] : memref<8x128x16xf32, #tpu.memory_space<vmem>> -> memref<1x128x16xf32, #tpu.memory_space<vmem>>
      %dma_start3A_137 = tpu.memref_squeeze %dma_start3A_136 : memref<1x128x16xf32, #tpu.memory_space<vmem>> -> memref<128x16xf32, #tpu.memory_space<vmem>>
      %dma_start3A_138 = arith.constant 0 : i32
      %dma_start3A_139 = tpu.memref_slice %arg20[%add3A_12, %dma_start3A_138] : memref<10240x16xf32, #tpu.memory_space<vmem_shared>> -> memref<128x16xf32, #tpu.memory_space<vmem_shared>>
      %dma_start3A_140 = arith.constant 0 : i32
      %dma_start3A_141 = tpu.memref_slice %arg20[%add3A_12, %dma_start3A_140] : memref<10240x16xf32, #tpu.memory_space<vmem_shared>> -> memref<128x16xf32, #tpu.memory_space<vmem_shared>>
      %dma_start3A_142 = arith.constant 0 : i32
      %dma_start3A_143 = arith.constant 0 : i32
      %dma_start3A_144 = tpu.memref_slice %arg12[%run_scoped3A_13, %dma_start3A_142, %dma_start3A_143] : memref<8x128x16xf32, #tpu.memory_space<vmem>> -> memref<1x128x16xf32, #tpu.memory_space<vmem>>
      %dma_start3A_145 = tpu.memref_squeeze %dma_start3A_144 : memref<1x128x16xf32, #tpu.memory_space<vmem>> -> memref<128x16xf32, #tpu.memory_space<vmem>>
      tpu.enqueue_dma source(%dma_start3A_145 : memref<128x16xf32, #tpu.memory_space<vmem>>) target(%dma_start3A_141 : memref<128x16xf32, #tpu.memory_space<vmem_shared>>) target_semaphore(%run_scoped3A_133 : memref<!tpu.dma_semaphore, #tpu.memory_space<semaphore_mem>>)
      %dma_wait3A = arith.constant 0 : i32
      %dma_wait3A_146 = arith.constant 0 : i32
      %dma_wait3A_147 = tpu.memref_slice %arg12[%run_scoped3A_13, %dma_wait3A, %dma_wait3A_146] : memref<8x128x16xf32, #tpu.memory_space<vmem>> -> memref<1x128x16xf32, #tpu.memory_space<vmem>>
      %dma_wait3A_148 = tpu.memref_squeeze %dma_wait3A_147 : memref<1x128x16xf32, #tpu.memory_space<vmem>> -> memref<128x16xf32, #tpu.memory_space<vmem>>
      %dma_wait3A_149 = arith.constant 0 : i32
      %dma_wait3A_150 = tpu.memref_slice %arg20[%add3A_12, %dma_wait3A_149] : memref<10240x16xf32, #tpu.memory_space<vmem_shared>> -> memref<128x16xf32, #tpu.memory_space<vmem_shared>>
      %dma_wait3A_151 = arith.constant 0 : i32
      %dma_wait3A_152 = tpu.memref_slice %arg20[%add3A_12, %dma_wait3A_151] : memref<10240x16xf32, #tpu.memory_space<vmem_shared>> -> memref<128x16xf32, #tpu.memory_space<vmem_shared>>
      %dma_wait3A_153 = arith.constant 0 : i32
      %dma_wait3A_154 = arith.constant 0 : i32
      %dma_wait3A_155 = tpu.memref_slice %arg12[%run_scoped3A_13, %dma_wait3A_153, %dma_wait3A_154] : memref<8x128x16xf32, #tpu.memory_space<vmem>> -> memref<1x128x16xf32, #tpu.memory_space<vmem>>
      %dma_wait3A_156 = tpu.memref_squeeze %dma_wait3A_155 : memref<1x128x16xf32, #tpu.memory_space<vmem>> -> memref<128x16xf32, #tpu.memory_space<vmem>>
      tpu.wait_dma2 semaphore(%run_scoped3A_133 : memref<!tpu.dma_semaphore, #tpu.memory_space<semaphore_mem>>) src(%dma_wait3A_156 : memref<128x16xf32, #tpu.memory_space<vmem>>) dst(%dma_wait3A_152 : memref<128x16xf32, #tpu.memory_space<vmem_shared>>)
      tpu.yield
    }) : () -> ()
    %mul3A_14 = arith.constant 640 : i32
    %mul3A_15 = arith.muli %arg1, %mul3A_14 : i32
    %add3A_16 = arith.constant 128 : i32
    %add3A_17 = arith.addi %mul3A_15, %add3A_16 : i32
    %run_scoped3A_18 = arith.constant 0 : i32
    "tpu.region"() ({
      %run_scoped3A_133 = tpu.sem_alloc : memref<!tpu.dma_semaphore, #tpu.memory_space<semaphore_mem>>
      %dma_start3A_134 = arith.constant 0 : i32
      %dma_start3A_135 = arith.constant 0 : i32
      %dma_start3A_136 = tpu.memref_slice %arg12[%run_scoped3A_18, %dma_start3A_134, %dma_start3A_135] : memref<8x128x16xf32, #tpu.memory_space<vmem>> -> memref<1x128x16xf32, #tpu.memory_space<vmem>>
      %dma_start3A_137 = tpu.memref_squeeze %dma_start3A_136 : memref<1x128x16xf32, #tpu.memory_space<vmem>> -> memref<128x16xf32, #tpu.memory_space<vmem>>
      %dma_start3A_138 = arith.constant 0 : i32
      %dma_start3A_139 = tpu.memref_slice %arg20[%add3A_17, %dma_start3A_138] : memref<10240x16xf32, #tpu.memory_space<vmem_shared>> -> memref<128x16xf32, #tpu.memory_space<vmem_shared>>
      %dma_start3A_140 = arith.constant 0 : i32
      %dma_start3A_141 = tpu.memref_slice %arg20[%add3A_17, %dma_start3A_140] : memref<10240x16xf32, #tpu.memory_space<vmem_shared>> -> memref<128x16xf32, #tpu.memory_space<vmem_shared>>
      %dma_start3A_142 = arith.constant 0 : i32
      %dma_start3A_143 = arith.constant 0 : i32
      %dma_start3A_144 = tpu.memref_slice %arg12[%run_scoped3A_18, %dma_start3A_142, %dma_start3A_143] : memref<8x128x16xf32, #tpu.memory_space<vmem>> -> memref<1x128x16xf32, #tpu.memory_space<vmem>>
      %dma_start3A_145 = tpu.memref_squeeze %dma_start3A_144 : memref<1x128x16xf32, #tpu.memory_space<vmem>> -> memref<128x16xf32, #tpu.memory_space<vmem>>
      tpu.enqueue_dma source(%dma_start3A_145 : memref<128x16xf32, #tpu.memory_space<vmem>>) target(%dma_start3A_141 : memref<128x16xf32, #tpu.memory_space<vmem_shared>>) target_semaphore(%run_scoped3A_133 : memref<!tpu.dma_semaphore, #tpu.memory_space<semaphore_mem>>)
      %dma_wait3A = arith.constant 0 : i32
      %dma_wait3A_146 = arith.constant 0 : i32
      %dma_wait3A_147 = tpu.memref_slice %arg12[%run_scoped3A_18, %dma_wait3A, %dma_wait3A_146] : memref<8x128x16xf32, #tpu.memory_space<vmem>> -> memref<1x128x16xf32, #tpu.memory_space<vmem>>
      %dma_wait3A_148 = tpu.memref_squeeze %dma_wait3A_147 : memref<1x128x16xf32, #tpu.memory_space<vmem>> -> memref<128x16xf32, #tpu.memory_space<vmem>>
      %dma_wait3A_149 = arith.constant 0 : i32
      %dma_wait3A_150 = tpu.memref_slice %arg20[%add3A_17, %dma_wait3A_149] : memref<10240x16xf32, #tpu.memory_space<vmem_shared>> -> memref<128x16xf32, #tpu.memory_space<vmem_shared>>
      %dma_wait3A_151 = arith.constant 0 : i32
      %dma_wait3A_152 = tpu.memref_slice %arg20[%add3A_17, %dma_wait3A_151] : memref<10240x16xf32, #tpu.memory_space<vmem_shared>> -> memref<128x16xf32, #tpu.memory_space<vmem_shared>>
      %dma_wait3A_153 = arith.constant 0 : i32
      %dma_wait3A_154 = arith.constant 0 : i32
      %dma_wait3A_155 = tpu.memref_slice %arg12[%run_scoped3A_18, %dma_wait3A_153, %dma_wait3A_154] : memref<8x128x16xf32, #tpu.memory_space<vmem>> -> memref<1x128x16xf32, #tpu.memory_space<vmem>>
      %dma_wait3A_156 = tpu.memref_squeeze %dma_wait3A_155 : memref<1x128x16xf32, #tpu.memory_space<vmem>> -> memref<128x16xf32, #tpu.memory_space<vmem>>
      tpu.wait_dma2 semaphore(%run_scoped3A_133 : memref<!tpu.dma_semaphore, #tpu.memory_space<semaphore_mem>>) src(%dma_wait3A_156 : memref<128x16xf32, #tpu.memory_space<vmem>>) dst(%dma_wait3A_152 : memref<128x16xf32, #tpu.memory_space<vmem_shared>>)
      tpu.yield
    }) : () -> ()
    %mul3A_19 = arith.constant 640 : i32
    %mul3A_20 = arith.muli %arg1, %mul3A_19 : i32
    %add3A_21 = arith.constant 256 : i32
    %add3A_22 = arith.addi %mul3A_20, %add3A_21 : i32
    %run_scoped3A_23 = arith.constant 0 : i32
    "tpu.region"() ({
      %run_scoped3A_133 = tpu.sem_alloc : memref<!tpu.dma_semaphore, #tpu.memory_space<semaphore_mem>>
      %dma_start3A_134 = arith.constant 0 : i32
      %dma_start3A_135 = arith.constant 0 : i32
      %dma_start3A_136 = tpu.memref_slice %arg12[%run_scoped3A_23, %dma_start3A_134, %dma_start3A_135] : memref<8x128x16xf32, #tpu.memory_space<vmem>> -> memref<1x128x16xf32, #tpu.memory_space<vmem>>
      %dma_start3A_137 = tpu.memref_squeeze %dma_start3A_136 : memref<1x128x16xf32, #tpu.memory_space<vmem>> -> memref<128x16xf32, #tpu.memory_space<vmem>>
      %dma_start3A_138 = arith.constant 0 : i32
      %dma_start3A_139 = tpu.memref_slice %arg20[%add3A_22, %dma_start3A_138] : memref<10240x16xf32, #tpu.memory_space<vmem_shared>> -> memref<128x16xf32, #tpu.memory_space<vmem_shared>>
      %dma_start3A_140 = arith.constant 0 : i32
      %dma_start3A_141 = tpu.memref_slice %arg20[%add3A_22, %dma_start3A_140] : memref<10240x16xf32, #tpu.memory_space<vmem_shared>> -> memref<128x16xf32, #tpu.memory_space<vmem_shared>>
      %dma_start3A_142 = arith.constant 0 : i32
      %dma_start3A_143 = arith.constant 0 : i32
      %dma_start3A_144 = tpu.memref_slice %arg12[%run_scoped3A_23, %dma_start3A_142, %dma_start3A_143] : memref<8x128x16xf32, #tpu.memory_space<vmem>> -> memref<1x128x16xf32, #tpu.memory_space<vmem>>
      %dma_start3A_145 = tpu.memref_squeeze %dma_start3A_144 : memref<1x128x16xf32, #tpu.memory_space<vmem>> -> memref<128x16xf32, #tpu.memory_space<vmem>>
      tpu.enqueue_dma source(%dma_start3A_145 : memref<128x16xf32, #tpu.memory_space<vmem>>) target(%dma_start3A_141 : memref<128x16xf32, #tpu.memory_space<vmem_shared>>) target_semaphore(%run_scoped3A_133 : memref<!tpu.dma_semaphore, #tpu.memory_space<semaphore_mem>>)
      %dma_wait3A = arith.constant 0 : i32
      %dma_wait3A_146 = arith.constant 0 : i32
      %dma_wait3A_147 = tpu.memref_slice %arg12[%run_scoped3A_23, %dma_wait3A, %dma_wait3A_146] : memref<8x128x16xf32, #tpu.memory_space<vmem>> -> memref<1x128x16xf32, #tpu.memory_space<vmem>>
      %dma_wait3A_148 = tpu.memref_squeeze %dma_wait3A_147 : memref<1x128x16xf32, #tpu.memory_space<vmem>> -> memref<128x16xf32, #tpu.memory_space<vmem>>
      %dma_wait3A_149 = arith.constant 0 : i32
      %dma_wait3A_150 = tpu.memref_slice %arg20[%add3A_22, %dma_wait3A_149] : memref<10240x16xf32, #tpu.memory_space<vmem_shared>> -> memref<128x16xf32, #tpu.memory_space<vmem_shared>>
      %dma_wait3A_151 = arith.constant 0 : i32
      %dma_wait3A_152 = tpu.memref_slice %arg20[%add3A_22, %dma_wait3A_151] : memref<10240x16xf32, #tpu.memory_space<vmem_shared>> -> memref<128x16xf32, #tpu.memory_space<vmem_shared>>
      %dma_wait3A_153 = arith.constant 0 : i32
      %dma_wait3A_154 = arith.constant 0 : i32
      %dma_wait3A_155 = tpu.memref_slice %arg12[%run_scoped3A_23, %dma_wait3A_153, %dma_wait3A_154] : memref<8x128x16xf32, #tpu.memory_space<vmem>> -> memref<1x128x16xf32, #tpu.memory_space<vmem>>
      %dma_wait3A_156 = tpu.memref_squeeze %dma_wait3A_155 : memref<1x128x16xf32, #tpu.memory_space<vmem>> -> memref<128x16xf32, #tpu.memory_space<vmem>>
      tpu.wait_dma2 semaphore(%run_scoped3A_133 : memref<!tpu.dma_semaphore, #tpu.memory_space<semaphore_mem>>) src(%dma_wait3A_156 : memref<128x16xf32, #tpu.memory_space<vmem>>) dst(%dma_wait3A_152 : memref<128x16xf32, #tpu.memory_space<vmem_shared>>)
      tpu.yield
    }) : () -> ()
    %mul3A_24 = arith.constant 640 : i32
    %mul3A_25 = arith.muli %arg1, %mul3A_24 : i32
    %add3A_26 = arith.constant 384 : i32
    %add3A_27 = arith.addi %mul3A_25, %add3A_26 : i32
    %run_scoped3A_28 = arith.constant 0 : i32
    "tpu.region"() ({
      %run_scoped3A_133 = tpu.sem_alloc : memref<!tpu.dma_semaphore, #tpu.memory_space<semaphore_mem>>
      %dma_start3A_134 = arith.constant 0 : i32
      %dma_start3A_135 = arith.constant 0 : i32
      %dma_start3A_136 = tpu.memref_slice %arg12[%run_scoped3A_28, %dma_start3A_134, %dma_start3A_135] : memref<8x128x16xf32, #tpu.memory_space<vmem>> -> memref<1x128x16xf32, #tpu.memory_space<vmem>>
      %dma_start3A_137 = tpu.memref_squeeze %dma_start3A_136 : memref<1x128x16xf32, #tpu.memory_space<vmem>> -> memref<128x16xf32, #tpu.memory_space<vmem>>
      %dma_start3A_138 = arith.constant 0 : i32
      %dma_start3A_139 = tpu.memref_slice %arg20[%add3A_27, %dma_start3A_138] : memref<10240x16xf32, #tpu.memory_space<vmem_shared>> -> memref<128x16xf32, #tpu.memory_space<vmem_shared>>
      %dma_start3A_140 = arith.constant 0 : i32
      %dma_start3A_141 = tpu.memref_slice %arg20[%add3A_27, %dma_start3A_140] : memref<10240x16xf32, #tpu.memory_space<vmem_shared>> -> memref<128x16xf32, #tpu.memory_space<vmem_shared>>
      %dma_start3A_142 = arith.constant 0 : i32
      %dma_start3A_143 = arith.constant 0 : i32
      %dma_start3A_144 = tpu.memref_slice %arg12[%run_scoped3A_28, %dma_start3A_142, %dma_start3A_143] : memref<8x128x16xf32, #tpu.memory_space<vmem>> -> memref<1x128x16xf32, #tpu.memory_space<vmem>>
      %dma_start3A_145 = tpu.memref_squeeze %dma_start3A_144 : memref<1x128x16xf32, #tpu.memory_space<vmem>> -> memref<128x16xf32, #tpu.memory_space<vmem>>
      tpu.enqueue_dma source(%dma_start3A_145 : memref<128x16xf32, #tpu.memory_space<vmem>>) target(%dma_start3A_141 : memref<128x16xf32, #tpu.memory_space<vmem_shared>>) target_semaphore(%run_scoped3A_133 : memref<!tpu.dma_semaphore, #tpu.memory_space<semaphore_mem>>)
      %dma_wait3A = arith.constant 0 : i32
      %dma_wait3A_146 = arith.constant 0 : i32
      %dma_wait3A_147 = tpu.memref_slice %arg12[%run_scoped3A_28, %dma_wait3A, %dma_wait3A_146] : memref<8x128x16xf32, #tpu.memory_space<vmem>> -> memref<1x128x16xf32, #tpu.memory_space<vmem>>
      %dma_wait3A_148 = tpu.memref_squeeze %dma_wait3A_147 : memref<1x128x16xf32, #tpu.memory_space<vmem>> -> memref<128x16xf32, #tpu.memory_space<vmem>>
      %dma_wait3A_149 = arith.constant 0 : i32
      %dma_wait3A_150 = tpu.memref_slice %arg20[%add3A_27, %dma_wait3A_149] : memref<10240x16xf32, #tpu.memory_space<vmem_shared>> -> memref<128x16xf32, #tpu.memory_space<vmem_shared>>
      %dma_wait3A_151 = arith.constant 0 : i32
      %dma_wait3A_152 = tpu.memref_slice %arg20[%add3A_27, %dma_wait3A_151] : memref<10240x16xf32, #tpu.memory_space<vmem_shared>> -> memref<128x16xf32, #tpu.memory_space<vmem_shared>>
      %dma_wait3A_153 = arith.constant 0 : i32
      %dma_wait3A_154 = arith.constant 0 : i32
      %dma_wait3A_155 = tpu.memref_slice %arg12[%run_scoped3A_28, %dma_wait3A_153, %dma_wait3A_154] : memref<8x128x16xf32, #tpu.memory_space<vmem>> -> memref<1x128x16xf32, #tpu.memory_space<vmem>>
      %dma_wait3A_156 = tpu.memref_squeeze %dma_wait3A_155 : memref<1x128x16xf32, #tpu.memory_space<vmem>> -> memref<128x16xf32, #tpu.memory_space<vmem>>
      tpu.wait_dma2 semaphore(%run_scoped3A_133 : memref<!tpu.dma_semaphore, #tpu.memory_space<semaphore_mem>>) src(%dma_wait3A_156 : memref<128x16xf32, #tpu.memory_space<vmem>>) dst(%dma_wait3A_152 : memref<128x16xf32, #tpu.memory_space<vmem_shared>>)
      tpu.yield
    }) : () -> ()
    %mul3A_29 = arith.constant 640 : i32
    %mul3A_30 = arith.muli %arg1, %mul3A_29 : i32
    %add3A_31 = arith.constant 512 : i32
    %add3A_32 = arith.addi %mul3A_30, %add3A_31 : i32
    %run_scoped3A_33 = arith.constant 0 : i32
    "tpu.region"() ({
      %run_scoped3A_133 = tpu.sem_alloc : memref<!tpu.dma_semaphore, #tpu.memory_space<semaphore_mem>>
      %dma_start3A_134 = arith.constant 0 : i32
      %dma_start3A_135 = arith.constant 0 : i32
      %dma_start3A_136 = tpu.memref_slice %arg12[%run_scoped3A_33, %dma_start3A_134, %dma_start3A_135] : memref<8x128x16xf32, #tpu.memory_space<vmem>> -> memref<1x128x16xf32, #tpu.memory_space<vmem>>
      %dma_start3A_137 = tpu.memref_squeeze %dma_start3A_136 : memref<1x128x16xf32, #tpu.memory_space<vmem>> -> memref<128x16xf32, #tpu.memory_space<vmem>>
      %dma_start3A_138 = arith.constant 0 : i32
      %dma_start3A_139 = tpu.memref_slice %arg20[%add3A_32, %dma_start3A_138] : memref<10240x16xf32, #tpu.memory_space<vmem_shared>> -> memref<128x16xf32, #tpu.memory_space<vmem_shared>>
      %dma_start3A_140 = arith.constant 0 : i32
      %dma_start3A_141 = tpu.memref_slice %arg20[%add3A_32, %dma_start3A_140] : memref<10240x16xf32, #tpu.memory_space<vmem_shared>> -> memref<128x16xf32, #tpu.memory_space<vmem_shared>>
      %dma_start3A_142 = arith.constant 0 : i32
      %dma_start3A_143 = arith.constant 0 : i32
      %dma_start3A_144 = tpu.memref_slice %arg12[%run_scoped3A_33, %dma_start3A_142, %dma_start3A_143] : memref<8x128x16xf32, #tpu.memory_space<vmem>> -> memref<1x128x16xf32, #tpu.memory_space<vmem>>
      %dma_start3A_145 = tpu.memref_squeeze %dma_start3A_144 : memref<1x128x16xf32, #tpu.memory_space<vmem>> -> memref<128x16xf32, #tpu.memory_space<vmem>>
      tpu.enqueue_dma source(%dma_start3A_145 : memref<128x16xf32, #tpu.memory_space<vmem>>) target(%dma_start3A_141 : memref<128x16xf32, #tpu.memory_space<vmem_shared>>) target_semaphore(%run_scoped3A_133 : memref<!tpu.dma_semaphore, #tpu.memory_space<semaphore_mem>>)
      %dma_wait3A = arith.constant 0 : i32
      %dma_wait3A_146 = arith.constant 0 : i32
      %dma_wait3A_147 = tpu.memref_slice %arg12[%run_scoped3A_33, %dma_wait3A, %dma_wait3A_146] : memref<8x128x16xf32, #tpu.memory_space<vmem>> -> memref<1x128x16xf32, #tpu.memory_space<vmem>>
      %dma_wait3A_148 = tpu.memref_squeeze %dma_wait3A_147 : memref<1x128x16xf32, #tpu.memory_space<vmem>> -> memref<128x16xf32, #tpu.memory_space<vmem>>
      %dma_wait3A_149 = arith.constant 0 : i32
      %dma_wait3A_150 = tpu.memref_slice %arg20[%add3A_32, %dma_wait3A_149] : memref<10240x16xf32, #tpu.memory_space<vmem_shared>> -> memref<128x16xf32, #tpu.memory_space<vmem_shared>>
      %dma_wait3A_151 = arith.constant 0 : i32
      %dma_wait3A_152 = tpu.memref_slice %arg20[%add3A_32, %dma_wait3A_151] : memref<10240x16xf32, #tpu.memory_space<vmem_shared>> -> memref<128x16xf32, #tpu.memory_space<vmem_shared>>
      %dma_wait3A_153 = arith.constant 0 : i32
      %dma_wait3A_154 = arith.constant 0 : i32
      %dma_wait3A_155 = tpu.memref_slice %arg12[%run_scoped3A_33, %dma_wait3A_153, %dma_wait3A_154] : memref<8x128x16xf32, #tpu.memory_space<vmem>> -> memref<1x128x16xf32, #tpu.memory_space<vmem>>
      %dma_wait3A_156 = tpu.memref_squeeze %dma_wait3A_155 : memref<1x128x16xf32, #tpu.memory_space<vmem>> -> memref<128x16xf32, #tpu.memory_space<vmem>>
      tpu.wait_dma2 semaphore(%run_scoped3A_133 : memref<!tpu.dma_semaphore, #tpu.memory_space<semaphore_mem>>) src(%dma_wait3A_156 : memref<128x16xf32, #tpu.memory_space<vmem>>) dst(%dma_wait3A_152 : memref<128x16xf32, #tpu.memory_space<vmem_shared>>)
      tpu.yield
    }) : () -> ()
    %lt3A = arith.constant 4 : i32
    %lt3A_34 = arith.cmpi slt, %add3A, %lt3A : i32
    %jit3A = arith.constant 79 : i32
    %jit3A_35 = arith.constant 78 : i32
    %select_n3A = arith.select %lt3A_34, %jit3A, %jit3A_35 : i32
    %lt3A_36 = arith.constant 4 : i32
    %lt3A_37 = arith.cmpi slt, %add3A, %lt3A_36 : i32
    %mul3A_38 = arith.constant 79 : i32
    %mul3A_39 = arith.muli %mul3A_38, %add3A : i32
    %sub3A = arith.constant 4 : i32
    %sub3A_40 = arith.subi %add3A, %sub3A : i32
    %mul3A_41 = arith.constant 78 : i32
    %mul3A_42 = arith.muli %mul3A_41, %sub3A_40 : i32
    %add3A_43 = arith.constant 316 : i32
    %add3A_44 = arith.addi %add3A_43, %mul3A_42 : i32
    %select_n3A_45 = arith.select %lt3A_37, %mul3A_39, %add3A_44 : i32
    %lt3A_46 = arith.constant 4 : i32
    %lt3A_47 = arith.cmpi slt, %add3A, %lt3A_46 : i32
    %convert_element_type3A_48 = arith.extui %lt3A_47 : i1 to i32
    %cond3A_49 = arith.constant 0 : i32
    %cond3A_50 = arith.cmpi ne, %convert_element_type3A_48, %cond3A_49 : i32
    scf.if %cond3A_50 {
      "tpu.region"() ({
        %run_scoped3A_133 = tpu.sem_alloc : memref<!tpu.dma_semaphore, #tpu.memory_space<semaphore_mem>>
        %dma_start3A_134 = arith.constant 0 : i32
        %dma_start3A_135 = tpu.memref_slice %arg4[%select_n3A_45, %dma_start3A_134] : memref<2500x128xi32, #tpu.memory_space<hbm>> -> memref<79x128xi32, #tpu.memory_space<hbm>>
        %dma_start3A_136 = arith.constant 0 : i32
        %dma_start3A_137 = tpu.memref_slice %arg4[%select_n3A_45, %dma_start3A_136] : memref<2500x128xi32, #tpu.memory_space<hbm>> -> memref<79x128xi32, #tpu.memory_space<hbm>>
        tpu.enqueue_dma source(%dma_start3A_137 : memref<79x128xi32, #tpu.memory_space<hbm>>) target(%arg10 : memref<79x128xi32, #tpu.memory_space<vmem>>) target_semaphore(%run_scoped3A_133 : memref<!tpu.dma_semaphore, #tpu.memory_space<semaphore_mem>>)
        %dma_wait3A = arith.constant 0 : i32
        %dma_wait3A_138 = tpu.memref_slice %arg4[%select_n3A_45, %dma_wait3A] : memref<2500x128xi32, #tpu.memory_space<hbm>> -> memref<79x128xi32, #tpu.memory_space<hbm>>
        %dma_wait3A_139 = arith.constant 0 : i32
        %dma_wait3A_140 = tpu.memref_slice %arg4[%select_n3A_45, %dma_wait3A_139] : memref<2500x128xi32, #tpu.memory_space<hbm>> -> memref<79x128xi32, #tpu.memory_space<hbm>>
        tpu.wait_dma2 semaphore(%run_scoped3A_133 : memref<!tpu.dma_semaphore, #tpu.memory_space<semaphore_mem>>) src(%dma_wait3A_140 : memref<79x128xi32, #tpu.memory_space<hbm>>) dst(%arg10 : memref<79x128xi32, #tpu.memory_space<vmem>>)
        tpu.yield
      }) : () -> ()
    } else {
    }
    %ge3A = arith.constant 4 : i32
    %ge3A_51 = arith.cmpi sge, %add3A, %ge3A : i32
    %convert_element_type3A_52 = arith.extui %ge3A_51 : i1 to i32
    %cond3A_53 = arith.constant 0 : i32
    %cond3A_54 = arith.cmpi ne, %convert_element_type3A_52, %cond3A_53 : i32
    scf.if %cond3A_54 {
      "tpu.region"() ({
        %run_scoped3A_133 = tpu.sem_alloc : memref<!tpu.dma_semaphore, #tpu.memory_space<semaphore_mem>>
        %dma_start3A_134 = arith.constant 0 : i32
        %dma_start3A_135 = arith.constant 0 : i32
        %dma_start3A_136 = tpu.memref_slice %arg10[%dma_start3A_134, %dma_start3A_135] : memref<79x128xi32, #tpu.memory_space<vmem>> -> memref<78x128xi32, #tpu.memory_space<vmem>>
        %dma_start3A_137 = arith.constant 0 : i32
        %dma_start3A_138 = tpu.memref_slice %arg4[%select_n3A_45, %dma_start3A_137] : memref<2500x128xi32, #tpu.memory_space<hbm>> -> memref<78x128xi32, #tpu.memory_space<hbm>>
        %dma_start3A_139 = arith.constant 0 : i32
        %dma_start3A_140 = arith.constant 0 : i32
        %dma_start3A_141 = tpu.memref_slice %arg10[%dma_start3A_139, %dma_start3A_140] : memref<79x128xi32, #tpu.memory_space<vmem>> -> memref<78x128xi32, #tpu.memory_space<vmem>>
        %dma_start3A_142 = arith.constant 0 : i32
        %dma_start3A_143 = tpu.memref_slice %arg4[%select_n3A_45, %dma_start3A_142] : memref<2500x128xi32, #tpu.memory_space<hbm>> -> memref<78x128xi32, #tpu.memory_space<hbm>>
        tpu.enqueue_dma source(%dma_start3A_143 : memref<78x128xi32, #tpu.memory_space<hbm>>) target(%dma_start3A_141 : memref<78x128xi32, #tpu.memory_space<vmem>>) target_semaphore(%run_scoped3A_133 : memref<!tpu.dma_semaphore, #tpu.memory_space<semaphore_mem>>)
        %dma_wait3A = arith.constant 0 : i32
        %dma_wait3A_144 = arith.constant 0 : i32
        %dma_wait3A_145 = tpu.memref_slice %arg10[%dma_wait3A, %dma_wait3A_144] : memref<79x128xi32, #tpu.memory_space<vmem>> -> memref<78x128xi32, #tpu.memory_space<vmem>>
        %dma_wait3A_146 = arith.constant 0 : i32
        %dma_wait3A_147 = tpu.memref_slice %arg4[%select_n3A_45, %dma_wait3A_146] : memref<2500x128xi32, #tpu.memory_space<hbm>> -> memref<78x128xi32, #tpu.memory_space<hbm>>
        %dma_wait3A_148 = arith.constant 0 : i32
        %dma_wait3A_149 = arith.constant 0 : i32
        %dma_wait3A_150 = tpu.memref_slice %arg10[%dma_wait3A_148, %dma_wait3A_149] : memref<79x128xi32, #tpu.memory_space<vmem>> -> memref<78x128xi32, #tpu.memory_space<vmem>>
        %dma_wait3A_151 = arith.constant 0 : i32
        %dma_wait3A_152 = tpu.memref_slice %arg4[%select_n3A_45, %dma_wait3A_151] : memref<2500x128xi32, #tpu.memory_space<hbm>> -> memref<78x128xi32, #tpu.memory_space<hbm>>
        tpu.wait_dma2 semaphore(%run_scoped3A_133 : memref<!tpu.dma_semaphore, #tpu.memory_space<semaphore_mem>>) src(%dma_wait3A_152 : memref<78x128xi32, #tpu.memory_space<hbm>>) dst(%dma_wait3A_150 : memref<78x128xi32, #tpu.memory_space<vmem>>)
        tpu.yield
      }) : () -> ()
    } else {
    }
    %lt3A_55 = arith.constant 4 : i32
    %lt3A_56 = arith.cmpi slt, %add3A, %lt3A_55 : i32
    %mul3A_57 = arith.constant 79 : i32
    %mul3A_58 = arith.muli %mul3A_57, %add3A : i32
    %sub3A_59 = arith.constant 4 : i32
    %sub3A_60 = arith.subi %add3A, %sub3A_59 : i32
    %mul3A_61 = arith.constant 78 : i32
    %mul3A_62 = arith.muli %mul3A_61, %sub3A_60 : i32
    %add3A_63 = arith.constant 316 : i32
    %add3A_64 = arith.addi %add3A_63, %mul3A_62 : i32
    %select_n3A_65 = arith.select %lt3A_56, %mul3A_58, %add3A_64 : i32
    %lt3A_66 = arith.constant 4 : i32
    %lt3A_67 = arith.cmpi slt, %add3A, %lt3A_66 : i32
    %convert_element_type3A_68 = arith.extui %lt3A_67 : i1 to i32
    %cond3A_69 = arith.constant 0 : i32
    %cond3A_70 = arith.cmpi ne, %convert_element_type3A_68, %cond3A_69 : i32
    scf.if %cond3A_70 {
      "tpu.region"() ({
        %run_scoped3A_133 = tpu.sem_alloc : memref<!tpu.dma_semaphore, #tpu.memory_space<semaphore_mem>>
        %dma_start3A_134 = arith.constant 0 : i32
        %dma_start3A_135 = tpu.memref_slice %arg5[%select_n3A_65, %dma_start3A_134] : memref<2500x128xi32, #tpu.memory_space<hbm>> -> memref<79x128xi32, #tpu.memory_space<hbm>>
        %dma_start3A_136 = arith.constant 0 : i32
        %dma_start3A_137 = tpu.memref_slice %arg5[%select_n3A_65, %dma_start3A_136] : memref<2500x128xi32, #tpu.memory_space<hbm>> -> memref<79x128xi32, #tpu.memory_space<hbm>>
        tpu.enqueue_dma source(%dma_start3A_137 : memref<79x128xi32, #tpu.memory_space<hbm>>) target(%arg11 : memref<79x128xi32, #tpu.memory_space<vmem>>) target_semaphore(%run_scoped3A_133 : memref<!tpu.dma_semaphore, #tpu.memory_space<semaphore_mem>>)
        %dma_wait3A = arith.constant 0 : i32
        %dma_wait3A_138 = tpu.memref_slice %arg5[%select_n3A_65, %dma_wait3A] : memref<2500x128xi32, #tpu.memory_space<hbm>> -> memref<79x128xi32, #tpu.memory_space<hbm>>
        %dma_wait3A_139 = arith.constant 0 : i32
        %dma_wait3A_140 = tpu.memref_slice %arg5[%select_n3A_65, %dma_wait3A_139] : memref<2500x128xi32, #tpu.memory_space<hbm>> -> memref<79x128xi32, #tpu.memory_space<hbm>>
        tpu.wait_dma2 semaphore(%run_scoped3A_133 : memref<!tpu.dma_semaphore, #tpu.memory_space<semaphore_mem>>) src(%dma_wait3A_140 : memref<79x128xi32, #tpu.memory_space<hbm>>) dst(%arg11 : memref<79x128xi32, #tpu.memory_space<vmem>>)
        tpu.yield
      }) : () -> ()
    } else {
    }
    %ge3A_71 = arith.constant 4 : i32
    %ge3A_72 = arith.cmpi sge, %add3A, %ge3A_71 : i32
    %convert_element_type3A_73 = arith.extui %ge3A_72 : i1 to i32
    %cond3A_74 = arith.constant 0 : i32
    %cond3A_75 = arith.cmpi ne, %convert_element_type3A_73, %cond3A_74 : i32
    scf.if %cond3A_75 {
      "tpu.region"() ({
        %run_scoped3A_133 = tpu.sem_alloc : memref<!tpu.dma_semaphore, #tpu.memory_space<semaphore_mem>>
        %dma_start3A_134 = arith.constant 0 : i32
        %dma_start3A_135 = arith.constant 0 : i32
        %dma_start3A_136 = tpu.memref_slice %arg11[%dma_start3A_134, %dma_start3A_135] : memref<79x128xi32, #tpu.memory_space<vmem>> -> memref<78x128xi32, #tpu.memory_space<vmem>>
        %dma_start3A_137 = arith.constant 0 : i32
        %dma_start3A_138 = tpu.memref_slice %arg5[%select_n3A_65, %dma_start3A_137] : memref<2500x128xi32, #tpu.memory_space<hbm>> -> memref<78x128xi32, #tpu.memory_space<hbm>>
        %dma_start3A_139 = arith.constant 0 : i32
        %dma_start3A_140 = arith.constant 0 : i32
        %dma_start3A_141 = tpu.memref_slice %arg11[%dma_start3A_139, %dma_start3A_140] : memref<79x128xi32, #tpu.memory_space<vmem>> -> memref<78x128xi32, #tpu.memory_space<vmem>>
        %dma_start3A_142 = arith.constant 0 : i32
        %dma_start3A_143 = tpu.memref_slice %arg5[%select_n3A_65, %dma_start3A_142] : memref<2500x128xi32, #tpu.memory_space<hbm>> -> memref<78x128xi32, #tpu.memory_space<hbm>>
        tpu.enqueue_dma source(%dma_start3A_143 : memref<78x128xi32, #tpu.memory_space<hbm>>) target(%dma_start3A_141 : memref<78x128xi32, #tpu.memory_space<vmem>>) target_semaphore(%run_scoped3A_133 : memref<!tpu.dma_semaphore, #tpu.memory_space<semaphore_mem>>)
        %dma_wait3A = arith.constant 0 : i32
        %dma_wait3A_144 = arith.constant 0 : i32
        %dma_wait3A_145 = tpu.memref_slice %arg11[%dma_wait3A, %dma_wait3A_144] : memref<79x128xi32, #tpu.memory_space<vmem>> -> memref<78x128xi32, #tpu.memory_space<vmem>>
        %dma_wait3A_146 = arith.constant 0 : i32
        %dma_wait3A_147 = tpu.memref_slice %arg5[%select_n3A_65, %dma_wait3A_146] : memref<2500x128xi32, #tpu.memory_space<hbm>> -> memref<78x128xi32, #tpu.memory_space<hbm>>
        %dma_wait3A_148 = arith.constant 0 : i32
        %dma_wait3A_149 = arith.constant 0 : i32
        %dma_wait3A_150 = tpu.memref_slice %arg11[%dma_wait3A_148, %dma_wait3A_149] : memref<79x128xi32, #tpu.memory_space<vmem>> -> memref<78x128xi32, #tpu.memory_space<vmem>>
        %dma_wait3A_151 = arith.constant 0 : i32
        %dma_wait3A_152 = tpu.memref_slice %arg5[%select_n3A_65, %dma_wait3A_151] : memref<2500x128xi32, #tpu.memory_space<hbm>> -> memref<78x128xi32, #tpu.memory_space<hbm>>
        tpu.wait_dma2 semaphore(%run_scoped3A_133 : memref<!tpu.dma_semaphore, #tpu.memory_space<semaphore_mem>>) src(%dma_wait3A_152 : memref<78x128xi32, #tpu.memory_space<hbm>>) dst(%dma_wait3A_150 : memref<78x128xi32, #tpu.memory_space<vmem>>)
        tpu.yield
      }) : () -> ()
    } else {
    }
    %barrier3A = arith.constant 0 : index
    tpu.barrier barrier_id(%barrier3A)
    %dma_start3A = arith.constant 0 : i32
    %dma_start3A_76 = arith.constant 0 : i32
    %dma_start3A_77 = arith.constant 0 : i32
    %dma_start3A_78 = arith.constant 0 : i32
    %dma_start3A_79 = tpu.memref_slice %arg12[%dma_start3A_76, %dma_start3A_77, %dma_start3A_78] : memref<8x128x16xf32, #tpu.memory_space<vmem>> -> memref<1x128x16xf32, #tpu.memory_space<vmem>>
    %dma_start3A_80 = tpu.memref_squeeze %dma_start3A_79 : memref<1x128x16xf32, #tpu.memory_space<vmem>> -> memref<128x16xf32, #tpu.memory_space<vmem>>
    %dma_start3A_81 = arith.constant 0 : i32
    %dma_start3A_82 = tpu.memref_slice %arg10[%dma_start3A, %dma_start3A_81] : memref<79x128xi32, #tpu.memory_space<vmem>> -> memref<1x128xi32, #tpu.memory_space<vmem>>
    %dma_start3A_83 = tpu.memref_squeeze %dma_start3A_82 : memref<1x128xi32, #tpu.memory_space<vmem>> -> memref<128xi32, #tpu.memory_space<vmem>>
    %dma_start3A_84 = arith.constant 0 : i32
    %dma_start3A_85 = arith.constant 0 : i32
    %dma_start3A_86 = tpu.memref_slice %arg21[%dma_start3A_84, %dma_start3A_85] : memref<10000x16xf32, #tpu.memory_space<vmem_shared>> -> memref<10000x16xf32, #tpu.memory_space<vmem_shared>>
    tpu.enqueue_indirect_dma source(%dma_start3A_86 : memref<10000x16xf32, #tpu.memory_space<vmem_shared>>) target(%dma_start3A_80 : memref<128x16xf32, #tpu.memory_space<vmem>>) offsets(%dma_start3A_83 : memref<128xi32, #tpu.memory_space<vmem>>) semaphore(%arg18 : memref<!tpu.dma_semaphore, #tpu.memory_space<semaphore_mem>>)
    %dma_start3A_87 = arith.constant 1 : i32
    %dma_start3A_88 = arith.constant 1 : i32
    %dma_start3A_89 = arith.constant 0 : i32
    %dma_start3A_90 = arith.constant 0 : i32
    %dma_start3A_91 = tpu.memref_slice %arg12[%dma_start3A_88, %dma_start3A_89, %dma_start3A_90] : memref<8x128x16xf32, #tpu.memory_space<vmem>> -> memref<1x128x16xf32, #tpu.memory_space<vmem>>
    %dma_start3A_92 = tpu.memref_squeeze %dma_start3A_91 : memref<1x128x16xf32, #tpu.memory_space<vmem>> -> memref<128x16xf32, #tpu.memory_space<vmem>>
    %dma_start3A_93 = arith.constant 0 : i32
    %dma_start3A_94 = tpu.memref_slice %arg10[%dma_start3A_87, %dma_start3A_93] : memref<79x128xi32, #tpu.memory_space<vmem>> -> memref<1x128xi32, #tpu.memory_space<vmem>>
    %dma_start3A_95 = tpu.memref_squeeze %dma_start3A_94 : memref<1x128xi32, #tpu.memory_space<vmem>> -> memref<128xi32, #tpu.memory_space<vmem>>
    %dma_start3A_96 = arith.constant 0 : i32
    %dma_start3A_97 = arith.constant 0 : i32
    %dma_start3A_98 = tpu.memref_slice %arg21[%dma_start3A_96, %dma_start3A_97] : memref<10000x16xf32, #tpu.memory_space<vmem_shared>> -> memref<10000x16xf32, #tpu.memory_space<vmem_shared>>
    tpu.enqueue_indirect_dma source(%dma_start3A_98 : memref<10000x16xf32, #tpu.memory_space<vmem_shared>>) target(%dma_start3A_92 : memref<128x16xf32, #tpu.memory_space<vmem>>) offsets(%dma_start3A_95 : memref<128xi32, #tpu.memory_space<vmem>>) semaphore(%arg18 : memref<!tpu.dma_semaphore, #tpu.memory_space<semaphore_mem>>)
    %dma_start3A_99 = arith.constant 2 : i32
    %dma_start3A_100 = arith.constant 2 : i32
    %dma_start3A_101 = arith.constant 0 : i32
    %dma_start3A_102 = arith.constant 0 : i32
    %dma_start3A_103 = tpu.memref_slice %arg12[%dma_start3A_100, %dma_start3A_101, %dma_start3A_102] : memref<8x128x16xf32, #tpu.memory_space<vmem>> -> memref<1x128x16xf32, #tpu.memory_space<vmem>>
    %dma_start3A_104 = tpu.memref_squeeze %dma_start3A_103 : memref<1x128x16xf32, #tpu.memory_space<vmem>> -> memref<128x16xf32, #tpu.memory_space<vmem>>
    %dma_start3A_105 = arith.constant 0 : i32
    %dma_start3A_106 = tpu.memref_slice %arg10[%dma_start3A_99, %dma_start3A_105] : memref<79x128xi32, #tpu.memory_space<vmem>> -> memref<1x128xi32, #tpu.memory_space<vmem>>
    %dma_start3A_107 = tpu.memref_squeeze %dma_start3A_106 : memref<1x128xi32, #tpu.memory_space<vmem>> -> memref<128xi32, #tpu.memory_space<vmem>>
    %dma_start3A_108 = arith.constant 0 : i32
    %dma_start3A_109 = arith.constant 0 : i32
    %dma_start3A_110 = tpu.memref_slice %arg21[%dma_start3A_108, %dma_start3A_109] : memref<10000x16xf32, #tpu.memory_space<vmem_shared>> -> memref<10000x16xf32, #tpu.memory_space<vmem_shared>>
    tpu.enqueue_indirect_dma source(%dma_start3A_110 : memref<10000x16xf32, #tpu.memory_space<vmem_shared>>) target(%dma_start3A_104 : memref<128x16xf32, #tpu.memory_space<vmem>>) offsets(%dma_start3A_107 : memref<128xi32, #tpu.memory_space<vmem>>) semaphore(%arg18 : memref<!tpu.dma_semaphore, #tpu.memory_space<semaphore_mem>>)
    %while3A = arith.constant 0 : i32
    %while3A_111 = arith.constant 0 : i32
    %while3A_112 = arith.subi %select_n3A, %while3A_111 : i32
    %while3A_113 = arith.addi %while3A_111, %while3A_112 : i32
    %while3A_114 = arith.constant 1 : i32
    %while3A_115 = arith.divsi %while3A_112, %while3A_114 : i32
    %while3A_116 = arith.muli %while3A_115, %while3A_114 : i32
    %while3A_117 = arith.addi %while3A_111, %while3A_116 : i32
    %while3A_118 = arith.constant 1 : i32
    scf.for %while3A_133 = %while3A_111 to %while3A_117 step %while3A_118  : i32 {
      %ge3A_134 = arith.constant 5 : i32
      %ge3A_135 = arith.cmpi sge, %while3A_133, %ge3A_134 : i32
      %convert_element_type3A_136 = arith.extui %ge3A_135 : i1 to i32
      %cond3A_137 = arith.constant 0 : i32
      %cond3A_138 = arith.cmpi ne, %convert_element_type3A_136, %cond3A_137 : i32
      scf.if %cond3A_138 {
        %dma_wait3A_164 = arith.constant 0 : i32
        %dma_wait3A_165 = arith.constant 0 : i32
        %dma_wait3A_166 = arith.constant 0 : i32
        %dma_wait3A_167 = tpu.memref_slice %arg12[%dma_wait3A_164, %dma_wait3A_165, %dma_wait3A_166] : memref<8x128x16xf32, #tpu.memory_space<vmem>> -> memref<1x128x16xf32, #tpu.memory_space<vmem>>
        %dma_wait3A_168 = tpu.memref_squeeze %dma_wait3A_167 : memref<1x128x16xf32, #tpu.memory_space<vmem>> -> memref<128x16xf32, #tpu.memory_space<vmem>>
        %dma_wait3A_169 = arith.constant 0 : i32
        %dma_wait3A_170 = arith.constant 0 : i32
        %dma_wait3A_171 = tpu.memref_slice %arg12[%dma_wait3A_164, %dma_wait3A_169, %dma_wait3A_170] : memref<8x128x16xf32, #tpu.memory_space<vmem>> -> memref<1x128x16xf32, #tpu.memory_space<vmem>>
        %dma_wait3A_172 = tpu.memref_squeeze %dma_wait3A_171 : memref<1x128x16xf32, #tpu.memory_space<vmem>> -> memref<128x16xf32, #tpu.memory_space<vmem>>
        tpu.wait_dma2 semaphore(%arg19 : memref<!tpu.dma_semaphore, #tpu.memory_space<semaphore_mem>>) src(%arg6 : memref<128x16xf32, #tpu.memory_space<hbm>>) dst(%dma_wait3A_172 : memref<128x16xf32, #tpu.memory_space<vmem>>)
      } else {
      }
      %add3A_139 = arith.constant 3 : i32
      %add3A_140 = arith.addi %while3A_133, %add3A_139 : i32
      %lt3A_141 = arith.cmpi slt, %add3A_140, %select_n3A : i32
      %convert_element_type3A_142 = arith.extui %lt3A_141 : i1 to i32
      %cond3A_143 = arith.constant 0 : i32
      %cond3A_144 = arith.cmpi ne, %convert_element_type3A_142, %cond3A_143 : i32
      scf.if %cond3A_144 {
        %add3A_164 = arith.constant 3 : i32
        %add3A_165 = arith.addi %while3A_133, %add3A_164 : i32
        %rem3A_166 = arith.constant 79 : i32
        %rem3A_167 = arith.remsi %add3A_165, %rem3A_166 : i32
        %add3A_168 = arith.constant 3 : i32
        %add3A_169 = arith.addi %while3A_133, %add3A_168 : i32
        %rem3A_170 = arith.constant 8 : i32
        %rem3A_171 = arith.remsi %add3A_169, %rem3A_170 : i32
        %dma_start3A_172 = arith.constant 0 : i32
        %dma_start3A_173 = arith.constant 0 : i32
        %dma_start3A_174 = tpu.memref_slice %arg12[%rem3A_171, %dma_start3A_172, %dma_start3A_173] : memref<8x128x16xf32, #tpu.memory_space<vmem>> -> memref<1x128x16xf32, #tpu.memory_space<vmem>>
        %dma_start3A_175 = tpu.memref_squeeze %dma_start3A_174 : memref<1x128x16xf32, #tpu.memory_space<vmem>> -> memref<128x16xf32, #tpu.memory_space<vmem>>
        %dma_start3A_176 = arith.constant 0 : i32
        %dma_start3A_177 = tpu.memref_slice %arg10[%rem3A_167, %dma_start3A_176] : memref<79x128xi32, #tpu.memory_space<vmem>> -> memref<1x128xi32, #tpu.memory_space<vmem>>
        %dma_start3A_178 = tpu.memref_squeeze %dma_start3A_177 : memref<1x128xi32, #tpu.memory_space<vmem>> -> memref<128xi32, #tpu.memory_space<vmem>>
        %dma_start3A_179 = arith.constant 0 : i32
        %dma_start3A_180 = arith.constant 0 : i32
        %dma_start3A_181 = tpu.memref_slice %arg21[%dma_start3A_179, %dma_start3A_180] : memref<10000x16xf32, #tpu.memory_space<vmem_shared>> -> memref<10000x16xf32, #tpu.memory_space<vmem_shared>>
        tpu.enqueue_indirect_dma source(%dma_start3A_181 : memref<10000x16xf32, #tpu.memory_space<vmem_shared>>) target(%dma_start3A_175 : memref<128x16xf32, #tpu.memory_space<vmem>>) offsets(%dma_start3A_178 : memref<128xi32, #tpu.memory_space<vmem>>) semaphore(%arg18 : memref<!tpu.dma_semaphore, #tpu.memory_space<semaphore_mem>>)
      } else {
      }
      %dma_wait3A = arith.constant 0 : i32
      %dma_wait3A_145 = arith.constant 0 : i32
      %dma_wait3A_146 = arith.constant 0 : i32
      %dma_wait3A_147 = tpu.memref_slice %arg12[%dma_wait3A, %dma_wait3A_145, %dma_wait3A_146] : memref<8x128x16xf32, #tpu.memory_space<vmem>> -> memref<1x128x16xf32, #tpu.memory_space<vmem>>
      %dma_wait3A_148 = tpu.memref_squeeze %dma_wait3A_147 : memref<1x128x16xf32, #tpu.memory_space<vmem>> -> memref<128x16xf32, #tpu.memory_space<vmem>>
      %dma_wait3A_149 = arith.constant 0 : i32
      %dma_wait3A_150 = arith.constant 0 : i32
      %dma_wait3A_151 = tpu.memref_slice %arg12[%dma_wait3A, %dma_wait3A_149, %dma_wait3A_150] : memref<8x128x16xf32, #tpu.memory_space<vmem>> -> memref<1x128x16xf32, #tpu.memory_space<vmem>>
      %dma_wait3A_152 = tpu.memref_squeeze %dma_wait3A_151 : memref<1x128x16xf32, #tpu.memory_space<vmem>> -> memref<128x16xf32, #tpu.memory_space<vmem>>
      tpu.wait_dma2 semaphore(%arg18 : memref<!tpu.dma_semaphore, #tpu.memory_space<semaphore_mem>>) src(%arg6 : memref<128x16xf32, #tpu.memory_space<hbm>>) dst(%dma_wait3A_152 : memref<128x16xf32, #tpu.memory_space<vmem>>)
      %rem3A = arith.constant 8 : i32
      %rem3A_153 = arith.remsi %while3A_133, %rem3A : i32
      %dma_start3A_154 = arith.constant 0 : i32
      %dma_start3A_155 = arith.constant 0 : i32
      %dma_start3A_156 = tpu.memref_slice %arg12[%rem3A_153, %dma_start3A_154, %dma_start3A_155] : memref<8x128x16xf32, #tpu.memory_space<vmem>> -> memref<1x128x16xf32, #tpu.memory_space<vmem>>
      %dma_start3A_157 = tpu.memref_squeeze %dma_start3A_156 : memref<1x128x16xf32, #tpu.memory_space<vmem>> -> memref<128x16xf32, #tpu.memory_space<vmem>>
      %dma_start3A_158 = arith.constant 0 : i32
      %dma_start3A_159 = tpu.memref_slice %arg11[%while3A_133, %dma_start3A_158] : memref<79x128xi32, #tpu.memory_space<vmem>> -> memref<1x128xi32, #tpu.memory_space<vmem>>
      %dma_start3A_160 = tpu.memref_squeeze %dma_start3A_159 : memref<1x128xi32, #tpu.memory_space<vmem>> -> memref<128xi32, #tpu.memory_space<vmem>>
      %dma_start3A_161 = arith.constant 0 : i32
      %dma_start3A_162 = arith.constant 0 : i32
      %dma_start3A_163 = tpu.memref_slice %arg20[%dma_start3A_161, %dma_start3A_162] : memref<10240x16xf32, #tpu.memory_space<vmem_shared>> -> memref<10240x16xf32, #tpu.memory_space<vmem_shared>>
      tpu.enqueue_indirect_dma source(%dma_start3A_157 : memref<128x16xf32, #tpu.memory_space<vmem>>) target(%dma_start3A_163 : memref<10240x16xf32, #tpu.memory_space<vmem_shared>>) offsets(%dma_start3A_160 : memref<128xi32, #tpu.memory_space<vmem>>) semaphore(%arg19 : memref<!tpu.dma_semaphore, #tpu.memory_space<semaphore_mem>>) {add = true}
    }
    %while3A_119 = arith.constant 1 : i32
    scf.for %while3A_133 = %while3A_117 to %while3A_113 step %while3A_119  : i32 {
      %ge3A_134 = arith.constant 5 : i32
      %ge3A_135 = arith.cmpi sge, %while3A_133, %ge3A_134 : i32
      %convert_element_type3A_136 = arith.extui %ge3A_135 : i1 to i32
      %cond3A_137 = arith.constant 0 : i32
      %cond3A_138 = arith.cmpi ne, %convert_element_type3A_136, %cond3A_137 : i32
      scf.if %cond3A_138 {
        %dma_wait3A_164 = arith.constant 0 : i32
        %dma_wait3A_165 = arith.constant 0 : i32
        %dma_wait3A_166 = arith.constant 0 : i32
        %dma_wait3A_167 = tpu.memref_slice %arg12[%dma_wait3A_164, %dma_wait3A_165, %dma_wait3A_166] : memref<8x128x16xf32, #tpu.memory_space<vmem>> -> memref<1x128x16xf32, #tpu.memory_space<vmem>>
        %dma_wait3A_168 = tpu.memref_squeeze %dma_wait3A_167 : memref<1x128x16xf32, #tpu.memory_space<vmem>> -> memref<128x16xf32, #tpu.memory_space<vmem>>
        %dma_wait3A_169 = arith.constant 0 : i32
        %dma_wait3A_170 = arith.constant 0 : i32
        %dma_wait3A_171 = tpu.memref_slice %arg12[%dma_wait3A_164, %dma_wait3A_169, %dma_wait3A_170] : memref<8x128x16xf32, #tpu.memory_space<vmem>> -> memref<1x128x16xf32, #tpu.memory_space<vmem>>
        %dma_wait3A_172 = tpu.memref_squeeze %dma_wait3A_171 : memref<1x128x16xf32, #tpu.memory_space<vmem>> -> memref<128x16xf32, #tpu.memory_space<vmem>>
        tpu.wait_dma2 semaphore(%arg19 : memref<!tpu.dma_semaphore, #tpu.memory_space<semaphore_mem>>) src(%arg6 : memref<128x16xf32, #tpu.memory_space<hbm>>) dst(%dma_wait3A_172 : memref<128x16xf32, #tpu.memory_space<vmem>>)
      } else {
      }
      %add3A_139 = arith.constant 3 : i32
      %add3A_140 = arith.addi %while3A_133, %add3A_139 : i32
      %lt3A_141 = arith.cmpi slt, %add3A_140, %select_n3A : i32
      %convert_element_type3A_142 = arith.extui %lt3A_141 : i1 to i32
      %cond3A_143 = arith.constant 0 : i32
      %cond3A_144 = arith.cmpi ne, %convert_element_type3A_142, %cond3A_143 : i32
      scf.if %cond3A_144 {
        %add3A_164 = arith.constant 3 : i32
        %add3A_165 = arith.addi %while3A_133, %add3A_164 : i32
        %rem3A_166 = arith.constant 79 : i32
        %rem3A_167 = arith.remsi %add3A_165, %rem3A_166 : i32
        %add3A_168 = arith.constant 3 : i32
        %add3A_169 = arith.addi %while3A_133, %add3A_168 : i32
        %rem3A_170 = arith.constant 8 : i32
        %rem3A_171 = arith.remsi %add3A_169, %rem3A_170 : i32
        %dma_start3A_172 = arith.constant 0 : i32
        %dma_start3A_173 = arith.constant 0 : i32
        %dma_start3A_174 = tpu.memref_slice %arg12[%rem3A_171, %dma_start3A_172, %dma_start3A_173] : memref<8x128x16xf32, #tpu.memory_space<vmem>> -> memref<1x128x16xf32, #tpu.memory_space<vmem>>
        %dma_start3A_175 = tpu.memref_squeeze %dma_start3A_174 : memref<1x128x16xf32, #tpu.memory_space<vmem>> -> memref<128x16xf32, #tpu.memory_space<vmem>>
        %dma_start3A_176 = arith.constant 0 : i32
        %dma_start3A_177 = tpu.memref_slice %arg10[%rem3A_167, %dma_start3A_176] : memref<79x128xi32, #tpu.memory_space<vmem>> -> memref<1x128xi32, #tpu.memory_space<vmem>>
        %dma_start3A_178 = tpu.memref_squeeze %dma_start3A_177 : memref<1x128xi32, #tpu.memory_space<vmem>> -> memref<128xi32, #tpu.memory_space<vmem>>
        %dma_start3A_179 = arith.constant 0 : i32
        %dma_start3A_180 = arith.constant 0 : i32
        %dma_start3A_181 = tpu.memref_slice %arg21[%dma_start3A_179, %dma_start3A_180] : memref<10000x16xf32, #tpu.memory_space<vmem_shared>> -> memref<10000x16xf32, #tpu.memory_space<vmem_shared>>
        tpu.enqueue_indirect_dma source(%dma_start3A_181 : memref<10000x16xf32, #tpu.memory_space<vmem_shared>>) target(%dma_start3A_175 : memref<128x16xf32, #tpu.memory_space<vmem>>) offsets(%dma_start3A_178 : memref<128xi32, #tpu.memory_space<vmem>>) semaphore(%arg18 : memref<!tpu.dma_semaphore, #tpu.memory_space<semaphore_mem>>)
      } else {
      }
      %dma_wait3A = arith.constant 0 : i32
      %dma_wait3A_145 = arith.constant 0 : i32
      %dma_wait3A_146 = arith.constant 0 : i32
      %dma_wait3A_147 = tpu.memref_slice %arg12[%dma_wait3A, %dma_wait3A_145, %dma_wait3A_146] : memref<8x128x16xf32, #tpu.memory_space<vmem>> -> memref<1x128x16xf32, #tpu.memory_space<vmem>>
      %dma_wait3A_148 = tpu.memref_squeeze %dma_wait3A_147 : memref<1x128x16xf32, #tpu.memory_space<vmem>> -> memref<128x16xf32, #tpu.memory_space<vmem>>
      %dma_wait3A_149 = arith.constant 0 : i32
      %dma_wait3A_150 = arith.constant 0 : i32
      %dma_wait3A_151 = tpu.memref_slice %arg12[%dma_wait3A, %dma_wait3A_149, %dma_wait3A_150] : memref<8x128x16xf32, #tpu.memory_space<vmem>> -> memref<1x128x16xf32, #tpu.memory_space<vmem>>
      %dma_wait3A_152 = tpu.memref_squeeze %dma_wait3A_151 : memref<1x128x16xf32, #tpu.memory_space<vmem>> -> memref<128x16xf32, #tpu.memory_space<vmem>>
      tpu.wait_dma2 semaphore(%arg18 : memref<!tpu.dma_semaphore, #tpu.memory_space<semaphore_mem>>) src(%arg6 : memref<128x16xf32, #tpu.memory_space<hbm>>) dst(%dma_wait3A_152 : memref<128x16xf32, #tpu.memory_space<vmem>>)
      %rem3A = arith.constant 8 : i32
      %rem3A_153 = arith.remsi %while3A_133, %rem3A : i32
      %dma_start3A_154 = arith.constant 0 : i32
      %dma_start3A_155 = arith.constant 0 : i32
      %dma_start3A_156 = tpu.memref_slice %arg12[%rem3A_153, %dma_start3A_154, %dma_start3A_155] : memref<8x128x16xf32, #tpu.memory_space<vmem>> -> memref<1x128x16xf32, #tpu.memory_space<vmem>>
      %dma_start3A_157 = tpu.memref_squeeze %dma_start3A_156 : memref<1x128x16xf32, #tpu.memory_space<vmem>> -> memref<128x16xf32, #tpu.memory_space<vmem>>
      %dma_start3A_158 = arith.constant 0 : i32
      %dma_start3A_159 = tpu.memref_slice %arg11[%while3A_133, %dma_start3A_158] : memref<79x128xi32, #tpu.memory_space<vmem>> -> memref<1x128xi32, #tpu.memory_space<vmem>>
      %dma_start3A_160 = tpu.memref_squeeze %dma_start3A_159 : memref<1x128xi32, #tpu.memory_space<vmem>> -> memref<128xi32, #tpu.memory_space<vmem>>
      %dma_start3A_161 = arith.constant 0 : i32
      %dma_start3A_162 = arith.constant 0 : i32
      %dma_start3A_163 = tpu.memref_slice %arg20[%dma_start3A_161, %dma_start3A_162] : memref<10240x16xf32, #tpu.memory_space<vmem_shared>> -> memref<10240x16xf32, #tpu.memory_space<vmem_shared>>
      tpu.enqueue_indirect_dma source(%dma_start3A_157 : memref<128x16xf32, #tpu.memory_space<vmem>>) target(%dma_start3A_163 : memref<10240x16xf32, #tpu.memory_space<vmem_shared>>) offsets(%dma_start3A_160 : memref<128xi32, #tpu.memory_space<vmem>>) semaphore(%arg19 : memref<!tpu.dma_semaphore, #tpu.memory_space<semaphore_mem>>) {add = true}
    }
    %scan3A = arith.constant 0 : i32
    %scan3A_120 = arith.constant 0 : i32
    %scan3A_121 = arith.constant 5 : i32
    %scan3A_122 = arith.addi %scan3A_120, %scan3A_121 : i32
    %scan3A_123 = arith.constant 1 : i32
    scf.for %scan3A_133 = %scan3A_120 to %scan3A_122 step %scan3A_123  : i32 {
      %dma_wait3A = arith.constant 0 : i32
      %dma_wait3A_134 = arith.constant 0 : i32
      %dma_wait3A_135 = arith.constant 0 : i32
      %dma_wait3A_136 = tpu.memref_slice %arg12[%dma_wait3A, %dma_wait3A_134, %dma_wait3A_135] : memref<8x128x16xf32, #tpu.memory_space<vmem>> -> memref<1x128x16xf32, #tpu.memory_space<vmem>>
      %dma_wait3A_137 = tpu.memref_squeeze %dma_wait3A_136 : memref<1x128x16xf32, #tpu.memory_space<vmem>> -> memref<128x16xf32, #tpu.memory_space<vmem>>
      %dma_wait3A_138 = arith.constant 0 : i32
      %dma_wait3A_139 = arith.constant 0 : i32
      %dma_wait3A_140 = tpu.memref_slice %arg12[%dma_wait3A, %dma_wait3A_138, %dma_wait3A_139] : memref<8x128x16xf32, #tpu.memory_space<vmem>> -> memref<1x128x16xf32, #tpu.memory_space<vmem>>
      %dma_wait3A_141 = tpu.memref_squeeze %dma_wait3A_140 : memref<1x128x16xf32, #tpu.memory_space<vmem>> -> memref<128x16xf32, #tpu.memory_space<vmem>>
      tpu.wait_dma2 semaphore(%arg19 : memref<!tpu.dma_semaphore, #tpu.memory_space<semaphore_mem>>) src(%arg6 : memref<128x16xf32, #tpu.memory_space<hbm>>) dst(%dma_wait3A_141 : memref<128x16xf32, #tpu.memory_space<vmem>>)
    }
    %scan3A_124 = arith.constant 5 : i32
    %barrier3A_125 = arith.constant 0 : index
    tpu.barrier barrier_id(%barrier3A_125)
    %mul3A_126 = arith.constant 640 : i32
    %mul3A_127 = arith.muli %arg1, %mul3A_126 : i32
    %mul3A_128 = arith.constant 10240 : i32
    %mul3A_129 = arith.muli %arg0, %mul3A_128 : i32
    %mul3A_130 = arith.constant 640 : i32
    %mul3A_131 = arith.muli %arg1, %mul3A_130 : i32
    %add3A_132 = arith.addi %mul3A_129, %mul3A_131 : i32
    "tpu.region"() ({
      %run_scoped3A_133 = tpu.sem_alloc : memref<!tpu.dma_semaphore, #tpu.memory_space<semaphore_mem>>
      %dma_start3A_134 = arith.constant 0 : i32
      %dma_start3A_135 = tpu.memref_slice %arg7[%add3A_132, %dma_start3A_134] : memref<20480x16xf32, #tpu.memory_space<hbm>> -> memref<640x16xf32, #tpu.memory_space<hbm>>
      %dma_start3A_136 = arith.constant 0 : i32
      %dma_start3A_137 = tpu.memref_slice %arg20[%mul3A_127, %dma_start3A_136] : memref<10240x16xf32, #tpu.memory_space<vmem_shared>> -> memref<640x16xf32, #tpu.memory_space<vmem_shared>>
      tpu.enqueue_dma source(%dma_start3A_137 : memref<640x16xf32, #tpu.memory_space<vmem_shared>>) target(%dma_start3A_135 : memref<640x16xf32, #tpu.memory_space<hbm>>) target_semaphore(%run_scoped3A_133 : memref<!tpu.dma_semaphore, #tpu.memory_space<semaphore_mem>>)
      %dma_wait3A = arith.constant 0 : i32
      %dma_wait3A_138 = tpu.memref_slice %arg7[%add3A_132, %dma_wait3A] : memref<20480x16xf32, #tpu.memory_space<hbm>> -> memref<640x16xf32, #tpu.memory_space<hbm>>
      %dma_wait3A_139 = arith.constant 0 : i32
      %dma_wait3A_140 = tpu.memref_slice %arg20[%mul3A_127, %dma_wait3A_139] : memref<10240x16xf32, #tpu.memory_space<vmem_shared>> -> memref<640x16xf32, #tpu.memory_space<vmem_shared>>
      tpu.wait_dma2 semaphore(%run_scoped3A_133 : memref<!tpu.dma_semaphore, #tpu.memory_space<semaphore_mem>>) src(%dma_wait3A_140 : memref<640x16xf32, #tpu.memory_space<vmem_shared>>) dst(%dma_wait3A_138 : memref<640x16xf32, #tpu.memory_space<hbm>>)
      tpu.yield
    }) : () -> ()
    return
  }
}

#map = affine_map<(d0, d1) -> (0, 0)>
module attributes {stable_mosaic.version = 14 : i64} {
  func.func @_hop2_body(%arg0: i32, %arg1: i32, %arg2: memref<10016x16xf32, #tpu.memory_space<hbm>>, %arg3: memref<10016x16xf32, #tpu.memory_space<hbm>>, %arg4: memref<20480x16xf32, #tpu.memory_space<hbm>>, %arg5: memref<2500x128xi32, #tpu.memory_space<hbm>>, %arg6: memref<2500x128xi32, #tpu.memory_space<hbm>>, %arg7: memref<128x16xf32, #tpu.memory_space<hbm>>, %arg8: memref<20480x16xf32, #tpu.memory_space<hbm>>, %arg9: memref<10016x16xf32, #tpu.memory_space<hbm>>, %arg10: memref<79x128xi32, #tpu.memory_space<vmem>>, %arg11: memref<79x128xi32, #tpu.memory_space<vmem>>, %arg12: memref<8x128x16xf32, #tpu.memory_space<vmem>>, %arg13: memref<625x16xf32, #tpu.memory_space<vmem>>, %arg14: memref<625x16xf32, #tpu.memory_space<vmem>>, %arg15: memref<625x16xf32, #tpu.memory_space<vmem>>, %arg16: memref<625x16xf32, #tpu.memory_space<vmem>>, %arg17: memref<!tpu.dma_semaphore, #tpu.memory_space<semaphore_mem>>, %arg18: memref<!tpu.dma_semaphore, #tpu.memory_space<semaphore_mem>>, %arg19: memref<10240x16xf32, #tpu.memory_space<vmem_shared>>, %arg20: memref<10000x16xf32, #tpu.memory_space<vmem_shared>>) attributes {dimension_semantics = [#tpu.dimension_semantics<core_parallel>, #tpu.dimension_semantics<subcore_parallel>], iteration_bounds = array<i64: 2, 16>, scalar_prefetch = 0 : i64, scratch_operands = 11 : i64, tpu.core_type = #tpu.core_type<sc_vector_subcore>, window_params = [{transform_indices = #map}, {transform_indices = #map}, {transform_indices = #map}, {transform_indices = #map}, {transform_indices = #map}, {transform_indices = #map}, {transform_indices = #map}, {transform_indices = #map}]} {
    %mul3A = arith.constant 16 : i32
    %mul3A_0 = arith.muli %arg0, %mul3A : i32
    %add3A = arith.addi %mul3A_0, %arg1 : i32
    %mul3A_1 = arith.constant 625 : i32
    %mul3A_2 = arith.muli %arg1, %mul3A_1 : i32
    "tpu.region"() ({
      %run_scoped3A_133 = tpu.sem_alloc : memref<!tpu.dma_semaphore, #tpu.memory_space<semaphore_mem>>
      %dma_start3A_134 = arith.constant 0 : i32
      %dma_start3A_135 = tpu.memref_slice %arg2[%mul3A_2, %dma_start3A_134] : memref<10016x16xf32, #tpu.memory_space<hbm>> -> memref<625x16xf32, #tpu.memory_space<hbm>>
      %dma_start3A_136 = arith.constant 0 : i32
      %dma_start3A_137 = tpu.memref_slice %arg2[%mul3A_2, %dma_start3A_136] : memref<10016x16xf32, #tpu.memory_space<hbm>> -> memref<625x16xf32, #tpu.memory_space<hbm>>
      tpu.enqueue_dma source(%dma_start3A_137 : memref<625x16xf32, #tpu.memory_space<hbm>>) target(%arg13 : memref<625x16xf32, #tpu.memory_space<vmem>>) target_semaphore(%run_scoped3A_133 : memref<!tpu.dma_semaphore, #tpu.memory_space<semaphore_mem>>)
      %dma_wait3A = arith.constant 0 : i32
      %dma_wait3A_138 = tpu.memref_slice %arg2[%mul3A_2, %dma_wait3A] : memref<10016x16xf32, #tpu.memory_space<hbm>> -> memref<625x16xf32, #tpu.memory_space<hbm>>
      %dma_wait3A_139 = arith.constant 0 : i32
      %dma_wait3A_140 = tpu.memref_slice %arg2[%mul3A_2, %dma_wait3A_139] : memref<10016x16xf32, #tpu.memory_space<hbm>> -> memref<625x16xf32, #tpu.memory_space<hbm>>
      tpu.wait_dma2 semaphore(%run_scoped3A_133 : memref<!tpu.dma_semaphore, #tpu.memory_space<semaphore_mem>>) src(%dma_wait3A_140 : memref<625x16xf32, #tpu.memory_space<hbm>>) dst(%arg13 : memref<625x16xf32, #tpu.memory_space<vmem>>)
      tpu.yield
    }) : () -> ()
    "tpu.region"() ({
      %run_scoped3A_133 = tpu.sem_alloc : memref<!tpu.dma_semaphore, #tpu.memory_space<semaphore_mem>>
      %dma_start3A_134 = arith.constant 0 : i32
      %dma_start3A_135 = tpu.memref_slice %arg3[%mul3A_2, %dma_start3A_134] : memref<10016x16xf32, #tpu.memory_space<hbm>> -> memref<625x16xf32, #tpu.memory_space<hbm>>
      %dma_start3A_136 = arith.constant 0 : i32
      %dma_start3A_137 = tpu.memref_slice %arg3[%mul3A_2, %dma_start3A_136] : memref<10016x16xf32, #tpu.memory_space<hbm>> -> memref<625x16xf32, #tpu.memory_space<hbm>>
      tpu.enqueue_dma source(%dma_start3A_137 : memref<625x16xf32, #tpu.memory_space<hbm>>) target(%arg14 : memref<625x16xf32, #tpu.memory_space<vmem>>) target_semaphore(%run_scoped3A_133 : memref<!tpu.dma_semaphore, #tpu.memory_space<semaphore_mem>>)
      %dma_wait3A = arith.constant 0 : i32
      %dma_wait3A_138 = tpu.memref_slice %arg3[%mul3A_2, %dma_wait3A] : memref<10016x16xf32, #tpu.memory_space<hbm>> -> memref<625x16xf32, #tpu.memory_space<hbm>>
      %dma_wait3A_139 = arith.constant 0 : i32
      %dma_wait3A_140 = tpu.memref_slice %arg3[%mul3A_2, %dma_wait3A_139] : memref<10016x16xf32, #tpu.memory_space<hbm>> -> memref<625x16xf32, #tpu.memory_space<hbm>>
      tpu.wait_dma2 semaphore(%run_scoped3A_133 : memref<!tpu.dma_semaphore, #tpu.memory_space<semaphore_mem>>) src(%dma_wait3A_140 : memref<625x16xf32, #tpu.memory_space<hbm>>) dst(%arg14 : memref<625x16xf32, #tpu.memory_space<vmem>>)
      tpu.yield
    }) : () -> ()
    "tpu.region"() ({
      %run_scoped3A_133 = tpu.sem_alloc : memref<!tpu.dma_semaphore, #tpu.memory_space<semaphore_mem>>
      %dma_start3A_134 = arith.constant 0 : i32
      %dma_start3A_135 = tpu.memref_slice %arg4[%mul3A_2, %dma_start3A_134] : memref<20480x16xf32, #tpu.memory_space<hbm>> -> memref<625x16xf32, #tpu.memory_space<hbm>>
      %dma_start3A_136 = arith.constant 0 : i32
      %dma_start3A_137 = tpu.memref_slice %arg4[%mul3A_2, %dma_start3A_136] : memref<20480x16xf32, #tpu.memory_space<hbm>> -> memref<625x16xf32, #tpu.memory_space<hbm>>
      tpu.enqueue_dma source(%dma_start3A_137 : memref<625x16xf32, #tpu.memory_space<hbm>>) target(%arg15 : memref<625x16xf32, #tpu.memory_space<vmem>>) target_semaphore(%run_scoped3A_133 : memref<!tpu.dma_semaphore, #tpu.memory_space<semaphore_mem>>)
      %dma_wait3A = arith.constant 0 : i32
      %dma_wait3A_138 = tpu.memref_slice %arg4[%mul3A_2, %dma_wait3A] : memref<20480x16xf32, #tpu.memory_space<hbm>> -> memref<625x16xf32, #tpu.memory_space<hbm>>
      %dma_wait3A_139 = arith.constant 0 : i32
      %dma_wait3A_140 = tpu.memref_slice %arg4[%mul3A_2, %dma_wait3A_139] : memref<20480x16xf32, #tpu.memory_space<hbm>> -> memref<625x16xf32, #tpu.memory_space<hbm>>
      tpu.wait_dma2 semaphore(%run_scoped3A_133 : memref<!tpu.dma_semaphore, #tpu.memory_space<semaphore_mem>>) src(%dma_wait3A_140 : memref<625x16xf32, #tpu.memory_space<hbm>>) dst(%arg15 : memref<625x16xf32, #tpu.memory_space<vmem>>)
      tpu.yield
    }) : () -> ()
    %add3A_3 = arith.constant 10240 : i32
    %add3A_4 = arith.addi %add3A_3, %mul3A_2 : i32
    "tpu.region"() ({
      %run_scoped3A_133 = tpu.sem_alloc : memref<!tpu.dma_semaphore, #tpu.memory_space<semaphore_mem>>
      %dma_start3A_134 = arith.constant 0 : i32
      %dma_start3A_135 = tpu.memref_slice %arg4[%add3A_4, %dma_start3A_134] : memref<20480x16xf32, #tpu.memory_space<hbm>> -> memref<625x16xf32, #tpu.memory_space<hbm>>
      %dma_start3A_136 = arith.constant 0 : i32
      %dma_start3A_137 = tpu.memref_slice %arg4[%add3A_4, %dma_start3A_136] : memref<20480x16xf32, #tpu.memory_space<hbm>> -> memref<625x16xf32, #tpu.memory_space<hbm>>
      tpu.enqueue_dma source(%dma_start3A_137 : memref<625x16xf32, #tpu.memory_space<hbm>>) target(%arg16 : memref<625x16xf32, #tpu.memory_space<vmem>>) target_semaphore(%run_scoped3A_133 : memref<!tpu.dma_semaphore, #tpu.memory_space<semaphore_mem>>)
      %dma_wait3A = arith.constant 0 : i32
      %dma_wait3A_138 = tpu.memref_slice %arg4[%add3A_4, %dma_wait3A] : memref<20480x16xf32, #tpu.memory_space<hbm>> -> memref<625x16xf32, #tpu.memory_space<hbm>>
      %dma_wait3A_139 = arith.constant 0 : i32
      %dma_wait3A_140 = tpu.memref_slice %arg4[%add3A_4, %dma_wait3A_139] : memref<20480x16xf32, #tpu.memory_space<hbm>> -> memref<625x16xf32, #tpu.memory_space<hbm>>
      tpu.wait_dma2 semaphore(%run_scoped3A_133 : memref<!tpu.dma_semaphore, #tpu.memory_space<semaphore_mem>>) src(%dma_wait3A_140 : memref<625x16xf32, #tpu.memory_space<hbm>>) dst(%arg16 : memref<625x16xf32, #tpu.memory_space<vmem>>)
      tpu.yield
    }) : () -> ()
    %parallel_loop3A = arith.constant 0 : i32
    %parallel_loop3A_5 = arith.constant 625 : i32
    %parallel_loop3A_6 = arith.constant 1 : i32
    scf.for %parallel_loop3A_133 = %parallel_loop3A to %parallel_loop3A_5 step %parallel_loop3A_6  : i32 {
      %parallel_loop3A_134 = arith.index_cast %parallel_loop3A_133 : i32 to index
      %parallel_loop3A_135 = arith.constant 0 : index
      %parallel_loop3A_136 = tpu.vector_load %arg14[%parallel_loop3A_134, %parallel_loop3A_135] {strides = array<i32>} : memref<625x16xf32, #tpu.memory_space<vmem>>, vector<16xf32>,
      %parallel_loop3A_137 = arith.mulf %parallel_loop3A_136, %parallel_loop3A_136 : vector<16xf32>
      %parallel_loop3A_138 = arith.index_cast %parallel_loop3A_133 : i32 to index
      %parallel_loop3A_139 = arith.constant 0 : index
      %parallel_loop3A_140 = tpu.vector_load %arg15[%parallel_loop3A_138, %parallel_loop3A_139] {strides = array<i32>} : memref<625x16xf32, #tpu.memory_space<vmem>>, vector<16xf32>,
      %parallel_loop3A_141 = arith.index_cast %parallel_loop3A_133 : i32 to index
      %parallel_loop3A_142 = arith.constant 0 : index
      %parallel_loop3A_143 = tpu.vector_load %arg16[%parallel_loop3A_141, %parallel_loop3A_142] {strides = array<i32>} : memref<625x16xf32, #tpu.memory_space<vmem>>, vector<16xf32>,
      %parallel_loop3A_144 = arith.addf %parallel_loop3A_140, %parallel_loop3A_143 : vector<16xf32>
      %parallel_loop3A_145 = arith.index_cast %parallel_loop3A_133 : i32 to index
      %parallel_loop3A_146 = arith.constant 0 : index
      %parallel_loop3A_147 = tpu.vector_load %arg13[%parallel_loop3A_145, %parallel_loop3A_146] {strides = array<i32>} : memref<625x16xf32, #tpu.memory_space<vmem>>, vector<16xf32>,
      %parallel_loop3A_148 = arith.addf %parallel_loop3A_144, %parallel_loop3A_147 : vector<16xf32>
      %parallel_loop3A_149 = arith.mulf %parallel_loop3A_137, %parallel_loop3A_148 : vector<16xf32>
      %parallel_loop3A_150 = arith.index_cast %parallel_loop3A_133 : i32 to index
      %parallel_loop3A_151 = arith.constant 0 : index
      %parallel_loop3A_152 = tpu.vector_load %arg13[%parallel_loop3A_150, %parallel_loop3A_151] {strides = array<i32>} : memref<625x16xf32, #tpu.memory_space<vmem>>, vector<16xf32>,
      tpu.vector_store %arg13[%parallel_loop3A_150, %parallel_loop3A_151], %parallel_loop3A_149 {strides = array<i32>} : memref<625x16xf32, #tpu.memory_space<vmem>>, vector<16xf32>,
    } {sc.loop_unroll_factor = 4 : i64, sc.parallel_access}
    "tpu.region"() ({
      %run_scoped3A_133 = tpu.sem_alloc : memref<!tpu.dma_semaphore, #tpu.memory_space<semaphore_mem>>
      %dma_start3A_134 = arith.constant 0 : i32
      %dma_start3A_135 = tpu.memref_slice %arg20[%mul3A_2, %dma_start3A_134] : memref<10000x16xf32, #tpu.memory_space<vmem_shared>> -> memref<625x16xf32, #tpu.memory_space<vmem_shared>>
      %dma_start3A_136 = arith.constant 0 : i32
      %dma_start3A_137 = tpu.memref_slice %arg20[%mul3A_2, %dma_start3A_136] : memref<10000x16xf32, #tpu.memory_space<vmem_shared>> -> memref<625x16xf32, #tpu.memory_space<vmem_shared>>
      tpu.enqueue_dma source(%arg13 : memref<625x16xf32, #tpu.memory_space<vmem>>) target(%dma_start3A_137 : memref<625x16xf32, #tpu.memory_space<vmem_shared>>) target_semaphore(%run_scoped3A_133 : memref<!tpu.dma_semaphore, #tpu.memory_space<semaphore_mem>>)
      %dma_wait3A = arith.constant 0 : i32
      %dma_wait3A_138 = tpu.memref_slice %arg20[%mul3A_2, %dma_wait3A] : memref<10000x16xf32, #tpu.memory_space<vmem_shared>> -> memref<625x16xf32, #tpu.memory_space<vmem_shared>>
      %dma_wait3A_139 = arith.constant 0 : i32
      %dma_wait3A_140 = tpu.memref_slice %arg20[%mul3A_2, %dma_wait3A_139] : memref<10000x16xf32, #tpu.memory_space<vmem_shared>> -> memref<625x16xf32, #tpu.memory_space<vmem_shared>>
      tpu.wait_dma2 semaphore(%run_scoped3A_133 : memref<!tpu.dma_semaphore, #tpu.memory_space<semaphore_mem>>) src(%arg13 : memref<625x16xf32, #tpu.memory_space<vmem>>) dst(%dma_wait3A_140 : memref<625x16xf32, #tpu.memory_space<vmem_shared>>)
      tpu.yield
    }) : () -> ()
    %eq3A = arith.constant 0 : i32
    %eq3A_7 = arith.cmpi eq, %arg0, %eq3A : i32
    %convert_element_type3A = arith.extui %eq3A_7 : i1 to i32
    %cond3A = arith.constant 0 : i32
    %cond3A_8 = arith.cmpi ne, %convert_element_type3A, %cond3A : i32
    scf.if %cond3A_8 {
      "tpu.region"() ({
        %run_scoped3A_133 = tpu.sem_alloc : memref<!tpu.dma_semaphore, #tpu.memory_space<semaphore_mem>>
        %dma_start3A_134 = arith.constant 0 : i32
        %dma_start3A_135 = tpu.memref_slice %arg9[%mul3A_2, %dma_start3A_134] : memref<10016x16xf32, #tpu.memory_space<hbm>> -> memref<625x16xf32, #tpu.memory_space<hbm>>
        %dma_start3A_136 = arith.constant 0 : i32
        %dma_start3A_137 = tpu.memref_slice %arg9[%mul3A_2, %dma_start3A_136] : memref<10016x16xf32, #tpu.memory_space<hbm>> -> memref<625x16xf32, #tpu.memory_space<hbm>>
        tpu.enqueue_dma source(%arg13 : memref<625x16xf32, #tpu.memory_space<vmem>>) target(%dma_start3A_137 : memref<625x16xf32, #tpu.memory_space<hbm>>) target_semaphore(%run_scoped3A_133 : memref<!tpu.dma_semaphore, #tpu.memory_space<semaphore_mem>>)
        %dma_wait3A = arith.constant 0 : i32
        %dma_wait3A_138 = tpu.memref_slice %arg9[%mul3A_2, %dma_wait3A] : memref<10016x16xf32, #tpu.memory_space<hbm>> -> memref<625x16xf32, #tpu.memory_space<hbm>>
        %dma_wait3A_139 = arith.constant 0 : i32
        %dma_wait3A_140 = tpu.memref_slice %arg9[%mul3A_2, %dma_wait3A_139] : memref<10016x16xf32, #tpu.memory_space<hbm>> -> memref<625x16xf32, #tpu.memory_space<hbm>>
        tpu.wait_dma2 semaphore(%run_scoped3A_133 : memref<!tpu.dma_semaphore, #tpu.memory_space<semaphore_mem>>) src(%arg13 : memref<625x16xf32, #tpu.memory_space<vmem>>) dst(%dma_wait3A_140 : memref<625x16xf32, #tpu.memory_space<hbm>>)
        tpu.yield
      }) : () -> ()
    } else {
    }
    %run_scoped3A = arith.constant 0 : i32
    "tpu.region"() ({
      %run_scoped3A_133 = tpu.sem_alloc : memref<!tpu.dma_semaphore, #tpu.memory_space<semaphore_mem>>
      %dma_start3A_134 = arith.constant 0 : i32
      %dma_start3A_135 = arith.constant 0 : i32
      %dma_start3A_136 = tpu.memref_slice %arg12[%run_scoped3A, %dma_start3A_134, %dma_start3A_135] : memref<8x128x16xf32, #tpu.memory_space<vmem>> -> memref<1x128x16xf32, #tpu.memory_space<vmem>>
      %dma_start3A_137 = tpu.memref_squeeze %dma_start3A_136 : memref<1x128x16xf32, #tpu.memory_space<vmem>> -> memref<128x16xf32, #tpu.memory_space<vmem>>
      %dma_start3A_138 = arith.constant 0 : i32
      %dma_start3A_139 = arith.constant 0 : i32
      %dma_start3A_140 = tpu.memref_slice %arg12[%run_scoped3A, %dma_start3A_138, %dma_start3A_139] : memref<8x128x16xf32, #tpu.memory_space<vmem>> -> memref<1x128x16xf32, #tpu.memory_space<vmem>>
      %dma_start3A_141 = tpu.memref_squeeze %dma_start3A_140 : memref<1x128x16xf32, #tpu.memory_space<vmem>> -> memref<128x16xf32, #tpu.memory_space<vmem>>
      tpu.enqueue_dma source(%arg7 : memref<128x16xf32, #tpu.memory_space<hbm>>) target(%dma_start3A_141 : memref<128x16xf32, #tpu.memory_space<vmem>>) target_semaphore(%run_scoped3A_133 : memref<!tpu.dma_semaphore, #tpu.memory_space<semaphore_mem>>)
      %dma_wait3A = arith.constant 0 : i32
      %dma_wait3A_142 = arith.constant 0 : i32
      %dma_wait3A_143 = tpu.memref_slice %arg12[%run_scoped3A, %dma_wait3A, %dma_wait3A_142] : memref<8x128x16xf32, #tpu.memory_space<vmem>> -> memref<1x128x16xf32, #tpu.memory_space<vmem>>
      %dma_wait3A_144 = tpu.memref_squeeze %dma_wait3A_143 : memref<1x128x16xf32, #tpu.memory_space<vmem>> -> memref<128x16xf32, #tpu.memory_space<vmem>>
      %dma_wait3A_145 = arith.constant 0 : i32
      %dma_wait3A_146 = arith.constant 0 : i32
      %dma_wait3A_147 = tpu.memref_slice %arg12[%run_scoped3A, %dma_wait3A_145, %dma_wait3A_146] : memref<8x128x16xf32, #tpu.memory_space<vmem>> -> memref<1x128x16xf32, #tpu.memory_space<vmem>>
      %dma_wait3A_148 = tpu.memref_squeeze %dma_wait3A_147 : memref<1x128x16xf32, #tpu.memory_space<vmem>> -> memref<128x16xf32, #tpu.memory_space<vmem>>
      tpu.wait_dma2 semaphore(%run_scoped3A_133 : memref<!tpu.dma_semaphore, #tpu.memory_space<semaphore_mem>>) src(%arg7 : memref<128x16xf32, #tpu.memory_space<hbm>>) dst(%dma_wait3A_148 : memref<128x16xf32, #tpu.memory_space<vmem>>)
      tpu.yield
    }) : () -> ()
    %mul3A_9 = arith.constant 640 : i32
    %mul3A_10 = arith.muli %arg1, %mul3A_9 : i32
    %add3A_11 = arith.constant 0 : i32
    %add3A_12 = arith.addi %mul3A_10, %add3A_11 : i32
    %run_scoped3A_13 = arith.constant 0 : i32
    "tpu.region"() ({
      %run_scoped3A_133 = tpu.sem_alloc : memref<!tpu.dma_semaphore, #tpu.memory_space<semaphore_mem>>
      %dma_start3A_134 = arith.constant 0 : i32
      %dma_start3A_135 = arith.constant 0 : i32
      %dma_start3A_136 = tpu.memref_slice %arg12[%run_scoped3A_13, %dma_start3A_134, %dma_start3A_135] : memref<8x128x16xf32, #tpu.memory_space<vmem>> -> memref<1x128x16xf32, #tpu.memory_space<vmem>>
      %dma_start3A_137 = tpu.memref_squeeze %dma_start3A_136 : memref<1x128x16xf32, #tpu.memory_space<vmem>> -> memref<128x16xf32, #tpu.memory_space<vmem>>
      %dma_start3A_138 = arith.constant 0 : i32
      %dma_start3A_139 = tpu.memref_slice %arg19[%add3A_12, %dma_start3A_138] : memref<10240x16xf32, #tpu.memory_space<vmem_shared>> -> memref<128x16xf32, #tpu.memory_space<vmem_shared>>
      %dma_start3A_140 = arith.constant 0 : i32
      %dma_start3A_141 = tpu.memref_slice %arg19[%add3A_12, %dma_start3A_140] : memref<10240x16xf32, #tpu.memory_space<vmem_shared>> -> memref<128x16xf32, #tpu.memory_space<vmem_shared>>
      %dma_start3A_142 = arith.constant 0 : i32
      %dma_start3A_143 = arith.constant 0 : i32
      %dma_start3A_144 = tpu.memref_slice %arg12[%run_scoped3A_13, %dma_start3A_142, %dma_start3A_143] : memref<8x128x16xf32, #tpu.memory_space<vmem>> -> memref<1x128x16xf32, #tpu.memory_space<vmem>>
      %dma_start3A_145 = tpu.memref_squeeze %dma_start3A_144 : memref<1x128x16xf32, #tpu.memory_space<vmem>> -> memref<128x16xf32, #tpu.memory_space<vmem>>
      tpu.enqueue_dma source(%dma_start3A_145 : memref<128x16xf32, #tpu.memory_space<vmem>>) target(%dma_start3A_141 : memref<128x16xf32, #tpu.memory_space<vmem_shared>>) target_semaphore(%run_scoped3A_133 : memref<!tpu.dma_semaphore, #tpu.memory_space<semaphore_mem>>)
      %dma_wait3A = arith.constant 0 : i32
      %dma_wait3A_146 = arith.constant 0 : i32
      %dma_wait3A_147 = tpu.memref_slice %arg12[%run_scoped3A_13, %dma_wait3A, %dma_wait3A_146] : memref<8x128x16xf32, #tpu.memory_space<vmem>> -> memref<1x128x16xf32, #tpu.memory_space<vmem>>
      %dma_wait3A_148 = tpu.memref_squeeze %dma_wait3A_147 : memref<1x128x16xf32, #tpu.memory_space<vmem>> -> memref<128x16xf32, #tpu.memory_space<vmem>>
      %dma_wait3A_149 = arith.constant 0 : i32
      %dma_wait3A_150 = tpu.memref_slice %arg19[%add3A_12, %dma_wait3A_149] : memref<10240x16xf32, #tpu.memory_space<vmem_shared>> -> memref<128x16xf32, #tpu.memory_space<vmem_shared>>
      %dma_wait3A_151 = arith.constant 0 : i32
      %dma_wait3A_152 = tpu.memref_slice %arg19[%add3A_12, %dma_wait3A_151] : memref<10240x16xf32, #tpu.memory_space<vmem_shared>> -> memref<128x16xf32, #tpu.memory_space<vmem_shared>>
      %dma_wait3A_153 = arith.constant 0 : i32
      %dma_wait3A_154 = arith.constant 0 : i32
      %dma_wait3A_155 = tpu.memref_slice %arg12[%run_scoped3A_13, %dma_wait3A_153, %dma_wait3A_154] : memref<8x128x16xf32, #tpu.memory_space<vmem>> -> memref<1x128x16xf32, #tpu.memory_space<vmem>>
      %dma_wait3A_156 = tpu.memref_squeeze %dma_wait3A_155 : memref<1x128x16xf32, #tpu.memory_space<vmem>> -> memref<128x16xf32, #tpu.memory_space<vmem>>
      tpu.wait_dma2 semaphore(%run_scoped3A_133 : memref<!tpu.dma_semaphore, #tpu.memory_space<semaphore_mem>>) src(%dma_wait3A_156 : memref<128x16xf32, #tpu.memory_space<vmem>>) dst(%dma_wait3A_152 : memref<128x16xf32, #tpu.memory_space<vmem_shared>>)
      tpu.yield
    }) : () -> ()
    %mul3A_14 = arith.constant 640 : i32
    %mul3A_15 = arith.muli %arg1, %mul3A_14 : i32
    %add3A_16 = arith.constant 128 : i32
    %add3A_17 = arith.addi %mul3A_15, %add3A_16 : i32
    %run_scoped3A_18 = arith.constant 0 : i32
    "tpu.region"() ({
      %run_scoped3A_133 = tpu.sem_alloc : memref<!tpu.dma_semaphore, #tpu.memory_space<semaphore_mem>>
      %dma_start3A_134 = arith.constant 0 : i32
      %dma_start3A_135 = arith.constant 0 : i32
      %dma_start3A_136 = tpu.memref_slice %arg12[%run_scoped3A_18, %dma_start3A_134, %dma_start3A_135] : memref<8x128x16xf32, #tpu.memory_space<vmem>> -> memref<1x128x16xf32, #tpu.memory_space<vmem>>
      %dma_start3A_137 = tpu.memref_squeeze %dma_start3A_136 : memref<1x128x16xf32, #tpu.memory_space<vmem>> -> memref<128x16xf32, #tpu.memory_space<vmem>>
      %dma_start3A_138 = arith.constant 0 : i32
      %dma_start3A_139 = tpu.memref_slice %arg19[%add3A_17, %dma_start3A_138] : memref<10240x16xf32, #tpu.memory_space<vmem_shared>> -> memref<128x16xf32, #tpu.memory_space<vmem_shared>>
      %dma_start3A_140 = arith.constant 0 : i32
      %dma_start3A_141 = tpu.memref_slice %arg19[%add3A_17, %dma_start3A_140] : memref<10240x16xf32, #tpu.memory_space<vmem_shared>> -> memref<128x16xf32, #tpu.memory_space<vmem_shared>>
      %dma_start3A_142 = arith.constant 0 : i32
      %dma_start3A_143 = arith.constant 0 : i32
      %dma_start3A_144 = tpu.memref_slice %arg12[%run_scoped3A_18, %dma_start3A_142, %dma_start3A_143] : memref<8x128x16xf32, #tpu.memory_space<vmem>> -> memref<1x128x16xf32, #tpu.memory_space<vmem>>
      %dma_start3A_145 = tpu.memref_squeeze %dma_start3A_144 : memref<1x128x16xf32, #tpu.memory_space<vmem>> -> memref<128x16xf32, #tpu.memory_space<vmem>>
      tpu.enqueue_dma source(%dma_start3A_145 : memref<128x16xf32, #tpu.memory_space<vmem>>) target(%dma_start3A_141 : memref<128x16xf32, #tpu.memory_space<vmem_shared>>) target_semaphore(%run_scoped3A_133 : memref<!tpu.dma_semaphore, #tpu.memory_space<semaphore_mem>>)
      %dma_wait3A = arith.constant 0 : i32
      %dma_wait3A_146 = arith.constant 0 : i32
      %dma_wait3A_147 = tpu.memref_slice %arg12[%run_scoped3A_18, %dma_wait3A, %dma_wait3A_146] : memref<8x128x16xf32, #tpu.memory_space<vmem>> -> memref<1x128x16xf32, #tpu.memory_space<vmem>>
      %dma_wait3A_148 = tpu.memref_squeeze %dma_wait3A_147 : memref<1x128x16xf32, #tpu.memory_space<vmem>> -> memref<128x16xf32, #tpu.memory_space<vmem>>
      %dma_wait3A_149 = arith.constant 0 : i32
      %dma_wait3A_150 = tpu.memref_slice %arg19[%add3A_17, %dma_wait3A_149] : memref<10240x16xf32, #tpu.memory_space<vmem_shared>> -> memref<128x16xf32, #tpu.memory_space<vmem_shared>>
      %dma_wait3A_151 = arith.constant 0 : i32
      %dma_wait3A_152 = tpu.memref_slice %arg19[%add3A_17, %dma_wait3A_151] : memref<10240x16xf32, #tpu.memory_space<vmem_shared>> -> memref<128x16xf32, #tpu.memory_space<vmem_shared>>
      %dma_wait3A_153 = arith.constant 0 : i32
      %dma_wait3A_154 = arith.constant 0 : i32
      %dma_wait3A_155 = tpu.memref_slice %arg12[%run_scoped3A_18, %dma_wait3A_153, %dma_wait3A_154] : memref<8x128x16xf32, #tpu.memory_space<vmem>> -> memref<1x128x16xf32, #tpu.memory_space<vmem>>
      %dma_wait3A_156 = tpu.memref_squeeze %dma_wait3A_155 : memref<1x128x16xf32, #tpu.memory_space<vmem>> -> memref<128x16xf32, #tpu.memory_space<vmem>>
      tpu.wait_dma2 semaphore(%run_scoped3A_133 : memref<!tpu.dma_semaphore, #tpu.memory_space<semaphore_mem>>) src(%dma_wait3A_156 : memref<128x16xf32, #tpu.memory_space<vmem>>) dst(%dma_wait3A_152 : memref<128x16xf32, #tpu.memory_space<vmem_shared>>)
      tpu.yield
    }) : () -> ()
    %mul3A_19 = arith.constant 640 : i32
    %mul3A_20 = arith.muli %arg1, %mul3A_19 : i32
    %add3A_21 = arith.constant 256 : i32
    %add3A_22 = arith.addi %mul3A_20, %add3A_21 : i32
    %run_scoped3A_23 = arith.constant 0 : i32
    "tpu.region"() ({
      %run_scoped3A_133 = tpu.sem_alloc : memref<!tpu.dma_semaphore, #tpu.memory_space<semaphore_mem>>
      %dma_start3A_134 = arith.constant 0 : i32
      %dma_start3A_135 = arith.constant 0 : i32
      %dma_start3A_136 = tpu.memref_slice %arg12[%run_scoped3A_23, %dma_start3A_134, %dma_start3A_135] : memref<8x128x16xf32, #tpu.memory_space<vmem>> -> memref<1x128x16xf32, #tpu.memory_space<vmem>>
      %dma_start3A_137 = tpu.memref_squeeze %dma_start3A_136 : memref<1x128x16xf32, #tpu.memory_space<vmem>> -> memref<128x16xf32, #tpu.memory_space<vmem>>
      %dma_start3A_138 = arith.constant 0 : i32
      %dma_start3A_139 = tpu.memref_slice %arg19[%add3A_22, %dma_start3A_138] : memref<10240x16xf32, #tpu.memory_space<vmem_shared>> -> memref<128x16xf32, #tpu.memory_space<vmem_shared>>
      %dma_start3A_140 = arith.constant 0 : i32
      %dma_start3A_141 = tpu.memref_slice %arg19[%add3A_22, %dma_start3A_140] : memref<10240x16xf32, #tpu.memory_space<vmem_shared>> -> memref<128x16xf32, #tpu.memory_space<vmem_shared>>
      %dma_start3A_142 = arith.constant 0 : i32
      %dma_start3A_143 = arith.constant 0 : i32
      %dma_start3A_144 = tpu.memref_slice %arg12[%run_scoped3A_23, %dma_start3A_142, %dma_start3A_143] : memref<8x128x16xf32, #tpu.memory_space<vmem>> -> memref<1x128x16xf32, #tpu.memory_space<vmem>>
      %dma_start3A_145 = tpu.memref_squeeze %dma_start3A_144 : memref<1x128x16xf32, #tpu.memory_space<vmem>> -> memref<128x16xf32, #tpu.memory_space<vmem>>
      tpu.enqueue_dma source(%dma_start3A_145 : memref<128x16xf32, #tpu.memory_space<vmem>>) target(%dma_start3A_141 : memref<128x16xf32, #tpu.memory_space<vmem_shared>>) target_semaphore(%run_scoped3A_133 : memref<!tpu.dma_semaphore, #tpu.memory_space<semaphore_mem>>)
      %dma_wait3A = arith.constant 0 : i32
      %dma_wait3A_146 = arith.constant 0 : i32
      %dma_wait3A_147 = tpu.memref_slice %arg12[%run_scoped3A_23, %dma_wait3A, %dma_wait3A_146] : memref<8x128x16xf32, #tpu.memory_space<vmem>> -> memref<1x128x16xf32, #tpu.memory_space<vmem>>
      %dma_wait3A_148 = tpu.memref_squeeze %dma_wait3A_147 : memref<1x128x16xf32, #tpu.memory_space<vmem>> -> memref<128x16xf32, #tpu.memory_space<vmem>>
      %dma_wait3A_149 = arith.constant 0 : i32
      %dma_wait3A_150 = tpu.memref_slice %arg19[%add3A_22, %dma_wait3A_149] : memref<10240x16xf32, #tpu.memory_space<vmem_shared>> -> memref<128x16xf32, #tpu.memory_space<vmem_shared>>
      %dma_wait3A_151 = arith.constant 0 : i32
      %dma_wait3A_152 = tpu.memref_slice %arg19[%add3A_22, %dma_wait3A_151] : memref<10240x16xf32, #tpu.memory_space<vmem_shared>> -> memref<128x16xf32, #tpu.memory_space<vmem_shared>>
      %dma_wait3A_153 = arith.constant 0 : i32
      %dma_wait3A_154 = arith.constant 0 : i32
      %dma_wait3A_155 = tpu.memref_slice %arg12[%run_scoped3A_23, %dma_wait3A_153, %dma_wait3A_154] : memref<8x128x16xf32, #tpu.memory_space<vmem>> -> memref<1x128x16xf32, #tpu.memory_space<vmem>>
      %dma_wait3A_156 = tpu.memref_squeeze %dma_wait3A_155 : memref<1x128x16xf32, #tpu.memory_space<vmem>> -> memref<128x16xf32, #tpu.memory_space<vmem>>
      tpu.wait_dma2 semaphore(%run_scoped3A_133 : memref<!tpu.dma_semaphore, #tpu.memory_space<semaphore_mem>>) src(%dma_wait3A_156 : memref<128x16xf32, #tpu.memory_space<vmem>>) dst(%dma_wait3A_152 : memref<128x16xf32, #tpu.memory_space<vmem_shared>>)
      tpu.yield
    }) : () -> ()
    %mul3A_24 = arith.constant 640 : i32
    %mul3A_25 = arith.muli %arg1, %mul3A_24 : i32
    %add3A_26 = arith.constant 384 : i32
    %add3A_27 = arith.addi %mul3A_25, %add3A_26 : i32
    %run_scoped3A_28 = arith.constant 0 : i32
    "tpu.region"() ({
      %run_scoped3A_133 = tpu.sem_alloc : memref<!tpu.dma_semaphore, #tpu.memory_space<semaphore_mem>>
      %dma_start3A_134 = arith.constant 0 : i32
      %dma_start3A_135 = arith.constant 0 : i32
      %dma_start3A_136 = tpu.memref_slice %arg12[%run_scoped3A_28, %dma_start3A_134, %dma_start3A_135] : memref<8x128x16xf32, #tpu.memory_space<vmem>> -> memref<1x128x16xf32, #tpu.memory_space<vmem>>
      %dma_start3A_137 = tpu.memref_squeeze %dma_start3A_136 : memref<1x128x16xf32, #tpu.memory_space<vmem>> -> memref<128x16xf32, #tpu.memory_space<vmem>>
      %dma_start3A_138 = arith.constant 0 : i32
      %dma_start3A_139 = tpu.memref_slice %arg19[%add3A_27, %dma_start3A_138] : memref<10240x16xf32, #tpu.memory_space<vmem_shared>> -> memref<128x16xf32, #tpu.memory_space<vmem_shared>>
      %dma_start3A_140 = arith.constant 0 : i32
      %dma_start3A_141 = tpu.memref_slice %arg19[%add3A_27, %dma_start3A_140] : memref<10240x16xf32, #tpu.memory_space<vmem_shared>> -> memref<128x16xf32, #tpu.memory_space<vmem_shared>>
      %dma_start3A_142 = arith.constant 0 : i32
      %dma_start3A_143 = arith.constant 0 : i32
      %dma_start3A_144 = tpu.memref_slice %arg12[%run_scoped3A_28, %dma_start3A_142, %dma_start3A_143] : memref<8x128x16xf32, #tpu.memory_space<vmem>> -> memref<1x128x16xf32, #tpu.memory_space<vmem>>
      %dma_start3A_145 = tpu.memref_squeeze %dma_start3A_144 : memref<1x128x16xf32, #tpu.memory_space<vmem>> -> memref<128x16xf32, #tpu.memory_space<vmem>>
      tpu.enqueue_dma source(%dma_start3A_145 : memref<128x16xf32, #tpu.memory_space<vmem>>) target(%dma_start3A_141 : memref<128x16xf32, #tpu.memory_space<vmem_shared>>) target_semaphore(%run_scoped3A_133 : memref<!tpu.dma_semaphore, #tpu.memory_space<semaphore_mem>>)
      %dma_wait3A = arith.constant 0 : i32
      %dma_wait3A_146 = arith.constant 0 : i32
      %dma_wait3A_147 = tpu.memref_slice %arg12[%run_scoped3A_28, %dma_wait3A, %dma_wait3A_146] : memref<8x128x16xf32, #tpu.memory_space<vmem>> -> memref<1x128x16xf32, #tpu.memory_space<vmem>>
      %dma_wait3A_148 = tpu.memref_squeeze %dma_wait3A_147 : memref<1x128x16xf32, #tpu.memory_space<vmem>> -> memref<128x16xf32, #tpu.memory_space<vmem>>
      %dma_wait3A_149 = arith.constant 0 : i32
      %dma_wait3A_150 = tpu.memref_slice %arg19[%add3A_27, %dma_wait3A_149] : memref<10240x16xf32, #tpu.memory_space<vmem_shared>> -> memref<128x16xf32, #tpu.memory_space<vmem_shared>>
      %dma_wait3A_151 = arith.constant 0 : i32
      %dma_wait3A_152 = tpu.memref_slice %arg19[%add3A_27, %dma_wait3A_151] : memref<10240x16xf32, #tpu.memory_space<vmem_shared>> -> memref<128x16xf32, #tpu.memory_space<vmem_shared>>
      %dma_wait3A_153 = arith.constant 0 : i32
      %dma_wait3A_154 = arith.constant 0 : i32
      %dma_wait3A_155 = tpu.memref_slice %arg12[%run_scoped3A_28, %dma_wait3A_153, %dma_wait3A_154] : memref<8x128x16xf32, #tpu.memory_space<vmem>> -> memref<1x128x16xf32, #tpu.memory_space<vmem>>
      %dma_wait3A_156 = tpu.memref_squeeze %dma_wait3A_155 : memref<1x128x16xf32, #tpu.memory_space<vmem>> -> memref<128x16xf32, #tpu.memory_space<vmem>>
      tpu.wait_dma2 semaphore(%run_scoped3A_133 : memref<!tpu.dma_semaphore, #tpu.memory_space<semaphore_mem>>) src(%dma_wait3A_156 : memref<128x16xf32, #tpu.memory_space<vmem>>) dst(%dma_wait3A_152 : memref<128x16xf32, #tpu.memory_space<vmem_shared>>)
      tpu.yield
    }) : () -> ()
    %mul3A_29 = arith.constant 640 : i32
    %mul3A_30 = arith.muli %arg1, %mul3A_29 : i32
    %add3A_31 = arith.constant 512 : i32
    %add3A_32 = arith.addi %mul3A_30, %add3A_31 : i32
    %run_scoped3A_33 = arith.constant 0 : i32
    "tpu.region"() ({
      %run_scoped3A_133 = tpu.sem_alloc : memref<!tpu.dma_semaphore, #tpu.memory_space<semaphore_mem>>
      %dma_start3A_134 = arith.constant 0 : i32
      %dma_start3A_135 = arith.constant 0 : i32
      %dma_start3A_136 = tpu.memref_slice %arg12[%run_scoped3A_33, %dma_start3A_134, %dma_start3A_135] : memref<8x128x16xf32, #tpu.memory_space<vmem>> -> memref<1x128x16xf32, #tpu.memory_space<vmem>>
      %dma_start3A_137 = tpu.memref_squeeze %dma_start3A_136 : memref<1x128x16xf32, #tpu.memory_space<vmem>> -> memref<128x16xf32, #tpu.memory_space<vmem>>
      %dma_start3A_138 = arith.constant 0 : i32
      %dma_start3A_139 = tpu.memref_slice %arg19[%add3A_32, %dma_start3A_138] : memref<10240x16xf32, #tpu.memory_space<vmem_shared>> -> memref<128x16xf32, #tpu.memory_space<vmem_shared>>
      %dma_start3A_140 = arith.constant 0 : i32
      %dma_start3A_141 = tpu.memref_slice %arg19[%add3A_32, %dma_start3A_140] : memref<10240x16xf32, #tpu.memory_space<vmem_shared>> -> memref<128x16xf32, #tpu.memory_space<vmem_shared>>
      %dma_start3A_142 = arith.constant 0 : i32
      %dma_start3A_143 = arith.constant 0 : i32
      %dma_start3A_144 = tpu.memref_slice %arg12[%run_scoped3A_33, %dma_start3A_142, %dma_start3A_143] : memref<8x128x16xf32, #tpu.memory_space<vmem>> -> memref<1x128x16xf32, #tpu.memory_space<vmem>>
      %dma_start3A_145 = tpu.memref_squeeze %dma_start3A_144 : memref<1x128x16xf32, #tpu.memory_space<vmem>> -> memref<128x16xf32, #tpu.memory_space<vmem>>
      tpu.enqueue_dma source(%dma_start3A_145 : memref<128x16xf32, #tpu.memory_space<vmem>>) target(%dma_start3A_141 : memref<128x16xf32, #tpu.memory_space<vmem_shared>>) target_semaphore(%run_scoped3A_133 : memref<!tpu.dma_semaphore, #tpu.memory_space<semaphore_mem>>)
      %dma_wait3A = arith.constant 0 : i32
      %dma_wait3A_146 = arith.constant 0 : i32
      %dma_wait3A_147 = tpu.memref_slice %arg12[%run_scoped3A_33, %dma_wait3A, %dma_wait3A_146] : memref<8x128x16xf32, #tpu.memory_space<vmem>> -> memref<1x128x16xf32, #tpu.memory_space<vmem>>
      %dma_wait3A_148 = tpu.memref_squeeze %dma_wait3A_147 : memref<1x128x16xf32, #tpu.memory_space<vmem>> -> memref<128x16xf32, #tpu.memory_space<vmem>>
      %dma_wait3A_149 = arith.constant 0 : i32
      %dma_wait3A_150 = tpu.memref_slice %arg19[%add3A_32, %dma_wait3A_149] : memref<10240x16xf32, #tpu.memory_space<vmem_shared>> -> memref<128x16xf32, #tpu.memory_space<vmem_shared>>
      %dma_wait3A_151 = arith.constant 0 : i32
      %dma_wait3A_152 = tpu.memref_slice %arg19[%add3A_32, %dma_wait3A_151] : memref<10240x16xf32, #tpu.memory_space<vmem_shared>> -> memref<128x16xf32, #tpu.memory_space<vmem_shared>>
      %dma_wait3A_153 = arith.constant 0 : i32
      %dma_wait3A_154 = arith.constant 0 : i32
      %dma_wait3A_155 = tpu.memref_slice %arg12[%run_scoped3A_33, %dma_wait3A_153, %dma_wait3A_154] : memref<8x128x16xf32, #tpu.memory_space<vmem>> -> memref<1x128x16xf32, #tpu.memory_space<vmem>>
      %dma_wait3A_156 = tpu.memref_squeeze %dma_wait3A_155 : memref<1x128x16xf32, #tpu.memory_space<vmem>> -> memref<128x16xf32, #tpu.memory_space<vmem>>
      tpu.wait_dma2 semaphore(%run_scoped3A_133 : memref<!tpu.dma_semaphore, #tpu.memory_space<semaphore_mem>>) src(%dma_wait3A_156 : memref<128x16xf32, #tpu.memory_space<vmem>>) dst(%dma_wait3A_152 : memref<128x16xf32, #tpu.memory_space<vmem_shared>>)
      tpu.yield
    }) : () -> ()
    %lt3A = arith.constant 4 : i32
    %lt3A_34 = arith.cmpi slt, %add3A, %lt3A : i32
    %jit3A = arith.constant 79 : i32
    %jit3A_35 = arith.constant 78 : i32
    %select_n3A = arith.select %lt3A_34, %jit3A, %jit3A_35 : i32
    %lt3A_36 = arith.constant 4 : i32
    %lt3A_37 = arith.cmpi slt, %add3A, %lt3A_36 : i32
    %mul3A_38 = arith.constant 79 : i32
    %mul3A_39 = arith.muli %mul3A_38, %add3A : i32
    %sub3A = arith.constant 4 : i32
    %sub3A_40 = arith.subi %add3A, %sub3A : i32
    %mul3A_41 = arith.constant 78 : i32
    %mul3A_42 = arith.muli %mul3A_41, %sub3A_40 : i32
    %add3A_43 = arith.constant 316 : i32
    %add3A_44 = arith.addi %add3A_43, %mul3A_42 : i32
    %select_n3A_45 = arith.select %lt3A_37, %mul3A_39, %add3A_44 : i32
    %lt3A_46 = arith.constant 4 : i32
    %lt3A_47 = arith.cmpi slt, %add3A, %lt3A_46 : i32
    %convert_element_type3A_48 = arith.extui %lt3A_47 : i1 to i32
    %cond3A_49 = arith.constant 0 : i32
    %cond3A_50 = arith.cmpi ne, %convert_element_type3A_48, %cond3A_49 : i32
    scf.if %cond3A_50 {
      "tpu.region"() ({
        %run_scoped3A_133 = tpu.sem_alloc : memref<!tpu.dma_semaphore, #tpu.memory_space<semaphore_mem>>
        %dma_start3A_134 = arith.constant 0 : i32
        %dma_start3A_135 = tpu.memref_slice %arg5[%select_n3A_45, %dma_start3A_134] : memref<2500x128xi32, #tpu.memory_space<hbm>> -> memref<79x128xi32, #tpu.memory_space<hbm>>
        %dma_start3A_136 = arith.constant 0 : i32
        %dma_start3A_137 = tpu.memref_slice %arg5[%select_n3A_45, %dma_start3A_136] : memref<2500x128xi32, #tpu.memory_space<hbm>> -> memref<79x128xi32, #tpu.memory_space<hbm>>
        tpu.enqueue_dma source(%dma_start3A_137 : memref<79x128xi32, #tpu.memory_space<hbm>>) target(%arg10 : memref<79x128xi32, #tpu.memory_space<vmem>>) target_semaphore(%run_scoped3A_133 : memref<!tpu.dma_semaphore, #tpu.memory_space<semaphore_mem>>)
        %dma_wait3A = arith.constant 0 : i32
        %dma_wait3A_138 = tpu.memref_slice %arg5[%select_n3A_45, %dma_wait3A] : memref<2500x128xi32, #tpu.memory_space<hbm>> -> memref<79x128xi32, #tpu.memory_space<hbm>>
        %dma_wait3A_139 = arith.constant 0 : i32
        %dma_wait3A_140 = tpu.memref_slice %arg5[%select_n3A_45, %dma_wait3A_139] : memref<2500x128xi32, #tpu.memory_space<hbm>> -> memref<79x128xi32, #tpu.memory_space<hbm>>
        tpu.wait_dma2 semaphore(%run_scoped3A_133 : memref<!tpu.dma_semaphore, #tpu.memory_space<semaphore_mem>>) src(%dma_wait3A_140 : memref<79x128xi32, #tpu.memory_space<hbm>>) dst(%arg10 : memref<79x128xi32, #tpu.memory_space<vmem>>)
        tpu.yield
      }) : () -> ()
    } else {
    }
    %ge3A = arith.constant 4 : i32
    %ge3A_51 = arith.cmpi sge, %add3A, %ge3A : i32
    %convert_element_type3A_52 = arith.extui %ge3A_51 : i1 to i32
    %cond3A_53 = arith.constant 0 : i32
    %cond3A_54 = arith.cmpi ne, %convert_element_type3A_52, %cond3A_53 : i32
    scf.if %cond3A_54 {
      "tpu.region"() ({
        %run_scoped3A_133 = tpu.sem_alloc : memref<!tpu.dma_semaphore, #tpu.memory_space<semaphore_mem>>
        %dma_start3A_134 = arith.constant 0 : i32
        %dma_start3A_135 = arith.constant 0 : i32
        %dma_start3A_136 = tpu.memref_slice %arg10[%dma_start3A_134, %dma_start3A_135] : memref<79x128xi32, #tpu.memory_space<vmem>> -> memref<78x128xi32, #tpu.memory_space<vmem>>
        %dma_start3A_137 = arith.constant 0 : i32
        %dma_start3A_138 = tpu.memref_slice %arg5[%select_n3A_45, %dma_start3A_137] : memref<2500x128xi32, #tpu.memory_space<hbm>> -> memref<78x128xi32, #tpu.memory_space<hbm>>
        %dma_start3A_139 = arith.constant 0 : i32
        %dma_start3A_140 = arith.constant 0 : i32
        %dma_start3A_141 = tpu.memref_slice %arg10[%dma_start3A_139, %dma_start3A_140] : memref<79x128xi32, #tpu.memory_space<vmem>> -> memref<78x128xi32, #tpu.memory_space<vmem>>
        %dma_start3A_142 = arith.constant 0 : i32
        %dma_start3A_143 = tpu.memref_slice %arg5[%select_n3A_45, %dma_start3A_142] : memref<2500x128xi32, #tpu.memory_space<hbm>> -> memref<78x128xi32, #tpu.memory_space<hbm>>
        tpu.enqueue_dma source(%dma_start3A_143 : memref<78x128xi32, #tpu.memory_space<hbm>>) target(%dma_start3A_141 : memref<78x128xi32, #tpu.memory_space<vmem>>) target_semaphore(%run_scoped3A_133 : memref<!tpu.dma_semaphore, #tpu.memory_space<semaphore_mem>>)
        %dma_wait3A = arith.constant 0 : i32
        %dma_wait3A_144 = arith.constant 0 : i32
        %dma_wait3A_145 = tpu.memref_slice %arg10[%dma_wait3A, %dma_wait3A_144] : memref<79x128xi32, #tpu.memory_space<vmem>> -> memref<78x128xi32, #tpu.memory_space<vmem>>
        %dma_wait3A_146 = arith.constant 0 : i32
        %dma_wait3A_147 = tpu.memref_slice %arg5[%select_n3A_45, %dma_wait3A_146] : memref<2500x128xi32, #tpu.memory_space<hbm>> -> memref<78x128xi32, #tpu.memory_space<hbm>>
        %dma_wait3A_148 = arith.constant 0 : i32
        %dma_wait3A_149 = arith.constant 0 : i32
        %dma_wait3A_150 = tpu.memref_slice %arg10[%dma_wait3A_148, %dma_wait3A_149] : memref<79x128xi32, #tpu.memory_space<vmem>> -> memref<78x128xi32, #tpu.memory_space<vmem>>
        %dma_wait3A_151 = arith.constant 0 : i32
        %dma_wait3A_152 = tpu.memref_slice %arg5[%select_n3A_45, %dma_wait3A_151] : memref<2500x128xi32, #tpu.memory_space<hbm>> -> memref<78x128xi32, #tpu.memory_space<hbm>>
        tpu.wait_dma2 semaphore(%run_scoped3A_133 : memref<!tpu.dma_semaphore, #tpu.memory_space<semaphore_mem>>) src(%dma_wait3A_152 : memref<78x128xi32, #tpu.memory_space<hbm>>) dst(%dma_wait3A_150 : memref<78x128xi32, #tpu.memory_space<vmem>>)
        tpu.yield
      }) : () -> ()
    } else {
    }
    %lt3A_55 = arith.constant 4 : i32
    %lt3A_56 = arith.cmpi slt, %add3A, %lt3A_55 : i32
    %mul3A_57 = arith.constant 79 : i32
    %mul3A_58 = arith.muli %mul3A_57, %add3A : i32
    %sub3A_59 = arith.constant 4 : i32
    %sub3A_60 = arith.subi %add3A, %sub3A_59 : i32
    %mul3A_61 = arith.constant 78 : i32
    %mul3A_62 = arith.muli %mul3A_61, %sub3A_60 : i32
    %add3A_63 = arith.constant 316 : i32
    %add3A_64 = arith.addi %add3A_63, %mul3A_62 : i32
    %select_n3A_65 = arith.select %lt3A_56, %mul3A_58, %add3A_64 : i32
    %lt3A_66 = arith.constant 4 : i32
    %lt3A_67 = arith.cmpi slt, %add3A, %lt3A_66 : i32
    %convert_element_type3A_68 = arith.extui %lt3A_67 : i1 to i32
    %cond3A_69 = arith.constant 0 : i32
    %cond3A_70 = arith.cmpi ne, %convert_element_type3A_68, %cond3A_69 : i32
    scf.if %cond3A_70 {
      "tpu.region"() ({
        %run_scoped3A_133 = tpu.sem_alloc : memref<!tpu.dma_semaphore, #tpu.memory_space<semaphore_mem>>
        %dma_start3A_134 = arith.constant 0 : i32
        %dma_start3A_135 = tpu.memref_slice %arg6[%select_n3A_65, %dma_start3A_134] : memref<2500x128xi32, #tpu.memory_space<hbm>> -> memref<79x128xi32, #tpu.memory_space<hbm>>
        %dma_start3A_136 = arith.constant 0 : i32
        %dma_start3A_137 = tpu.memref_slice %arg6[%select_n3A_65, %dma_start3A_136] : memref<2500x128xi32, #tpu.memory_space<hbm>> -> memref<79x128xi32, #tpu.memory_space<hbm>>
        tpu.enqueue_dma source(%dma_start3A_137 : memref<79x128xi32, #tpu.memory_space<hbm>>) target(%arg11 : memref<79x128xi32, #tpu.memory_space<vmem>>) target_semaphore(%run_scoped3A_133 : memref<!tpu.dma_semaphore, #tpu.memory_space<semaphore_mem>>)
        %dma_wait3A = arith.constant 0 : i32
        %dma_wait3A_138 = tpu.memref_slice %arg6[%select_n3A_65, %dma_wait3A] : memref<2500x128xi32, #tpu.memory_space<hbm>> -> memref<79x128xi32, #tpu.memory_space<hbm>>
        %dma_wait3A_139 = arith.constant 0 : i32
        %dma_wait3A_140 = tpu.memref_slice %arg6[%select_n3A_65, %dma_wait3A_139] : memref<2500x128xi32, #tpu.memory_space<hbm>> -> memref<79x128xi32, #tpu.memory_space<hbm>>
        tpu.wait_dma2 semaphore(%run_scoped3A_133 : memref<!tpu.dma_semaphore, #tpu.memory_space<semaphore_mem>>) src(%dma_wait3A_140 : memref<79x128xi32, #tpu.memory_space<hbm>>) dst(%arg11 : memref<79x128xi32, #tpu.memory_space<vmem>>)
        tpu.yield
      }) : () -> ()
    } else {
    }
    %ge3A_71 = arith.constant 4 : i32
    %ge3A_72 = arith.cmpi sge, %add3A, %ge3A_71 : i32
    %convert_element_type3A_73 = arith.extui %ge3A_72 : i1 to i32
    %cond3A_74 = arith.constant 0 : i32
    %cond3A_75 = arith.cmpi ne, %convert_element_type3A_73, %cond3A_74 : i32
    scf.if %cond3A_75 {
      "tpu.region"() ({
        %run_scoped3A_133 = tpu.sem_alloc : memref<!tpu.dma_semaphore, #tpu.memory_space<semaphore_mem>>
        %dma_start3A_134 = arith.constant 0 : i32
        %dma_start3A_135 = arith.constant 0 : i32
        %dma_start3A_136 = tpu.memref_slice %arg11[%dma_start3A_134, %dma_start3A_135] : memref<79x128xi32, #tpu.memory_space<vmem>> -> memref<78x128xi32, #tpu.memory_space<vmem>>
        %dma_start3A_137 = arith.constant 0 : i32
        %dma_start3A_138 = tpu.memref_slice %arg6[%select_n3A_65, %dma_start3A_137] : memref<2500x128xi32, #tpu.memory_space<hbm>> -> memref<78x128xi32, #tpu.memory_space<hbm>>
        %dma_start3A_139 = arith.constant 0 : i32
        %dma_start3A_140 = arith.constant 0 : i32
        %dma_start3A_141 = tpu.memref_slice %arg11[%dma_start3A_139, %dma_start3A_140] : memref<79x128xi32, #tpu.memory_space<vmem>> -> memref<78x128xi32, #tpu.memory_space<vmem>>
        %dma_start3A_142 = arith.constant 0 : i32
        %dma_start3A_143 = tpu.memref_slice %arg6[%select_n3A_65, %dma_start3A_142] : memref<2500x128xi32, #tpu.memory_space<hbm>> -> memref<78x128xi32, #tpu.memory_space<hbm>>
        tpu.enqueue_dma source(%dma_start3A_143 : memref<78x128xi32, #tpu.memory_space<hbm>>) target(%dma_start3A_141 : memref<78x128xi32, #tpu.memory_space<vmem>>) target_semaphore(%run_scoped3A_133 : memref<!tpu.dma_semaphore, #tpu.memory_space<semaphore_mem>>)
        %dma_wait3A = arith.constant 0 : i32
        %dma_wait3A_144 = arith.constant 0 : i32
        %dma_wait3A_145 = tpu.memref_slice %arg11[%dma_wait3A, %dma_wait3A_144] : memref<79x128xi32, #tpu.memory_space<vmem>> -> memref<78x128xi32, #tpu.memory_space<vmem>>
        %dma_wait3A_146 = arith.constant 0 : i32
        %dma_wait3A_147 = tpu.memref_slice %arg6[%select_n3A_65, %dma_wait3A_146] : memref<2500x128xi32, #tpu.memory_space<hbm>> -> memref<78x128xi32, #tpu.memory_space<hbm>>
        %dma_wait3A_148 = arith.constant 0 : i32
        %dma_wait3A_149 = arith.constant 0 : i32
        %dma_wait3A_150 = tpu.memref_slice %arg11[%dma_wait3A_148, %dma_wait3A_149] : memref<79x128xi32, #tpu.memory_space<vmem>> -> memref<78x128xi32, #tpu.memory_space<vmem>>
        %dma_wait3A_151 = arith.constant 0 : i32
        %dma_wait3A_152 = tpu.memref_slice %arg6[%select_n3A_65, %dma_wait3A_151] : memref<2500x128xi32, #tpu.memory_space<hbm>> -> memref<78x128xi32, #tpu.memory_space<hbm>>
        tpu.wait_dma2 semaphore(%run_scoped3A_133 : memref<!tpu.dma_semaphore, #tpu.memory_space<semaphore_mem>>) src(%dma_wait3A_152 : memref<78x128xi32, #tpu.memory_space<hbm>>) dst(%dma_wait3A_150 : memref<78x128xi32, #tpu.memory_space<vmem>>)
        tpu.yield
      }) : () -> ()
    } else {
    }
    %barrier3A = arith.constant 0 : index
    tpu.barrier barrier_id(%barrier3A)
    %dma_start3A = arith.constant 0 : i32
    %dma_start3A_76 = arith.constant 0 : i32
    %dma_start3A_77 = arith.constant 0 : i32
    %dma_start3A_78 = arith.constant 0 : i32
    %dma_start3A_79 = tpu.memref_slice %arg12[%dma_start3A_76, %dma_start3A_77, %dma_start3A_78] : memref<8x128x16xf32, #tpu.memory_space<vmem>> -> memref<1x128x16xf32, #tpu.memory_space<vmem>>
    %dma_start3A_80 = tpu.memref_squeeze %dma_start3A_79 : memref<1x128x16xf32, #tpu.memory_space<vmem>> -> memref<128x16xf32, #tpu.memory_space<vmem>>
    %dma_start3A_81 = arith.constant 0 : i32
    %dma_start3A_82 = tpu.memref_slice %arg10[%dma_start3A, %dma_start3A_81] : memref<79x128xi32, #tpu.memory_space<vmem>> -> memref<1x128xi32, #tpu.memory_space<vmem>>
    %dma_start3A_83 = tpu.memref_squeeze %dma_start3A_82 : memref<1x128xi32, #tpu.memory_space<vmem>> -> memref<128xi32, #tpu.memory_space<vmem>>
    %dma_start3A_84 = arith.constant 0 : i32
    %dma_start3A_85 = arith.constant 0 : i32
    %dma_start3A_86 = tpu.memref_slice %arg20[%dma_start3A_84, %dma_start3A_85] : memref<10000x16xf32, #tpu.memory_space<vmem_shared>> -> memref<10000x16xf32, #tpu.memory_space<vmem_shared>>
    tpu.enqueue_indirect_dma source(%dma_start3A_86 : memref<10000x16xf32, #tpu.memory_space<vmem_shared>>) target(%dma_start3A_80 : memref<128x16xf32, #tpu.memory_space<vmem>>) offsets(%dma_start3A_83 : memref<128xi32, #tpu.memory_space<vmem>>) semaphore(%arg17 : memref<!tpu.dma_semaphore, #tpu.memory_space<semaphore_mem>>)
    %dma_start3A_87 = arith.constant 1 : i32
    %dma_start3A_88 = arith.constant 1 : i32
    %dma_start3A_89 = arith.constant 0 : i32
    %dma_start3A_90 = arith.constant 0 : i32
    %dma_start3A_91 = tpu.memref_slice %arg12[%dma_start3A_88, %dma_start3A_89, %dma_start3A_90] : memref<8x128x16xf32, #tpu.memory_space<vmem>> -> memref<1x128x16xf32, #tpu.memory_space<vmem>>
    %dma_start3A_92 = tpu.memref_squeeze %dma_start3A_91 : memref<1x128x16xf32, #tpu.memory_space<vmem>> -> memref<128x16xf32, #tpu.memory_space<vmem>>
    %dma_start3A_93 = arith.constant 0 : i32
    %dma_start3A_94 = tpu.memref_slice %arg10[%dma_start3A_87, %dma_start3A_93] : memref<79x128xi32, #tpu.memory_space<vmem>> -> memref<1x128xi32, #tpu.memory_space<vmem>>
    %dma_start3A_95 = tpu.memref_squeeze %dma_start3A_94 : memref<1x128xi32, #tpu.memory_space<vmem>> -> memref<128xi32, #tpu.memory_space<vmem>>
    %dma_start3A_96 = arith.constant 0 : i32
    %dma_start3A_97 = arith.constant 0 : i32
    %dma_start3A_98 = tpu.memref_slice %arg20[%dma_start3A_96, %dma_start3A_97] : memref<10000x16xf32, #tpu.memory_space<vmem_shared>> -> memref<10000x16xf32, #tpu.memory_space<vmem_shared>>
    tpu.enqueue_indirect_dma source(%dma_start3A_98 : memref<10000x16xf32, #tpu.memory_space<vmem_shared>>) target(%dma_start3A_92 : memref<128x16xf32, #tpu.memory_space<vmem>>) offsets(%dma_start3A_95 : memref<128xi32, #tpu.memory_space<vmem>>) semaphore(%arg17 : memref<!tpu.dma_semaphore, #tpu.memory_space<semaphore_mem>>)
    %dma_start3A_99 = arith.constant 2 : i32
    %dma_start3A_100 = arith.constant 2 : i32
    %dma_start3A_101 = arith.constant 0 : i32
    %dma_start3A_102 = arith.constant 0 : i32
    %dma_start3A_103 = tpu.memref_slice %arg12[%dma_start3A_100, %dma_start3A_101, %dma_start3A_102] : memref<8x128x16xf32, #tpu.memory_space<vmem>> -> memref<1x128x16xf32, #tpu.memory_space<vmem>>
    %dma_start3A_104 = tpu.memref_squeeze %dma_start3A_103 : memref<1x128x16xf32, #tpu.memory_space<vmem>> -> memref<128x16xf32, #tpu.memory_space<vmem>>
    %dma_start3A_105 = arith.constant 0 : i32
    %dma_start3A_106 = tpu.memref_slice %arg10[%dma_start3A_99, %dma_start3A_105] : memref<79x128xi32, #tpu.memory_space<vmem>> -> memref<1x128xi32, #tpu.memory_space<vmem>>
    %dma_start3A_107 = tpu.memref_squeeze %dma_start3A_106 : memref<1x128xi32, #tpu.memory_space<vmem>> -> memref<128xi32, #tpu.memory_space<vmem>>
    %dma_start3A_108 = arith.constant 0 : i32
    %dma_start3A_109 = arith.constant 0 : i32
    %dma_start3A_110 = tpu.memref_slice %arg20[%dma_start3A_108, %dma_start3A_109] : memref<10000x16xf32, #tpu.memory_space<vmem_shared>> -> memref<10000x16xf32, #tpu.memory_space<vmem_shared>>
    tpu.enqueue_indirect_dma source(%dma_start3A_110 : memref<10000x16xf32, #tpu.memory_space<vmem_shared>>) target(%dma_start3A_104 : memref<128x16xf32, #tpu.memory_space<vmem>>) offsets(%dma_start3A_107 : memref<128xi32, #tpu.memory_space<vmem>>) semaphore(%arg17 : memref<!tpu.dma_semaphore, #tpu.memory_space<semaphore_mem>>)
    %while3A = arith.constant 0 : i32
    %while3A_111 = arith.constant 0 : i32
    %while3A_112 = arith.subi %select_n3A, %while3A_111 : i32
    %while3A_113 = arith.addi %while3A_111, %while3A_112 : i32
    %while3A_114 = arith.constant 1 : i32
    %while3A_115 = arith.divsi %while3A_112, %while3A_114 : i32
    %while3A_116 = arith.muli %while3A_115, %while3A_114 : i32
    %while3A_117 = arith.addi %while3A_111, %while3A_116 : i32
    %while3A_118 = arith.constant 1 : i32
    scf.for %while3A_133 = %while3A_111 to %while3A_117 step %while3A_118  : i32 {
      %ge3A_134 = arith.constant 5 : i32
      %ge3A_135 = arith.cmpi sge, %while3A_133, %ge3A_134 : i32
      %convert_element_type3A_136 = arith.extui %ge3A_135 : i1 to i32
      %cond3A_137 = arith.constant 0 : i32
      %cond3A_138 = arith.cmpi ne, %convert_element_type3A_136, %cond3A_137 : i32
      scf.if %cond3A_138 {
        %dma_wait3A_164 = arith.constant 0 : i32
        %dma_wait3A_165 = arith.constant 0 : i32
        %dma_wait3A_166 = arith.constant 0 : i32
        %dma_wait3A_167 = tpu.memref_slice %arg12[%dma_wait3A_164, %dma_wait3A_165, %dma_wait3A_166] : memref<8x128x16xf32, #tpu.memory_space<vmem>> -> memref<1x128x16xf32, #tpu.memory_space<vmem>>
        %dma_wait3A_168 = tpu.memref_squeeze %dma_wait3A_167 : memref<1x128x16xf32, #tpu.memory_space<vmem>> -> memref<128x16xf32, #tpu.memory_space<vmem>>
        %dma_wait3A_169 = arith.constant 0 : i32
        %dma_wait3A_170 = arith.constant 0 : i32
        %dma_wait3A_171 = tpu.memref_slice %arg12[%dma_wait3A_164, %dma_wait3A_169, %dma_wait3A_170] : memref<8x128x16xf32, #tpu.memory_space<vmem>> -> memref<1x128x16xf32, #tpu.memory_space<vmem>>
        %dma_wait3A_172 = tpu.memref_squeeze %dma_wait3A_171 : memref<1x128x16xf32, #tpu.memory_space<vmem>> -> memref<128x16xf32, #tpu.memory_space<vmem>>
        tpu.wait_dma2 semaphore(%arg18 : memref<!tpu.dma_semaphore, #tpu.memory_space<semaphore_mem>>) src(%arg7 : memref<128x16xf32, #tpu.memory_space<hbm>>) dst(%dma_wait3A_172 : memref<128x16xf32, #tpu.memory_space<vmem>>)
      } else {
      }
      %add3A_139 = arith.constant 3 : i32
      %add3A_140 = arith.addi %while3A_133, %add3A_139 : i32
      %lt3A_141 = arith.cmpi slt, %add3A_140, %select_n3A : i32
      %convert_element_type3A_142 = arith.extui %lt3A_141 : i1 to i32
      %cond3A_143 = arith.constant 0 : i32
      %cond3A_144 = arith.cmpi ne, %convert_element_type3A_142, %cond3A_143 : i32
      scf.if %cond3A_144 {
        %add3A_164 = arith.constant 3 : i32
        %add3A_165 = arith.addi %while3A_133, %add3A_164 : i32
        %rem3A_166 = arith.constant 79 : i32
        %rem3A_167 = arith.remsi %add3A_165, %rem3A_166 : i32
        %add3A_168 = arith.constant 3 : i32
        %add3A_169 = arith.addi %while3A_133, %add3A_168 : i32
        %rem3A_170 = arith.constant 8 : i32
        %rem3A_171 = arith.remsi %add3A_169, %rem3A_170 : i32
        %dma_start3A_172 = arith.constant 0 : i32
        %dma_start3A_173 = arith.constant 0 : i32
        %dma_start3A_174 = tpu.memref_slice %arg12[%rem3A_171, %dma_start3A_172, %dma_start3A_173] : memref<8x128x16xf32, #tpu.memory_space<vmem>> -> memref<1x128x16xf32, #tpu.memory_space<vmem>>
        %dma_start3A_175 = tpu.memref_squeeze %dma_start3A_174 : memref<1x128x16xf32, #tpu.memory_space<vmem>> -> memref<128x16xf32, #tpu.memory_space<vmem>>
        %dma_start3A_176 = arith.constant 0 : i32
        %dma_start3A_177 = tpu.memref_slice %arg10[%rem3A_167, %dma_start3A_176] : memref<79x128xi32, #tpu.memory_space<vmem>> -> memref<1x128xi32, #tpu.memory_space<vmem>>
        %dma_start3A_178 = tpu.memref_squeeze %dma_start3A_177 : memref<1x128xi32, #tpu.memory_space<vmem>> -> memref<128xi32, #tpu.memory_space<vmem>>
        %dma_start3A_179 = arith.constant 0 : i32
        %dma_start3A_180 = arith.constant 0 : i32
        %dma_start3A_181 = tpu.memref_slice %arg20[%dma_start3A_179, %dma_start3A_180] : memref<10000x16xf32, #tpu.memory_space<vmem_shared>> -> memref<10000x16xf32, #tpu.memory_space<vmem_shared>>
        tpu.enqueue_indirect_dma source(%dma_start3A_181 : memref<10000x16xf32, #tpu.memory_space<vmem_shared>>) target(%dma_start3A_175 : memref<128x16xf32, #tpu.memory_space<vmem>>) offsets(%dma_start3A_178 : memref<128xi32, #tpu.memory_space<vmem>>) semaphore(%arg17 : memref<!tpu.dma_semaphore, #tpu.memory_space<semaphore_mem>>)
      } else {
      }
      %dma_wait3A = arith.constant 0 : i32
      %dma_wait3A_145 = arith.constant 0 : i32
      %dma_wait3A_146 = arith.constant 0 : i32
      %dma_wait3A_147 = tpu.memref_slice %arg12[%dma_wait3A, %dma_wait3A_145, %dma_wait3A_146] : memref<8x128x16xf32, #tpu.memory_space<vmem>> -> memref<1x128x16xf32, #tpu.memory_space<vmem>>
      %dma_wait3A_148 = tpu.memref_squeeze %dma_wait3A_147 : memref<1x128x16xf32, #tpu.memory_space<vmem>> -> memref<128x16xf32, #tpu.memory_space<vmem>>
      %dma_wait3A_149 = arith.constant 0 : i32
      %dma_wait3A_150 = arith.constant 0 : i32
      %dma_wait3A_151 = tpu.memref_slice %arg12[%dma_wait3A, %dma_wait3A_149, %dma_wait3A_150] : memref<8x128x16xf32, #tpu.memory_space<vmem>> -> memref<1x128x16xf32, #tpu.memory_space<vmem>>
      %dma_wait3A_152 = tpu.memref_squeeze %dma_wait3A_151 : memref<1x128x16xf32, #tpu.memory_space<vmem>> -> memref<128x16xf32, #tpu.memory_space<vmem>>
      tpu.wait_dma2 semaphore(%arg17 : memref<!tpu.dma_semaphore, #tpu.memory_space<semaphore_mem>>) src(%arg7 : memref<128x16xf32, #tpu.memory_space<hbm>>) dst(%dma_wait3A_152 : memref<128x16xf32, #tpu.memory_space<vmem>>)
      %rem3A = arith.constant 8 : i32
      %rem3A_153 = arith.remsi %while3A_133, %rem3A : i32
      %dma_start3A_154 = arith.constant 0 : i32
      %dma_start3A_155 = arith.constant 0 : i32
      %dma_start3A_156 = tpu.memref_slice %arg12[%rem3A_153, %dma_start3A_154, %dma_start3A_155] : memref<8x128x16xf32, #tpu.memory_space<vmem>> -> memref<1x128x16xf32, #tpu.memory_space<vmem>>
      %dma_start3A_157 = tpu.memref_squeeze %dma_start3A_156 : memref<1x128x16xf32, #tpu.memory_space<vmem>> -> memref<128x16xf32, #tpu.memory_space<vmem>>
      %dma_start3A_158 = arith.constant 0 : i32
      %dma_start3A_159 = tpu.memref_slice %arg11[%while3A_133, %dma_start3A_158] : memref<79x128xi32, #tpu.memory_space<vmem>> -> memref<1x128xi32, #tpu.memory_space<vmem>>
      %dma_start3A_160 = tpu.memref_squeeze %dma_start3A_159 : memref<1x128xi32, #tpu.memory_space<vmem>> -> memref<128xi32, #tpu.memory_space<vmem>>
      %dma_start3A_161 = arith.constant 0 : i32
      %dma_start3A_162 = arith.constant 0 : i32
      %dma_start3A_163 = tpu.memref_slice %arg19[%dma_start3A_161, %dma_start3A_162] : memref<10240x16xf32, #tpu.memory_space<vmem_shared>> -> memref<10240x16xf32, #tpu.memory_space<vmem_shared>>
      tpu.enqueue_indirect_dma source(%dma_start3A_157 : memref<128x16xf32, #tpu.memory_space<vmem>>) target(%dma_start3A_163 : memref<10240x16xf32, #tpu.memory_space<vmem_shared>>) offsets(%dma_start3A_160 : memref<128xi32, #tpu.memory_space<vmem>>) semaphore(%arg18 : memref<!tpu.dma_semaphore, #tpu.memory_space<semaphore_mem>>) {add = true}
    }
    %while3A_119 = arith.constant 1 : i32
    scf.for %while3A_133 = %while3A_117 to %while3A_113 step %while3A_119  : i32 {
      %ge3A_134 = arith.constant 5 : i32
      %ge3A_135 = arith.cmpi sge, %while3A_133, %ge3A_134 : i32
      %convert_element_type3A_136 = arith.extui %ge3A_135 : i1 to i32
      %cond3A_137 = arith.constant 0 : i32
      %cond3A_138 = arith.cmpi ne, %convert_element_type3A_136, %cond3A_137 : i32
      scf.if %cond3A_138 {
        %dma_wait3A_164 = arith.constant 0 : i32
        %dma_wait3A_165 = arith.constant 0 : i32
        %dma_wait3A_166 = arith.constant 0 : i32
        %dma_wait3A_167 = tpu.memref_slice %arg12[%dma_wait3A_164, %dma_wait3A_165, %dma_wait3A_166] : memref<8x128x16xf32, #tpu.memory_space<vmem>> -> memref<1x128x16xf32, #tpu.memory_space<vmem>>
        %dma_wait3A_168 = tpu.memref_squeeze %dma_wait3A_167 : memref<1x128x16xf32, #tpu.memory_space<vmem>> -> memref<128x16xf32, #tpu.memory_space<vmem>>
        %dma_wait3A_169 = arith.constant 0 : i32
        %dma_wait3A_170 = arith.constant 0 : i32
        %dma_wait3A_171 = tpu.memref_slice %arg12[%dma_wait3A_164, %dma_wait3A_169, %dma_wait3A_170] : memref<8x128x16xf32, #tpu.memory_space<vmem>> -> memref<1x128x16xf32, #tpu.memory_space<vmem>>
        %dma_wait3A_172 = tpu.memref_squeeze %dma_wait3A_171 : memref<1x128x16xf32, #tpu.memory_space<vmem>> -> memref<128x16xf32, #tpu.memory_space<vmem>>
        tpu.wait_dma2 semaphore(%arg18 : memref<!tpu.dma_semaphore, #tpu.memory_space<semaphore_mem>>) src(%arg7 : memref<128x16xf32, #tpu.memory_space<hbm>>) dst(%dma_wait3A_172 : memref<128x16xf32, #tpu.memory_space<vmem>>)
      } else {
      }
      %add3A_139 = arith.constant 3 : i32
      %add3A_140 = arith.addi %while3A_133, %add3A_139 : i32
      %lt3A_141 = arith.cmpi slt, %add3A_140, %select_n3A : i32
      %convert_element_type3A_142 = arith.extui %lt3A_141 : i1 to i32
      %cond3A_143 = arith.constant 0 : i32
      %cond3A_144 = arith.cmpi ne, %convert_element_type3A_142, %cond3A_143 : i32
      scf.if %cond3A_144 {
        %add3A_164 = arith.constant 3 : i32
        %add3A_165 = arith.addi %while3A_133, %add3A_164 : i32
        %rem3A_166 = arith.constant 79 : i32
        %rem3A_167 = arith.remsi %add3A_165, %rem3A_166 : i32
        %add3A_168 = arith.constant 3 : i32
        %add3A_169 = arith.addi %while3A_133, %add3A_168 : i32
        %rem3A_170 = arith.constant 8 : i32
        %rem3A_171 = arith.remsi %add3A_169, %rem3A_170 : i32
        %dma_start3A_172 = arith.constant 0 : i32
        %dma_start3A_173 = arith.constant 0 : i32
        %dma_start3A_174 = tpu.memref_slice %arg12[%rem3A_171, %dma_start3A_172, %dma_start3A_173] : memref<8x128x16xf32, #tpu.memory_space<vmem>> -> memref<1x128x16xf32, #tpu.memory_space<vmem>>
        %dma_start3A_175 = tpu.memref_squeeze %dma_start3A_174 : memref<1x128x16xf32, #tpu.memory_space<vmem>> -> memref<128x16xf32, #tpu.memory_space<vmem>>
        %dma_start3A_176 = arith.constant 0 : i32
        %dma_start3A_177 = tpu.memref_slice %arg10[%rem3A_167, %dma_start3A_176] : memref<79x128xi32, #tpu.memory_space<vmem>> -> memref<1x128xi32, #tpu.memory_space<vmem>>
        %dma_start3A_178 = tpu.memref_squeeze %dma_start3A_177 : memref<1x128xi32, #tpu.memory_space<vmem>> -> memref<128xi32, #tpu.memory_space<vmem>>
        %dma_start3A_179 = arith.constant 0 : i32
        %dma_start3A_180 = arith.constant 0 : i32
        %dma_start3A_181 = tpu.memref_slice %arg20[%dma_start3A_179, %dma_start3A_180] : memref<10000x16xf32, #tpu.memory_space<vmem_shared>> -> memref<10000x16xf32, #tpu.memory_space<vmem_shared>>
        tpu.enqueue_indirect_dma source(%dma_start3A_181 : memref<10000x16xf32, #tpu.memory_space<vmem_shared>>) target(%dma_start3A_175 : memref<128x16xf32, #tpu.memory_space<vmem>>) offsets(%dma_start3A_178 : memref<128xi32, #tpu.memory_space<vmem>>) semaphore(%arg17 : memref<!tpu.dma_semaphore, #tpu.memory_space<semaphore_mem>>)
      } else {
      }
      %dma_wait3A = arith.constant 0 : i32
      %dma_wait3A_145 = arith.constant 0 : i32
      %dma_wait3A_146 = arith.constant 0 : i32
      %dma_wait3A_147 = tpu.memref_slice %arg12[%dma_wait3A, %dma_wait3A_145, %dma_wait3A_146] : memref<8x128x16xf32, #tpu.memory_space<vmem>> -> memref<1x128x16xf32, #tpu.memory_space<vmem>>
      %dma_wait3A_148 = tpu.memref_squeeze %dma_wait3A_147 : memref<1x128x16xf32, #tpu.memory_space<vmem>> -> memref<128x16xf32, #tpu.memory_space<vmem>>
      %dma_wait3A_149 = arith.constant 0 : i32
      %dma_wait3A_150 = arith.constant 0 : i32
      %dma_wait3A_151 = tpu.memref_slice %arg12[%dma_wait3A, %dma_wait3A_149, %dma_wait3A_150] : memref<8x128x16xf32, #tpu.memory_space<vmem>> -> memref<1x128x16xf32, #tpu.memory_space<vmem>>
      %dma_wait3A_152 = tpu.memref_squeeze %dma_wait3A_151 : memref<1x128x16xf32, #tpu.memory_space<vmem>> -> memref<128x16xf32, #tpu.memory_space<vmem>>
      tpu.wait_dma2 semaphore(%arg17 : memref<!tpu.dma_semaphore, #tpu.memory_space<semaphore_mem>>) src(%arg7 : memref<128x16xf32, #tpu.memory_space<hbm>>) dst(%dma_wait3A_152 : memref<128x16xf32, #tpu.memory_space<vmem>>)
      %rem3A = arith.constant 8 : i32
      %rem3A_153 = arith.remsi %while3A_133, %rem3A : i32
      %dma_start3A_154 = arith.constant 0 : i32
      %dma_start3A_155 = arith.constant 0 : i32
      %dma_start3A_156 = tpu.memref_slice %arg12[%rem3A_153, %dma_start3A_154, %dma_start3A_155] : memref<8x128x16xf32, #tpu.memory_space<vmem>> -> memref<1x128x16xf32, #tpu.memory_space<vmem>>
      %dma_start3A_157 = tpu.memref_squeeze %dma_start3A_156 : memref<1x128x16xf32, #tpu.memory_space<vmem>> -> memref<128x16xf32, #tpu.memory_space<vmem>>
      %dma_start3A_158 = arith.constant 0 : i32
      %dma_start3A_159 = tpu.memref_slice %arg11[%while3A_133, %dma_start3A_158] : memref<79x128xi32, #tpu.memory_space<vmem>> -> memref<1x128xi32, #tpu.memory_space<vmem>>
      %dma_start3A_160 = tpu.memref_squeeze %dma_start3A_159 : memref<1x128xi32, #tpu.memory_space<vmem>> -> memref<128xi32, #tpu.memory_space<vmem>>
      %dma_start3A_161 = arith.constant 0 : i32
      %dma_start3A_162 = arith.constant 0 : i32
      %dma_start3A_163 = tpu.memref_slice %arg19[%dma_start3A_161, %dma_start3A_162] : memref<10240x16xf32, #tpu.memory_space<vmem_shared>> -> memref<10240x16xf32, #tpu.memory_space<vmem_shared>>
      tpu.enqueue_indirect_dma source(%dma_start3A_157 : memref<128x16xf32, #tpu.memory_space<vmem>>) target(%dma_start3A_163 : memref<10240x16xf32, #tpu.memory_space<vmem_shared>>) offsets(%dma_start3A_160 : memref<128xi32, #tpu.memory_space<vmem>>) semaphore(%arg18 : memref<!tpu.dma_semaphore, #tpu.memory_space<semaphore_mem>>) {add = true}
    }
    %scan3A = arith.constant 0 : i32
    %scan3A_120 = arith.constant 0 : i32
    %scan3A_121 = arith.constant 5 : i32
    %scan3A_122 = arith.addi %scan3A_120, %scan3A_121 : i32
    %scan3A_123 = arith.constant 1 : i32
    scf.for %scan3A_133 = %scan3A_120 to %scan3A_122 step %scan3A_123  : i32 {
      %dma_wait3A = arith.constant 0 : i32
      %dma_wait3A_134 = arith.constant 0 : i32
      %dma_wait3A_135 = arith.constant 0 : i32
      %dma_wait3A_136 = tpu.memref_slice %arg12[%dma_wait3A, %dma_wait3A_134, %dma_wait3A_135] : memref<8x128x16xf32, #tpu.memory_space<vmem>> -> memref<1x128x16xf32, #tpu.memory_space<vmem>>
      %dma_wait3A_137 = tpu.memref_squeeze %dma_wait3A_136 : memref<1x128x16xf32, #tpu.memory_space<vmem>> -> memref<128x16xf32, #tpu.memory_space<vmem>>
      %dma_wait3A_138 = arith.constant 0 : i32
      %dma_wait3A_139 = arith.constant 0 : i32
      %dma_wait3A_140 = tpu.memref_slice %arg12[%dma_wait3A, %dma_wait3A_138, %dma_wait3A_139] : memref<8x128x16xf32, #tpu.memory_space<vmem>> -> memref<1x128x16xf32, #tpu.memory_space<vmem>>
      %dma_wait3A_141 = tpu.memref_squeeze %dma_wait3A_140 : memref<1x128x16xf32, #tpu.memory_space<vmem>> -> memref<128x16xf32, #tpu.memory_space<vmem>>
      tpu.wait_dma2 semaphore(%arg18 : memref<!tpu.dma_semaphore, #tpu.memory_space<semaphore_mem>>) src(%arg7 : memref<128x16xf32, #tpu.memory_space<hbm>>) dst(%dma_wait3A_141 : memref<128x16xf32, #tpu.memory_space<vmem>>)
    }
    %scan3A_124 = arith.constant 5 : i32
    %barrier3A_125 = arith.constant 0 : index
    tpu.barrier barrier_id(%barrier3A_125)
    %mul3A_126 = arith.constant 640 : i32
    %mul3A_127 = arith.muli %arg1, %mul3A_126 : i32
    %mul3A_128 = arith.constant 10240 : i32
    %mul3A_129 = arith.muli %arg0, %mul3A_128 : i32
    %mul3A_130 = arith.constant 640 : i32
    %mul3A_131 = arith.muli %arg1, %mul3A_130 : i32
    %add3A_132 = arith.addi %mul3A_129, %mul3A_131 : i32
    "tpu.region"() ({
      %run_scoped3A_133 = tpu.sem_alloc : memref<!tpu.dma_semaphore, #tpu.memory_space<semaphore_mem>>
      %dma_start3A_134 = arith.constant 0 : i32
      %dma_start3A_135 = tpu.memref_slice %arg8[%add3A_132, %dma_start3A_134] : memref<20480x16xf32, #tpu.memory_space<hbm>> -> memref<640x16xf32, #tpu.memory_space<hbm>>
      %dma_start3A_136 = arith.constant 0 : i32
      %dma_start3A_137 = tpu.memref_slice %arg19[%mul3A_127, %dma_start3A_136] : memref<10240x16xf32, #tpu.memory_space<vmem_shared>> -> memref<640x16xf32, #tpu.memory_space<vmem_shared>>
      tpu.enqueue_dma source(%dma_start3A_137 : memref<640x16xf32, #tpu.memory_space<vmem_shared>>) target(%dma_start3A_135 : memref<640x16xf32, #tpu.memory_space<hbm>>) target_semaphore(%run_scoped3A_133 : memref<!tpu.dma_semaphore, #tpu.memory_space<semaphore_mem>>)
      %dma_wait3A = arith.constant 0 : i32
      %dma_wait3A_138 = tpu.memref_slice %arg8[%add3A_132, %dma_wait3A] : memref<20480x16xf32, #tpu.memory_space<hbm>> -> memref<640x16xf32, #tpu.memory_space<hbm>>
      %dma_wait3A_139 = arith.constant 0 : i32
      %dma_wait3A_140 = tpu.memref_slice %arg19[%mul3A_127, %dma_wait3A_139] : memref<10240x16xf32, #tpu.memory_space<vmem_shared>> -> memref<640x16xf32, #tpu.memory_space<vmem_shared>>
      tpu.wait_dma2 semaphore(%run_scoped3A_133 : memref<!tpu.dma_semaphore, #tpu.memory_space<semaphore_mem>>) src(%dma_wait3A_140 : memref<640x16xf32, #tpu.memory_space<vmem_shared>>) dst(%dma_wait3A_138 : memref<640x16xf32, #tpu.memory_space<hbm>>)
      tpu.yield
    }) : () -> ()
    return
  }
}

module attributes {stable_mosaic.version = 14 : i64} {
  func.func @_linear_body(%arg0: memref<10000x128xf32, #tpu.memory_space<vmem>>, %arg1: memref<16x128xf32, #tpu.memory_space<vmem>>, %arg2: memref<10000x16xf32, #tpu.memory_space<vmem>>) attributes {dimension_semantics = [], scalar_prefetch = 0 : i64, scratch_operands = 0 : i64, tpu.core_type = #tpu.core_type<tc>} {
    %get3A = arith.constant 0 : index
    %get3A_0 = arith.constant 0 : index
    %get3A_1 = vector.load %arg0[%get3A, %get3A_0] : memref<10000x128xf32, #tpu.memory_space<vmem>>, vector<10000x128xf32>
    %get3A_2 = arith.constant 0 : index
    %get3A_3 = arith.constant 0 : index
    %get3A_4 = vector.load %arg1[%get3A_2, %get3A_3] : memref<16x128xf32, #tpu.memory_space<vmem>>, vector<16x128xf32>
    %dot_general3A = arith.constant dense<0.000000e+00> : vector<10000x16xf32>
    %dot_general3A_5 = tpu.matmul %get3A_1, %get3A_4, %dot_general3A {dimension_numbers = #tpu.dot_dimension_numbers<[1], [1], [0], [0], [0, 0, 1, 0], [], []>, precision = #tpu.contract_precision<fp32>, transpose_lhs_hint = false} : vector<10000x128xf32>, vector<16x128xf32>, vector<10000x16xf32> -> vector<10000x16xf32>
    %swap3A = arith.constant 0 : index
    %swap3A_6 = arith.constant 0 : index
    %swap3A_7 = vector.load %arg2[%swap3A, %swap3A_6] : memref<10000x16xf32, #tpu.memory_space<vmem>>, vector<10000x16xf32>
    tpu.vector_store %arg2[%swap3A, %swap3A_6], %dot_general3A_5 {strides = array<i32>} : memref<10000x16xf32, #tpu.memory_space<vmem>>, vector<10000x16xf32>,
    return
  }
}

</mosaic_0001>

<sc_bundles>
// kernel: kernel.10.cloned.1.call-start
scs
__scs_entry_jumppad:
0x0: {  	(pc) =	sbr.rel $0x88, $3  }
0x1: {  	(tag) =	ssettag $0x0;
	lr =	simm.s32 $0x1  }
0x2: {  	[smem:$0x3F9D] =	sst lr;
	_ =	strace $0xD0000000  }
0x3: {  	_ = 	snop  }
0x4: {  	_ = 	snop  }
0x5: {  	_ = 	snop  }
0x6: {  	_ = 	snop  }
0x7: {  	_ = 	snop  }
__scs_overlays_trampoline_lowered:
0x8: {  	[smem:$0x3FAC] =	sst s0  }
0x9: {  	[smem:$0x3FAD] =	sst s1  }
0xa: {  	[smem:$0x3FAE] =	sst s2  }
0xb: {  	[smem:$0x3FAF] =	sst s3  }
0xc: {  	[smem:$0x3FB0] =	sst s4  }
0xd: {  	[smem:$0x3FB1] =	sst s5  }
0xe: {  	[smem:$0x3FB2] =	sst s6  }
0xf: {  	[smem:$0x3FB3] =	sst s7  }
0x10: {  	[smem:$0x3FB4] =	sst s8  }
0x11: {  	[smem:$0x3FB5] =	sst s9;
	s0 =	simm.s32 @!p0 $0x0  }
0x12: {  	s1 =	sld [smem:$0x3F9B];
	s0 =	simm.s32 @p0 $0x1  }
0x13: {  	[smem:$0x3FB6] =	sst s0;
	s0 =	simm.s32 @!p1 $0x0  }
0x14: {  	s2 =	sld [smem:$0x3F9A];
	s0 =	simm.s32 @p1 $0x1  }
0x15: {  	[smem:$0x3FB7] =	sst s0;
	s0 =	simm.s32 @!p2 $0x0  }
0x16: {  	s3 =	sld [smem:$0x3FDB];
	s0 =	simm.s32 @p2 $0x1  }
0x17: {  	s4 =	simm.s32 $0x1BF5;
	[smem:$0x3FB9] =	sst s0  }
0x18: {  	s0 =	sld [smem:$0x3F9C];
	_ =	swait.ge [sflag:s4], $0x0  }
0x19: {  	s7 =	sld [smem:$0x3F9D]  }
0x1a: {  	s8 =	sadd.s32 $0xFFFFE003, lr  }
0x1b: {  	s9 =	sadd.s32 $0xFFFFFEF7, lr;
	s5 =	simm.s32 $0xFFFFFFFF;
	p2 =	slt.u32 s8, $0xFFFFF086  }
0x1c: {  	p1 =	slt.u32 s9, $0xF7A;
	s5 =	simm.s32 @!p2 $0x0  }
0x1d: {  	s5 =	simm.s32 @p1 $0x1;
	p0 =	seq.s32 s7, s2  }
0x1e: {  	s7 =	smul.u32 @!p0 $0xF7A, s2;
	p2 =	seq.s32 @!p0 s5, $0x0  }
0x1f: {  	s9 =	smul.u32 $0xF7A, s1;
	s8 =	simm.s32 @!p0 $0x1BF5;
	p2 =	por !p2, p0  }
0x20: {  	[sflag:s8] =	ssyncset.s32 @!p0 $0xFFFFF086;
	s6 =	sadd.s32 @!p0 s3, s7;
	s7 =	simm.s32 @!p0 $0x108  }
0x21: {  	s3 =	sadd.s32 s3, s9;
	s6 =	sadd.s32 @!p0 $0x88, s6;
	s7 =	simm.s32 @p2 $0x1082  }
0x22: {  	[simem:s7], [sflag:s8] =	dma.local @!p0 [hbm:s6], $0xF7A  }
0x23: {  	s9 =	sor.u32 $0xD0000000, s2;
	s6 =	simm.s32 $0x108;
	_ =	swait.ge @!p0 [sflag:s8], $0x0  }
0x24: {  	s3 =	sadd.s32 $0x88, s3;
	s6 =	simm.s32 @!p1 $0x1082;
	[sflag:s4] =	ssyncset.s32 $0xFFFFF086  }
0x25: {  	[simem:s6], [sflag:s4] =	dma.local [hbm:s3], $0xF7A  }
0x26: {  	[smem:$0x3F9D] =	sst s1;
	(tag) =	ssettag s2;
	_ =	strace s9  }
0x27: {  	s1 =	sld [smem:$0x3FAD]  }
0x28: {  	s2 =	sld [smem:$0x3FAE]  }
0x29: {  	s4 =	sld [smem:$0x3FB0]  }
0x2a: {  	p0 =	seq.s32 s5, $0x0;
	s5 =	sld [smem:$0x3FB1]  }
0x2b: {  	s6 =	sld [smem:$0x3FB2]  }
0x2c: {  	s7 =	sld [smem:$0x3FB3]  }
0x2d: {  	s3 =	simm.s32 $0x108;
	s8 =	sld [smem:$0x3FB4]  }
0x2e: {  	s3 =	simm.s32 @!p0 $0x1082;
	s9 =	sld [smem:$0x3FB5]  }
0x2f: {  	lr =	sadd.s32 s0, s3;
	s0 =	sld [smem:$0x3FAC]  }
0x30: {  	s3 =	sld [smem:$0x3FAF]  }
0x31: {  	[smem:$0x3FB8] =	sst s10  }
0x32: {  	s10 =	sld [smem:$0x3FB6];
	_ =	sdelay $0x3  }
0x33: {  	p0 =	seq.s32 s10, $0x1;
	s10 =	sld [smem:$0x3FB8];
	_ =	sdelay $0x3  }
0x34: {  	[smem:$0x3FB8] =	sst s10  }
0x35: {  	s10 =	sld [smem:$0x3FB7];
	_ =	sdelay $0x3  }
0x36: {  	p1 =	seq.s32 s10, $0x1;
	s10 =	sld [smem:$0x3FB8];
	_ =	sdelay $0x3  }
0x37: {  	[smem:$0x3FB8] =	sst s10  }
0x38: {  	s10 =	sld [smem:$0x3FB9]  }
0x39: {  	_ = 	snop;
	(pc) =	sbr.ind lr, $3  }
0x3a: {  	_ = 	snop  }
0x3b: {  	_ = 	snop  }
0x3c: {  	p2 =	seq.s32 s10, $0x1;
	s10 =	sld [smem:$0x3FB8]  }
0x3d: {  	_ =	shalt  }
0x3e: {  	_ =	shalt  }
0x3f: {  	_ =	shalt  }
0x40: {  	_ =	shalt  }
0x41: {  	_ =	shalt  }
0x42: {  	_ =	shalt  }
0x43: {  	_ =	shalt  }
0x44: {  	_ =	shalt  }
0x45: {  	_ =	shalt  }
0x46: {  	_ =	shalt  }
0x47: {  	_ =	shalt  }
0x48: {  	_ =	shalt  }
0x49: {  	_ =	shalt  }
0x4a: {  	_ =	shalt  }
0x4b: {  	_ =	shalt  }
0x4c: {  	_ =	shalt  }
0x4d: {  	_ =	shalt  }
0x4e: {  	_ =	shalt  }
0x4f: {  	_ =	shalt  }
0x50: {  	_ =	shalt  }
0x51: {  	_ =	shalt  }
0x52: {  	_ =	shalt  }
0x53: {  	_ =	shalt  }
0x54: {  	_ =	shalt  }
0x55: {  	_ =	shalt  }
0x56: {  	_ =	shalt  }
0x57: {  	_ =	shalt  }
0x58: {  	_ =	shalt  }
0x59: {  	_ =	shalt  }
0x5a: {  	_ =	shalt  }
0x5b: {  	_ =	shalt  }
0x5c: {  	_ =	shalt  }
0x5d: {  	_ =	shalt  }
0x5e: {  	_ =	shalt  }
0x5f: {  	_ =	shalt  }
0x60: {  	_ =	shalt  }
0x61: {  	_ =	shalt  }
0x62: {  	_ =	shalt  }
0x63: {  	_ =	shalt  }
0x64: {  	_ =	shalt  }
0x65: {  	_ =	shalt  }
0x66: {  	_ =	shalt  }
0x67: {  	_ =	shalt  }
0x68: {  	_ =	shalt  }
0x69: {  	_ =	shalt  }
0x6a: {  	_ =	shalt  }
0x6b: {  	_ =	shalt  }
0x6c: {  	_ =	shalt  }
0x6d: {  	_ =	shalt  }
0x6e: {  	_ =	shalt  }
0x6f: {  	_ =	shalt  }
0x70: {  	_ =	shalt  }
0x71: {  	_ =	shalt  }
0x72: {  	_ =	shalt  }
0x73: {  	_ =	shalt  }
0x74: {  	_ =	shalt  }
0x75: {  	_ =	shalt  }
0x76: {  	_ =	shalt  }
0x77: {  	_ =	shalt  }
0x78: {  	_ =	shalt  }
0x79: {  	_ =	shalt  }
0x7a: {  	_ =	shalt  }
0x7b: {  	_ =	shalt  }
0x7c: {  	_ =	shalt  }
0x7d: {  	_ =	shalt  }
0x7e: {  	_ =	shalt  }
0x7f: {  	_ =	shalt  }
0x80: {  	_ =	shalt  }
0x81: {  	_ =	shalt  }
0x82: {  	_ =	shalt  }
0x83: {  	_ =	shalt  }
0x84: {  	_ =	shalt  }
0x85: {  	_ =	shalt  }
0x86: {  	_ =	shalt  }
0x87: {  	_ =	shalt  }
.Lfunc_end0:
.L_simem_size_0:
called_computation.1_lowered:
.L_overlay_start_0:
0x88: {  	s2 =	sld [smem:$0x3FD9]  }
0x89: {  	s3 =	sld [smem:$0x3FFE];
	_ =	sdelay $0x1  }
0x8a: {  	s1 =	srdreg.scid  }
0x8b: {  	s0 =	sand.u32 $0x1, s1  }
0x8c: {  	s17 =	sshll.u32 s0, $0xA;
	s2 =	sadd.s32 s3, s2  }
0x8d: {  	s2 =	sadd.s32 s2, s17  }
0x8e: {  	[smem:$0x3FC4] =	sst s2  }
0x8f: {  	_ = 	snop  }
0x90: {  	s2 =	sld [smem:$0x3FD0];
	(tm) =	ssettm $0x1  }
0x91: {  	s18 =	sld [smem:$0x3FFB];
	_ =	sdelay $0x3  }
0x92: {  	_ =	strace s18  }
0x93: {  	s3 =	sld [smem:$0x3FFC];
	_ =	sdelay $0x3  }
0x94: {  	_ =	strace s3  }
0x95: {  	s3 =	sld [smem:$0x3FFD];
	_ =	sdelay $0x3  }
0x96: {  	_ =	strace s3  }
0x97: {  	_ =	strace $0x8FFFFFFF  }
0x98: {  	s19 =	sld [smem:$0x3FDB];
	_ =	sdelay $0x1  }
0x99: {  	s4 =	simm.s32 $_scs_section_size  }
0x9a: {  	s5 =	simm.s32 $_size__tile_overlayer_lowered;
	s6 =	simm.s32 $_tile_overlayer_lowered  }
0x9b: {  	s22 =	simm.s32 $0x1BFF;
	s21 =	sshll.u32 s6, $0x1;
	s3 =	sadd.s32 s4, s19  }
0x9c: {  	s7 =	simm.s32 $0x0;
	s20 =	sshll.u32 s5, $0x1;
	s5 =	sadd.s32 s21, s3  }
0x9d: {  	[timem:s7], [sflag:s22] =	dma.local [hbm:s5], s20  }
0x9e: {  	_ =	swait.ge [sflag:s22], s20  }
0x9f: {  	s4 =	ssub.s32 $0x0, s20;
	[sflag:s22] =	ssyncset.done $0x0  }
0xa0: {  	[sflag:s22] =	ssyncadd.s32 s4;
	_ =	sdelay $0x1  }
0xa1: {  	s23 =	simm.s32 $0x1B8B  }
0xa2: {  	_ =	swait.ge [sflag:s23], $0x1  }
0xa3: {  	[sflag:s23] =	ssyncset.done $0x0  }
0xa4: {  	s25 =	simm.s32 $0x1B8E;
	s24 =	sld [smem:$0x3FFE];
	[sflag:s23] =	ssyncadd.s32 $0xFFFFFFFF  }
0xa5: {  	s26 =	simm.s32 $execute0_lowered;
	[smem:$0x3FD2] =	sst s25  }
0xa6: {  	s5 =	sshll.u32 s26, $0x1;
	_ =	strace $0x80000049;
	[dreg:$0x1] =	wrdreg $0xFFFFFFFF  }
0xa7: {  	s28 =	simm.s32 $_size_execute0_lowered;
	s3 =	sadd.s32 s3, s5;
	[dreg:$0x0] =	wrdreg $0x0  }
0xa8: {  	s5 =	sshll.u32 s28, $0x1;
	[dreg:$0x2] =	wrdreg s3  }
0xa9: {  	[dreg:$0x3] =	wrdreg s5  }
0xaa: {  	[dreg:$0x4] =	wrdreg $0xC0  }
0xab: {  	_ =	task [dreg:s7], $0x5FFFF  }
0xac: {  	[dreg:$0x1] =	wrdreg $0xFFFFFFFF  }
0xad: {  	[dreg:$0x0] =	wrdreg $0x60  }
0xae: {  	[dreg:$0x2] =	wrdreg s2  }
0xaf: {  	[dreg:$0x3] =	wrdreg s24  }
0xb0: {  	[dreg:$0x4] =	wrdreg $0x17A500  }
0xb1: {  	[dreg:$0x5] =	wrdreg $0x152500  }
0xb2: {  	[dreg:$0x6] =	wrdreg $0x9  }
0xb3: {  	_ =	task.clear_ibuf [dreg:s7], $0x7FFFF;
	_ =	strace $0x90000049  }
0xb4: {  	s29 =	simm.s32 $0x9;
	_ =	strace $0x8000004B  }
0xb5: {  	_ =	swait.ge [sflag:s29], $0x1  }
0xb6: {  	[sflag:s29] =	ssyncadd.s32 $0xFFFFFFFF  }
0xb7: {  	_ =	strace $0x9000004B  }
0xb8: {  	_ =	sfence  }
0xb9: {  	s30 =	sld [smem:$0x0];
	_ =	sdelay $0x2  }
0xba: {  	s31 =	sshll.u32 s1, $0xD;
	s1 =	sshrl.u32 s1, $0x2  }
0xbb: {  	s3 =	sand.u32 $0x4000, s31;
	s1 =	sadd.s32 s1, s30  }
0xbc: {  	s0 =	sor.u32 s3, s0;
	s1 =	sshll.u32 s1, $0x11  }
0xbd: {  	s0 =	sor.u32 s1, s0  }
0xbe: {  	s0 =	sadd.s32 $0x8F2B, s0  }
0xbf: {  	[sflag:s0] =	ssyncadd.remote.s32 $0x1  }
0xc0: {  	_ =	sfence.sel $0xFFFF  }
0xc1: {  	[dreg:$0x0] =	wrdreg $0xFFFFFFFF;
	(pc) =	sbr.abs _section_cstart, $3  }
0xc2: {  	[dreg:$0x1] =	wrdreg $0xFFFFFFFF  }
0xc3: {  	_ =	task.clear_ibuf [dreg:s7], $0x2FFFF;
	_ =	strace $0x9FFFFFFF  }
0xc4: {  	(tm) =	ssettm $0x7FFFFFFF  }
0xc5: {  	_ =	shalt  }
tec
execute0_lowered:
.L_overlay_start_1:
0x0: {  	(tag) =	ssettag $0x1  }
0x1: {  	s0 =	rddreg [dreg:$0x0]  }
0x2: {  	s1 =	rddreg [dreg:$0x1]  }
0x3: {  	s2 =	rddreg [dreg:$0x2]  }
0x4: {  	s3 =	rddreg [dreg:$0x3]  }
0x5: {  	s5 =	srdreg.scid;
	s14 =	stileid.u32;
	s4 =	simm.s32 $0x0  }
0x6: {  	s30 =	simm.s32 $0x4F00;
	s31 =	simm.s32 $0x80;
	s6 =	smul.u32 $0x500, s14  }
0x7: {  	s28 =	simm.s32 $0x1;
	s29 =	simm.s32 $0x2;
	s9 =	smul.u32 $0x2710, s14  }
0x8: {  	s5 =	sand.u32 $0x1, s5;
	[smem:$0x7FF] =	sst s4;
	s17 =	smul.u32 $0xA000, s14  }
0x9: {  	s8 =	sadd.s32 $0x1A00, s1;
	s10 =	sadd.s32 $0xB800, s1;
	s26 =	smul.u32 $0x4F0, s14  }
0xa: {  	s11 =	sadd.s32 $0x15800, s1;
	s7 =	smul.u32 $0x5000, s5;
	_ =	strace $0x8000004A  }
0xb: {  	[dreg:$0x5] =	wrdreg s11;
	s16 =	ssub.s32 $0x2, s5;
	s13 =	sshll.u32 s5, $0x4  }
0xc: {  	s15 =	sshrl.u32 s9, $0x3;
	s12 =	sshrl.u32 s16, $0x1;
	s13 =	sor.u32 s14, s13  }
0xd: {  	s20 =	sadd.s32 s9, s2;
	s22 =	sshrl.u32 s17, $0x2;
	s6 =	sadd.s32 s6, s7  }
0xe: {  	s11 =	ssub.s32 s16, s12;
	s0 =	sadd.s32 s0, s15;
	[dreg:$0x9] =	wrdreg s20  }
0xf: {  	s12 =	sadd.s32 s22, s3;
	s23 =	smul.u32 $0x4E0, s13;
	p0 =	slt.u32 s13, $0x4  }
0x10: {  	s20 =	sadd.s32 s10, s26;
	p1 =	sgt.u32 s13, $0x3;
	s6 =	sadd.s32 s6, s1  }
0x11: {  	s1 =	sadd.s32 s15, s1;
	[dreg:$0x6] =	wrdreg s0;
	s24 =	sadd.s32 $0x800, s12  }
0x12: {  	s25 =	sadd.s32 $0x1000, s12;
	s15 =	sadd.s32 $0x1800, s12;
	[dreg:$0xc] =	wrdreg s24  }
0x13: {  	s16 =	sadd.s32 $0x2000, s12;
	s18 =	sadd.s32 $0x15A00, s1;
	[dreg:$0xd] =	wrdreg s25  }
0x14: {  	s19 =	sadd.s32 $0x1AA00, s1;
	s21 =	sadd.s32 $0x29A00, s1;
	[dreg:$0x7] =	wrdreg s18  }
0x15: {  	s1 =	sadd.s32 $0x2EA00, s1;
	s0 =	sadd.s32 $0x40, s23;
	[dreg:$0x8] =	wrdreg s19  }
0x16: {  	s22 =	sadd.s32 $0x1FA00, s6;
	s23 =	smax.u32 s11, $0x1;
	[dreg:$0xa] =	wrdreg s21  }
0x17: {  	s25 =	simm.s32 $0x3;
	[dreg:$0xb] =	wrdreg s1;
	s17 =	sadd.s32 s8, s0  }
0x18: {  	s18 =	sadd.s32 s10, s0;
	s19 =	sadd.s32 s8, s26;
	s21 =	simm.s32 $0x4F  }
0x19: {  	s0 =	simm.s32 $0x0;
	s21 =	simm.s32 @!p0 $0x4E;
	p0 =	sne.s32 s5, $0x0  }
.LBB2_1:
0x1a: {  	s1 =	rddreg [dreg:$0x6];
	s5 =	simm.s32 $0x8F00  }
0x1b: {  	[tilespmem:s5], [sflag:$0x3] =	stream.linear.gather [hbm4b:s1+s4], $0x2710, $0x38;
	[tilespmem:$0x1A160] =	vst v63  }
0x1c: {  	_ =	swait.ge [sflag:s25], $0x2710  }
0x1d: {  	[sflag:s25] =	ssyncset.done $0x0  }
0x1e: {  	s7 =	simm.s32 $0xB610;
	s6 =	rddreg [dreg:$0x7];
	[sflag:s25] =	ssyncadd.s32 $0xFFFFD8F0  }
0x1f: {  	[tilespmem:s7], [sflag:$0x3] =	stream.linear.gather [hbm4b:s6+s4], $0x2710, $0x38;
	[tilespmem:$0x1A160] =	vst v63  }
0x20: {  	_ =	swait.ge [sflag:s25], $0x2710  }
0x21: {  	[sflag:s25] =	ssyncset.done $0x0  }
0x22: {  	s9 =	simm.s32 $0xDD20;
	s8 =	rddreg [dreg:$0x8];
	[sflag:s25] =	ssyncadd.s32 $0xFFFFD8F0  }
0x23: {  	[tilespmem:s9], [sflag:$0x3] =	stream.linear.gather [hbm4b:s8+s4], $0x2710, $0x38;
	[tilespmem:$0x1A160] =	vst v63  }
0x24: {  	_ =	swait.ge [sflag:s25], $0x2710  }
0x25: {  	[sflag:s25] =	ssyncset.done $0x0  }
0x26: {  	s10 =	simm.s32 $0xDD40;
	[sflag:s25] =	ssyncadd.s32 $0xFFFFD8F0  }
0x27: {  	s11 =	simm.s32 $0xB630;
	v0 =	vld [tilespmem:s10+$0x0]  }
0x28: {  	v1 =	vld [tilespmem:s11+$0x0];
	_ =	sdelay $0x2  }
0x29: {  	v2 =	vld [tilespmem:s10+$0xFFFFFFE0]  }
0x2a: {  	v3 =	vld [tilespmem:s10+$0x10]  }
0x2b: {  	v4 =	vld [tilespmem:s10+$0xFFFFFFF0];
	v0 =	vadd.f32 v0, v1  }
0x2c: {  	v5 =	vld [tilespmem:s11+$0xFFFFFFF0]  }
0x2d: {  	v6 =	vld [tilespmem:s11+$0x10];
	v0 =	vadd.f32 $1.000000000e+00, v0  }
0x2e: {  	v1 =	vld [tilespmem:s11+$0xFFFFFFE0]  }
0x2f: {  	v7 =	vshra.s32 v0, $0x1;
	v0 =	vmul.f32 $5.000000000e-01, v0  }
0x30: {  	v7 =	vsub.s32 $0x5F3759DF, v7  }
0x31: {  	v8 =	vmul.f32 v7, v0  }
0x32: {  	v4 =	vadd.f32 v4, v5  }
0x33: {  	s14 =	simm.s32 $0xB670;
	v1 =	vadd.f32 v2, v1;
	v2 =	vadd.f32 v3, v6;
	v5 =	vmul.f32 v7, v8  }
0x34: {  	s13 =	simm.s32 $0xDD80;
	v3 =	vadd.f32 $1.000000000e+00, v4;
	v8 =	vld [tilespmem:s14+$0x0]  }
0x35: {  	v2 =	vadd.f32 $1.000000000e+00, v2;
	v4 =	vsub.f32 $1.500000000e+00, v5;
	v5 =	vld [tilespmem:s13+$0x0]  }
0x36: {  	v6 =	vadd.f32 $1.000000000e+00, v1;
	v9 =	vshra.s32 v3, $0x1;
	v1 =	vmul.f32 $5.000000000e-01, v3  }
0x37: {  	v10 =	vmul.f32 $5.000000000e-01, v2;
	v3 =	vmul.f32 v7, v4;
	v4 =	vshra.s32 v2, $0x1  }
0x38: {  	v15 =	vld [tilespmem:s14+$0xFFFFFFF0];
	v9 =	vsub.s32 $0x5F3759DF, v9;
	v4 =	vsub.s32 $0x5F3759DF, v4  }
0x39: {  	v17 =	vld [tilespmem:s14+$0x10];
	v12 =	vshra.s32 v6, $0x1;
	v11 =	vmul.f32 v3, v0;
	v13 =	vmul.f32 v4, v10  }
0x3a: {  	v14 =	vmul.f32 $5.000000000e-01, v6;
	v6 =	vld [tilespmem:s13+$0xFFFFFFF0];
	v2 =	vmul.f32 v9, v1;
	v5 =	vadd.f32 v5, v8  }
0x3b: {  	v12 =	vsub.s32 $0x5F3759DF, v12;
	v7 =	vld [tilespmem:s13+$0xFFFFFFE0];
	v11 =	vmul.f32 v11, v3;
	v13 =	vmul.f32 v4, v13  }
0x3c: {  	v16 =	vmul.f32 v12, v14;
	v18 =	vmul.f32 v9, v2;
	v2 =	vld [tilespmem:s14+$0xFFFFFFE0];
	v5 =	vadd.f32 $1.000000000e+00, v5  }
0x3d: {  	v8 =	vld [tilespmem:s13+$0x10];
	v11 =	vsub.f32 $1.500000000e+00, v11;
	v13 =	vsub.f32 $1.500000000e+00, v13  }
0x3e: {  	v16 =	vmul.f32 v12, v16;
	v19 =	vmul.f32 $5.000000000e-01, v5  }
0x3f: {  	v11 =	vmul.f32 v11, v3;
	v3 =	vshra.s32 v5, $0x1;
	v13 =	vmul.f32 v4, v13  }
0x40: {  	v4 =	vadd.f32 v6, v15;
	v5 =	vsub.s32 $0x5F3759DF, v3;
	v3 =	vsub.f32 $1.500000000e+00, v16  }
0x41: {  	v7 =	vadd.f32 v7, v2;
	v0 =	vmul.f32 v11, v0;
	v6 =	vmul.f32 v5, v19  }
0x42: {  	v8 =	vadd.f32 v8, v17;
	v4 =	vadd.f32 $1.000000000e+00, v4;
	v12 =	vmul.f32 v12, v3  }
0x43: {  	v7 =	vadd.f32 $1.000000000e+00, v7;
	v16 =	vmul.f32 v0, v11;
	v2 =	vmul.f32 v5, v6  }
0x44: {  	v6 =	vadd.f32 $1.000000000e+00, v8;
	v8 =	vshra.s32 v4, $0x1;
	v0 =	vmul.f32 $5.000000000e-01, v4  }
0x45: {  	v15 =	vmul.f32 v13, v10;
	v3 =	vsub.s32 $0x5F3759DF, v8;
	v4 =	vsub.f32 $1.500000000e+00, v2  }
0x46: {  	s24 =	simm.s32 $0xDDC0;
	v17 =	vmul.f32 v12, v14;
	v8 =	vmul.f32 v3, v0  }
0x47: {  	v21 =	vld [tilespmem:s24+$0x0];
	v23 =	vshra.s32 v7, $0x1;
	v2 =	vmul.f32 $5.000000000e-01, v6;
	v20 =	vmul.f32 v5, v4  }
0x48: {  	s26 =	simm.s32 $0xB6B0;
	v25 =	vld [tilespmem:s24+$0x10];
	v17 =	vmul.f32 v17, v12;
	v5 =	vshra.s32 v6, $0x1;
	v4 =	vmul.f32 v3, v8  }
0x49: {  	v26 =	vld [tilespmem:s26+$0x0];
	v8 =	vsub.s32 $0x5F3759DF, v5;
	v5 =	vmul.f32 $5.000000000e-01, v7;
	v22 =	vmul.f32 v20, v19  }
0x4a: {  	v29 =	vld [tilespmem:s26+$0x10];
	v23 =	vsub.s32 $0x5F3759DF, v23;
	v6 =	vmul.f32 v15, v13;
	v24 =	vmul.f32 v8, v2  }
0x4b: {  	v15 =	vld [tilespmem:s24+$0xFFFFFFE0];
	v27 =	vmul.f32 v23, v5;
	v7 =	vmul.f32 v22, v20  }
0x4c: {  	v17 =	vsub.f32 $1.500000000e+00, v17;
	v6 =	vsub.f32 $1.500000000e+00, v6;
	v22 =	vld [tilespmem:s26+$0xFFFFFFE0];
	v24 =	vmul.f32 v8, v24  }
0x4d: {  	v16 =	vsub.f32 $1.500000000e+00, v16;
	v27 =	vmul.f32 v23, v27;
	v28 =	vsub.f32 $1.500000000e+00, v7  }
0x4e: {  	v7 =	vmul.f32 v17, v12;
	v17 =	vsub.f32 $1.500000000e+00, v24;
	v24 =	vld [tilespmem:s24+$0xFFFFFFF0];
	v12 =	vmul.f32 v6, v13  }
0x4f: {  	v13 =	vmul.f32 v16, v11;
	v11 =	vadd.f32 v25, v29;
	v6 =	vmul.f32 v28, v20;
	v28 =	vld [tilespmem:s26+$0xFFFFFFF0]  }
0x50: {  	v14 =	vmul.f32 v7, v14;
	v20 =	vsub.f32 $1.500000000e+00, v18;
	v8 =	vmul.f32 v8, v17  }
0x51: {  	v17 =	vadd.f32 v15, v22;
	v15 =	vadd.f32 v21, v26;
	v18 =	vmul.f32 v6, v19  }
0x52: {  	v27 =	vsub.f32 $1.500000000e+00, v27;
	v10 =	vmul.f32 v12, v10;
	v11 =	vadd.f32 $1.000000000e+00, v11  }
0x53: {  	v16 =	vmul.f32 v18, v6;
	v18 =	vmul.f32 v14, v7;
	v14 =	vadd.f32 $1.000000000e+00, v15  }
0x54: {  	v19 =	vmul.f32 v8, v2;
	v21 =	vmul.f32 v10, v12;
	v24 =	vadd.f32 v24, v28  }
0x55: {  	v22 =	vmul.f32 v9, v20;
	v25 =	vshra.s32 v14, $0x1;
	v10 =	vmul.f32 $5.000000000e-01, v14  }
0x56: {  	v15 =	vmul.f32 v23, v27;
	v9 =	vadd.f32 $1.000000000e+00, v24;
	v24 =	vsub.s32 $0x5F3759DF, v25  }
0x57: {  	v23 =	vadd.f32 $1.000000000e+00, v17;
	v20 =	vmul.f32 v22, v1;
	v17 =	vmul.f32 v24, v10  }
0x58: {  	v27 =	vshra.s32 v11, $0x1;
	v25 =	vshra.s32 v9, $0x1;
	v14 =	vmul.f32 $5.000000000e-01, v9  }
0x59: {  	v11 =	vmul.f32 $5.000000000e-01, v11;
	v9 =	vsub.s32 $0x5F3759DF, v25;
	v17 =	vmul.f32 v24, v17  }
0x5a: {  	s1 =	simm.s32 $0x12BA0;
	s5 =	simm.s32 $0x12BE0;
	s7 =	simm.s32 $0x10450;
	v26 =	vmul.f32 v19, v8;
	v19 =	vsub.s32 $0x5F3759DF, v27;
	v28 =	vmul.f32 v9, v14  }
0x5b: {  	s6 =	simm.s32 $0x8F60;
	s9 =	simm.s32 $0x8F20;
	s10 =	simm.s32 $0x12B60;
	v30 =	vmul.f32 v20, v22;
	v27 =	vmul.f32 v19, v11;
	v29 =	vsub.f32 $1.500000000e+00, v17  }
0x5c: {  	s8 =	simm.s32 $0x8F60;
	s11 =	simm.s32 $0x8;
	s14 =	simm.s32 $0xB6F0;
	[tilespmem:s10+$0x0] =	vst v13;
	v16 =	vsub.f32 $1.500000000e+00, v16;
	v17 =	vmul.f32 v9, v28;
	v28 =	vmul.f32 v15, v5  }
0x5d: {  	s13 =	simm.s32 $0xDE00;
	s24 =	simm.s32 $0x10490;
	s26 =	simm.s32 $0x10490;
	v20 =	vld [tilespmem:s9+$0x0];
	v25 =	vshra.s32 v23, $0x1;
	v24 =	vmul.f32 v24, v29;
	v29 =	vsub.f32 $1.500000000e+00, v30  }
.LBB2_2:
0x5e: {  	v30 =	vld [tilespmem:s13+$0xFFFFFFE0];
	s11 =	sadd.s32 $0x4, s11;
	v28 =	vmul.f32 v28, v15;
	v26 =	vsub.f32 $1.500000000e+00, v26;
	s24 =	sadd.s32 $0x40, s24;
	s6 =	sadd.s32 $0x40, s6;
	v21 =	vsub.f32 $1.500000000e+00, v21  }
0x5f: {  	v18 =	vsub.f32 $1.500000000e+00, v18;
	v31 =	vld [tilespmem:s13+$0x0];
	p2 =	slt.u32 s11, $0x26C;
	v32 =	vmul.f32 v24, v10;
	v22 =	vmul.f32 v29, v22  }
0x60: {  	v23 =	vmul.f32 $5.000000000e-01, v23;
	v29 =	vld [tilespmem:s13+$0x10];
	v21 =	vmul.f32 v21, v12  }
0x61: {  	v25 =	vsub.s32 $0x5F3759DF, v25;
	v33 =	vld [tilespmem:s14+$0x0];
	v12 =	vmul.f32 v32, v24;
	v32 =	vmul.f32 v22, v1;
	v1 =	vmovc v0;
	v0 =	vmovc v14  }
0x62: {  	v27 =	vmul.f32 v19, v27;
	v28 =	vsub.f32 $1.500000000e+00, v28;
	v34 =	vmul.f32 v18, v7;
	v14 =	vld [tilespmem:s14+$0xFFFFFFE0];
	[tilespmem:s10+$0x10] =	vst v21  }
0x63: {  	v18 =	vmul.f32 v25, v23;
	v35 =	vsub.f32 $1.500000000e+00, v12;
	v32 =	vmul.f32 v32, v22;
	v36 =	vld [tilespmem:s9+$0x10]  }
0x64: {  	v13 =	vmul.f32 v13, v20;
	v27 =	vsub.f32 $1.500000000e+00, v27;
	v7 =	vmul.f32 v28, v15;
	v37 =	vld [tilespmem:s14+$0x10]  }
0x65: {  	v18 =	vmul.f32 v25, v18;
	v12 =	vmul.f32 v26, v8;
	v15 =	vld [tilespmem:s13+$0xFFFFFFF0];
	[tilespmem:s10+$0xFFFFFFE0] =	vst v34;
	v20 =	vsub.f32 $1.500000000e+00, v32  }
0x66: {  	v28 =	vsub.f32 $1.500000000e+00, v4;
	v26 =	vmul.f32 v7, v5;
	v5 =	vmovc v23;
	v24 =	vmul.f32 v35, v24;
	v32 =	vld [tilespmem:s9+$0xFFFFFFE0];
	[tilespmem:s7+$0x0] =	vst v13  }
0x67: {  	v4 =	vmovc v17;
	v8 =	vmul.f32 v19, v27;
	v35 =	vsub.f32 $1.500000000e+00, v18;
	v23 =	vld [tilespmem:s14+$0xFFFFFFF0];
	v19 =	vmul.f32 v20, v22  }
0x68: {  	v17 =	vadd.f32 v31, v33;
	v14 =	vadd.f32 v30, v14;
	v20 =	vmul.f32 v12, v2;
	v2 =	vmovc v11  }
0x69: {  	v10 =	vmul.f32 v24, v10;
	v11 =	vmul.f32 v21, v36;
	[tilespmem:s10+$0xFFFFFFF0] =	vst v19;
	s10 =	smov.u32 s1;
	s1 =	smov.u32 s5  }
0x6a: {  	v13 =	vmul.f32 v16, v6;
	v6 =	vmov v24;
	v27 =	vmul.f32 v8, v2;
	v16 =	vld [tilespmem:s9+$0xFFFFFFF0];
	s9 =	smov.u32 s8;
	s8 =	smov.u32 s6  }
0x6b: {  	v18 =	vmul.f32 v26, v7;
	v22 =	vadd.f32 v29, v37;
	v24 =	vmul.f32 v10, v6;
	[tilespmem:s7+$0x10] =	vst v11  }
0x6c: {  	v10 =	vadd.f32 $1.000000000e+00, v17;
	v21 =	vmul.f32 v20, v12;
	v11 =	vadd.f32 v15, v23;
	[tilespmem:s10+$0x0] =	vst v13  }
0x6d: {  	v17 =	vadd.f32 $1.000000000e+00, v22;
	v15 =	vmul.f32 v25, v35;
	v23 =	vmul.f32 v34, v32  }
0x6e: {  	v22 =	vmul.f32 v3, v28;
	v3 =	vmovc v9;
	v25 =	vshra.s32 v10, $0x1;
	v10 =	vmul.f32 $5.000000000e-01, v10;
	v20 =	vld [tilespmem:s9+$0x0]  }
0x6f: {  	v29 =	vsub.s32 $0x5F3759DF, v25;
	v9 =	vadd.f32 $1.000000000e+00, v11;
	[tilespmem:s7+$0xFFFFFFE0] =	vst v23;
	v11 =	vmul.f32 v19, v16  }
0x70: {  	v28 =	vmul.f32 v22, v1;
	v23 =	vadd.f32 $1.000000000e+00, v14;
	v16 =	vmul.f32 v29, v10  }
0x71: {  	v30 =	vshra.s32 v17, $0x1;
	v19 =	vshra.s32 v9, $0x1;
	v14 =	vmul.f32 $5.000000000e-01, v9;
	[tilespmem:s7+$0xFFFFFFF0] =	vst v11;
	s7 =	smov.u32 s26;
	s26 =	smov.u32 s24  }
.Ltmp0:
0x72: {  	v9 =	vsub.s32 $0x5F3759DF, v19;
	v16 =	vmul.f32 v29, v16;
	v11 =	vmul.f32 $5.000000000e-01, v17;
	(pc) =	sbr.rel @p2 .LBB2_2-.Ltmp0, $4  }
0x73: {  	v26 =	vmul.f32 v27, v8;
	v25 =	vshra.s32 v23, $0x1;
	v17 =	vmul.f32 v9, v14  }
0x74: {  	v19 =	vsub.s32 $0x5F3759DF, v30;
	v30 =	vmul.f32 v28, v22;
	v27 =	vsub.f32 $1.500000000e+00, v16  }
0x75: {  	v28 =	vmul.f32 v15, v5;
	v16 =	vsub.f32 $1.500000000e+00, v24;
	v17 =	vmul.f32 v9, v17  }
0x76: {  	s13 =	sadd.s32 $0x40, s13;
	s14 =	sadd.s32 $0x40, s14;
	s5 =	sadd.s32 $0x40, s5;
	v24 =	vmul.f32 v29, v27;
	v27 =	vmul.f32 v19, v11;
	v29 =	vsub.f32 $1.500000000e+00, v30  }
0x77: {  	v28 =	vmul.f32 v28, v15  }
0x78: {  	v21 =	vsub.f32 $1.500000000e+00, v21;
	v18 =	vsub.f32 $1.500000000e+00, v18;
	v23 =	vmul.f32 $5.000000000e-01, v23  }
0x79: {  	v56 =	vsub.s32 $0x5F3759DF, v25;
	v13 =	vmul.f32 v13, v20;
	v6 =	vmul.f32 v16, v6  }
0x7a: {  	v58 =	vsub.f32 $1.500000000e+00, v26;
	v30 =	vmul.f32 v24, v10;
	v22 =	vmul.f32 v29, v22  }
0x7b: {  	v4 =	vsub.f32 $1.500000000e+00, v4;
	v27 =	vmul.f32 v19, v27;
	v12 =	vmul.f32 v21, v12  }
0x7c: {  	v7 =	vmul.f32 v18, v7;
	v59 =	vmul.f32 v56, v23  }
0x7d: {  	v28 =	vsub.f32 $1.500000000e+00, v28;
	v8 =	vmul.f32 v58, v8;
	v3 =	vmul.f32 v3, v4  }
0x7e: {  	v57 =	vmul.f32 v30, v24;
	v1 =	vmul.f32 v22, v1  }
0x7f: {  	v27 =	vsub.f32 $1.500000000e+00, v27;
	v60 =	vmul.f32 v28, v15;
	v26 =	vmul.f32 v56, v59  }
0x80: {  	v30 =	vsub.f32 $1.500000000e+00, v17;
	v2 =	vmul.f32 v8, v2;
	v28 =	vmul.f32 v3, v0  }
0x81: {  	[tilespmem:s1+$0x0] =	vst v6;
	v1 =	vmul.f32 v1, v22;
	v63 =	vmul.f32 v19, v27  }
0x82: {  	v48 =	vld [tilespmem:s8+$0x0];
	v25 =	vsub.f32 $1.500000000e+00, v57;
	v9 =	vmul.f32 v9, v30;
	v5 =	vmul.f32 v60, v5  }
0x83: {  	v31 =	vmul.f32 v28, v3;
	v2 =	vmul.f32 v2, v8  }
0x84: {  	[tilespmem:s10+$0xFFFFFFE0] =	vst v7;
	v27 =	vsub.f32 $1.500000000e+00, v26;
	v62 =	vmul.f32 v25, v24;
	v29 =	vmul.f32 v63, v11  }
0x85: {  	v32 =	vld [tilespmem:s9+$0xFFFFFFE0];
	v1 =	vsub.f32 $1.500000000e+00, v1;
	v34 =	vmul.f32 v9, v14;
	v5 =	vmul.f32 v5, v60  }
0x86: {  	v25 =	vmul.f32 v62, v10;
	v10 =	vmul.f32 v56, v27  }
0x87: {  	v17 =	vsub.f32 $1.500000000e+00, v31;
	v6 =	vmul.f32 v6, v48;
	v1 =	vmul.f32 v1, v22  }
0x88: {  	v22 =	vmul.f32 v29, v63;
	v21 =	vmul.f32 v10, v23  }
0x89: {  	v2 =	vsub.f32 $1.500000000e+00, v2;
	v36 =	vmul.f32 v34, v9;
	v3 =	vmul.f32 v17, v3  }
0x8a: {  	v7 =	vmul.f32 v7, v32;
	v35 =	vsub.f32 $1.500000000e+00, v22;
	v21 =	vmul.f32 v21, v10  }
0x8b: {  	v2 =	vmul.f32 v2, v8;
	[tilespmem:s10+$0xFFFFFFF0] =	vst v1;
	v40 =	vsub.f32 $1.500000000e+00, v36;
	v37 =	vmul.f32 v3, v0  }
0x8c: {  	v4 =	vmul.f32 v25, v62;
	v33 =	vld [tilespmem:s9+$0xFFFFFFF0];
	v39 =	vmul.f32 v35, v63;
	v38 =	vsub.f32 $1.500000000e+00, v21  }
0x8d: {  	[tilespmem:s7+$0x0] =	vst v13;
	v5 =	vsub.f32 $1.500000000e+00, v5;
	v9 =	vmul.f32 v40, v9;
	v0 =	vmul.f32 v37, v3  }
0x8e: {  	[tilespmem:s10+$0x10] =	vst v12;
	v41 =	vmul.f32 v39, v11;
	v10 =	vmul.f32 v38, v10  }
0x8f: {  	[tilespmem:s26+$0x0] =	vst v6;
	v46 =	vmul.f32 v5, v60;
	v44 =	vmul.f32 v9, v14  }
0x90: {  	[tilespmem:s7+$0xFFFFFFE0] =	vst v7;
	v0 =	vsub.f32 $1.500000000e+00, v0;
	v43 =	vmul.f32 v41, v39;
	v42 =	vmul.f32 v10, v23  }
0x91: {  	[tilespmem:s1+$0x10] =	vst v2;
	v45 =	vsub.f32 $1.500000000e+00, v4;
	v1 =	vmul.f32 v1, v33;
	v50 =	vmul.f32 v44, v9  }
0x92: {  	v61 =	vld [tilespmem:s9+$0x10];
	[tilespmem:s1+$0xFFFFFFE0] =	vst v46;
	v0 =	vmul.f32 v0, v3;
	v49 =	vsub.f32 $1.500000000e+00, v43;
	v47 =	vmul.f32 v42, v10  }
0x93: {  	v51 =	vld [tilespmem:s8+$0x10];
	[tilespmem:s7+$0xFFFFFFF0] =	vst v1;
	v1 =	vmul.f32 v45, v62;
	v7 =	vsub.f32 $1.500000000e+00, v50  }
0x94: {  	v52 =	vld [tilespmem:s8+$0xFFFFFFE0];
	[tilespmem:s1+$0xFFFFFFF0] =	vst v0;
	v3 =	vmul.f32 v49, v39;
	v5 =	vsub.f32 $1.500000000e+00, v47  }
0x95: {  	s14 =	sadd.s32 $0x40, s6;
	v53 =	vld [tilespmem:s8+$0xFFFFFFF0];
	[tilespmem:s5+$0x0] =	vst v1;
	v7 =	vmul.f32 v7, v9  }
0x96: {  	v54 =	vld [tilespmem:s14+$0x0];
	[tilespmem:s5+$0x10] =	vst v3;
	v5 =	vmul.f32 v5, v10  }
0x97: {  	v12 =	vmul.f32 v12, v61;
	[tilespmem:s5+$0xFFFFFFF0] =	vst v7;
	v55 =	vld [tilespmem:s14+$0x10]  }
0x98: {  	v2 =	vmul.f32 v2, v51;
	v57 =	vld [tilespmem:s14+$0xFFFFFFF0];
	[tilespmem:s5+$0xFFFFFFE0] =	vst v5  }
0x99: {  	[tilespmem:s7+$0x10] =	vst v12;
	v4 =	vmul.f32 v46, v52;
	v56 =	vld [tilespmem:s14+$0xFFFFFFE0]  }
0x9a: {  	[tilespmem:s26+$0x10] =	vst v2;
	v0 =	vmul.f32 v0, v53  }
0x9b: {  	[tilespmem:s26+$0xFFFFFFE0] =	vst v4;
	v1 =	vmul.f32 v1, v54  }
0x9c: {  	s24 =	sadd.s32 $0x40, s24;
	[tilespmem:s26+$0xFFFFFFF0] =	vst v0;
	v58 =	vmul.f32 v3, v55  }
0x9d: {  	[tilespmem:s24+$0x0] =	vst v1;
	v60 =	vmul.f32 v7, v57  }
0x9e: {  	[tilespmem:s24+$0x10] =	vst v58;
	v59 =	vmul.f32 v5, v56  }
0x9f: {  	[tilespmem:s24+$0xFFFFFFF0] =	vst v60  }
0xa0: {  	[tilespmem:s24+$0xFFFFFFE0] =	vst v59  }
0xa1: {  	v0 =	vld [tilespmem:$0xDD10]  }
0xa2: {  	v1 =	vld [tilespmem:$0x10420];
	_ =	sdelay $0x4  }
0xa3: {  	v0 =	vadd.f32 v1, v0;
	_ =	sdelay $0x1  }
0xa4: {  	v0 =	vadd.f32 $1.000000000e+00, v0;
	_ =	sdelay $0x1  }
0xa5: {  	v61 =	vshra.s32 v0, $0x1;
	v0 =	vmul.f32 $5.000000000e-01, v0  }
0xa6: {  	v1 =	vsub.s32 $0x5F3759DF, v61  }
0xa7: {  	v62 =	vmul.f32 v1, v0;
	_ =	sdelay $0x1  }
0xa8: {  	v2 =	vmul.f32 v1, v62;
	_ =	sdelay $0x1  }
0xa9: {  	v2 =	vsub.f32 $1.500000000e+00, v2;
	_ =	sdelay $0x1  }
0xaa: {  	v1 =	vmul.f32 v1, v2;
	_ =	sdelay $0x1  }
0xab: {  	v2 =	vmul.f32 v1, v0;
	_ =	sdelay $0x1  }
0xac: {  	v2 =	vmul.f32 v2, v1;
	_ =	sdelay $0x1  }
0xad: {  	v2 =	vsub.f32 $1.500000000e+00, v2;
	_ =	sdelay $0x1  }
0xae: {  	v1 =	vmul.f32 v2, v1;
	_ =	sdelay $0x1  }
0xaf: {  	v0 =	vmul.f32 v1, v0;
	_ =	sdelay $0x1  }
0xb0: {  	v0 =	vmul.f32 v0, v1  }
0xb1: {  	v63 =	vld [tilespmem:$0xB600]  }
0xb2: {  	v0 =	vsub.f32 $1.500000000e+00, v0;
	_ =	sdelay $0x1  }
0xb3: {  	v0 =	vmul.f32 v0, v1;
	_ =	sdelay $0x1  }
0xb4: {  	v1 =	vmul.f32 v0, v63  }
0xb5: {  	[tilespmem:$0x15240] =	vst v0  }
0xb6: {  	s26 =	simm.s32 $0x10430;
	s1 =	rddreg [dreg:$0x9];
	[tilespmem:$0x12B30] =	vst v1  }
0xb7: {  	[spmem:s1] =	stream.linear.scatter [tilespmem:s26], [sflag:$0x3], $0x2710, $0x38;
	[tilespmem:$0x1A160] =	vst v63  }
0xb8: {  	_ =	swait.ge [sflag:s25], $0x2710  }
0xb9: {  	s5 =	simm.s32 @!p0 $0x10430;
	[sflag:s25] =	ssyncset.done $0x0  }
0xba: {  	s1 =	simm.s32 @!p0 $0x0;
	s6 =	rddreg [dreg:$0xa];
	[sflag:s25] =	ssyncadd.s32 $0xFFFFD8F0  }
0xbb: {  	[hbm4b:s6+s1] =	stream.linear.scatter @!p0 [tilespmem:s5], [sflag:$0x3], $0x2710, $0x38;
	[tilespmem:$0x1A160] =	vst v63  }
0xbc: {  	s5 =	simm.s32 @!p0 $0x3  }
0xbd: {  	_ =	swait.ge @!p0 [sflag:s5], $0x2710  }
0xbe: {  	[sflag:s5] =	ssyncset.done @!p0 $0x0  }
0xbf: {  	s6 =	simm.s32 @!p0 $0x12B40;
	s7 =	rddreg [dreg:$0xb];
	[sflag:s5] =	ssyncadd.s32 @!p0 $0xFFFFD8F0  }
0xc0: {  	[hbm4b:s7+s1] =	stream.linear.scatter @!p0 [tilespmem:s6], [sflag:$0x3], $0x2710, $0x38;
	[tilespmem:$0x1A160] =	vst v63  }
0xc1: {  	_ =	swait.ge @!p0 [sflag:s5], $0x2710  }
0xc2: {  	[sflag:s5] =	ssyncset.done @!p0 $0x0  }
0xc3: {  	s6 =	rddreg [dreg:$0x5];
	[sflag:s5] =	ssyncadd.s32 @!p0 $0xFFFFD8F0  }
0xc4: {  	[tilespmem:s30], [sflag:$0x3] =	stream.linear.gather [hbm4b:s6+s4], $0x800, $0x38;
	[tilespmem:$0x1A160] =	vst v63  }
0xc5: {  	_ =	swait.ge [sflag:s25], $0x800  }
0xc6: {  	[sflag:s25] =	ssyncset.done $0x0  }
0xc7: {  	[sflag:s25] =	ssyncadd.s32 $0xFFFFF800  }
0xc8: {  	[spmem:s12] =	stream.linear.scatter [tilespmem:s30], [sflag:$0x3], $0x800, $0x38;
	[tilespmem:$0x1A160] =	vst v63  }
0xc9: {  	_ =	swait.ge [sflag:s25], $0x800  }
0xca: {  	[sflag:s25] =	ssyncset.done $0x0  }
0xcb: {  	s7 =	rddreg [dreg:$0xc];
	[sflag:s25] =	ssyncadd.s32 $0xFFFFF800  }
0xcc: {  	[spmem:s7] =	stream.linear.scatter [tilespmem:s30], [sflag:$0x3], $0x800, $0x38;
	[tilespmem:$0x1A160] =	vst v63  }
0xcd: {  	_ =	swait.ge [sflag:s25], $0x800  }
0xce: {  	[sflag:s25] =	ssyncset.done $0x0  }
0xcf: {  	s8 =	rddreg [dreg:$0xd];
	[sflag:s25] =	ssyncadd.s32 $0xFFFFF800  }
0xd0: {  	[spmem:s8] =	stream.linear.scatter [tilespmem:s30], [sflag:$0x3], $0x800, $0x38;
	[tilespmem:$0x1A160] =	vst v63  }
0xd1: {  	_ =	swait.ge [sflag:s25], $0x800  }
0xd2: {  	[sflag:s25] =	ssyncset.done $0x0  }
0xd3: {  	[sflag:s25] =	ssyncadd.s32 $0xFFFFF800  }
0xd4: {  	[spmem:s15] =	stream.linear.scatter [tilespmem:s30], [sflag:$0x3], $0x800, $0x38;
	[tilespmem:$0x1A160] =	vst v63  }
0xd5: {  	_ =	swait.ge [sflag:s25], $0x800  }
0xd6: {  	[sflag:s25] =	ssyncset.done $0x0  }
0xd7: {  	[sflag:s25] =	ssyncadd.s32 $0xFFFFF800  }
0xd8: {  	[spmem:s16] =	stream.linear.scatter [tilespmem:s30], [sflag:$0x3], $0x800, $0x38;
	[tilespmem:$0x1A160] =	vst v63  }
0xd9: {  	_ =	swait.ge [sflag:s25], $0x800  }
0xda: {  	[sflag:s25] =	ssyncset.done $0x0  }
0xdb: {  	s1 =	simm.s32 @p1 $0x0;
	s5 =	simm.s32 @p1 $0x3;
	[sflag:s25] =	ssyncadd.s32 $0xFFFFF800  }
0xdc: {  	[tilespmem:s1], [sflag:$0x3] =	stream.linear.gather @p1 [hbm4b:s17+s1], $0x2700, $0x38;
	[tilespmem:$0x1A160] =	vst v63  }
0xdd: {  	_ =	swait.ge @p1 [sflag:s5], $0x2700  }
0xde: {  	[sflag:s5] =	ssyncset.done @p1 $0x0  }
0xdf: {  	s6 =	simm.s32 @p1 $0x2780;
	[sflag:s5] =	ssyncadd.s32 @p1 $0xFFFFD900  }
0xe0: {  	[tilespmem:s6], [sflag:$0x3] =	stream.linear.gather @p1 [hbm4b:s18+s1], $0x2700, $0x38;
	[tilespmem:$0x1A160] =	vst v63  }
0xe1: {  	_ =	swait.ge @p1 [sflag:s5], $0x2700  }
0xe2: {  	[sflag:s5] =	ssyncset.done @p1 $0x0  }
0xe3: {  	s1 =	simm.s32 @!p1 $0x0;
	[sflag:s5] =	ssyncadd.s32 @p1 $0xFFFFD900;
	s5 =	simm.s32 @!p1 $0x3  }
0xe4: {  	[tilespmem:s1], [sflag:$0x3] =	stream.linear.gather @!p1 [hbm4b:s19+s1], $0x2780, $0x38;
	[tilespmem:$0x1A160] =	vst v63  }
0xe5: {  	_ =	swait.ge @!p1 [sflag:s5], $0x2780  }
0xe6: {  	[sflag:s5] =	ssyncset.done @!p1 $0x0  }
0xe7: {  	s11 =	simm.s32 $0x100;
	s6 =	simm.s32 @!p1 $0x2780;
	[sflag:s5] =	ssyncadd.s32 @!p1 $0xFFFFD880  }
0xe8: {  	[tilespmem:s6], [sflag:$0x3] =	stream.linear.gather @!p1 [hbm4b:s20+s1], $0x2780, $0x38;
	[tilespmem:$0x1A160] =	vst v63  }
0xe9: {  	s13 =	simm.s32 $0x5F00;
	p2 =	por $0x1, $0x1;
	_ =	swait.ge @!p1 [sflag:s5], $0x2780  }
0xea: {  	p3 =	sle.u32 s21, $0x3;
	s10 =	simm.s32 $0x5700;
	[sflag:s5] =	ssyncset.done @!p1 $0x0  }
0xeb: {  	s9 =	simm.s32 $0x0;
	s14 =	simm.s32 $0x3;
	[sflag:s5] =	ssyncadd.s32 @!p1 $0xFFFFD880  }
0xec: {  	s24 =	smulhi.u32 $0xCF6474A9, s14;
	s7 =	simm.s32 $0x6000;
	[bflag:$0x0] =	sbarrier.arrive $0xFFFF  }
0xed: {  	[tilespmem:s30], [sflag:$0x1] =	stream.indirect.gather [spmem:s2], $0x10, s9, s31, $0xb8;
	[tilespmem:$0x1A160] =	vst v63  }
0xee: {  	s26 =	simm.s32 $0x0;
	s7 =	sand.u32 @!p3 $0xE000, s7;
	s6 =	sshrl.u32 s24, $0x6  }
0xef: {  	[tilespmem:s10], [sflag:$0x1] =	stream.indirect.gather [spmem:s2], $0x10, s31, s31, $0xb8;
	[tilespmem:$0x1A160] =	vst v63  }
0xf0: {  	s7 =	sshrl.u32 @!p3 s7, $0x2;
	s8 =	simm.s32 @!p2 $0x2;
	s6 =	smul.u32 $0xFFFF6200, s6  }
0xf1: {  	[tilespmem:s13], [sflag:$0x1] =	stream.indirect.gather [spmem:s2], $0x10, s11, s31, $0xb8;
	[tilespmem:$0x1A160] =	vst v63  }
0xf2: {  	s7 =	sadd.s32 @!p3 $0x4F00, s7;
	s1 =	simm.s32 $0x8000;
	_ =	swait.ge @!p2 [sflag:s8], $0x800  }
0xf3: {  	s5 =	simm.s32 $0x2780;
	s6 =	sshra.s32 s6, $0x2;
	[sflag:s8] =	ssyncset.done @!p2 $0x0  }
0xf4: {  	s6 =	sadd.s32 $0x180, s6;
	[sflag:s8] =	ssyncadd.s32 @!p2 $0xFFFFF800;
	p2 =	sne.s32 s21, $0x1  }
.Ltmp1:
0xf5: {  	s9 =	simm.s32 @!p3 $0x80;
	s8 =	sand.u32 $0xE000, s26;
	(pc) =	sbr.rel @!p2 .LBB2_5-.Ltmp1, $4  }
0xf6: {  	[tilespmem:s7], [sflag:$0x1] =	stream.indirect.gather @!p3 [spmem:s2], $0x10, s6, s9, $0xb8;
	[tilespmem:$0x1A160] =	vst v63  }
0xf7: {  	s6 =	simm.s32 $0x200;
	s7 =	simm.s32 $0x4;
	_ =	swait.ge [sflag:s28], $0x800  }
0xf8: {  	s9 =	simm.s32 $0x1;
	s8 =	sshrl.u32 s8, $0x2;
	[sflag:s28] =	ssyncset.done $0x0  }
0xf9: {  	s10 =	sadd.s32 $0x4F00, s8;
	s8 =	simm.s32 $0x2800;
	[sflag:s28] =	ssyncadd.s32 $0xFFFFF800  }
.LBB2_4:
0xfa: {  	[spmem:s3] =	stream.indirect.scatter.add.f32 [tilespmem:s10], [sflag:$0x2], $0x10, s5, s31, $0xb8;
	[tilespmem:$0x1A160] =	vst v63  }
0xfb: {  	s10 =	smov.u32 s1;
	s11 =	smov.u32 s6;
	s5 =	smov.u32 s8  }
0xfc: {  	s13 =	smulhi.u32 $0xCF6474A9, s7;
	s1 =	sadd.s32 $0x2000, s1;
	s6 =	sadd.s32 $0x80, s6  }
0xfd: {  	s7 =	sadd.s32 $0x1, s7;
	p2 =	slt.u32 s9, $0x5;
	s14 =	sadd.s32 $0xFFFFA000, s10  }
0xfe: {  	s9 =	sadd.s32 $0x3, s9;
	s24 =	simm.s32 @!p2 $0x2;
	s13 =	sshrl.u32 s13, $0x6  }
0xff: {  	p3 =	sge.u32 s9, s21;
	s9 =	sadd.s32 $0xFFFFFFFE, s9;
	s13 =	smul.u32 $0xFFFF6200, s13  }
0x100: {  	s10 =	sand.u32 @!p3 $0xE000, s10;
	s26 =	simm.s32 @!p3 $0x80;
	_ =	swait.ge @!p2 [sflag:s24], $0x800  }
0x101: {  	s10 =	sshrl.u32 @!p3 s10, $0x2;
	s13 =	sshra.s32 s13, $0x2;
	[sflag:s24] =	ssyncset.done @!p2 $0x0  }
0x102: {  	[sflag:s24] =	ssyncadd.s32 @!p2 $0xFFFFF800;
	p2 =	sne.s32 s9, s21  }
.Ltmp2:
0x103: {  	s10 =	sadd.s32 @!p3 $0x4F00, s10;
	s11 =	sadd.s32 s13, s11;
	(pc) =	sbr.rel @p2 .LBB2_4-.Ltmp2, $4  }
0x104: {  	[tilespmem:s10], [sflag:$0x1] =	stream.indirect.gather @!p3 [spmem:s2], $0x10, s11, s26, $0xb8;
	[tilespmem:$0x1A160] =	vst v63  }
0x105: {  	s10 =	sand.u32 $0xE000, s14;
	_ =	swait.ge [sflag:s28], $0x800  }
0x106: {  	s10 =	sshrl.u32 s10, $0x2;
	[sflag:s28] =	ssyncset.done $0x0  }
0x107: {  	s8 =	sadd.s32 $0x80, s8;
	s10 =	sadd.s32 $0x4F00, s10;
	[sflag:s28] =	ssyncadd.s32 $0xFFFFF800  }
.LBB2_5:
0x108: {  	[spmem:s3] =	stream.indirect.scatter.add.f32 [tilespmem:s10], [sflag:$0x2], $0x10, s5, s31, $0xb8;
	[tilespmem:$0x1A160] =	vst v63  }
0x109: {  	_ =	swait.ge [sflag:s29], $0x800  }
0x10a: {  	[sflag:s29] =	ssyncset.done $0x0  }
0x10b: {  	[sflag:s29] =	ssyncadd.s32 $0xFFFFF800  }
0x10c: {  	_ =	swait.ge [sflag:s29], $0x800  }
0x10d: {  	[sflag:s29] =	ssyncset.done $0x0  }
0x10e: {  	[sflag:s29] =	ssyncadd.s32 $0xFFFFF800  }
0x10f: {  	_ =	swait.ge [sflag:s29], $0x800  }
0x110: {  	[sflag:s29] =	ssyncset.done $0x0  }
0x111: {  	[sflag:s29] =	ssyncadd.s32 $0xFFFFF800  }
0x112: {  	_ =	swait.ge [sflag:s29], $0x800  }
0x113: {  	[sflag:s29] =	ssyncset.done $0x0  }
0x114: {  	[sflag:s29] =	ssyncadd.s32 $0xFFFFF800  }
0x115: {  	s1 =	stileid.u32;
	_ =	swait.ge [sflag:s29], $0x800  }
0x116: {  	s26 =	sshrl.u32 s12, $0x3;
	s0 =	sadd.s32 $0x1, s0;
	[sflag:s29] =	ssyncset.done $0x0  }
0x117: {  	s1 =	sshll.u32 s1, $0x6;
	p2 =	sne.s32 s0, s23;
	[sflag:s29] =	ssyncadd.s32 $0xFFFFF800  }
.Ltmp3:
0x118: {  	s1 =	sor.u32 $0x1C03, s1;
	[bflag:$0x0] =	sbarrier.arrive $0xFFFF;
	(pc) =	sbr.rel @p2 .LBB2_1-.Ltmp3, $4  }
0x119: {  	[hbm:s22], [sflag:s1] =	dma.local [spmem:s26], $0x500  }
0x11a: {  	_ =	swait.ge [sflag:s25], $0x500  }
0x11b: {  	[sflag:s25] =	ssyncset.done $0x0  }
0x11c: {  	[sflag:s25] =	ssyncadd.s32 $0xFFFFFB00  }
0x11d: {  	_ =	sfence.sel $0x180000  }
0x11e: {  	[bflag:$0x0] =	sbarrier.arrive $0xFFFF  }
0x11f: {  	_ =	strace $0x9000004A  }
0x120: {  	s0 =	stileid.u32;
	[bflag:$0x2] =	sbarrier.arrive $0xFFFF  }
0x121: {  	p0 =	sne.s32 s0, $0x0;
	s0 =	rddreg [dreg:$0x4]  }
0x122: {  	s0 =	sadd.s32 @!p0 $0x100000, s0  }
0x123: {  	[sflag:s0] =	ssyncadd.tile.s32 @!p0 $0x1;
	_ =	shalt  }
.Lfunc_end2:
_tile_overlayer_lowered:
.L_overlay_start_2:
0x124: {  	(tag) =	ssettag $0x2  }
0x125: {  	s0 =	rddreg [dreg:$0x0];
	s2 =	stileid.u32  }
0x126: {  	s1 =	rddreg [dreg:$0x1];
	p0 =	sne.s32 s2, $0x0  }
0x127: {  	s3 =	rddreg [dreg:$0x2];
	[bflag:$0x3] =	sbarrier.arrive $0xFFFF;
	s2 =	simm.s32 @!p0 $0x1C03  }
0x128: {  	[timem:s3], [sflag:s2] =	dma.local @!p0 [hbm:s0], s1  }
0x129: {  	s0 =	simm.s32 @!p0 $0x3  }
0x12a: {  	_ =	swait.ge @!p0 [sflag:s0], s1  }
0x12b: {  	s1 =	ssub.s32 @!p0 $0x0, s1;
	[sflag:s0] =	ssyncset.done @!p0 $0x0  }
0x12c: {  	[sflag:s0] =	ssyncadd.s32 @!p0 s1  }
0x12d: {  	[bflag:$0x3] =	sbarrier.arrive $0xFFFF  }
0x12e: {  	_ =	shalt  }

// kernel: kernel.13.cloned.1.call-start
scs
__scs_entry_jumppad:
0x0: {  	(pc) =	sbr.rel $0x88, $3  }
0x1: {  	(tag) =	ssettag $0x0;
	lr =	simm.s32 $0x1  }
0x2: {  	[smem:$0x3F9D] =	sst lr;
	_ =	strace $0xD0000000  }
0x3: {  	_ = 	snop  }
0x4: {  	_ = 	snop  }
0x5: {  	_ = 	snop  }
0x6: {  	_ = 	snop  }
0x7: {  	_ = 	snop  }
__scs_overlays_trampoline_lowered:
0x8: {  	[smem:$0x3FAC] =	sst s0  }
0x9: {  	[smem:$0x3FAD] =	sst s1  }
0xa: {  	[smem:$0x3FAE] =	sst s2  }
0xb: {  	[smem:$0x3FAF] =	sst s3  }
0xc: {  	[smem:$0x3FB0] =	sst s4  }
0xd: {  	[smem:$0x3FB1] =	sst s5  }
0xe: {  	[smem:$0x3FB2] =	sst s6  }
0xf: {  	[smem:$0x3FB3] =	sst s7  }
0x10: {  	[smem:$0x3FB4] =	sst s8  }
0x11: {  	[smem:$0x3FB5] =	sst s9;
	s0 =	simm.s32 @!p0 $0x0  }
0x12: {  	s1 =	sld [smem:$0x3F9B];
	s0 =	simm.s32 @p0 $0x1  }
0x13: {  	[smem:$0x3FB6] =	sst s0;
	s0 =	simm.s32 @!p1 $0x0  }
0x14: {  	s2 =	sld [smem:$0x3F9A];
	s0 =	simm.s32 @p1 $0x1  }
0x15: {  	[smem:$0x3FB7] =	sst s0;
	s0 =	simm.s32 @!p2 $0x0  }
0x16: {  	s3 =	sld [smem:$0x3FDB];
	s0 =	simm.s32 @p2 $0x1  }
0x17: {  	s4 =	simm.s32 $0x1BF5;
	[smem:$0x3FB9] =	sst s0  }
0x18: {  	s0 =	sld [smem:$0x3F9C];
	_ =	swait.ge [sflag:s4], $0x0  }
0x19: {  	s7 =	sld [smem:$0x3F9D]  }
0x1a: {  	s8 =	sadd.s32 $0xFFFFE003, lr  }
0x1b: {  	s9 =	sadd.s32 $0xFFFFFEF7, lr;
	s5 =	simm.s32 $0xFFFFFFFF;
	p2 =	slt.u32 s8, $0xFFFFF086  }
0x1c: {  	p1 =	slt.u32 s9, $0xF7A;
	s5 =	simm.s32 @!p2 $0x0  }
0x1d: {  	s5 =	simm.s32 @p1 $0x1;
	p0 =	seq.s32 s7, s2  }
0x1e: {  	s7 =	smul.u32 @!p0 $0xF7A, s2;
	p2 =	seq.s32 @!p0 s5, $0x0  }
0x1f: {  	s9 =	smul.u32 $0xF7A, s1;
	s8 =	simm.s32 @!p0 $0x1BF5;
	p2 =	por !p2, p0  }
0x20: {  	[sflag:s8] =	ssyncset.s32 @!p0 $0xFFFFF086;
	s6 =	sadd.s32 @!p0 s3, s7;
	s7 =	simm.s32 @!p0 $0x108  }
0x21: {  	s3 =	sadd.s32 s3, s9;
	s6 =	sadd.s32 @!p0 $0x88, s6;
	s7 =	simm.s32 @p2 $0x1082  }
0x22: {  	[simem:s7], [sflag:s8] =	dma.local @!p0 [hbm:s6], $0xF7A  }
0x23: {  	s9 =	sor.u32 $0xD0000000, s2;
	s6 =	simm.s32 $0x108;
	_ =	swait.ge @!p0 [sflag:s8], $0x0  }
0x24: {  	s3 =	sadd.s32 $0x88, s3;
	s6 =	simm.s32 @!p1 $0x1082;
	[sflag:s4] =	ssyncset.s32 $0xFFFFF086  }
0x25: {  	[simem:s6], [sflag:s4] =	dma.local [hbm:s3], $0xF7A  }
0x26: {  	[smem:$0x3F9D] =	sst s1;
	(tag) =	ssettag s2;
	_ =	strace s9  }
0x27: {  	s1 =	sld [smem:$0x3FAD]  }
0x28: {  	s2 =	sld [smem:$0x3FAE]  }
0x29: {  	s4 =	sld [smem:$0x3FB0]  }
0x2a: {  	p0 =	seq.s32 s5, $0x0;
	s5 =	sld [smem:$0x3FB1]  }
0x2b: {  	s6 =	sld [smem:$0x3FB2]  }
0x2c: {  	s7 =	sld [smem:$0x3FB3]  }
0x2d: {  	s3 =	simm.s32 $0x108;
	s8 =	sld [smem:$0x3FB4]  }
0x2e: {  	s3 =	simm.s32 @!p0 $0x1082;
	s9 =	sld [smem:$0x3FB5]  }
0x2f: {  	lr =	sadd.s32 s0, s3;
	s0 =	sld [smem:$0x3FAC]  }
0x30: {  	s3 =	sld [smem:$0x3FAF]  }
0x31: {  	[smem:$0x3FB8] =	sst s10  }
0x32: {  	s10 =	sld [smem:$0x3FB6];
	_ =	sdelay $0x3  }
0x33: {  	p0 =	seq.s32 s10, $0x1;
	s10 =	sld [smem:$0x3FB8];
	_ =	sdelay $0x3  }
0x34: {  	[smem:$0x3FB8] =	sst s10  }
0x35: {  	s10 =	sld [smem:$0x3FB7];
	_ =	sdelay $0x3  }
0x36: {  	p1 =	seq.s32 s10, $0x1;
	s10 =	sld [smem:$0x3FB8];
	_ =	sdelay $0x3  }
0x37: {  	[smem:$0x3FB8] =	sst s10  }
0x38: {  	s10 =	sld [smem:$0x3FB9]  }
0x39: {  	_ = 	snop;
	(pc) =	sbr.ind lr, $3  }
0x3a: {  	_ = 	snop  }
0x3b: {  	_ = 	snop  }
0x3c: {  	p2 =	seq.s32 s10, $0x1;
	s10 =	sld [smem:$0x3FB8]  }
0x3d: {  	_ =	shalt  }
0x3e: {  	_ =	shalt  }
0x3f: {  	_ =	shalt  }
0x40: {  	_ =	shalt  }
0x41: {  	_ =	shalt  }
0x42: {  	_ =	shalt  }
0x43: {  	_ =	shalt  }
0x44: {  	_ =	shalt  }
0x45: {  	_ =	shalt  }
0x46: {  	_ =	shalt  }
0x47: {  	_ =	shalt  }
0x48: {  	_ =	shalt  }
0x49: {  	_ =	shalt  }
0x4a: {  	_ =	shalt  }
0x4b: {  	_ =	shalt  }
0x4c: {  	_ =	shalt  }
0x4d: {  	_ =	shalt  }
0x4e: {  	_ =	shalt  }
0x4f: {  	_ =	shalt  }
0x50: {  	_ =	shalt  }
0x51: {  	_ =	shalt  }
0x52: {  	_ =	shalt  }
0x53: {  	_ =	shalt  }
0x54: {  	_ =	shalt  }
0x55: {  	_ =	shalt  }
0x56: {  	_ =	shalt  }
0x57: {  	_ =	shalt  }
0x58: {  	_ =	shalt  }
0x59: {  	_ =	shalt  }
0x5a: {  	_ =	shalt  }
0x5b: {  	_ =	shalt  }
0x5c: {  	_ =	shalt  }
0x5d: {  	_ =	shalt  }
0x5e: {  	_ =	shalt  }
0x5f: {  	_ =	shalt  }
0x60: {  	_ =	shalt  }
0x61: {  	_ =	shalt  }
0x62: {  	_ =	shalt  }
0x63: {  	_ =	shalt  }
0x64: {  	_ =	shalt  }
0x65: {  	_ =	shalt  }
0x66: {  	_ =	shalt  }
0x67: {  	_ =	shalt  }
0x68: {  	_ =	shalt  }
0x69: {  	_ =	shalt  }
0x6a: {  	_ =	shalt  }
0x6b: {  	_ =	shalt  }
0x6c: {  	_ =	shalt  }
0x6d: {  	_ =	shalt  }
0x6e: {  	_ =	shalt  }
0x6f: {  	_ =	shalt  }
0x70: {  	_ =	shalt  }
0x71: {  	_ =	shalt  }
0x72: {  	_ =	shalt  }
0x73: {  	_ =	shalt  }
0x74: {  	_ =	shalt  }
0x75: {  	_ =	shalt  }
0x76: {  	_ =	shalt  }
0x77: {  	_ =	shalt  }
0x78: {  	_ =	shalt  }
0x79: {  	_ =	shalt  }
0x7a: {  	_ =	shalt  }
0x7b: {  	_ =	shalt  }
0x7c: {  	_ =	shalt  }
0x7d: {  	_ =	shalt  }
0x7e: {  	_ =	shalt  }
0x7f: {  	_ =	shalt  }
0x80: {  	_ =	shalt  }
0x81: {  	_ =	shalt  }
0x82: {  	_ =	shalt  }
0x83: {  	_ =	shalt  }
0x84: {  	_ =	shalt  }
0x85: {  	_ =	shalt  }
0x86: {  	_ =	shalt  }
0x87: {  	_ =	shalt  }
.Lfunc_end0:
.L_simem_size_0:
called_computation.2_lowered:
.L_overlay_start_0:
0x88: {  	s2 =	sld [smem:$0x3FD9]  }
0x89: {  	s3 =	sld [smem:$0x3FFE];
	_ =	sdelay $0x1  }
0x8a: {  	s1 =	srdreg.scid  }
0x8b: {  	s0 =	sand.u32 $0x1, s1  }
0x8c: {  	s16 =	sshll.u32 s0, $0xA;
	s2 =	sadd.s32 s3, s2  }
0x8d: {  	s2 =	sadd.s32 s2, s16  }
0x8e: {  	[smem:$0x3FC4] =	sst s2  }
0x8f: {  	_ = 	snop  }
0x90: {  	(tm) =	ssettm $0x1  }
0x91: {  	s17 =	sld [smem:$0x3FFB];
	_ =	sdelay $0x3  }
0x92: {  	_ =	strace s17  }
0x93: {  	s2 =	sld [smem:$0x3FFC];
	_ =	sdelay $0x3  }
0x94: {  	_ =	strace s2  }
0x95: {  	s2 =	sld [smem:$0x3FFD];
	_ =	sdelay $0x3  }
0x96: {  	_ =	strace s2  }
0x97: {  	_ =	strace $0x8FFFFFFF  }
0x98: {  	s18 =	sld [smem:$0x3FDB];
	_ =	sdelay $0x1  }
0x99: {  	s19 =	simm.s32 $_scs_section_size  }
0x9a: {  	s4 =	simm.s32 $_size__tile_overlayer_lowered;
	s5 =	simm.s32 $_tile_overlayer_lowered  }
0x9b: {  	s22 =	simm.s32 $0x1BFF;
	s21 =	sshll.u32 s5, $0x1;
	s2 =	sadd.s32 s19, s18  }
0x9c: {  	s6 =	simm.s32 $0x0;
	s20 =	sshll.u32 s4, $0x1;
	s4 =	sadd.s32 s21, s2  }
0x9d: {  	[timem:s6], [sflag:s22] =	dma.local [hbm:s4], s20  }
0x9e: {  	_ =	swait.ge [sflag:s22], s20  }
0x9f: {  	s3 =	ssub.s32 $0x0, s20;
	[sflag:s22] =	ssyncset.done $0x0  }
0xa0: {  	[sflag:s22] =	ssyncadd.s32 s3;
	_ =	sdelay $0x1  }
0xa1: {  	s23 =	simm.s32 $0x1B8B  }
0xa2: {  	_ =	swait.ge [sflag:s23], $0x1  }
0xa3: {  	[sflag:s23] =	ssyncset.done $0x0  }
0xa4: {  	s25 =	simm.s32 $0x1B8E;
	s24 =	sld [smem:$0x3FFE];
	[sflag:s23] =	ssyncadd.s32 $0xFFFFFFFF  }
0xa5: {  	s26 =	simm.s32 $execute0_lowered;
	[smem:$0x3FD2] =	sst s25  }
0xa6: {  	s4 =	sshll.u32 s26, $0x1;
	_ =	strace $0x8000004C;
	[dreg:$0x1] =	wrdreg $0xFFFFFFFF  }
0xa7: {  	s28 =	simm.s32 $_size_execute0_lowered;
	s2 =	sadd.s32 s2, s4;
	[dreg:$0x0] =	wrdreg $0x0  }
0xa8: {  	s4 =	sshll.u32 s28, $0x1;
	[dreg:$0x2] =	wrdreg s2  }
0xa9: {  	[dreg:$0x3] =	wrdreg s4  }
0xaa: {  	[dreg:$0x4] =	wrdreg $0xC0  }
0xab: {  	_ =	task [dreg:s6], $0x5FFFF  }
0xac: {  	[dreg:$0x1] =	wrdreg $0xFFFFFFFF  }
0xad: {  	[dreg:$0x0] =	wrdreg $0x60  }
0xae: {  	[dreg:$0x2] =	wrdreg s24  }
0xaf: {  	[dreg:$0x3] =	wrdreg $0x153400  }
0xb0: {  	[dreg:$0x4] =	wrdreg $0x12B400  }
0xb1: {  	[dreg:$0x5] =	wrdreg $0x9  }
0xb2: {  	_ =	task.clear_ibuf [dreg:s6], $0x6FFFF;
	_ =	strace $0x9000004C  }
0xb3: {  	s29 =	simm.s32 $0x9;
	_ =	strace $0x8000004E  }
0xb4: {  	_ =	swait.ge [sflag:s29], $0x1  }
0xb5: {  	[sflag:s29] =	ssyncadd.s32 $0xFFFFFFFF  }
0xb6: {  	_ =	strace $0x9000004E  }
0xb7: {  	_ =	sfence  }
0xb8: {  	s30 =	sld [smem:$0x0];
	_ =	sdelay $0x2  }
0xb9: {  	s31 =	sshll.u32 s1, $0xD;
	s1 =	sshrl.u32 s1, $0x2  }
0xba: {  	s3 =	sand.u32 $0x4000, s31;
	s1 =	sadd.s32 s1, s30  }
0xbb: {  	s0 =	sor.u32 s3, s0;
	s1 =	sshll.u32 s1, $0x11  }
0xbc: {  	s0 =	sor.u32 s1, s0  }
0xbd: {  	s0 =	sadd.s32 $0x8F2B, s0  }
0xbe: {  	[sflag:s0] =	ssyncadd.remote.s32 $0x1  }
0xbf: {  	_ =	sfence.sel $0xFFFF  }
0xc0: {  	[dreg:$0x0] =	wrdreg $0xFFFFFFFF;
	(pc) =	sbr.abs _section_cstart, $3  }
0xc1: {  	[dreg:$0x1] =	wrdreg $0xFFFFFFFF  }
0xc2: {  	_ =	task.clear_ibuf [dreg:s6], $0x2FFFF;
	_ =	strace $0x9FFFFFFF  }
0xc3: {  	(tm) =	ssettm $0x7FFFFFFF  }
tec
execute0_lowered:
.L_overlay_start_1:
0x0: {  	(tag) =	ssettag $0x1  }
0x1: {  	s0 =	rddreg [dreg:$0x0]  }
0x2: {  	s2 =	rddreg [dreg:$0x1]  }
0x3: {  	s3 =	rddreg [dreg:$0x2]  }
0x4: {  	s1 =	srdreg.scid;
	s13 =	stileid.u32  }
0x5: {  	s4 =	simm.s32 $0x0;
	s30 =	simm.s32 $0x4F00;
	s5 =	smul.u32 $0x500, s13  }
0x6: {  	s31 =	simm.s32 $0x80;
	s29 =	simm.s32 $0x1;
	s8 =	smul.u32 $0x2710, s13  }
0x7: {  	s1 =	sand.u32 $0x1, s1;
	[smem:$0x7FF] =	sst s4;
	s17 =	smul.u32 $0xA000, s13  }
0x8: {  	s7 =	sadd.s32 $0x1A00, s0;
	s9 =	sadd.s32 $0xB800, s0;
	s28 =	smul.u32 $0x4F0, s13  }
0x9: {  	s10 =	sadd.s32 $0x15800, s0;
	s6 =	smul.u32 $0x5000, s1;
	_ =	strace $0x8000004D  }
0xa: {  	[dreg:$0x4] =	wrdreg s10;
	s15 =	ssub.s32 $0x2, s1;
	s11 =	sshll.u32 s1, $0x4  }
0xb: {  	s14 =	sshrl.u32 s8, $0x3;
	s16 =	sshrl.u32 s15, $0x1;
	s25 =	sor.u32 s13, s11  }
0xc: {  	s8 =	sadd.s32 s8, s2;
	s22 =	sshrl.u32 s17, $0x2;
	s5 =	sadd.s32 s5, s6  }
0xd: {  	s6 =	ssub.s32 s15, s16;
	[dreg:$0x9] =	wrdreg s8;
	s12 =	sadd.s32 s22, s3  }
0xe: {  	s23 =	smul.u32 $0x4E0, s25;
	p0 =	slt.u32 s25, $0x4;
	s8 =	sadd.s32 $0x800, s12  }
0xf: {  	s5 =	sadd.s32 s5, s0;
	s24 =	sadd.s32 $0x1000, s12;
	[dreg:$0xb] =	wrdreg s8  }
0x10: {  	s0 =	sadd.s32 s14, s0;
	s26 =	sadd.s32 $0x1800, s12;
	[dreg:$0xc] =	wrdreg s24  }
0x11: {  	p1 =	sgt.u32 s25, $0x3;
	s18 =	sadd.s32 $0x29A00, s0;
	[dreg:$0xd] =	wrdreg s26  }
0x12: {  	s25 =	simm.s32 $0x3;
	s19 =	sadd.s32 $0x2EA00, s0;
	[dreg:$0x5] =	wrdreg s18  }
0x13: {  	s16 =	sadd.s32 $0x2000, s12;
	s20 =	sadd.s32 $0x1FA00, s0;
	[dreg:$0x6] =	wrdreg s19  }
0x14: {  	s21 =	sadd.s32 $0x24A00, s0;
	s0 =	sadd.s32 $0x33A00, s0;
	[dreg:$0x7] =	wrdreg s20  }
0x15: {  	s22 =	sadd.s32 $0x15A00, s5;
	s24 =	simm.s32 $0x8F00;
	[dreg:$0x8] =	wrdreg s21  }
0x16: {  	s26 =	simm.s32 $0x0;
	[dreg:$0xa] =	wrdreg s0;
	s0 =	sadd.s32 $0x40, s23  }
0x17: {  	s19 =	sadd.s32 s7, s28;
	s20 =	sadd.s32 s9, s28;
	s21 =	simm.s32 $0x4F  }
0x18: {  	s23 =	smax.u32 s6, $0x1;
	s17 =	sadd.s32 s7, s0;
	s18 =	sadd.s32 s9, s0  }
0x19: {  	s21 =	simm.s32 @!p0 $0x4E;
	p0 =	sne.s32 s1, $0x0;
	s0 =	simm.s32 $0x2  }
.LBB2_1:
0x1a: {  	s1 =	rddreg [dreg:$0x5]  }
0x1b: {  	[tilespmem:s24], [sflag:$0x3] =	stream.linear.gather [hbm4b:s1+s4], $0x2710, $0x38;
	[tilespmem:$0x17A50] =	vst v63  }
0x1c: {  	_ =	swait.ge [sflag:s25], $0x2710  }
0x1d: {  	[sflag:s25] =	ssyncset.done $0x0  }
0x1e: {  	s5 =	simm.s32 $0xB610;
	s10 =	rddreg [dreg:$0x6];
	[sflag:s25] =	ssyncadd.s32 $0xFFFFD8F0  }
0x1f: {  	[tilespmem:s5], [sflag:$0x3] =	stream.linear.gather [hbm4b:s10+s4], $0x2710, $0x38;
	[tilespmem:$0x17A50] =	vst v63  }
0x20: {  	_ =	swait.ge [sflag:s25], $0x2710  }
0x21: {  	[sflag:s25] =	ssyncset.done $0x0  }
0x22: {  	s13 =	simm.s32 $0xDD20;
	s11 =	rddreg [dreg:$0x7];
	[sflag:s25] =	ssyncadd.s32 $0xFFFFD8F0  }
0x23: {  	[tilespmem:s13], [sflag:$0x3] =	stream.linear.gather [hbm4b:s11+s4], $0x2710, $0x38;
	[tilespmem:$0x17A50] =	vst v63  }
0x24: {  	_ =	swait.ge [sflag:s25], $0x2710  }
0x25: {  	[sflag:s25] =	ssyncset.done $0x0  }
0x26: {  	s15 =	simm.s32 $0x10430;
	s14 =	rddreg [dreg:$0x8];
	[sflag:s25] =	ssyncadd.s32 $0xFFFFD8F0  }
0x27: {  	[tilespmem:s15], [sflag:$0x3] =	stream.linear.gather [hbm4b:s14+s4], $0x2710, $0x38;
	[tilespmem:$0x17A50] =	vst v63  }
0x28: {  	_ =	swait.ge [sflag:s25], $0x2710  }
0x29: {  	[sflag:s25] =	ssyncset.done $0x0  }
0x2a: {  	s6 =	simm.s32 $0xDD40;
	[sflag:s25] =	ssyncadd.s32 $0xFFFFD8F0  }
0x2b: {  	s28 =	simm.s32 $0x10450;
	v0 =	vld [tilespmem:s6+$0x10]  }
0x2c: {  	s1 =	simm.s32 $0xB630;
	v1 =	vld [tilespmem:s28+$0x10]  }
0x2d: {  	s5 =	simm.s32 $0x8F20;
	v2 =	vld [tilespmem:s1+$0x10]  }
0x2e: {  	v3 =	vld [tilespmem:s5+$0x10]  }
0x2f: {  	v4 =	vld [tilespmem:s6+$0xFFFFFFE0]  }
0x30: {  	v5 =	vld [tilespmem:s28+$0xFFFFFFE0]  }
0x31: {  	v7 =	vld [tilespmem:s6+$0xFFFFFFF0]  }
0x32: {  	v8 =	vld [tilespmem:s28+$0xFFFFFFF0]  }
0x33: {  	v9 =	vld [tilespmem:s6+$0x0]  }
0x34: {  	v10 =	vld [tilespmem:s28+$0x0];
	v0 =	vadd.f32 v1, v0  }
0x35: {  	v11 =	vld [tilespmem:s5+$0xFFFFFFE0]  }
0x36: {  	v6 =	vld [tilespmem:s1+$0xFFFFFFF0];
	v1 =	vmul.f32 v2, v2;
	v0 =	vadd.f32 v3, v0  }
0x37: {  	v2 =	vld [tilespmem:s5+$0xFFFFFFF0]  }
0x38: {  	v12 =	vadd.f32 v5, v4;
	v3 =	vld [tilespmem:s1+$0x0];
	v0 =	vmul.f32 v0, v1  }
0x39: {  	v7 =	vadd.f32 v8, v7;
	v1 =	vld [tilespmem:s5+$0x0]  }
0x3a: {  	s7 =	simm.s32 $0x0;
	s8 =	simm.s32 $0xDD80;
	s6 =	simm.s32 $0x8F20;
	v5 =	vadd.f32 v10, v9;
	v4 =	vld [tilespmem:s1+$0xFFFFFFE0];
	[tilespmem:s5+$0x10] =	vst v0;
	v0 =	vadd.f32 v11, v12  }
.LBB2_2:
0x3b: {  	v8 =	vld [tilespmem:s8+$0x10];
	v6 =	vmul.f32 v6, v6;
	s28 =	sadd.s32 $0x40, s28  }
0x3c: {  	s7 =	sadd.s32 $0x4, s7;
	s1 =	sadd.s32 $0x40, s1;
	v9 =	vld [tilespmem:s28+$0x10];
	v2 =	vadd.f32 v2, v7  }
0x3d: {  	s5 =	sadd.s32 $0x40, s5;
	p2 =	slt.u32 s7, $0x26C;
	v7 =	vld [tilespmem:s1+$0x10];
	v3 =	vmul.f32 v3, v3  }
0x3e: {  	v10 =	vld [tilespmem:s5+$0x10];
	v2 =	vmul.f32 v2, v6;
	v1 =	vadd.f32 v1, v5  }
0x3f: {  	v5 =	vld [tilespmem:s8+$0xFFFFFFE0];
	v4 =	vmul.f32 v4, v4  }
0x40: {  	v6 =	vld [tilespmem:s28+$0xFFFFFFE0];
	[tilespmem:s6+$0xFFFFFFF0] =	vst v2;
	v1 =	vmul.f32 v1, v3  }
0x41: {  	v2 =	vld [tilespmem:s8+$0xFFFFFFF0];
	v3 =	vadd.f32 v9, v8;
	v0 =	vmul.f32 v0, v4  }
0x42: {  	v4 =	vld [tilespmem:s28+$0xFFFFFFF0];
	[tilespmem:s6+$0x0] =	vst v1  }
0x43: {  	v7 =	vmul.f32 v7, v7;
	v1 =	vld [tilespmem:s8+$0x0];
	v3 =	vadd.f32 v10, v3;
	[tilespmem:s6+$0xFFFFFFE0] =	vst v0;
	s6 =	smov.u32 s5  }
0x44: {  	v0 =	vld [tilespmem:s28+$0x0]  }
0x45: {  	v8 =	vadd.f32 v6, v5;
	v9 =	vld [tilespmem:s5+$0xFFFFFFE0];
	v3 =	vmul.f32 v3, v7  }
.Ltmp0:
0x46: {  	v6 =	vld [tilespmem:s1+$0xFFFFFFF0];
	(pc) =	sbr.rel @p2 .LBB2_2-.Ltmp0, $4  }
0x47: {  	v7 =	vadd.f32 v4, v2;
	v2 =	vld [tilespmem:s5+$0xFFFFFFF0];
	[tilespmem:s5+$0x10] =	vst v3  }
0x48: {  	v3 =	vld [tilespmem:s1+$0x0]  }
0x49: {  	v5 =	vadd.f32 v0, v1;
	v1 =	vld [tilespmem:s5+$0x0]  }
0x4a: {  	s8 =	sadd.s32 $0x40, s8;
	v4 =	vld [tilespmem:s1+$0xFFFFFFE0];
	v0 =	vadd.f32 v9, v8  }
0x4b: {  	_ =	sdelay $0x1  }
0x4c: {  	v6 =	vmul.f32 v6, v6;
	v2 =	vadd.f32 v2, v7  }
0x4d: {  	v3 =	vmul.f32 v3, v3;
	v1 =	vadd.f32 v1, v5  }
0x4e: {  	v2 =	vmul.f32 v2, v6;
	v4 =	vmul.f32 v4, v4  }
0x4f: {  	v1 =	vmul.f32 v1, v3  }
0x50: {  	[tilespmem:s6+$0xFFFFFFF0] =	vst v2;
	v0 =	vmul.f32 v0, v4  }
0x51: {  	[tilespmem:s6+$0x0] =	vst v1  }
0x52: {  	[tilespmem:s6+$0xFFFFFFE0] =	vst v0  }
0x53: {  	v0 =	vld [tilespmem:$0x10420]  }
0x54: {  	v1 =	vld [tilespmem:$0x12B30]  }
0x55: {  	v2 =	vld [tilespmem:$0xDD10]  }
0x56: {  	v62 =	vld [tilespmem:$0xB600];
	_ =	sdelay $0x2  }
0x57: {  	v0 =	vadd.f32 v1, v0;
	_ =	sdelay $0x1  }
0x58: {  	v63 =	vmul.f32 v2, v2;
	v0 =	vadd.f32 v62, v0;
	_ =	sdelay $0x1  }
0x59: {  	v0 =	vmul.f32 v0, v63;
	_ =	sdelay $0x1  }
0x5a: {  	s1 =	rddreg [dreg:$0x9];
	[tilespmem:$0xB600] =	vst v0  }
0x5b: {  	[spmem:s1] =	stream.linear.scatter [tilespmem:s24], [sflag:$0x3], $0x2710, $0x38;
	[tilespmem:$0x17A50] =	vst v63  }
0x5c: {  	_ =	swait.ge [sflag:s25], $0x2710  }
0x5d: {  	s5 =	simm.s32 @!p0 $0x8F00;
	[sflag:s25] =	ssyncset.done $0x0  }
0x5e: {  	s1 =	simm.s32 @!p0 $0x0;
	s6 =	rddreg [dreg:$0xa];
	[sflag:s25] =	ssyncadd.s32 $0xFFFFD8F0  }
0x5f: {  	[hbm4b:s6+s1] =	stream.linear.scatter @!p0 [tilespmem:s5], [sflag:$0x3], $0x2710, $0x38;
	[tilespmem:$0x17A50] =	vst v63  }
0x60: {  	s1 =	simm.s32 @!p0 $0x3  }
0x61: {  	_ =	swait.ge @!p0 [sflag:s1], $0x2710  }
0x62: {  	[sflag:s1] =	ssyncset.done @!p0 $0x0  }
0x63: {  	s15 =	rddreg [dreg:$0x4];
	[sflag:s1] =	ssyncadd.s32 @!p0 $0xFFFFD8F0  }
0x64: {  	[tilespmem:s30], [sflag:$0x3] =	stream.linear.gather [hbm4b:s15+s4], $0x800, $0x38;
	[tilespmem:$0x17A50] =	vst v63  }
0x65: {  	_ =	swait.ge [sflag:s25], $0x800  }
0x66: {  	[sflag:s25] =	ssyncset.done $0x0  }
0x67: {  	[sflag:s25] =	ssyncadd.s32 $0xFFFFF800  }
0x68: {  	[spmem:s12] =	stream.linear.scatter [tilespmem:s30], [sflag:$0x3], $0x800, $0x38;
	[tilespmem:$0x17A50] =	vst v63  }
0x69: {  	_ =	swait.ge [sflag:s25], $0x800  }
0x6a: {  	[sflag:s25] =	ssyncset.done $0x0  }
0x6b: {  	s5 =	rddreg [dreg:$0xb];
	[sflag:s25] =	ssyncadd.s32 $0xFFFFF800  }
0x6c: {  	[spmem:s5] =	stream.linear.scatter [tilespmem:s30], [sflag:$0x3], $0x800, $0x38;
	[tilespmem:$0x17A50] =	vst v63  }
0x6d: {  	_ =	swait.ge [sflag:s25], $0x800  }
0x6e: {  	[sflag:s25] =	ssyncset.done $0x0  }
0x6f: {  	s6 =	rddreg [dreg:$0xc];
	[sflag:s25] =	ssyncadd.s32 $0xFFFFF800  }
0x70: {  	[spmem:s6] =	stream.linear.scatter [tilespmem:s30], [sflag:$0x3], $0x800, $0x38;
	[tilespmem:$0x17A50] =	vst v63  }
0x71: {  	_ =	swait.ge [sflag:s25], $0x800  }
0x72: {  	[sflag:s25] =	ssyncset.done $0x0  }
0x73: {  	s7 =	rddreg [dreg:$0xd];
	[sflag:s25] =	ssyncadd.s32 $0xFFFFF800  }
0x74: {  	[spmem:s7] =	stream.linear.scatter [tilespmem:s30], [sflag:$0x3], $0x800, $0x38;
	[tilespmem:$0x17A50] =	vst v63  }
0x75: {  	_ =	swait.ge [sflag:s25], $0x800  }
0x76: {  	[sflag:s25] =	ssyncset.done $0x0  }
0x77: {  	[sflag:s25] =	ssyncadd.s32 $0xFFFFF800  }
0x78: {  	[spmem:s16] =	stream.linear.scatter [tilespmem:s30], [sflag:$0x3], $0x800, $0x38;
	[tilespmem:$0x17A50] =	vst v63  }
0x79: {  	_ =	swait.ge [sflag:s25], $0x800  }
0x7a: {  	[sflag:s25] =	ssyncset.done $0x0  }
0x7b: {  	s1 =	simm.s32 @p1 $0x0;
	s5 =	simm.s32 @p1 $0x3;
	[sflag:s25] =	ssyncadd.s32 $0xFFFFF800  }
0x7c: {  	[tilespmem:s1], [sflag:$0x3] =	stream.linear.gather @p1 [hbm4b:s17+s1], $0x2700, $0x38;
	[tilespmem:$0x17A50] =	vst v63  }
0x7d: {  	_ =	swait.ge @p1 [sflag:s5], $0x2700  }
0x7e: {  	[sflag:s5] =	ssyncset.done @p1 $0x0  }
0x7f: {  	s6 =	simm.s32 @p1 $0x2780;
	[sflag:s5] =	ssyncadd.s32 @p1 $0xFFFFD900  }
0x80: {  	[tilespmem:s6], [sflag:$0x3] =	stream.linear.gather @p1 [hbm4b:s18+s1], $0x2700, $0x38;
	[tilespmem:$0x17A50] =	vst v63  }
0x81: {  	_ =	swait.ge @p1 [sflag:s5], $0x2700  }
0x82: {  	[sflag:s5] =	ssyncset.done @p1 $0x0  }
0x83: {  	s1 =	simm.s32 @!p1 $0x0;
	[sflag:s5] =	ssyncadd.s32 @p1 $0xFFFFD900;
	s5 =	simm.s32 @!p1 $0x3  }
0x84: {  	[tilespmem:s1], [sflag:$0x3] =	stream.linear.gather @!p1 [hbm4b:s19+s1], $0x2780, $0x38;
	[tilespmem:$0x17A50] =	vst v63  }
0x85: {  	_ =	swait.ge @!p1 [sflag:s5], $0x2780  }
0x86: {  	[sflag:s5] =	ssyncset.done @!p1 $0x0  }
0x87: {  	s8 =	simm.s32 $0x0;
	s6 =	simm.s32 @!p1 $0x2780;
	[sflag:s5] =	ssyncadd.s32 @!p1 $0xFFFFD880  }
0x88: {  	[tilespmem:s6], [sflag:$0x3] =	stream.linear.gather @!p1 [hbm4b:s20+s1], $0x2780, $0x38;
	[tilespmem:$0x17A50] =	vst v63  }
0x89: {  	s9 =	simm.s32 $0x5700;
	s10 =	simm.s32 $0x100;
	_ =	swait.ge @!p1 [sflag:s5], $0x2780  }
0x8a: {  	s11 =	simm.s32 $0x5F00;
	s13 =	simm.s32 $0x3;
	[sflag:s5] =	ssyncset.done @!p1 $0x0  }
0x8b: {  	p2 =	por $0x1, $0x1;
	p3 =	sle.u32 s21, $0x3;
	[sflag:s5] =	ssyncadd.s32 @!p1 $0xFFFFD880  }
0x8c: {  	s28 =	simm.s32 $0x1;
	s7 =	simm.s32 $0x6000;
	[bflag:$0x0] =	sbarrier.arrive $0xFFFF  }
0x8d: {  	[tilespmem:s30], [sflag:$0x1] =	stream.indirect.gather [spmem:s2], $0x10, s8, s31, $0xb8;
	[tilespmem:$0x17A50] =	vst v63  }
0x8e: {  	s14 =	smulhi.u32 $0xCF6474A9, s13;
	s15 =	simm.s32 $0x0;
	s7 =	sand.u32 @!p3 $0xE000, s7  }
0x8f: {  	[tilespmem:s9], [sflag:$0x1] =	stream.indirect.gather [spmem:s2], $0x10, s31, s31, $0xb8;
	[tilespmem:$0x17A50] =	vst v63  }
0x90: {  	s7 =	sshrl.u32 @!p3 s7, $0x2;
	s6 =	sshrl.u32 s14, $0x6;
	s8 =	simm.s32 @!p2 $0x2  }
0x91: {  	[tilespmem:s11], [sflag:$0x1] =	stream.indirect.gather [spmem:s2], $0x10, s10, s31, $0xb8;
	[tilespmem:$0x17A50] =	vst v63  }
0x92: {  	s7 =	sadd.s32 @!p3 $0x4F00, s7;
	s6 =	smul.u32 $0xFFFF6200, s6;
	_ =	swait.ge @!p2 [sflag:s8], $0x800  }
0x93: {  	s1 =	simm.s32 $0x8000;
	s5 =	simm.s32 $0x2780;
	[sflag:s8] =	ssyncset.done @!p2 $0x0  }
0x94: {  	s6 =	sshra.s32 s6, $0x2;
	[sflag:s8] =	ssyncadd.s32 @!p2 $0xFFFFF800;
	p2 =	sne.s32 s21, $0x1  }
.Ltmp1:
0x95: {  	s6 =	sadd.s32 $0x180, s6;
	s9 =	simm.s32 @!p3 $0x80;
	(pc) =	sbr.rel @!p2 .LBB2_5-.Ltmp1, $4  }
0x96: {  	[tilespmem:s7], [sflag:$0x1] =	stream.indirect.gather @!p3 [spmem:s2], $0x10, s6, s9, $0xb8;
	[tilespmem:$0x17A50] =	vst v63  }
0x97: {  	s8 =	sand.u32 $0xE000, s15;
	s6 =	simm.s32 $0x200;
	_ =	swait.ge [sflag:s29], $0x800  }
0x98: {  	s7 =	simm.s32 $0x4;
	s8 =	sshrl.u32 s8, $0x2;
	[sflag:s29] =	ssyncset.done $0x0  }
0x99: {  	s9 =	sadd.s32 $0x4F00, s8;
	s8 =	simm.s32 $0x2800;
	[sflag:s29] =	ssyncadd.s32 $0xFFFFF800  }
.LBB2_4:
0x9a: {  	[spmem:s3] =	stream.indirect.scatter.add.f32 [tilespmem:s9], [sflag:$0x2], $0x10, s5, s31, $0xb8;
	[tilespmem:$0x17A50] =	vst v63  }
0x9b: {  	s9 =	smov.u32 s1;
	s10 =	smov.u32 s6;
	s5 =	smov.u32 s8  }
0x9c: {  	s11 =	smulhi.u32 $0xCF6474A9, s7;
	s1 =	sadd.s32 $0x2000, s1;
	s6 =	sadd.s32 $0x80, s6  }
0x9d: {  	s7 =	sadd.s32 $0x1, s7;
	p2 =	slt.u32 s28, $0x5;
	s13 =	sadd.s32 $0xFFFFA000, s9  }
0x9e: {  	s28 =	sadd.s32 $0x3, s28;
	s14 =	simm.s32 @!p2 $0x2;
	s11 =	sshrl.u32 s11, $0x6  }
0x9f: {  	p3 =	sge.u32 s28, s21;
	s28 =	sadd.s32 $0xFFFFFFFE, s28;
	s11 =	smul.u32 $0xFFFF6200, s11  }
0xa0: {  	s9 =	sand.u32 @!p3 $0xE000, s9;
	s15 =	simm.s32 @!p3 $0x80;
	_ =	swait.ge @!p2 [sflag:s14], $0x800  }
0xa1: {  	s9 =	sshrl.u32 @!p3 s9, $0x2;
	s11 =	sshra.s32 s11, $0x2;
	[sflag:s14] =	ssyncset.done @!p2 $0x0  }
0xa2: {  	[sflag:s14] =	ssyncadd.s32 @!p2 $0xFFFFF800;
	p2 =	sne.s32 s28, s21  }
.Ltmp2:
0xa3: {  	s9 =	sadd.s32 @!p3 $0x4F00, s9;
	s10 =	sadd.s32 s11, s10;
	(pc) =	sbr.rel @p2 .LBB2_4-.Ltmp2, $4  }
0xa4: {  	[tilespmem:s9], [sflag:$0x1] =	stream.indirect.gather @!p3 [spmem:s2], $0x10, s10, s15, $0xb8;
	[tilespmem:$0x17A50] =	vst v63  }
0xa5: {  	s9 =	sand.u32 $0xE000, s13;
	_ =	swait.ge [sflag:s29], $0x800  }
0xa6: {  	s9 =	sshrl.u32 s9, $0x2;
	[sflag:s29] =	ssyncset.done $0x0  }
0xa7: {  	s8 =	sadd.s32 $0x80, s8;
	s9 =	sadd.s32 $0x4F00, s9;
	[sflag:s29] =	ssyncadd.s32 $0xFFFFF800  }
.LBB2_5:
0xa8: {  	[spmem:s3] =	stream.indirect.scatter.add.f32 [tilespmem:s9], [sflag:$0x2], $0x10, s5, s31, $0xb8;
	[tilespmem:$0x17A50] =	vst v63  }
0xa9: {  	_ =	swait.ge [sflag:s0], $0x800  }
0xaa: {  	[sflag:s0] =	ssyncset.done $0x0  }
0xab: {  	[sflag:s0] =	ssyncadd.s32 $0xFFFFF800  }
0xac: {  	_ =	swait.ge [sflag:s0], $0x800  }
0xad: {  	[sflag:s0] =	ssyncset.done $0x0  }
0xae: {  	[sflag:s0] =	ssyncadd.s32 $0xFFFFF800  }
0xaf: {  	_ =	swait.ge [sflag:s0], $0x800  }
0xb0: {  	[sflag:s0] =	ssyncset.done $0x0  }
0xb1: {  	[sflag:s0] =	ssyncadd.s32 $0xFFFFF800  }
0xb2: {  	_ =	swait.ge [sflag:s0], $0x800  }
0xb3: {  	[sflag:s0] =	ssyncset.done $0x0  }
0xb4: {  	[sflag:s0] =	ssyncadd.s32 $0xFFFFF800  }
0xb5: {  	s1 =	stileid.u32;
	_ =	swait.ge [sflag:s0], $0x800  }
0xb6: {  	s28 =	sshrl.u32 s12, $0x3;
	s26 =	sadd.s32 $0x1, s26;
	[sflag:s0] =	ssyncset.done $0x0  }
0xb7: {  	s1 =	sshll.u32 s1, $0x6;
	p2 =	sne.s32 s26, s23;
	[sflag:s0] =	ssyncadd.s32 $0xFFFFF800  }
.Ltmp3:
0xb8: {  	s1 =	sor.u32 $0x1C03, s1;
	[bflag:$0x0] =	sbarrier.arrive $0xFFFF;
	(pc) =	sbr.rel @p2 .LBB2_1-.Ltmp3, $4  }
0xb9: {  	[hbm:s22], [sflag:s1] =	dma.local [spmem:s28], $0x500  }
0xba: {  	_ =	swait.ge [sflag:s25], $0x500  }
0xbb: {  	[sflag:s25] =	ssyncset.done $0x0  }
0xbc: {  	[sflag:s25] =	ssyncadd.s32 $0xFFFFFB00  }
0xbd: {  	_ =	sfence.sel $0x180000  }
0xbe: {  	[bflag:$0x0] =	sbarrier.arrive $0xFFFF  }
0xbf: {  	_ =	strace $0x9000004D  }
0xc0: {  	s0 =	stileid.u32;
	[bflag:$0x2] =	sbarrier.arrive $0xFFFF  }
0xc1: {  	p0 =	sne.s32 s0, $0x0;
	s0 =	rddreg [dreg:$0x3]  }
0xc2: {  	s0 =	sadd.s32 @!p0 $0x100000, s0  }
0xc3: {  	[sflag:s0] =	ssyncadd.tile.s32 @!p0 $0x1;
	_ =	shalt  }
.Lfunc_end2:
_tile_overlayer_lowered:
.L_overlay_start_2:
0xc4: {  	(tag) =	ssettag $0x2  }
0xc5: {  	s0 =	rddreg [dreg:$0x0];
	s2 =	stileid.u32  }
0xc6: {  	s1 =	rddreg [dreg:$0x1];
	p0 =	sne.s32 s2, $0x0  }
0xc7: {  	s3 =	rddreg [dreg:$0x2];
	[bflag:$0x3] =	sbarrier.arrive $0xFFFF;
	s2 =	simm.s32 @!p0 $0x1C03  }
0xc8: {  	[timem:s3], [sflag:s2] =	dma.local @!p0 [hbm:s0], s1  }
0xc9: {  	s0 =	simm.s32 @!p0 $0x3  }
0xca: {  	_ =	swait.ge @!p0 [sflag:s0], s1  }
0xcb: {  	s1 =	ssub.s32 @!p0 $0x0, s1;
	[sflag:s0] =	ssyncset.done @!p0 $0x0  }
0xcc: {  	[sflag:s0] =	ssyncadd.s32 @!p0 s1  }
0xcd: {  	[bflag:$0x3] =	sbarrier.arrive $0xFFFF  }
0xce: {  	_ =	shalt  }

// kernel: kernel.16.cloned.1.call-start
scs
__scs_entry_jumppad:
0x0: {  	(pc) =	sbr.rel $0x88, $3  }
0x1: {  	(tag) =	ssettag $0x0;
	lr =	simm.s32 $0x1  }
0x2: {  	[smem:$0x3F9D] =	sst lr;
	_ =	strace $0xD0000000  }
0x3: {  	_ = 	snop  }
0x4: {  	_ = 	snop  }
0x5: {  	_ = 	snop  }
0x6: {  	_ = 	snop  }
0x7: {  	_ = 	snop  }
__scs_overlays_trampoline_lowered:
0x8: {  	[smem:$0x3FAC] =	sst s0  }
0x9: {  	[smem:$0x3FAD] =	sst s1  }
0xa: {  	[smem:$0x3FAE] =	sst s2  }
0xb: {  	[smem:$0x3FAF] =	sst s3  }
0xc: {  	[smem:$0x3FB0] =	sst s4  }
0xd: {  	[smem:$0x3FB1] =	sst s5  }
0xe: {  	[smem:$0x3FB2] =	sst s6  }
0xf: {  	[smem:$0x3FB3] =	sst s7  }
0x10: {  	[smem:$0x3FB4] =	sst s8  }
0x11: {  	[smem:$0x3FB5] =	sst s9;
	s0 =	simm.s32 @!p0 $0x0  }
0x12: {  	s1 =	sld [smem:$0x3F9B];
	s0 =	simm.s32 @p0 $0x1  }
0x13: {  	[smem:$0x3FB6] =	sst s0;
	s0 =	simm.s32 @!p1 $0x0  }
0x14: {  	s2 =	sld [smem:$0x3F9A];
	s0 =	simm.s32 @p1 $0x1  }
0x15: {  	[smem:$0x3FB7] =	sst s0;
	s0 =	simm.s32 @!p2 $0x0  }
0x16: {  	s3 =	sld [smem:$0x3FDB];
	s0 =	simm.s32 @p2 $0x1  }
0x17: {  	s4 =	simm.s32 $0x1BF5;
	[smem:$0x3FB9] =	sst s0  }
0x18: {  	s0 =	sld [smem:$0x3F9C];
	_ =	swait.ge [sflag:s4], $0x0  }
0x19: {  	s7 =	sld [smem:$0x3F9D]  }
0x1a: {  	s8 =	sadd.s32 $0xFFFFE003, lr  }
0x1b: {  	s9 =	sadd.s32 $0xFFFFFEF7, lr;
	s5 =	simm.s32 $0xFFFFFFFF;
	p2 =	slt.u32 s8, $0xFFFFF086  }
0x1c: {  	p1 =	slt.u32 s9, $0xF7A;
	s5 =	simm.s32 @!p2 $0x0  }
0x1d: {  	s5 =	simm.s32 @p1 $0x1;
	p0 =	seq.s32 s7, s2  }
0x1e: {  	s7 =	smul.u32 @!p0 $0xF7A, s2;
	p2 =	seq.s32 @!p0 s5, $0x0  }
0x1f: {  	s9 =	smul.u32 $0xF7A, s1;
	s8 =	simm.s32 @!p0 $0x1BF5;
	p2 =	por !p2, p0  }
0x20: {  	[sflag:s8] =	ssyncset.s32 @!p0 $0xFFFFF086;
	s6 =	sadd.s32 @!p0 s3, s7;
	s7 =	simm.s32 @!p0 $0x108  }
0x21: {  	s3 =	sadd.s32 s3, s9;
	s6 =	sadd.s32 @!p0 $0x88, s6;
	s7 =	simm.s32 @p2 $0x1082  }
0x22: {  	[simem:s7], [sflag:s8] =	dma.local @!p0 [hbm:s6], $0xF7A  }
0x23: {  	s9 =	sor.u32 $0xD0000000, s2;
	s6 =	simm.s32 $0x108;
	_ =	swait.ge @!p0 [sflag:s8], $0x0  }
0x24: {  	s3 =	sadd.s32 $0x88, s3;
	s6 =	simm.s32 @!p1 $0x1082;
	[sflag:s4] =	ssyncset.s32 $0xFFFFF086  }
0x25: {  	[simem:s6], [sflag:s4] =	dma.local [hbm:s3], $0xF7A  }
0x26: {  	[smem:$0x3F9D] =	sst s1;
	(tag) =	ssettag s2;
	_ =	strace s9  }
0x27: {  	s1 =	sld [smem:$0x3FAD]  }
0x28: {  	s2 =	sld [smem:$0x3FAE]  }
0x29: {  	s4 =	sld [smem:$0x3FB0]  }
0x2a: {  	p0 =	seq.s32 s5, $0x0;
	s5 =	sld [smem:$0x3FB1]  }
0x2b: {  	s6 =	sld [smem:$0x3FB2]  }
0x2c: {  	s7 =	sld [smem:$0x3FB3]  }
0x2d: {  	s3 =	simm.s32 $0x108;
	s8 =	sld [smem:$0x3FB4]  }
0x2e: {  	s3 =	simm.s32 @!p0 $0x1082;
	s9 =	sld [smem:$0x3FB5]  }
0x2f: {  	lr =	sadd.s32 s0, s3;
	s0 =	sld [smem:$0x3FAC]  }
0x30: {  	s3 =	sld [smem:$0x3FAF]  }
0x31: {  	[smem:$0x3FB8] =	sst s10  }
0x32: {  	s10 =	sld [smem:$0x3FB6];
	_ =	sdelay $0x3  }
0x33: {  	p0 =	seq.s32 s10, $0x1;
	s10 =	sld [smem:$0x3FB8];
	_ =	sdelay $0x3  }
0x34: {  	[smem:$0x3FB8] =	sst s10  }
0x35: {  	s10 =	sld [smem:$0x3FB7];
	_ =	sdelay $0x3  }
0x36: {  	p1 =	seq.s32 s10, $0x1;
	s10 =	sld [smem:$0x3FB8];
	_ =	sdelay $0x3  }
0x37: {  	[smem:$0x3FB8] =	sst s10  }
0x38: {  	s10 =	sld [smem:$0x3FB9]  }
0x39: {  	_ = 	snop;
	(pc) =	sbr.ind lr, $3  }
0x3a: {  	_ = 	snop  }
0x3b: {  	_ = 	snop  }
0x3c: {  	p2 =	seq.s32 s10, $0x1;
	s10 =	sld [smem:$0x3FB8]  }
0x3d: {  	_ =	shalt  }
0x3e: {  	_ =	shalt  }
0x3f: {  	_ =	shalt  }
0x40: {  	_ =	shalt  }
0x41: {  	_ =	shalt  }
0x42: {  	_ =	shalt  }
0x43: {  	_ =	shalt  }
0x44: {  	_ =	shalt  }
0x45: {  	_ =	shalt  }
0x46: {  	_ =	shalt  }
0x47: {  	_ =	shalt  }
0x48: {  	_ =	shalt  }
0x49: {  	_ =	shalt  }
0x4a: {  	_ =	shalt  }
0x4b: {  	_ =	shalt  }
0x4c: {  	_ =	shalt  }
0x4d: {  	_ =	shalt  }
0x4e: {  	_ =	shalt  }
0x4f: {  	_ =	shalt  }
0x50: {  	_ =	shalt  }
0x51: {  	_ =	shalt  }
0x52: {  	_ =	shalt  }
0x53: {  	_ =	shalt  }
0x54: {  	_ =	shalt  }
0x55: {  	_ =	shalt  }
0x56: {  	_ =	shalt  }
0x57: {  	_ =	shalt  }
0x58: {  	_ =	shalt  }
0x59: {  	_ =	shalt  }
0x5a: {  	_ =	shalt  }
0x5b: {  	_ =	shalt  }
0x5c: {  	_ =	shalt  }
0x5d: {  	_ =	shalt  }
0x5e: {  	_ =	shalt  }
0x5f: {  	_ =	shalt  }
0x60: {  	_ =	shalt  }
0x61: {  	_ =	shalt  }
0x62: {  	_ =	shalt  }
0x63: {  	_ =	shalt  }
0x64: {  	_ =	shalt  }
0x65: {  	_ =	shalt  }
0x66: {  	_ =	shalt  }
0x67: {  	_ =	shalt  }
0x68: {  	_ =	shalt  }
0x69: {  	_ =	shalt  }
0x6a: {  	_ =	shalt  }
0x6b: {  	_ =	shalt  }
0x6c: {  	_ =	shalt  }
0x6d: {  	_ =	shalt  }
0x6e: {  	_ =	shalt  }
0x6f: {  	_ =	shalt  }
0x70: {  	_ =	shalt  }
0x71: {  	_ =	shalt  }
0x72: {  	_ =	shalt  }
0x73: {  	_ =	shalt  }
0x74: {  	_ =	shalt  }
0x75: {  	_ =	shalt  }
0x76: {  	_ =	shalt  }
0x77: {  	_ =	shalt  }
0x78: {  	_ =	shalt  }
0x79: {  	_ =	shalt  }
0x7a: {  	_ =	shalt  }
0x7b: {  	_ =	shalt  }
0x7c: {  	_ =	shalt  }
0x7d: {  	_ =	shalt  }
0x7e: {  	_ =	shalt  }
0x7f: {  	_ =	shalt  }
0x80: {  	_ =	shalt  }
0x81: {  	_ =	shalt  }
0x82: {  	_ =	shalt  }
0x83: {  	_ =	shalt  }
0x84: {  	_ =	shalt  }
0x85: {  	_ =	shalt  }
0x86: {  	_ =	shalt  }
0x87: {  	_ =	shalt  }
.Lfunc_end0:
.L_simem_size_0:
called_computation.3_lowered:
.L_overlay_start_0:
0x88: {  	s2 =	sld [smem:$0x3FD9]  }
0x89: {  	s3 =	sld [smem:$0x3FFE];
	_ =	sdelay $0x1  }
0x8a: {  	s1 =	srdreg.scid  }
0x8b: {  	s0 =	sand.u32 $0x1, s1  }
0x8c: {  	s17 =	sshll.u32 s0, $0xA;
	s2 =	sadd.s32 s3, s2  }
0x8d: {  	s2 =	sadd.s32 s2, s17  }
0x8e: {  	[smem:$0x3FC4] =	sst s2  }
0x8f: {  	_ = 	snop  }
0x90: {  	s2 =	sld [smem:$0x3FC6]  }
0x91: {  	s18 =	sld [smem:$0x3FD0];
	(tm) =	ssettm $0x1  }
0x92: {  	s4 =	sld [smem:$0x3FFB];
	_ =	sdelay $0x3  }
0x93: {  	_ =	strace s4  }
0x94: {  	s4 =	sld [smem:$0x3FFC];
	_ =	sdelay $0x3  }
0x95: {  	_ =	strace s4  }
0x96: {  	s4 =	sld [smem:$0x3FFD];
	_ =	sdelay $0x3  }
0x97: {  	_ =	strace s4  }
0x98: {  	_ =	strace $0x8FFFFFFF  }
0x99: {  	s19 =	sld [smem:$0x3FDB];
	_ =	sdelay $0x1  }
0x9a: {  	s5 =	simm.s32 $_scs_section_size  }
0x9b: {  	s6 =	simm.s32 $_size__tile_overlayer_lowered;
	s7 =	simm.s32 $_tile_overlayer_lowered  }
0x9c: {  	s22 =	simm.s32 $0x1BFF;
	s21 =	sshll.u32 s7, $0x1;
	s4 =	sadd.s32 s5, s19  }
0x9d: {  	s8 =	simm.s32 $0x0;
	s20 =	sshll.u32 s6, $0x1;
	s6 =	sadd.s32 s21, s4  }
0x9e: {  	[timem:s8], [sflag:s22] =	dma.local [hbm:s6], s20  }
0x9f: {  	_ =	swait.ge [sflag:s22], s20  }
0xa0: {  	s5 =	ssub.s32 $0x0, s20;
	[sflag:s22] =	ssyncset.done $0x0  }
0xa1: {  	[sflag:s22] =	ssyncadd.s32 s5;
	_ =	sdelay $0x1  }
0xa2: {  	s23 =	simm.s32 $0x1B8B  }
0xa3: {  	_ =	swait.ge [sflag:s23], $0x1  }
0xa4: {  	[sflag:s23] =	ssyncset.done $0x0  }
0xa5: {  	s25 =	simm.s32 $0x1B8E;
	s24 =	sld [smem:$0x3FFE];
	[sflag:s23] =	ssyncadd.s32 $0xFFFFFFFF  }
0xa6: {  	s26 =	simm.s32 $execute0_lowered;
	[smem:$0x3FD2] =	sst s25  }
0xa7: {  	s6 =	sshll.u32 s26, $0x1;
	_ =	strace $0x8000004F;
	[dreg:$0x1] =	wrdreg $0xFFFFFFFF  }
0xa8: {  	s28 =	simm.s32 $_size_execute0_lowered;
	s4 =	sadd.s32 s4, s6;
	[dreg:$0x0] =	wrdreg $0x0  }
0xa9: {  	s6 =	sshll.u32 s28, $0x1;
	[dreg:$0x2] =	wrdreg s4  }
0xaa: {  	[dreg:$0x3] =	wrdreg s6  }
0xab: {  	[dreg:$0x4] =	wrdreg $0xC0  }
0xac: {  	_ =	task [dreg:s8], $0x5FFFF  }
0xad: {  	[dreg:$0x1] =	wrdreg $0xFFFFFFFF  }
0xae: {  	[dreg:$0x0] =	wrdreg $0x60  }
0xaf: {  	[dreg:$0x2] =	wrdreg s24  }
0xb0: {  	[dreg:$0x3] =	wrdreg s2  }
0xb1: {  	[dreg:$0x4] =	wrdreg s18  }
0xb2: {  	[dreg:$0x5] =	wrdreg $0x9  }
0xb3: {  	_ =	task.clear_ibuf [dreg:s8], $0x6FFFF;
	_ =	strace $0x9000004F  }
0xb4: {  	s29 =	simm.s32 $0x9;
	_ =	strace $0x80000051  }
0xb5: {  	_ =	swait.ge [sflag:s29], $0x1  }
0xb6: {  	[sflag:s29] =	ssyncadd.s32 $0xFFFFFFFF  }
0xb7: {  	_ =	strace $0x90000051  }
0xb8: {  	_ =	sfence  }
0xb9: {  	s30 =	sld [smem:$0x0];
	_ =	sdelay $0x2  }
0xba: {  	s31 =	sshll.u32 s1, $0xD;
	s1 =	sshrl.u32 s1, $0x2  }
0xbb: {  	s3 =	sand.u32 $0x4000, s31;
	s1 =	sadd.s32 s1, s30  }
0xbc: {  	s0 =	sor.u32 s3, s0;
	s1 =	sshll.u32 s1, $0x11  }
0xbd: {  	s0 =	sor.u32 s1, s0  }
0xbe: {  	s0 =	sadd.s32 $0x8F2B, s0  }
0xbf: {  	[sflag:s0] =	ssyncadd.remote.s32 $0x1  }
0xc0: {  	_ =	sfence.sel $0xFFFF  }
0xc1: {  	[dreg:$0x0] =	wrdreg $0xFFFFFFFF;
	(pc) =	sbr.abs _section_cstart, $3  }
0xc2: {  	[dreg:$0x1] =	wrdreg $0xFFFFFFFF  }
0xc3: {  	_ =	task.clear_ibuf [dreg:s8], $0x2FFFF;
	_ =	strace $0x9FFFFFFF  }
0xc4: {  	(tm) =	ssettm $0x7FFFFFFF  }
0xc5: {  	_ =	shalt  }
tec
execute0_lowered:
.L_overlay_start_1:
0x0: {  	(tag) =	ssettag $0x1  }
0x1: {  	s4 =	rddreg [dreg:$0x0]  }
0x2: {  	s1 =	rddreg [dreg:$0x1]  }
0x3: {  	s8 =	rddreg [dreg:$0x2];
	s2 =	simm.s32 $0x0  }
0x4: {  	[smem:$0x7FF] =	sst s2  }
0x5: {  	s0 =	rddreg [dreg:$0x3];
	s3 =	srdreg.scid;
	v0 =	vimm.f32 $9.000000000e+00;
	_ =	strace $0x80000050  }
0x6: {  	s5 =	sand.u32 $0x1, s3;
	(erf) = vrcp.f32 v0  }
0x7: {  	s3 =	stileid.u32;
	s6 =	sshll.u32 s5, $0x4  }
0x8: {  	s12 =	simm.s32 $0x2720;
	s6 =	sor.u32 s3, s6  }
0x9: {  	s13 =	simm.s32 $0x3AB0;
	s14 =	simm.s32 $0x4E40;
	s9 =	smul.u32 $0x272, s6  }
0xa: {  	s15 =	simm.s32 $0x4E50;
	s5 =	ssub.s32 $0x2, s5;
	s6 =	smul.u32 $0x1390, s6  }
0xb: {  	s16 =	simm.s32 $0x0;
	s7 =	sadd.s32 $0x15A00, s4;
	s30 =	sshrl.u32 s5, $0x1  }
0xc: {  	s11 =	ssub.s32 s5, s30;
	s10 =	sadd.s32 s9, s4;
	s6 =	sshrl.u32 s6, $0x3  }
0xd: {  	s4 =	sadd.s32 s7, s9;
	s8 =	sadd.s32 s8, s9;
	s9 =	smax.u32 s11, $0x1  }
0xe: {  	s11 =	simm.s32 $0x1390;
	s31 =	sadd.s32 s7, s6;
	s6 =	sadd.s32 $0x33A00, s10  }
0xf: {  	s7 =	sadd.s32 $0x2EA00, s10;
	s10 =	simm.s32 $0x1;
	s5 =	sadd.s32 $0x5000, s31;
	v0 =	vpop (erf)  }
.LBB2_1:
0x10: {  	[tilespmem:s2], [sflag:$0x1] =	stream.linear.gather [hbm4b:s4+s2], $0x1390, $0x38;
	[tilespmem:$0x61E0] =	vst v63  }
0x11: {  	_ =	swait.ge [sflag:s10], $0x1390  }
0x12: {  	[sflag:s10] =	ssyncset.done $0x0  }
0x13: {  	[sflag:s10] =	ssyncadd.s32 $0xFFFFEC70  }
0x14: {  	[tilespmem:s11], [sflag:$0x1] =	stream.linear.gather [hbm4b:s5+s2], $0x1390, $0x38;
	[tilespmem:$0x61E0] =	vst v63  }
0x15: {  	_ =	swait.ge [sflag:s10], $0x1390  }
0x16: {  	[sflag:s10] =	ssyncset.done $0x0  }
0x17: {  	[sflag:s10] =	ssyncadd.s32 $0xFFFFEC70  }
0x18: {  	[tilespmem:s12], [sflag:$0x1] =	stream.linear.gather [hbm4b:s6+s2], $0x1390, $0x38;
	[tilespmem:$0x61E0] =	vst v63  }
0x19: {  	_ =	swait.ge [sflag:s10], $0x1390  }
0x1a: {  	[sflag:s10] =	ssyncset.done $0x0  }
0x1b: {  	[sflag:s10] =	ssyncadd.s32 $0xFFFFEC70  }
0x1c: {  	[tilespmem:s13], [sflag:$0x1] =	stream.linear.gather [hbm4b:s7+s2], $0x1390, $0x38;
	[tilespmem:$0x61E0] =	vst v63  }
0x1d: {  	_ =	swait.ge [sflag:s10], $0x1390  }
0x1e: {  	[sflag:s10] =	ssyncset.done $0x0  }
0x1f: {  	[sflag:s10] =	ssyncadd.s32 $0xFFFFEC70  }
0x20: {  	[tilespmem:s14], [sflag:$0x1] =	stream.linear.gather [hbm4b:s1+s2], $0x10, $0x38;
	[tilespmem:$0x61E0] =	vst v63  }
0x21: {  	_ =	swait.ge [sflag:s10], $0x10  }
0x22: {  	[sflag:s10] =	ssyncset.done $0x0  }
0x23: {  	s17 =	simm.s32 $0x20;
	[sflag:s10] =	ssyncadd.s32 $0xFFFFFFF0  }
0x24: {  	s18 =	simm.s32 $0x13B0;
	v2 =	vld [tilespmem:s17+$0x10]  }
0x25: {  	v3 =	vld [tilespmem:s18+$0x10]  }
0x26: {  	s19 =	simm.s32 $0x2740  }
0x27: {  	v5 =	vld [tilespmem:s19+$0x10]  }
0x28: {  	s20 =	simm.s32 $0x3AD0;
	v1 =	vld [tilespmem:$0x4E40]  }
0x29: {  	v7 =	vld [tilespmem:s20+$0x10]  }
0x2a: {  	v4 =	vld [tilespmem:s17+$0xFFFFFFE0];
	v2 =	vadd.f32 v3, v2  }
0x2b: {  	v6 =	vld [tilespmem:s18+$0xFFFFFFE0]  }
0x2c: {  	v8 =	vld [tilespmem:s17+$0xFFFFFFF0];
	v2 =	vadd.f32 v5, v2  }
0x2d: {  	v9 =	vld [tilespmem:s17+$0x0]  }
0x2e: {  	v3 =	vld [tilespmem:s18+$0xFFFFFFF0];
	v2 =	vmul.f32 v2, v7  }
0x2f: {  	v5 =	vld [tilespmem:s18+$0x0]  }
0x30: {  	v7 =	vld [tilespmem:s19+$0xFFFFFFF0];
	v2 =	vadd.f32 v2, v1  }
0x31: {  	v11 =	vld [tilespmem:s19+$0x0]  }
0x32: {  	v12 =	vld [tilespmem:s20+$0xFFFFFFF0];
	(xrf0) =	vmax.scan.msk.f32 $0xffff, v2  }
0x33: {  	v10 =	vld [tilespmem:s19+$0xFFFFFFE0];
	v3 =	vadd.f32 v3, v8  }
0x34: {  	v8 =	vld [tilespmem:s20+$0x0]  }
0x35: {  	v5 =	vadd.f32 v5, v9;
	v9 =	vld [tilespmem:s20+$0xFFFFFFE0];
	v3 =	vadd.f32 v7, v3  }
0x36: {  	v4 =	vadd.f32 v6, v4  }
0x37: {  	v5 =	vadd.f32 v11, v5;
	v3 =	vmul.f32 v3, v12  }
0x38: {  	v4 =	vadd.f32 v10, v4;
	v6, _, _ =	vpop (xrf0)  }
0x39: {  	v5 =	vmul.f32 v5, v8;
	v3 =	vadd.f32 v3, v1;
	v6 =	vbroadcast v6, $0xF  }
0x3a: {  	v4 =	vmul.f32 v4, v9  }
0x3b: {  	v5 =	vadd.f32 v5, v1;
	(xrf0) =	vmax.scan.msk.f32 $0xffff, v3;
	v9 =	vsub.f32 v2, v6  }
0x3c: {  	v4 =	vadd.f32 v4, v1  }
0x3d: {  	(xrf0) =	vmax.scan.msk.f32 $0xffff, v5;
	v2 =	vmul.f32 $1.442695020e+00, v9  }
0x3e: {  	(xrf0) =	vmax.scan.msk.f32 $0xffff, v4;
	_ =	sdelay $0x2  }
0x3f: {  	(erf) = vpow2.f32 v2;
	v2, _, _ =	vpop (xrf0)  }
0x40: {  	v2 =	vbroadcast v2, $0xF  }
0x41: {  	v6, _, _ =	vpop (xrf0)  }
0x42: {  	v6 =	vbroadcast v6, $0xF;
	v7, _, _ =	vpop (xrf0);
	v3 =	vsub.f32 v3, v2  }
0x43: {  	v7 =	vbroadcast v7, $0xF  }
0x44: {  	v2 =	vsub.f32 v5, v6;
	v5 =	vmul.f32 $1.442695020e+00, v3  }
0x45: {  	v4 =	vsub.f32 v4, v7  }
0x46: {  	v6 =	vmul.f32 $1.442695020e+00, v2  }
0x47: {  	v7 =	vmul.f32 $1.442695020e+00, v4;
	(erf) = vpow2.f32 v5  }
0x48: {  	(erf) = vpow2.f32 v6;
	v5 =	vpop (erf)  }
0x49: {  	(erf) = vpow2.f32 v7;
	(xrf2) =	vadd.scan.msk.f32 $0xffff, v5;
	_ =	sdelay $0x1  }
0x4a: {  	s28 =	simm.s32 $0x13F0  }
0x4b: {  	v13 =	vld [tilespmem:s28+$0xFFFFFFE0]  }
0x4c: {  	s26 =	simm.s32 $0x60;
	v6 =	vld [tilespmem:s28+$0x10]  }
0x4d: {  	s30 =	simm.s32 $0x3B10;
	v5 =	vld [tilespmem:s26+$0x10]  }
0x4e: {  	s29 =	simm.s32 $0x2780;
	v14 =	vld [tilespmem:s30+$0x10]  }
0x4f: {  	v11 =	vld [tilespmem:s29+$0x10];
	v7 =	vpop (erf)  }
0x50: {  	v16 =	vld [tilespmem:s26+$0x0];
	v10 =	vpop (erf)  }
0x51: {  	v17 =	vld [tilespmem:s29+$0xFFFFFFE0];
	v12 =	vpop (erf)  }
0x52: {  	v18 =	vld [tilespmem:s29+$0xFFFFFFF0];
	v5 =	vadd.f32 v6, v5;
	v15, _, _ =	vpop (xrf2)  }
0x53: {  	v6 =	vld [tilespmem:s28+$0xFFFFFFF0];
	(xrf2) =	vadd.scan.msk.f32 $0xffff, v12;
	v15 =	vbroadcast v15, $0xF  }
0x54: {  	v5 =	vadd.f32 v11, v5;
	v12 =	vld [tilespmem:s26+$0xFFFFFFF0]  }
0x55: {  	(xrf2) =	vadd.scan.msk.f32 $0xffff, v7;
	v7 =	vld [tilespmem:s28+$0x0];
	v11 =	vand.u32 $0x7FFFFF, v15  }
0x56: {  	v8 =	vld [tilespmem:s26+$0xFFFFFFE0];
	v5 =	vmul.f32 v5, v14;
	v11 =	vor.u32 $0x3F800000, v11  }
0x57: {  	v19 =	vld [tilespmem:s29+$0x0];
	(xrf2) =	vadd.scan.msk.f32 $0xffff, v10;
	v14 =	vadd.f32 $1.000000000e+00, v11  }
0x58: {  	v5 =	vadd.f32 v5, v1;
	v10 =	vld [tilespmem:s30+$0xFFFFFFF0]  }
0x59: {  	v6 =	vadd.f32 v6, v12;
	v12 =	vld [tilespmem:s30+$0x0];
	(erf) = vrcp.f32 v14  }
0x5a: {  	(xrf0) =	vmax.scan.msk.f32 $0xffff, v5;
	v7 =	vadd.f32 v7, v16;
	v14 =	vld [tilespmem:s30+$0xFFFFFFE0]  }
0x5b: {  	v8 =	vadd.f32 v13, v8;
	v6 =	vadd.f32 v18, v6  }
0x5c: {  	v7 =	vadd.f32 v19, v7  }
0x5d: {  	v8 =	vadd.f32 v17, v8;
	v6 =	vmul.f32 v6, v10;
	v13, _, _ =	vpop (xrf2)  }
0x5e: {  	v7 =	vmul.f32 v7, v12;
	v13 =	vbroadcast v13, $0xF  }
0x5f: {  	v11 =	vadd.f32 $-1.000000000e+00, v11;
	v16, _, _ =	vpop (xrf2);
	v6 =	vadd.f32 v6, v1;
	v8 =	vmul.f32 v8, v14  }
0x60: {  	v12, _, _ =	vpop (xrf0);
	v14 =	vbroadcast v16, $0xF;
	v7 =	vadd.f32 v7, v1;
	v10 =	vand.u32 $0x7FFFFF, v13  }
0x61: {  	(xrf0) =	vmax.scan.msk.f32 $0xffff, v6;
	v10 =	vor.u32 $0x3F800000, v10;
	v18 =	vadd.f32 v8, v1;
	v8 =	vbroadcast v12, $0xF;
	v12, _, _ =	vpop (xrf2)  }
0x62: {  	(xrf0) =	vmax.scan.msk.f32 $0xffff, v7;
	v17 =	vadd.f32 $1.000000000e+00, v10;
	v16 =	vpop (erf)  }
0x63: {  	v19 =	vand.u32 $0x7FFFFF, v14;
	v12 =	vbroadcast v12, $0xF;
	(xrf0) =	vmax.scan.msk.f32 $0xffff, v18;
	v11 =	vmul.f32 v16, v11  }
0x64: {  	v8 =	vsub.f32 v5, v8;
	v16 =	vor.u32 $0x3F800000, v19;
	(erf) = vrcp.f32 v17  }
0x65: {  	v17 =	vand.u32 $0x7FFFFF, v12;
	v5 =	vadd.f32 $1.000000000e+00, v16;
	v19 =	vmul.f32 v11, v11  }
0x66: {  	v20 =	vmul.f32 $1.442695020e+00, v8;
	v17 =	vor.u32 $0x3F800000, v17  }
0x67: {  	v21 =	vadd.f32 $1.000000000e+00, v17;
	v22, _, _ =	vpop (xrf0);
	(erf) = vrcp.f32 v5;
	v5 =	vmul.f32 v19, v0  }
0x68: {  	(erf) = vpow2.f32 v20;
	v20 =	vbroadcast v22, $0xF;
	v22, _, _ =	vpop (xrf0)  }
0x69: {  	(erf) = vrcp.f32 v21;
	v21 =	vbroadcast v22, $0xF;
	v22, _, _ =	vpop (xrf0);
	v5 =	vadd.f32 $1.428571490e-01, v5  }
0x6a: {  	v22 =	vbroadcast v22, $0xF  }
0x6b: {  	v6 =	vsub.f32 v6, v20;
	v20 =	vmul.f32 v5, v19  }
0x6c: {  	v5 =	vsub.f32 v7, v21;
	v7 =	vsub.f32 v18, v22  }
0x6d: {  	s31 =	simm.s32 $0xA0;
	v10 =	vadd.f32 $-1.000000000e+00, v10;
	v20 =	vadd.f32 $2.000000030e-01, v20  }
0x6e: {  	v24 =	vld [tilespmem:s31+$0x10];
	s17 =	simm.s32 $0x1430;
	v15 =	vshra.s32 v15, $0x17;
	v18 =	vmul.f32 $1.442695020e+00, v6;
	v21 =	vpop (erf);
	v22 =	vmul.f32 $1.442695020e+00, v7  }
0x6f: {  	v26 =	vld [tilespmem:s17+$0x10];
	v15 =	vadd.s32 $0xFFFFFF81, v15;
	v10 =	vmul.f32 v21, v10;
	v21 =	vmul.f32 $1.442695020e+00, v5  }
0x70: {  	v15 =	vcvt.s32.f32 v15;
	(erf) = vpow2.f32 v18  }
0x71: {  	v16 =	vadd.f32 $-1.000000000e+00, v16;
	v18 =	vmul.f32 v20, v19;
	(erf) = vpow2.f32 v21;
	v20 =	vpop (erf)  }
0x72: {  	v17 =	vadd.f32 $-1.000000000e+00, v17;
	v21 =	vmul.f32 v10, v10;
	(erf) = vpow2.f32 v22;
	v22 =	vpop (erf)  }
0x73: {  	v15 =	vmul.f32 $6.931471820e-01, v15;
	v18 =	vadd.f32 $3.333333430e-01, v18;
	v16 =	vmul.f32 v20, v16;
	v20 =	vpop (erf)  }
0x74: {  	v24 =	vadd.f32 v26, v24;
	(xrf2) =	vadd.scan.msk.f32 $0xffff, v22;
	v22 =	vmul.f32 v21, v0;
	v17 =	vmul.f32 v20, v17  }
0x75: {  	v13 =	vshra.s32 v13, $0x17;
	v18 =	vmul.f32 v18, v19;
	v19 =	vmul.f32 v16, v16  }
0x76: {  	v14 =	vshra.s32 v14, $0x17;
	v13 =	vadd.s32 $0xFFFFFF81, v13;
	v20 =	vmul.f32 v17, v17  }
0x77: {  	v14 =	vadd.s32 $0xFFFFFF81, v14;
	v22 =	vadd.f32 $1.428571490e-01, v22;
	v23 =	vmul.f32 v19, v0  }
0x78: {  	v11 =	vadd.f32 v11, v11;
	v18 =	vadd.f32 $1.000000000e+00, v18;
	v25 =	vmul.f32 v20, v0  }
0x79: {  	v28 =	vld [tilespmem:s31+$0xFFFFFFE0];
	v13 =	vcvt.s32.f32 v13;
	v27 =	vadd.f32 v10, v10;
	v10 =	vmul.f32 v22, v21  }
0x7a: {  	v31 =	vld [tilespmem:s17+$0xFFFFFFE0];
	v11 =	vmul.f32 v18, v11;
	v22 =	vadd.f32 $1.428571490e-01, v23;
	v18 =	vadd.f32 $1.428571490e-01, v25  }
0x7b: {  	v33 =	vld [tilespmem:s17+$0xFFFFFFF0];
	s18 =	simm.s32 $0x27C0;
	v14 =	vcvt.s32.f32 v14;
	v12 =	vshra.s32 v12, $0x17;
	v32 =	vmul.f32 $6.931471820e-01, v13;
	v23 =	vpop (erf)  }
0x7c: {  	v12 =	vadd.s32 $0xFFFFFF81, v12;
	v10 =	vadd.f32 $2.000000030e-01, v10;
	v25 =	vld [tilespmem:s18+$0x10];
	v22 =	vmul.f32 v22, v19;
	v29 =	vpop (erf)  }
0x7d: {  	v34 =	vld [tilespmem:s18+$0xFFFFFFF0];
	v35 =	vmul.f32 $6.931471820e-01, v14;
	v11 =	vadd.f32 v11, v15;
	v30 =	vpop (erf);
	v15 =	vmul.f32 v18, v20  }
0x7e: {  	s19 =	simm.s32 $0x3B50;
	v12 =	vcvt.s32.f32 v12;
	v10 =	vmul.f32 v10, v21;
	v13 =	vadd.f32 $2.000000030e-01, v22;
	v22 =	vld [tilespmem:s31+$0xFFFFFFF0];
	v18, _, _ =	vpop (xrf2)  }
0x7f: {  	v16 =	vadd.f32 v16, v16;
	(xrf2) =	vadd.scan.msk.f32 $0xffff, v30;
	v30 =	vld [tilespmem:s19+$0x10];
	v15 =	vadd.f32 $2.000000030e-01, v15;
	v26 =	vbroadcast v18, $0xF  }
0x80: {  	v18 =	vsub.f32 v9, v11;
	v9 =	vadd.f32 $3.333333430e-01, v10;
	v10 =	vmul.f32 v13, v19;
	v11 =	vld [tilespmem:s31+$0x0]  }
0x81: {  	(xrf2) =	vadd.scan.msk.f32 $0xffff, v23;
	v13 =	vadd.f32 v25, v24;
	v24 =	vld [tilespmem:s17+$0x0];
	v25 =	vadd.f32 v31, v28;
	v15 =	vmul.f32 v15, v20  }
0x82: {  	v31 =	vld [tilespmem:s18+$0xFFFFFFE0];
	v23 =	vand.u32 $0x7FFFFF, v26;
	v28 =	vadd.f32 $3.333333430e-01, v10;
	v21 =	vmul.f32 v9, v21  }
0x83: {  	v10 =	vadd.f32 v17, v17;
	v17 =	vld [tilespmem:s18+$0x0];
	v9 =	vmul.f32 $6.931471820e-01, v12;
	v15 =	vadd.f32 $3.333333430e-01, v15  }
0x84: {  	v23 =	vor.u32 $0x3F800000, v23;
	v13 =	vmul.f32 v13, v30;
	v14 =	vmul.f32 v28, v19;
	v19 =	vld [tilespmem:s19+$0xFFFFFFF0]  }
0x85: {  	(xrf2) =	vadd.scan.msk.f32 $0xffff, v29;
	v12 =	vadd.f32 v33, v22;
	v30 =	vadd.f32 $1.000000000e+00, v23;
	v15 =	vmul.f32 v15, v20;
	v20 =	vld [tilespmem:s19+$0x0]  }
0x86: {  	v13 =	vadd.f32 v13, v1;
	v11 =	vadd.f32 v24, v11;
	v24 =	vld [tilespmem:s19+$0xFFFFFFE0]  }
0x87: {  	v21 =	vadd.f32 $1.000000000e+00, v21;
	(erf) = vrcp.f32 v30;
	v14 =	vadd.f32 $1.000000000e+00, v14  }
0x88: {  	v12 =	vadd.f32 v34, v12;
	v25 =	vadd.f32 v31, v25;
	(xrf0) =	vmax.scan.msk.f32 $0xffff, v13  }
0x89: {  	v21 =	vmul.f32 v21, v27;
	v11 =	vadd.f32 v17, v11;
	v22, _, _ =	vpop (xrf2);
	v27 =	vmul.f32 v14, v16  }
0x8a: {  	v22 =	vbroadcast v22, $0xF;
	v12 =	vmul.f32 v12, v19  }
0x8b: {  	v16, _, _ =	vpop (xrf2);
	v11 =	vmul.f32 v11, v20;
	v20 =	vmul.f32 v25, v24  }
0x8c: {  	v23 =	vadd.f32 $-1.000000000e+00, v23;
	v16 =	vbroadcast v16, $0xF;
	v14 =	vand.u32 $0x7FFFFF, v22  }
0x8d: {  	v12 =	vadd.f32 v12, v1;
	v14 =	vor.u32 $0x3F800000, v14;
	v11 =	vadd.f32 v11, v1  }
0x8e: {  	v17 =	vshra.s32 v22, $0x17;
	v19 =	vadd.f32 $-1.000000000e+00, v14;
	v14 =	vadd.f32 $1.000000000e+00, v14;
	v22, _, _ =	vpop (xrf0)  }
0x8f: {  	v24 =	vand.u32 $0x7FFFFF, v16;
	v28 =	vadd.f32 v20, v1;
	v22 =	vbroadcast v22, $0xF;
	v20, _, _ =	vpop (xrf2)  }
0x90: {  	v25 =	vpop (erf);
	v20 =	vbroadcast v20, $0xF;
	(erf) = vrcp.f32 v14;
	v14 =	vshra.s32 v16, $0x17  }
0x91: {  	(xrf0) =	vmax.scan.msk.f32 $0xffff, v12;
	v29 =	vmul.f32 v25, v23;
	v23 =	vor.u32 $0x3F800000, v24;
	v13 =	vsub.f32 v13, v22  }
0x92: {  	(xrf0) =	vmax.scan.msk.f32 $0xffff, v11;
	v16 =	vadd.f32 $1.000000000e+00, v23;
	v25 =	vadd.f32 $-1.000000000e+00, v23;
	v23 =	vand.u32 $0x7FFFFF, v20  }
0x93: {  	v24 =	vmul.f32 $1.442695020e+00, v13;
	v23 =	vor.u32 $0x3F800000, v23  }
0x94: {  	(erf) = vrcp.f32 v16;
	v16 =	vshra.s32 v20, $0x17;
	v20 =	vadd.f32 $1.000000000e+00, v23  }
0x95: {  	(xrf0) =	vmax.scan.msk.f32 $0xffff, v28;
	v22 =	vmul.f32 v29, v29;
	_ =	sdelay $0x1  }
0x96: {  	v30 =	vmul.f32 v22, v0;
	(erf) = vpow2.f32 v24;
	v24, _, _ =	vpop (xrf0)  }
0x97: {  	v26 =	vshra.s32 v26, $0x17;
	v31 =	vadd.f32 $-1.000000000e+00, v23;
	(erf) = vrcp.f32 v20;
	v20, _, _ =	vpop (xrf0)  }
0x98: {  	v23 =	vadd.f32 $1.428571490e-01, v30;
	v24 =	vbroadcast v24, $0xF;
	v30 =	vbroadcast v20, $0xF  }
0x99: {  	v26 =	vadd.s32 $0xFFFFFF81, v26;
	v17 =	vadd.s32 $0xFFFFFF81, v17  }
0x9a: {  	v14 =	vadd.s32 $0xFFFFFF81, v14;
	v20, _, _ =	vpop (xrf0);
	v12 =	vsub.f32 v12, v24;
	v24 =	vmul.f32 v23, v22  }
0x9b: {  	v23 =	vadd.s32 $0xFFFFFF81, v16;
	v16 =	vbroadcast v20, $0xF;
	v20 =	vcvt.s32.f32 v17  }
0x9c: {  	v17 =	vcvt.s32.f32 v14;
	v11 =	vsub.f32 v11, v30;
	v24 =	vadd.f32 $2.000000030e-01, v24;
	v30 =	vpop (erf)  }
0x9d: {  	v14 =	vsub.f32 v28, v16;
	v16 =	vmul.f32 $1.442695020e+00, v12;
	v19 =	vmul.f32 v30, v19  }
0x9e: {  	v26 =	vcvt.s32.f32 v26;
	v28 =	vmul.f32 $1.442695020e+00, v11  }
0x9f: {  	v30 =	vmul.f32 v24, v22;
	(erf) = vpow2.f32 v16  }
0xa0: {  	v61 =	vmul.f32 $1.442695020e+00, v14;
	(erf) = vpow2.f32 v28  }
0xa1: {  	v16 =	vadd.f32 v19, v19;
	v24 =	vmul.f32 v19, v19;
	v28 =	vadd.f32 $3.333333430e-01, v30;
	v19 =	vpop (erf)  }
0xa2: {  	(erf) = vpow2.f32 v61;
	v62 =	vpop (erf);
	v63 =	vmul.f32 v19, v25  }
0xa3: {  	v15 =	vadd.f32 $1.000000000e+00, v15;
	v30 =	vmul.f32 v24, v0;
	v22 =	vmul.f32 v28, v22;
	v25 =	vpop (erf);
	(xrf2) =	vadd.scan.msk.f32 $0xffff, v62  }
0xa4: {  	v19 =	vadd.f32 v27, v35;
	v27 =	vmul.f32 v63, v63;
	v25 =	vmul.f32 v25, v31  }
0xa5: {  	v26 =	vmul.f32 $6.931471820e-01, v26;
	v28 =	vadd.f32 $1.000000000e+00, v22;
	v31 =	vadd.f32 v29, v29  }
0xa6: {  	s21 =	simm.s32 $0x4E70;
	v29 =	vadd.f32 $1.428571490e-01, v30;
	v30 =	vmul.f32 v27, v0;
	v22 =	vmul.f32 v25, v25  }
0xa7: {  	s22 =	simm.s32 $0x8;
	s23 =	simm.s32 $0xE0;
	s20 =	simm.s32 $0x4E70;
	[tilespmem:s21+$0x10] =	vst v18;
	v21 =	vadd.f32 v21, v32;
	v18 =	vadd.f32 v63, v63;
	v28 =	vmul.f32 v28, v31  }
.LBB2_2:
0xa8: {  	v31 =	vld [tilespmem:s23+$0x10];
	s17 =	sadd.s32 $0x40, s17;
	v29 =	vmul.f32 v29, v24;
	v30 =	vadd.f32 $1.428571490e-01, v30;
	v32 =	vmul.f32 v22, v0  }
0xa9: {  	v23 =	vcvt.s32.f32 v23;
	v35 =	vadd.f32 v25, v25;
	v33 =	vld [tilespmem:s17+$0x10];
	v34 =	vpop (erf);
	v26 =	vadd.f32 v28, v26  }
0xaa: {  	s22 =	sadd.s32 $0x4, s22;
	s18 =	sadd.s32 $0x40, s18;
	v36 =	vld [tilespmem:s23+$0xFFFFFFE0];
	v37 =	vpop (erf);
	v39 =	vadd.f32 $2.000000030e-01, v29;
	v29 =	vmul.f32 v30, v27;
	v30 =	vadd.f32 $1.428571490e-01, v32  }
0xab: {  	v25 =	vmul.f32 $6.931471820e-01, v20;
	v15 =	vmul.f32 v15, v10;
	p0 =	slt.u32 s22, $0x134;
	v32 =	vld [tilespmem:s18+$0x10];
	v38 =	vpop (erf);
	v40 =	vsub.f32 v8, v26  }
0xac: {  	s19 =	sadd.s32 $0x40, s19;
	s21 =	sadd.s32 $0x40, s21;
	v10 =	vmovc v35;
	v20 =	vld [tilespmem:s17+$0xFFFFFFE0];
	(xrf2) =	vadd.scan.msk.f32 $0xffff, v38;
	v38 =	vmul.f32 v39, v24;
	v29 =	vadd.f32 $2.000000030e-01, v29;
	v30 =	vmul.f32 v30, v22  }
0xad: {  	v15 =	vadd.f32 v15, v9;
	v9 =	vmul.f32 $6.931471820e-01, v23;
	v26 =	vmul.f32 $6.931471820e-01, v17;
	v35 =	vld [tilespmem:s19+$0x10];
	v28, _, _ =	vpop (xrf2);
	[tilespmem:s21+$0x10] =	vst v40  }
0xae: {  	v8 =	vmovc v13;
	v17 =	vld [tilespmem:s23+$0xFFFFFFF0];
	v23 =	vadd.f32 v33, v31;
	v28 =	vbroadcast v28, $0xF;
	v30 =	vadd.f32 $2.000000030e-01, v30  }
0xaf: {  	v21 =	vsub.f32 v4, v21;
	v4 =	vmovc v7;
	v31 =	vadd.f32 $3.333333430e-01, v38;
	v29 =	vmul.f32 v29, v27;
	v13 =	vld [tilespmem:s17+$0xFFFFFFF0];
	(xrf2) =	vadd.scan.msk.f32 $0xffff, v34  }
0xb0: {  	v7 =	vmovc v14;
	v33 =	vld [tilespmem:s23+$0x0];
	v23 =	vadd.f32 v32, v23;
	v32 =	vand.u32 $0x7FFFFF, v28;
	v30 =	vmul.f32 v30, v22  }
0xb1: {  	v29 =	vadd.f32 $3.333333430e-01, v29;
	v14 =	vadd.f32 v20, v36;
	v20 =	vld [tilespmem:s17+$0x0];
	v32 =	vor.u32 $0x3F800000, v32;
	[tilespmem:s20+$0xFFFFFFE0] =	vst v21  }
0xb2: {  	v21 =	vld [tilespmem:s18+$0xFFFFFFE0];
	v23 =	vmul.f32 v23, v35;
	v34 =	vadd.f32 $1.000000000e+00, v32;
	v30 =	vadd.f32 $3.333333430e-01, v30  }
0xb3: {  	v19 =	vsub.f32 v3, v19;
	v3 =	vmovc v6;
	v24 =	vmul.f32 v31, v24;
	v27 =	vmul.f32 v29, v27;
	v35 =	vld [tilespmem:s18+$0xFFFFFFF0]  }
0xb4: {  	v6 =	vmovc v12;
	v13 =	vadd.f32 v13, v17;
	v17 =	vld [tilespmem:s18+$0x0];
	v23 =	vadd.f32 v23, v1;
	(xrf2) =	vadd.scan.msk.f32 $0xffff, v37;
	(erf) = vrcp.f32 v34  }
0xb5: {  	v24 =	vadd.f32 $1.000000000e+00, v24;
	v27 =	vadd.f32 $1.000000000e+00, v27;
	v22 =	vmul.f32 v30, v22;
	v12 =	vld [tilespmem:s19+$0xFFFFFFF0];
	[tilespmem:s20+$0xFFFFFFF0] =	vst v19  }
0xb6: {  	v30 =	vsub.f32 v2, v15;
	v2 =	vmov v5;
	v19 =	vld [tilespmem:s19+$0x0];
	v20 =	vadd.f32 v20, v33;
	(xrf0) =	vmax.scan.msk.f32 $0xffff, v23;
	v29, _, _ =	vpop (xrf2)  }
0xb7: {  	v5 =	vmovc v11;
	v15 =	vadd.f32 $1.000000000e+00, v22;
	v31 =	vld [tilespmem:s19+$0xFFFFFFE0];
	v14 =	vadd.f32 v21, v14;
	v29 =	vbroadcast v29, $0xF  }
0xb8: {  	v16 =	vmul.f32 v24, v16;
	v18 =	vmul.f32 v27, v18;
	v11 =	vadd.f32 v35, v13;
	[tilespmem:s20+$0x0] =	vst v30;
	s20 =	smov.u32 s21  }
0xb9: {  	v13 =	vadd.f32 v17, v20;
	v17 =	vshra.s32 v29, $0x17;
	v20 =	vand.u32 $0x7FFFFF, v29;
	v21, _, _ =	vpop (xrf2)  }
0xba: {  	v11 =	vmul.f32 v11, v12;
	v12 =	vor.u32 $0x3F800000, v20;
	v29 =	vbroadcast v21, $0xF  }
0xbb: {  	v13 =	vmul.f32 v13, v19;
	v19 =	vadd.f32 $-1.000000000e+00, v12;
	v12 =	vadd.f32 $1.000000000e+00, v12  }
0xbc: {  	v22 =	vadd.f32 $-1.000000000e+00, v32;
	v14 =	vmul.f32 v14, v31;
	v11 =	vadd.f32 v11, v1;
	v21, _, _ =	vpop (xrf0)  }
0xbd: {  	v27 =	vshra.s32 v29, $0x17;
	v24 =	vadd.f32 v13, v1;
	v13 =	vand.u32 $0x7FFFFF, v29;
	v20 =	vpop (erf)  }
0xbe: {  	v21 =	vbroadcast v21, $0xF;
	v14 =	vadd.f32 v14, v1;
	(xrf0) =	vmax.scan.msk.f32 $0xffff, v11;
	v22 =	vmul.f32 v20, v22;
	v20, _, _ =	vpop (xrf2)  }
0xbf: {  	v29 =	vor.u32 $0x3F800000, v13;
	(xrf0) =	vmax.scan.msk.f32 $0xffff, v24;
	v20 =	vbroadcast v20, $0xF;
	(erf) = vrcp.f32 v12  }
0xc0: {  	v13 =	vsub.f32 v23, v21;
	v12 =	vadd.f32 $1.000000000e+00, v29;
	(xrf0) =	vmax.scan.msk.f32 $0xffff, v14;
	v30 =	vmul.f32 v22, v22  }
0xc1: {  	v29 =	vadd.f32 $-1.000000000e+00, v29;
	v21 =	vshra.s32 v20, $0x17;
	v20 =	vand.u32 $0x7FFFFF, v20  }
0xc2: {  	v33 =	vmul.f32 $1.442695020e+00, v13;
	v20 =	vor.u32 $0x3F800000, v20;
	v31 =	vmul.f32 v30, v0  }
0xc3: {  	v32 =	vadd.f32 $-1.000000000e+00, v20;
	v34 =	vadd.f32 $1.000000000e+00, v20;
	(erf) = vrcp.f32 v12  }
0xc4: {  	v17 =	vadd.s32 $0xFFFFFF81, v17;
	v12, _, _ =	vpop (xrf0);
	(erf) = vpow2.f32 v33;
	v31 =	vadd.f32 $1.428571490e-01, v31  }
0xc5: {  	v27 =	vadd.s32 $0xFFFFFF81, v27;
	v12 =	vbroadcast v12, $0xF;
	v23, _, _ =	vpop (xrf0);
	(erf) = vrcp.f32 v34  }
0xc6: {  	v33 =	vbroadcast v23, $0xF;
	v20, _, _ =	vpop (xrf0);
	v23 =	vadd.s32 $0xFFFFFF81, v21;
	v21 =	vmul.f32 v31, v30  }
0xc7: {  	v31 =	vbroadcast v20, $0xF;
	v12 =	vsub.f32 v11, v12;
	v20 =	vcvt.s32.f32 v17  }
0xc8: {  	v17 =	vcvt.s32.f32 v27;
	v11 =	vsub.f32 v24, v33;
	v21 =	vadd.f32 $2.000000030e-01, v21;
	v24 =	vpop (erf)  }
0xc9: {  	v14 =	vsub.f32 v14, v31;
	v27 =	vmul.f32 $1.442695020e+00, v12;
	v33 =	vmul.f32 v24, v19  }
0xca: {  	v24 =	vmul.f32 $1.442695020e+00, v11;
	v31 =	vmul.f32 v21, v30;
	v21 =	vadd.f32 v16, v25  }
0xcb: {  	v34 =	vmul.f32 $1.442695020e+00, v14;
	(erf) = vpow2.f32 v27;
	v16 =	vadd.f32 v33, v33  }
0xcc: {  	(erf) = vpow2.f32 v24;
	v24 =	vmul.f32 v33, v33;
	v27 =	vadd.f32 $3.333333430e-01, v31;
	v19 =	vpop (erf)  }
0xcd: {  	(erf) = vpow2.f32 v34;
	v25 =	vpop (erf);
	v31 =	vmul.f32 v19, v29;
	v19 =	vadd.f32 v18, v26  }
.Ltmp0:
0xce: {  	v26 =	vshra.s32 v28, $0x17;
	(xrf2) =	vadd.scan.msk.f32 $0xffff, v25;
	v18 =	vmul.f32 v24, v0;
	v28 =	vmul.f32 v27, v30;
	v25 =	vpop (erf);
	(pc) =	sbr.rel @p0 .LBB2_2-.Ltmp0, $4  }
0xcf: {  	v26 =	vadd.s32 $0xFFFFFF81, v26;
	v27 =	vmul.f32 v31, v31;
	v25 =	vmul.f32 v25, v32  }
0xd0: {  	v26 =	vcvt.s32.f32 v26;
	v32 =	vadd.f32 v22, v22;
	v28 =	vadd.f32 $1.000000000e+00, v28  }
0xd1: {  	v29 =	vadd.f32 $1.428571490e-01, v18;
	v30 =	vmul.f32 v27, v0;
	v22 =	vmul.f32 v25, v25  }
0xd2: {  	s23 =	sadd.s32 $0x40, s23;
	v18 =	vadd.f32 v31, v31;
	v26 =	vmul.f32 $6.931471820e-01, v26;
	v28 =	vmul.f32 v28, v32  }
0xd3: {  	_ =	sdelay $0x1  }
0xd4: {  	v31 =	vpop (erf)  }
0xd5: {  	v32 =	vpop (erf)  }
0xd6: {  	v33 =	vpop (erf)  }
0xd7: {  	v34, _, _ =	vpop (xrf2);
	(xrf2) =	vadd.scan.msk.f32 $0xffff, v33  }
0xd8: {  	(xrf2) =	vadd.scan.msk.f32 $0xffff, v31  }
0xd9: {  	(xrf2) =	vadd.scan.msk.f32 $0xffff, v32  }
0xda: {  	v33 =	vbroadcast v34, $0xF;
	_ =	sdelay $0x1  }
0xdb: {  	v43 =	vand.u32 $0x7FFFFF, v33  }
0xdc: {  	v29 =	vmul.f32 v29, v24;
	v31 =	vor.u32 $0x3F800000, v43  }
0xdd: {  	v30 =	vadd.f32 $1.428571490e-01, v30;
	v45 =	vmul.f32 v22, v0;
	v44 =	vadd.f32 $1.000000000e+00, v31  }
0xde: {  	v10 =	vmul.f32 v15, v10;
	v60 =	vcvt.s32.f32 v23;
	v29 =	vadd.f32 $2.000000030e-01, v29  }
0xdf: {  	v4 =	vsub.f32 v4, v21;
	v20 =	vmul.f32 $6.931471820e-01, v20;
	(erf) = vrcp.f32 v44  }
0xe0: {  	v3 =	vsub.f32 v3, v19;
	v17 =	vmul.f32 $6.931471820e-01, v17;
	v29 =	vmul.f32 v29, v24;
	v47, _, _ =	vpop (xrf2)  }
0xe1: {  	v26 =	vadd.f32 v28, v26;
	v32 =	vadd.f32 $1.428571490e-01, v45;
	v28 =	vbroadcast v47, $0xF;
	v49, _, _ =	vpop (xrf2)  }
0xe2: {  	v30 =	vmul.f32 v30, v27;
	v29 =	vadd.f32 $3.333333430e-01, v29;
	v50 =	vbroadcast v49, $0xF;
	v51, _, _ =	vpop (xrf2)  }
0xe3: {  	v48 =	vmul.f32 v32, v22;
	v53 =	vand.u32 $0x7FFFFF, v28;
	v32 =	vbroadcast v51, $0xF  }
0xe4: {  	v52 =	vmul.f32 v29, v24;
	v29 =	vor.u32 $0x3F800000, v53;
	v54 =	vand.u32 $0x7FFFFF, v50  }
0xe5: {  	v35 =	vadd.f32 $1.000000000e+00, v29;
	v34 =	vor.u32 $0x3F800000, v54;
	v37 =	vand.u32 $0x7FFFFF, v32  }
0xe6: {  	v46 =	vadd.f32 $2.000000030e-01, v30;
	v55 =	vadd.f32 $1.000000000e+00, v34;
	v37 =	vor.u32 $0x3F800000, v37  }
0xe7: {  	v31 =	vadd.f32 $-1.000000000e+00, v31;
	(erf) = vrcp.f32 v35;
	v56 =	vadd.f32 $1.000000000e+00, v37  }
0xe8: {  	v61 =	vadd.f32 v25, v25;
	v15 =	vmul.f32 v46, v27;
	v36 =	vpop (erf);
	(erf) = vrcp.f32 v55  }
0xe9: {  	v9 =	vadd.f32 v10, v9;
	v31 =	vmul.f32 v36, v31;
	(erf) = vrcp.f32 v56  }
0xea: {  	v19 =	vmul.f32 $6.931471820e-01, v60;
	v15 =	vadd.f32 $3.333333430e-01, v15;
	v33 =	vshra.s32 v33, $0x17  }
0xeb: {  	v8 =	vsub.f32 v8, v26;
	v33 =	vadd.s32 $0xFFFFFF81, v33;
	v57 =	vmul.f32 v31, v31  }
0xec: {  	v15 =	vmul.f32 v15, v27;
	v24 =	vadd.f32 $1.000000000e+00, v52;
	v30 =	vadd.f32 $2.000000030e-01, v48  }
0xed: {  	v2 =	vsub.f32 v2, v9;
	v33 =	vcvt.s32.f32 v33;
	v59 =	vmul.f32 v57, v0  }
0xee: {  	v15 =	vadd.f32 $1.000000000e+00, v15;
	v16 =	vmul.f32 v24, v16;
	v58 =	vmul.f32 v30, v22  }
0xef: {  	v46 =	vmul.f32 $6.931471820e-01, v33;
	v63 =	vadd.f32 $-1.000000000e+00, v29;
	v21 =	vadd.f32 $1.428571490e-01, v59  }
0xf0: {  	v15 =	vmul.f32 v15, v18;
	v10 =	vadd.f32 $3.333333430e-01, v58;
	v29 =	vadd.f32 $-1.000000000e+00, v34;
	v30 =	vpop (erf)  }
0xf1: {  	v34 =	vadd.f32 $-1.000000000e+00, v37;
	v62 =	vmul.f32 v21, v57;
	v21 =	vmul.f32 v30, v63;
	v35 =	vpop (erf)  }
0xf2: {  	v15 =	vadd.f32 v15, v17;
	v10 =	vmul.f32 v10, v22;
	v22 =	vmul.f32 v35, v29;
	v38 =	vpop (erf)  }
0xf3: {  	v16 =	vadd.f32 v16, v20;
	v39 =	vmul.f32 v21, v21;
	v18 =	vmul.f32 v38, v34  }
0xf4: {  	v6 =	vsub.f32 v6, v15;
	v10 =	vadd.f32 $1.000000000e+00, v10;
	v41 =	vmul.f32 v22, v22  }
0xf5: {  	v26 =	vshra.s32 v50, $0x17;
	v42 =	vmul.f32 v39, v0;
	v43 =	vmul.f32 v18, v18  }
0xf6: {  	v40 =	vshra.s32 v32, $0x17;
	v26 =	vadd.s32 $0xFFFFFF81, v26;
	v44 =	vmul.f32 v41, v0  }
0xf7: {  	v9 =	vadd.f32 $2.000000030e-01, v62;
	v29 =	vadd.f32 $1.428571490e-01, v42;
	v45 =	vmul.f32 v43, v0  }
0xf8: {  	v24 =	vadd.s32 $0xFFFFFF81, v40;
	v26 =	vcvt.s32.f32 v26;
	v20 =	vadd.f32 $1.428571490e-01, v44  }
0xf9: {  	v9 =	vmul.f32 v9, v57;
	v29 =	vmul.f32 v29, v39;
	v32 =	vadd.f32 $1.428571490e-01, v45  }
0xfa: {  	v52 =	vmul.f32 v10, v61;
	v37 =	vshra.s32 v28, $0x17;
	v20 =	vmul.f32 v20, v41  }
0xfb: {  	v9 =	vadd.f32 $3.333333430e-01, v9;
	v29 =	vadd.f32 $2.000000030e-01, v29;
	v32 =	vmul.f32 v32, v43  }
0xfc: {  	v24 =	vcvt.s32.f32 v24;
	v25 =	vadd.s32 $0xFFFFFF81, v37;
	v20 =	vadd.f32 $2.000000030e-01, v20  }
0xfd: {  	v9 =	vmul.f32 v9, v57;
	v29 =	vmul.f32 v29, v39;
	v32 =	vadd.f32 $2.000000030e-01, v32  }
0xfe: {  	v53 =	vmul.f32 $6.931471820e-01, v26;
	v31 =	vadd.f32 v31, v31;
	v20 =	vmul.f32 v20, v41  }
0xff: {  	v9 =	vadd.f32 $1.000000000e+00, v9;
	v29 =	vadd.f32 $3.333333430e-01, v29;
	v47 =	vmul.f32 v32, v43  }
0x100: {  	[tilespmem:s20+$0x0] =	vst v2;
	v2 =	vadd.f32 v52, v19;
	v25 =	vcvt.s32.f32 v25;
	v20 =	vadd.f32 $3.333333430e-01, v20  }
0x101: {  	v9 =	vmul.f32 v9, v31;
	v48 =	vadd.f32 $3.333333430e-01, v47;
	v27 =	vmul.f32 v29, v39  }
0x102: {  	v21 =	vadd.f32 v21, v21;
	v22 =	vadd.f32 v22, v22;
	v20 =	vmul.f32 v20, v41  }
0x103: {  	v9 =	vadd.f32 v9, v46;
	v50 =	vadd.f32 $1.000000000e+00, v27;
	v51 =	vmul.f32 v48, v43  }
0x104: {  	[tilespmem:s20+$0xFFFFFFE0] =	vst v4;
	v25 =	vmul.f32 $6.931471820e-01, v25;
	v18 =	vadd.f32 v18, v18;
	v54 =	vadd.f32 $1.000000000e+00, v20  }
0x105: {  	s17 =	sadd.s32 $0x40, s21;
	[tilespmem:s20+$0xFFFFFFF0] =	vst v3;
	v49 =	vsub.f32 v13, v9;
	v13 =	vadd.f32 $1.000000000e+00, v51;
	v9 =	vmul.f32 v50, v21  }
0x106: {  	[tilespmem:s17+$0x10] =	vst v8;
	v55 =	vsub.f32 v7, v16;
	v3 =	vmul.f32 $6.931471820e-01, v24;
	v56 =	vmul.f32 v54, v22  }
0x107: {  	[tilespmem:s17+$0xFFFFFFF0] =	vst v6;
	v2 =	vsub.f32 v5, v2;
	v57 =	vadd.f32 v9, v25;
	v58 =	vmul.f32 v13, v18  }
0x108: {  	[tilespmem:s17+$0xFFFFFFE0] =	vst v55;
	v59 =	vadd.f32 v56, v53  }
0x109: {  	s18 =	sadd.s32 $0x40, s17;
	[tilespmem:s17+$0x0] =	vst v2;
	v3 =	vadd.f32 v58, v3;
	v60 =	vsub.f32 v14, v57  }
0x10a: {  	[tilespmem:s18+$0x10] =	vst v49;
	v2 =	vsub.f32 v12, v59  }
0x10b: {  	[tilespmem:s18+$0xFFFFFFE0] =	vst v60;
	v3 =	vsub.f32 v11, v3  }
0x10c: {  	[tilespmem:s18+$0xFFFFFFF0] =	vst v2  }
0x10d: {  	[tilespmem:s18+$0x0] =	vst v3  }
0x10e: {  	v2 =	vld [tilespmem:$0x1380]  }
0x10f: {  	v3 =	vld [tilespmem:$0x2710];
	_ =	sdelay $0x1  }
0x110: {  	v61 =	vld [tilespmem:$0x3AA0];
	_ =	sdelay $0x1  }
0x111: {  	v5 =	vld [tilespmem:$0x4E30]  }
0x112: {  	v2 =	vadd.f32 v3, v2;
	_ =	sdelay $0x1  }
0x113: {  	v2 =	vadd.f32 v61, v2;
	_ =	sdelay $0x1  }
0x114: {  	v2 =	vmul.f32 v2, v5;
	_ =	sdelay $0x1  }
0x115: {  	v1 =	vadd.f32 v2, v1;
	_ =	sdelay $0x1  }
0x116: {  	(xrf0) =	vmax.scan.msk.f32 $0xffff, v1;
	_ =	sdelay $0x5  }
0x117: {  	v2, _, _ =	vpop (xrf0)  }
0x118: {  	v2 =	vbroadcast v2, $0xF;
	_ =	sdelay $0x1  }
0x119: {  	v1 =	vsub.f32 v1, v2;
	_ =	sdelay $0x1  }
0x11a: {  	v2 =	vmul.f32 $1.442695020e+00, v1;
	_ =	sdelay $0x1  }
0x11b: {  	(erf) = vpow2.f32 v2;
	_ =	sdelay $0x8  }
0x11c: {  	v2 =	vpop (erf)  }
0x11d: {  	(xrf2) =	vadd.scan.msk.f32 $0xffff, v2;
	_ =	sdelay $0x9  }
0x11e: {  	v2, _, _ =	vpop (xrf2)  }
0x11f: {  	v2 =	vbroadcast v2, $0xF;
	_ =	sdelay $0x1  }
0x120: {  	v3 =	vand.u32 $0x7FFFFF, v2  }
0x121: {  	v3 =	vor.u32 $0x3F800000, v3  }
0x122: {  	v62 =	vadd.f32 $1.000000000e+00, v3;
	_ =	sdelay $0x1  }
0x123: {  	(erf) = vrcp.f32 v62;
	_ =	sdelay $0x7  }
0x124: {  	v3 =	vadd.f32 $-1.000000000e+00, v3  }
0x125: {  	v4 =	vpop (erf)  }
0x126: {  	v3 =	vmul.f32 v4, v3;
	_ =	sdelay $0x1  }
0x127: {  	v4 =	vmul.f32 v3, v3;
	_ =	sdelay $0x1  }
0x128: {  	v63 =	vmul.f32 v4, v0;
	_ =	sdelay $0x1  }
0x129: {  	v5 =	vadd.f32 $1.428571490e-01, v63;
	_ =	sdelay $0x1  }
0x12a: {  	v5 =	vmul.f32 v5, v4;
	_ =	sdelay $0x1  }
0x12b: {  	v5 =	vadd.f32 $2.000000030e-01, v5;
	_ =	sdelay $0x1  }
0x12c: {  	v5 =	vmul.f32 v5, v4;
	_ =	sdelay $0x1  }
0x12d: {  	v5 =	vadd.f32 $3.333333430e-01, v5;
	_ =	sdelay $0x1  }
0x12e: {  	v2 =	vshra.s32 v2, $0x17;
	v4 =	vmul.f32 v5, v4  }
0x12f: {  	v2 =	vadd.s32 $0xFFFFFF81, v2  }
0x130: {  	v2 =	vcvt.s32.f32 v2;
	v3 =	vadd.f32 v3, v3;
	v4 =	vadd.f32 $1.000000000e+00, v4;
	_ =	sdelay $0x1  }
0x131: {  	v2 =	vmul.f32 $6.931471820e-01, v2;
	v3 =	vmul.f32 v4, v3;
	_ =	sdelay $0x1  }
0x132: {  	v2 =	vadd.f32 v3, v2;
	_ =	sdelay $0x1  }
0x133: {  	s16 =	sadd.s32 $0x1, s16;
	v1 =	vsub.f32 v1, v2  }
0x134: {  	p0 =	sne.s32 s16, s9  }
.Ltmp1:
0x135: {  	[tilespmem:$0x61D0] =	vst v1;
	(pc) =	sbr.rel @p0 .LBB2_1-.Ltmp1, $4  }
0x136: {  	[hbm4b:s8+s2] =	stream.linear.scatter [tilespmem:s15], [sflag:$0x1], $0x1390, $0x38;
	[tilespmem:$0x61E0] =	vst v63  }
0x137: {  	_ =	swait.ge [sflag:s10], $0x1390  }
0x138: {  	[sflag:s10] =	ssyncset.done $0x0  }
0x139: {  	[sflag:s10] =	ssyncadd.s32 $0xFFFFEC70  }
0x13a: {  	_ =	sfence.sel $0x180000  }
0x13b: {  	[bflag:$0x0] =	sbarrier.arrive $0xFFFF  }
0x13c: {  	p0 =	sne.s32 s3, $0x0;
	_ =	strace $0x90000050  }
0x13d: {  	s0 =	sadd.s32 @!p0 $0x100000, s0;
	[bflag:$0x2] =	sbarrier.arrive $0xFFFF  }
0x13e: {  	[sflag:s0] =	ssyncadd.tile.s32 @!p0 $0x1;
	_ =	shalt  }
.Lfunc_end2:
_tile_overlayer_lowered:
.L_overlay_start_2:
0x13f: {  	(tag) =	ssettag $0x2  }
0x140: {  	s0 =	rddreg [dreg:$0x0];
	s2 =	stileid.u32  }
0x141: {  	s1 =	rddreg [dreg:$0x1];
	p0 =	sne.s32 s2, $0x0  }
0x142: {  	s3 =	rddreg [dreg:$0x2];
	[bflag:$0x3] =	sbarrier.arrive $0xFFFF;
	s2 =	simm.s32 @!p0 $0x1C01  }
0x143: {  	[timem:s3], [sflag:s2] =	dma.local @!p0 [hbm:s0], s1  }
0x144: {  	s0 =	simm.s32 @!p0 $0x1  }
0x145: {  	_ =	swait.ge @!p0 [sflag:s0], s1  }
0x146: {  	s1 =	ssub.s32 @!p0 $0x0, s1;
	[sflag:s0] =	ssyncset.done @!p0 $0x0  }
0x147: {  	[sflag:s0] =	ssyncadd.s32 @!p0 s1  }
0x148: {  	[bflag:$0x3] =	sbarrier.arrive $0xFFFF  }
0x149: {  	_ =	shalt  }

// kernel: kernel.7.cloned.1.call-start
scs
__scs_entry_jumppad:
0x0: {  	(pc) =	sbr.rel $0x88, $3  }
0x1: {  	(tag) =	ssettag $0x0;
	lr =	simm.s32 $0x1  }
0x2: {  	[smem:$0x3F9D] =	sst lr;
	_ =	strace $0xD0000000  }
0x3: {  	_ = 	snop  }
0x4: {  	_ = 	snop  }
0x5: {  	_ = 	snop  }
0x6: {  	_ = 	snop  }
0x7: {  	_ = 	snop  }
__scs_overlays_trampoline_lowered:
0x8: {  	[smem:$0x3FAC] =	sst s0  }
0x9: {  	[smem:$0x3FAD] =	sst s1  }
0xa: {  	[smem:$0x3FAE] =	sst s2  }
0xb: {  	[smem:$0x3FAF] =	sst s3  }
0xc: {  	[smem:$0x3FB0] =	sst s4  }
0xd: {  	[smem:$0x3FB1] =	sst s5  }
0xe: {  	[smem:$0x3FB2] =	sst s6  }
0xf: {  	[smem:$0x3FB3] =	sst s7  }
0x10: {  	[smem:$0x3FB4] =	sst s8  }
0x11: {  	[smem:$0x3FB5] =	sst s9;
	s0 =	simm.s32 @!p0 $0x0  }
0x12: {  	s1 =	sld [smem:$0x3F9B];
	s0 =	simm.s32 @p0 $0x1  }
0x13: {  	[smem:$0x3FB6] =	sst s0;
	s0 =	simm.s32 @!p1 $0x0  }
0x14: {  	s2 =	sld [smem:$0x3F9A];
	s0 =	simm.s32 @p1 $0x1  }
0x15: {  	[smem:$0x3FB7] =	sst s0;
	s0 =	simm.s32 @!p2 $0x0  }
0x16: {  	s3 =	sld [smem:$0x3FDB];
	s0 =	simm.s32 @p2 $0x1  }
0x17: {  	s4 =	simm.s32 $0x1BF5;
	[smem:$0x3FB9] =	sst s0  }
0x18: {  	s0 =	sld [smem:$0x3F9C];
	_ =	swait.ge [sflag:s4], $0x0  }
0x19: {  	s7 =	sld [smem:$0x3F9D]  }
0x1a: {  	s8 =	sadd.s32 $0xFFFFE003, lr  }
0x1b: {  	s9 =	sadd.s32 $0xFFFFFEF7, lr;
	s5 =	simm.s32 $0xFFFFFFFF;
	p2 =	slt.u32 s8, $0xFFFFF086  }
0x1c: {  	p1 =	slt.u32 s9, $0xF7A;
	s5 =	simm.s32 @!p2 $0x0  }
0x1d: {  	s5 =	simm.s32 @p1 $0x1;
	p0 =	seq.s32 s7, s2  }
0x1e: {  	s7 =	smul.u32 @!p0 $0xF7A, s2;
	p2 =	seq.s32 @!p0 s5, $0x0  }
0x1f: {  	s9 =	smul.u32 $0xF7A, s1;
	s8 =	simm.s32 @!p0 $0x1BF5;
	p2 =	por !p2, p0  }
0x20: {  	[sflag:s8] =	ssyncset.s32 @!p0 $0xFFFFF086;
	s6 =	sadd.s32 @!p0 s3, s7;
	s7 =	simm.s32 @!p0 $0x108  }
0x21: {  	s3 =	sadd.s32 s3, s9;
	s6 =	sadd.s32 @!p0 $0x88, s6;
	s7 =	simm.s32 @p2 $0x1082  }
0x22: {  	[simem:s7], [sflag:s8] =	dma.local @!p0 [hbm:s6], $0xF7A  }
0x23: {  	s9 =	sor.u32 $0xD0000000, s2;
	s6 =	simm.s32 $0x108;
	_ =	swait.ge @!p0 [sflag:s8], $0x0  }
0x24: {  	s3 =	sadd.s32 $0x88, s3;
	s6 =	simm.s32 @!p1 $0x1082;
	[sflag:s4] =	ssyncset.s32 $0xFFFFF086  }
0x25: {  	[simem:s6], [sflag:s4] =	dma.local [hbm:s3], $0xF7A  }
0x26: {  	[smem:$0x3F9D] =	sst s1;
	(tag) =	ssettag s2;
	_ =	strace s9  }
0x27: {  	s1 =	sld [smem:$0x3FAD]  }
0x28: {  	s2 =	sld [smem:$0x3FAE]  }
0x29: {  	s4 =	sld [smem:$0x3FB0]  }
0x2a: {  	p0 =	seq.s32 s5, $0x0;
	s5 =	sld [smem:$0x3FB1]  }
0x2b: {  	s6 =	sld [smem:$0x3FB2]  }
0x2c: {  	s7 =	sld [smem:$0x3FB3]  }
0x2d: {  	s3 =	simm.s32 $0x108;
	s8 =	sld [smem:$0x3FB4]  }
0x2e: {  	s3 =	simm.s32 @!p0 $0x1082;
	s9 =	sld [smem:$0x3FB5]  }
0x2f: {  	lr =	sadd.s32 s0, s3;
	s0 =	sld [smem:$0x3FAC]  }
0x30: {  	s3 =	sld [smem:$0x3FAF]  }
0x31: {  	[smem:$0x3FB8] =	sst s10  }
0x32: {  	s10 =	sld [smem:$0x3FB6];
	_ =	sdelay $0x3  }
0x33: {  	p0 =	seq.s32 s10, $0x1;
	s10 =	sld [smem:$0x3FB8];
	_ =	sdelay $0x3  }
0x34: {  	[smem:$0x3FB8] =	sst s10  }
0x35: {  	s10 =	sld [smem:$0x3FB7];
	_ =	sdelay $0x3  }
0x36: {  	p1 =	seq.s32 s10, $0x1;
	s10 =	sld [smem:$0x3FB8];
	_ =	sdelay $0x3  }
0x37: {  	[smem:$0x3FB8] =	sst s10  }
0x38: {  	s10 =	sld [smem:$0x3FB9]  }
0x39: {  	_ = 	snop;
	(pc) =	sbr.ind lr, $3  }
0x3a: {  	_ = 	snop  }
0x3b: {  	_ = 	snop  }
0x3c: {  	p2 =	seq.s32 s10, $0x1;
	s10 =	sld [smem:$0x3FB8]  }
0x3d: {  	_ =	shalt  }
0x3e: {  	_ =	shalt  }
0x3f: {  	_ =	shalt  }
0x40: {  	_ =	shalt  }
0x41: {  	_ =	shalt  }
0x42: {  	_ =	shalt  }
0x43: {  	_ =	shalt  }
0x44: {  	_ =	shalt  }
0x45: {  	_ =	shalt  }
0x46: {  	_ =	shalt  }
0x47: {  	_ =	shalt  }
0x48: {  	_ =	shalt  }
0x49: {  	_ =	shalt  }
0x4a: {  	_ =	shalt  }
0x4b: {  	_ =	shalt  }
0x4c: {  	_ =	shalt  }
0x4d: {  	_ =	shalt  }
0x4e: {  	_ =	shalt  }
0x4f: {  	_ =	shalt  }
0x50: {  	_ =	shalt  }
0x51: {  	_ =	shalt  }
0x52: {  	_ =	shalt  }
0x53: {  	_ =	shalt  }
0x54: {  	_ =	shalt  }
0x55: {  	_ =	shalt  }
0x56: {  	_ =	shalt  }
0x57: {  	_ =	shalt  }
0x58: {  	_ =	shalt  }
0x59: {  	_ =	shalt  }
0x5a: {  	_ =	shalt  }
0x5b: {  	_ =	shalt  }
0x5c: {  	_ =	shalt  }
0x5d: {  	_ =	shalt  }
0x5e: {  	_ =	shalt  }
0x5f: {  	_ =	shalt  }
0x60: {  	_ =	shalt  }
0x61: {  	_ =	shalt  }
0x62: {  	_ =	shalt  }
0x63: {  	_ =	shalt  }
0x64: {  	_ =	shalt  }
0x65: {  	_ =	shalt  }
0x66: {  	_ =	shalt  }
0x67: {  	_ =	shalt  }
0x68: {  	_ =	shalt  }
0x69: {  	_ =	shalt  }
0x6a: {  	_ =	shalt  }
0x6b: {  	_ =	shalt  }
0x6c: {  	_ =	shalt  }
0x6d: {  	_ =	shalt  }
0x6e: {  	_ =	shalt  }
0x6f: {  	_ =	shalt  }
0x70: {  	_ =	shalt  }
0x71: {  	_ =	shalt  }
0x72: {  	_ =	shalt  }
0x73: {  	_ =	shalt  }
0x74: {  	_ =	shalt  }
0x75: {  	_ =	shalt  }
0x76: {  	_ =	shalt  }
0x77: {  	_ =	shalt  }
0x78: {  	_ =	shalt  }
0x79: {  	_ =	shalt  }
0x7a: {  	_ =	shalt  }
0x7b: {  	_ =	shalt  }
0x7c: {  	_ =	shalt  }
0x7d: {  	_ =	shalt  }
0x7e: {  	_ =	shalt  }
0x7f: {  	_ =	shalt  }
0x80: {  	_ =	shalt  }
0x81: {  	_ =	shalt  }
0x82: {  	_ =	shalt  }
0x83: {  	_ =	shalt  }
0x84: {  	_ =	shalt  }
0x85: {  	_ =	shalt  }
0x86: {  	_ =	shalt  }
0x87: {  	_ =	shalt  }
.Lfunc_end0:
.L_simem_size_0:
called_computation_lowered:
.L_overlay_start_0:
0x88: {  	s2 =	sld [smem:$0x3FD9]  }
0x89: {  	s3 =	sld [smem:$0x3FFE];
	_ =	sdelay $0x1  }
0x8a: {  	s1 =	srdreg.scid  }
0x8b: {  	s0 =	sand.u32 $0x1, s1  }
0x8c: {  	s16 =	sshll.u32 s0, $0xA;
	s2 =	sadd.s32 s3, s2  }
0x8d: {  	s2 =	sadd.s32 s2, s16  }
0x8e: {  	[smem:$0x3FC4] =	sst s2  }
0x8f: {  	_ = 	snop  }
0x90: {  	(tm) =	ssettm $0x1  }
0x91: {  	s17 =	sld [smem:$0x3FFB];
	_ =	sdelay $0x3  }
0x92: {  	_ =	strace s17  }
0x93: {  	s2 =	sld [smem:$0x3FFC];
	_ =	sdelay $0x3  }
0x94: {  	_ =	strace s2  }
0x95: {  	s2 =	sld [smem:$0x3FFD];
	_ =	sdelay $0x3  }
0x96: {  	_ =	strace s2  }
0x97: {  	_ =	strace $0x8FFFFFFF  }
0x98: {  	s18 =	sld [smem:$0x3FDB];
	_ =	sdelay $0x1  }
0x99: {  	s19 =	simm.s32 $_scs_section_size  }
0x9a: {  	s4 =	simm.s32 $_size__tile_overlayer_lowered;
	s5 =	simm.s32 $_tile_overlayer_lowered  }
0x9b: {  	s22 =	simm.s32 $0x1BFF;
	s21 =	sshll.u32 s5, $0x1;
	s2 =	sadd.s32 s19, s18  }
0x9c: {  	s6 =	simm.s32 $0x0;
	s20 =	sshll.u32 s4, $0x1;
	s4 =	sadd.s32 s21, s2  }
0x9d: {  	[timem:s6], [sflag:s22] =	dma.local [hbm:s4], s20  }
0x9e: {  	_ =	swait.ge [sflag:s22], s20  }
0x9f: {  	s3 =	ssub.s32 $0x0, s20;
	[sflag:s22] =	ssyncset.done $0x0  }
0xa0: {  	[sflag:s22] =	ssyncadd.s32 s3;
	_ =	sdelay $0x1  }
0xa1: {  	s23 =	simm.s32 $0x1B8B  }
0xa2: {  	_ =	swait.ge [sflag:s23], $0x1  }
0xa3: {  	[sflag:s23] =	ssyncset.done $0x0  }
0xa4: {  	s25 =	simm.s32 $0x1B8E;
	s24 =	sld [smem:$0x3FFE];
	[sflag:s23] =	ssyncadd.s32 $0xFFFFFFFF  }
0xa5: {  	s26 =	simm.s32 $execute0_lowered;
	[smem:$0x3FD2] =	sst s25  }
0xa6: {  	s4 =	sshll.u32 s26, $0x1;
	_ =	strace $0x80000046;
	[dreg:$0x1] =	wrdreg $0xFFFFFFFF  }
0xa7: {  	s28 =	simm.s32 $_size_execute0_lowered;
	s2 =	sadd.s32 s2, s4;
	[dreg:$0x0] =	wrdreg $0x0  }
0xa8: {  	s4 =	sshll.u32 s28, $0x1;
	[dreg:$0x2] =	wrdreg s2  }
0xa9: {  	[dreg:$0x3] =	wrdreg s4  }
0xaa: {  	[dreg:$0x4] =	wrdreg $0xC0  }
0xab: {  	_ =	task [dreg:s6], $0x5FFFF  }
0xac: {  	[dreg:$0x1] =	wrdreg $0xFFFFFFFF  }
0xad: {  	[dreg:$0x0] =	wrdreg $0x60  }
0xae: {  	[dreg:$0x2] =	wrdreg s24  }
0xaf: {  	[dreg:$0x3] =	wrdreg $0x2F800  }
0xb0: {  	[dreg:$0x4] =	wrdreg $0x9  }
0xb1: {  	_ =	task.clear_ibuf [dreg:s6], $0x5FFFF;
	_ =	strace $0x90000046  }
0xb2: {  	s29 =	simm.s32 $0x9;
	_ =	strace $0x80000048  }
0xb3: {  	_ =	swait.ge [sflag:s29], $0x1  }
0xb4: {  	[sflag:s29] =	ssyncadd.s32 $0xFFFFFFFF  }
0xb5: {  	_ =	strace $0x90000048  }
0xb6: {  	_ =	sfence  }
0xb7: {  	s30 =	sld [smem:$0x0];
	_ =	sdelay $0x2  }
0xb8: {  	s31 =	sshll.u32 s1, $0xD;
	s1 =	sshrl.u32 s1, $0x2  }
0xb9: {  	s3 =	sand.u32 $0x4000, s31;
	s1 =	sadd.s32 s1, s30  }
0xba: {  	s0 =	sor.u32 s3, s0;
	s1 =	sshll.u32 s1, $0x11  }
0xbb: {  	s0 =	sor.u32 s1, s0  }
0xbc: {  	s0 =	sadd.s32 $0x8F2B, s0  }
0xbd: {  	[sflag:s0] =	ssyncadd.remote.s32 $0x1  }
0xbe: {  	_ =	sfence.sel $0xFFFF  }
0xbf: {  	[dreg:$0x0] =	wrdreg $0xFFFFFFFF;
	(pc) =	sbr.abs _section_cstart, $3  }
0xc0: {  	[dreg:$0x1] =	wrdreg $0xFFFFFFFF  }
0xc1: {  	_ =	task.clear_ibuf [dreg:s6], $0x2FFFF;
	_ =	strace $0x9FFFFFFF  }
0xc2: {  	(tm) =	ssettm $0x7FFFFFFF  }
0xc3: {  	_ =	shalt  }
tec
execute0_lowered:
.L_overlay_start_1:
0x0: {  	(tag) =	ssettag $0x1  }
0x1: {  	s6 =	rddreg [dreg:$0x0]  }
0x2: {  	s2 =	rddreg [dreg:$0x1]  }
0x3: {  	s0 =	rddreg [dreg:$0x2];
	s3 =	simm.s32 $0x0;
	s4 =	srdreg.scid  }
0x4: {  	s1 =	stileid.u32;
	s18 =	simm.s32 $0x80;
	s19 =	simm.s32 $0x1  }
0x5: {  	s22 =	simm.s32 $0x0;
	[smem:$0x7FF] =	sst s3;
	s8 =	smul.u32 $0x500, s1  }
0x6: {  	s7 =	sand.u32 $0x1, s4;
	s13 =	sadd.s32 $0xB800, s6;
	s10 =	smul.u32 $0xA000, s1  }
0x7: {  	s4 =	sadd.s32 $0x15800, s6;
	s5 =	sadd.s32 $0x15600, s6;
	s17 =	smul.u32 $0x4F0, s1  }
0x8: {  	s20 =	sshll.u32 s1, $0x6;
	_ =	strace $0x80000047;
	s9 =	smul.u32 $0x5000, s7  }
0x9: {  	s26 =	sshll.u32 s7, $0x4;
	s28 =	ssub.s32 $0x2, s7;
	s20 =	sor.u32 $0x1C02, s20  }
0xa: {  	s16 =	sor.u32 s1, s26;
	s29 =	sshrl.u32 s28, $0x1;
	s30 =	sshrl.u32 s10, $0x2  }
0xb: {  	s8 =	sadd.s32 s8, s9;
	p0 =	slt.u32 s16, $0x4;
	s7 =	sadd.s32 s30, s2  }
0xc: {  	s31 =	smul.u32 $0x4E0, s16;
	s15 =	ssub.s32 s28, s29;
	s14 =	sadd.s32 s8, s6  }
0xd: {  	s6 =	simm.s32 $0x4F;
	s8 =	sadd.s32 $0x800, s7;
	s9 =	sadd.s32 $0x1000, s7  }
0xe: {  	s10 =	sadd.s32 $0x1800, s7;
	s11 =	sadd.s32 $0x2000, s7;
	s15 =	smax.u32 s15, $0x1  }
0xf: {  	s21 =	sshrl.u32 s7, $0x3;
	s6 =	simm.s32 @!p0 $0x4E;
	s12 =	sadd.s32 s31, s13  }
0x10: {  	s13 =	sadd.s32 s13, s17;
	s14 =	sadd.s32 $0x15A00, s14;
	p0 =	sgt.u32 s16, $0x3  }
0x11: {  	s16 =	simm.s32 $0x2780;
	s17 =	simm.s32 $0x2;
	s12 =	sadd.s32 $0x40, s12  }
.LBB2_1:
0x12: {  	[tilespmem:s16], [sflag:$0x2] =	stream.linear.gather [hbm4b:s4+s3], $0x800, $0x38;
	[tilespmem:$0x5780] =	vst v63  }
0x13: {  	_ =	swait.ge [sflag:s17], $0x800  }
0x14: {  	[sflag:s17] =	ssyncset.done $0x0  }
0x15: {  	[sflag:s17] =	ssyncadd.s32 $0xFFFFF800  }
0x16: {  	[spmem:s7] =	stream.linear.scatter [tilespmem:s16], [sflag:$0x2], $0x800, $0x38;
	[tilespmem:$0x5780] =	vst v63  }
0x17: {  	_ =	swait.ge [sflag:s17], $0x800  }
0x18: {  	[sflag:s17] =	ssyncset.done $0x0  }
0x19: {  	[sflag:s17] =	ssyncadd.s32 $0xFFFFF800  }
0x1a: {  	[spmem:s8] =	stream.linear.scatter [tilespmem:s16], [sflag:$0x2], $0x800, $0x38;
	[tilespmem:$0x5780] =	vst v63  }
0x1b: {  	_ =	swait.ge [sflag:s17], $0x800  }
0x1c: {  	[sflag:s17] =	ssyncset.done $0x0  }
0x1d: {  	[sflag:s17] =	ssyncadd.s32 $0xFFFFF800  }
0x1e: {  	[spmem:s9] =	stream.linear.scatter [tilespmem:s16], [sflag:$0x2], $0x800, $0x38;
	[tilespmem:$0x5780] =	vst v63  }
0x1f: {  	_ =	swait.ge [sflag:s17], $0x800  }
0x20: {  	[sflag:s17] =	ssyncset.done $0x0  }
0x21: {  	[sflag:s17] =	ssyncadd.s32 $0xFFFFF800  }
0x22: {  	[spmem:s10] =	stream.linear.scatter [tilespmem:s16], [sflag:$0x2], $0x800, $0x38;
	[tilespmem:$0x5780] =	vst v63  }
0x23: {  	_ =	swait.ge [sflag:s17], $0x800  }
0x24: {  	[sflag:s17] =	ssyncset.done $0x0  }
0x25: {  	[sflag:s17] =	ssyncadd.s32 $0xFFFFF800  }
0x26: {  	[spmem:s11] =	stream.linear.scatter [tilespmem:s16], [sflag:$0x2], $0x800, $0x38;
	[tilespmem:$0x5780] =	vst v63  }
0x27: {  	_ =	swait.ge [sflag:s17], $0x800  }
0x28: {  	[sflag:s17] =	ssyncset.done $0x0  }
0x29: {  	[sflag:s17] =	ssyncadd.s32 $0xFFFFF800  }
0x2a: {  	[bflag:$0x0] =	sbarrier.arrive $0xFFFF  }
0x2b: {  	[tilespmem:s16], [sflag:$0x2] =	stream.linear.gather [hbm4b:s5+s3], $0x800, $0x38;
	[tilespmem:$0x5780] =	vst v63  }
0x2c: {  	_ =	swait.ge [sflag:s17], $0x800  }
0x2d: {  	[sflag:s17] =	ssyncset.done $0x0  }
0x2e: {  	s23 =	simm.s32 @p0 $0x0;
	[sflag:s17] =	ssyncadd.s32 $0xFFFFF800  }
0x2f: {  	[tilespmem:s23], [sflag:$0x2] =	stream.linear.gather @p0 [hbm4b:s12+s23], $0x2700, $0x38;
	[tilespmem:$0x5780] =	vst v63  }
0x30: {  	s23 =	simm.s32 @p0 $0x2  }
0x31: {  	_ =	swait.ge @p0 [sflag:s23], $0x2700  }
0x32: {  	[sflag:s23] =	ssyncset.done @p0 $0x0  }
0x33: {  	[sflag:s23] =	ssyncadd.s32 @p0 $0xFFFFD900;
	s23 =	simm.s32 @!p0 $0x0  }
0x34: {  	[tilespmem:s23], [sflag:$0x2] =	stream.linear.gather @!p0 [hbm4b:s13+s23], $0x2780, $0x38;
	[tilespmem:$0x5780] =	vst v63  }
0x35: {  	s23 =	simm.s32 @!p0 $0x2  }
0x36: {  	p2 =	sne.s32 s6, $0x1;
	_ =	swait.ge @!p0 [sflag:s23], $0x2780  }
.Ltmp0:
0x37: {  	p1 =	por $0x1, $0x1;
	[sflag:s23] =	ssyncset.done @!p0 $0x0;
	(pc) =	sbr.rel @!p2 .LBB2_3-.Ltmp0, $4  }
0x38: {  	s25 =	simm.s32 @!p1 $0x1;
	[sflag:s23] =	ssyncadd.s32 @!p0 $0xFFFFD880  }
0x39: {  	[spmem:s2] =	stream.indirect.scatter.add.f32 [tilespmem:s16], [sflag:$0x1], $0x10, s3, s18, $0xb8;
	[tilespmem:$0x5780] =	vst v63  }
0x3a: {  	_ =	swait.ge @!p1 [sflag:s25], $0x800  }
0x3b: {  	s24 =	simm.s32 $0x0;
	s23 =	simm.s32 $0x1;
	[sflag:s25] =	ssyncset.done @!p1 $0x0  }
.LBB2_2:
0x3c: {  	[sflag:s25] =	ssyncadd.s32 @!p1 $0xFFFFF800  }
0x3d: {  	s24 =	sadd.s32 $0x80, s24;
	s25 =	smov.u32 s23;
	s23 =	sadd.s32 $0x1, s23  }
0x3e: {  	p2 =	sne.s32 s6, s23  }
0x3f: {  	[spmem:s2] =	stream.indirect.scatter.add.f32 [tilespmem:s16], [sflag:$0x1], $0x10, s24, s18, $0xb8;
	[tilespmem:$0x5780] =	vst v63  }
.Ltmp1:
0x40: {  	_ = 	snop;
	(pc) =	sbr.rel @p2 .LBB2_2-.Ltmp1, $4  }
0x41: {  	p1 =	slt.u32 s25, $0x8  }
0x42: {  	s25 =	simm.s32 @!p1 $0x1  }
0x43: {  	_ =	swait.ge @!p1 [sflag:s25], $0x800  }
0x44: {  	[sflag:s25] =	ssyncset.done @!p1 $0x0  }
.LBB2_3:
0x45: {  	[sflag:s25] =	ssyncadd.s32 @!p1 $0xFFFFF800  }
0x46: {  	_ =	swait.ge [sflag:s19], $0x800  }
0x47: {  	[sflag:s19] =	ssyncset.done $0x0  }
0x48: {  	[sflag:s19] =	ssyncadd.s32 $0xFFFFF800  }
0x49: {  	_ =	swait.ge [sflag:s19], $0x800  }
0x4a: {  	[sflag:s19] =	ssyncset.done $0x0  }
0x4b: {  	[sflag:s19] =	ssyncadd.s32 $0xFFFFF800  }
0x4c: {  	_ =	swait.ge [sflag:s19], $0x800  }
0x4d: {  	[sflag:s19] =	ssyncset.done $0x0  }
0x4e: {  	[sflag:s19] =	ssyncadd.s32 $0xFFFFF800  }
0x4f: {  	_ =	swait.ge [sflag:s19], $0x800  }
0x50: {  	[sflag:s19] =	ssyncset.done $0x0  }
0x51: {  	[sflag:s19] =	ssyncadd.s32 $0xFFFFF800  }
0x52: {  	_ =	swait.ge [sflag:s19], $0x800  }
0x53: {  	[sflag:s19] =	ssyncset.done $0x0  }
0x54: {  	[sflag:s19] =	ssyncadd.s32 $0xFFFFF800  }
0x55: {  	_ =	swait.ge [sflag:s19], $0x800  }
0x56: {  	[sflag:s19] =	ssyncset.done $0x0  }
0x57: {  	[sflag:s19] =	ssyncadd.s32 $0xFFFFF800  }
0x58: {  	_ =	swait.ge [sflag:s19], $0x800  }
0x59: {  	[sflag:s19] =	ssyncset.done $0x0  }
0x5a: {  	[sflag:s19] =	ssyncadd.s32 $0xFFFFF800  }
0x5b: {  	_ =	swait.ge [sflag:s19], $0x800  }
0x5c: {  	s22 =	sadd.s32 $0x1, s22;
	[sflag:s19] =	ssyncset.done $0x0  }
0x5d: {  	p1 =	sne.s32 s22, s15;
	[sflag:s19] =	ssyncadd.s32 $0xFFFFF800  }
.Ltmp2:
0x5e: {  	[bflag:$0x0] =	sbarrier.arrive $0xFFFF;
	(pc) =	sbr.rel @p1 .LBB2_1-.Ltmp2, $4  }
0x5f: {  	[hbm:s14], [sflag:s20] =	dma.local [spmem:s21], $0x500  }
0x60: {  	_ =	swait.ge [sflag:s17], $0x500  }
0x61: {  	[sflag:s17] =	ssyncset.done $0x0  }
0x62: {  	[sflag:s17] =	ssyncadd.s32 $0xFFFFFB00  }
0x63: {  	_ =	sfence.sel $0x180000  }
0x64: {  	[bflag:$0x0] =	sbarrier.arrive $0xFFFF  }
0x65: {  	p0 =	sne.s32 s1, $0x0;
	_ =	strace $0x90000047  }
0x66: {  	s0 =	sadd.s32 @!p0 $0x100000, s0;
	[bflag:$0x2] =	sbarrier.arrive $0xFFFF  }
0x67: {  	[sflag:s0] =	ssyncadd.tile.s32 @!p0 $0x1;
	_ =	shalt  }
.Lfunc_end2:
_tile_overlayer_lowered:
.L_overlay_start_2:
0x68: {  	(tag) =	ssettag $0x2  }
0x69: {  	s0 =	rddreg [dreg:$0x0];
	s2 =	stileid.u32  }
0x6a: {  	s1 =	rddreg [dreg:$0x1];
	p0 =	sne.s32 s2, $0x0  }
0x6b: {  	s3 =	rddreg [dreg:$0x2];
	[bflag:$0x3] =	sbarrier.arrive $0xFFFF;
	s2 =	simm.s32 @!p0 $0x1C02  }
0x6c: {  	[timem:s3], [sflag:s2] =	dma.local @!p0 [hbm:s0], s1  }
0x6d: {  	s0 =	simm.s32 @!p0 $0x2  }
0x6e: {  	_ =	swait.ge @!p0 [sflag:s0], s1  }
0x6f: {  	s1 =	ssub.s32 @!p0 $0x0, s1;
	[sflag:s0] =	ssyncset.done @!p0 $0x0  }
0x70: {  	[sflag:s0] =	ssyncadd.s32 @!p0 s1  }
0x71: {  	[bflag:$0x3] =	sbarrier.arrive $0xFFFF  }
0x72: {  	_ =	shalt  }

</sc_bundles>
